<compile_context>
chip_gen: v7x
topology: tpu7x:2x2x1
jax: 0.10.2.dev20260603
libtpu: 0.0.44.dev20260713+nightly
codegen_flags: <defaults>
</compile_context>

<pallas_src>
import functools

import jax
import jax.numpy as jnp
from jax import lax
from jax.experimental import pallas as pl
from jax.experimental.pallas import tpu as pltpu
import jax.experimental.pallas.tpu_sc as plsc

N = 10000
NP = 10240
E = 320000
D = 128
NC = 2
NS = 16
ROWS = NP // NS
EPT = E // NS
CHB = 128
NBUF = 4
CH = -(-EPT // (CHB * NBUF)) * NBUF
EPAD = CH * CHB
DUMP = N + 8
K = 8

_mesh = plsc.VectorSubcoreMesh(core_axis_name="c", subcore_axis_name="s")
_scp = pltpu.CompilerParams(use_tc_tiling_on_sc=False,
                            needs_layout_passes=False)
_f32 = jnp.float32
_i32 = jnp.int32


def _iota16():
    return lax.broadcasted_iota(_i32, (16,), 0)


def _hist_body(sidx_hbm, dinv_hbm, sidx_v, ones_v, sl_v, acc, hsem):
    c = lax.axis_index("c")
    s = lax.axis_index("s")
    sl = pl.ds(s * ROWS, ROWS)
    pltpu.sync_copy(sidx_hbm.at[c, s], sidx_v)
    for i in range(CHB // 16):
        ones_v[pl.ds(16 * i, 16)] = jnp.ones((16,), _f32)
    for i in range(ROWS // 16):
        sl_v[pl.ds(16 * i, 16)] = jnp.zeros((16,), _f32)
    pltpu.sync_copy(sl_v, acc.at[sl])
    plsc.subcore_barrier()

    def body(j, carry):
        i = NBUF * j
        sd = [pltpu.async_copy(ones_v, acc.at[sidx_v.at[i + k]],
                               hsem, add=True) for k in range(NBUF)]
        for k in range(NBUF):
            sd[k].wait()
        return carry

    lax.fori_loop(0, CH // NBUF, body, 0)
    plsc.subcore_barrier()
    pltpu.sync_copy(acc.at[sl], sl_v)
    pltpu.sync_copy(sl_v, dinv_hbm.at[c, sl])


_sc_hist = functools.partial(
    pl.kernel,
    out_type=jax.ShapeDtypeStruct((NC, NP), _f32),
    mesh=_mesh,
    compiler_params=_scp,
    scratch_types=[
        pltpu.VMEM((CH, CHB), _i32),
        pltpu.VMEM((CHB,), _f32),
        pltpu.VMEM((ROWS,), _f32),
        pltpu.VMEM_SHARED((NP,), _f32),
        pltpu.SemaphoreType.DMA,
    ],
)(_hist_body)


_BS = 1024
_NBB = NP // _BS


def _tc_body(x_ref, wt_ref, b1_ref, g_ref, wr0_ref, deg_ref,
             x12_ref, z0_ref, dinv_ref):
    r0 = jnp.maximum(
        jnp.dot(x_ref[...], wt_ref[...], preferred_element_type=_f32)
        + b1_ref[...], 0.0)
    z = jnp.dot(r0, g_ref[0], preferred_element_type=_f32)
    deg = deg_ref[0]
    dv = jnp.where(deg > 0.5, lax.rsqrt(jnp.maximum(deg, 1e-12)), 0.0)
    x12_ref[...] = z * dv
    z0_ref[...] = jnp.dot(r0, wr0_ref[...], preferred_element_type=_f32)
    dinv_ref[...] = dv[None]


def _tc_call(xp, w1t, b1r, gstack, wr0w, deg3):
    return pl.pallas_call(
        _tc_body,
        grid=(2, _NBB),
        in_specs=[
            pl.BlockSpec((_BS, D), lambda g, i: (i, 0)),
            pl.BlockSpec((D, D), lambda g, i: (0, 0)),
            pl.BlockSpec((1, D), lambda g, i: (0, 0)),
            pl.BlockSpec((1, D, K), lambda g, i: (g, 0, 0)),
            pl.BlockSpec((D, 1), lambda g, i: (0, 0)),
            pl.BlockSpec((1, _BS, 1), lambda g, i: (g, i, 0)),
        ],
        out_specs=[
            pl.BlockSpec((_BS, K), lambda g, i: (g * _NBB + i, 0)),
            pl.BlockSpec((_BS, 1), lambda g, i: (i, 0)),
            pl.BlockSpec((1, _BS, 1), lambda g, i: (g, i, 0)),
        ],
        out_shape=[
            jax.ShapeDtypeStruct((NC * NP, K), _f32),
            jax.ShapeDtypeStruct((NP, 1), _f32),
            jax.ShapeDtypeStruct((NC, NP, 1), _f32),
        ],
    )(xp, w1t, b1r, gstack, wr0w, deg3)


def _prop_loop(src_hbm, gidx_v, sidx_v, gbufs, acc, gsems, ssem):
    def body(j, carry):
        i = NBUF * j
        gd = [pltpu.async_copy(src_hbm.at[gidx_v.at[i + k]], gbufs[k],
                               gsems[k]) for k in range(NBUF)]
        sd = []
        for k in range(NBUF):
            gd[k].wait()
            sd.append(pltpu.async_copy(gbufs[k], acc.at[sidx_v.at[i + k]],
                                       ssem, add=True))
        for k in range(NBUF):
            sd[k].wait()
        return carry

    lax.fori_loop(0, CH // NBUF, body, 0)


def _r1_body(gidx_hbm, sidx_hbm, x12_hbm, zrows_hbm, uraw_hbm,
             gidx_v, sidx_v, gb0, gb1, gb2, gb3, zb, acc,
             gs0, gs1, gs2, gs3, ssem):
    c = lax.axis_index("c")
    s = lax.axis_index("s")
    sl = pl.ds(s * ROWS, ROWS)
    pltpu.sync_copy(gidx_hbm.at[c, s], gidx_v)
    pltpu.sync_copy(sidx_hbm.at[c, s], sidx_v)
    pltpu.sync_copy(zrows_hbm, zb)
    pltpu.sync_copy(zb, acc.at[sl])
    plsc.subcore_barrier()
    _prop_loop(x12_hbm, gidx_v, sidx_v, (gb0, gb1, gb2, gb3), acc,
               (gs0, gs1, gs2, gs3), ssem)
    plsc.subcore_barrier()
    pltpu.sync_copy(acc.at[sl], zb)
    pltpu.sync_copy(zb, uraw_hbm.at[c, sl])


_sc_r1 = functools.partial(
    pl.kernel,
    out_type=jax.ShapeDtypeStruct((NC, NP, K), _f32),
    mesh=_mesh,
    compiler_params=_scp,
    scratch_types=[
        pltpu.VMEM((CH, CHB), _i32),
        pltpu.VMEM((CH, CHB), _i32),
        pltpu.VMEM((CHB, K), _f32),
        pltpu.VMEM((CHB, K), _f32),
        pltpu.VMEM((CHB, K), _f32),
        pltpu.VMEM((CHB, K), _f32),
        pltpu.VMEM((ROWS, K), _f32),
        pltpu.VMEM_SHARED((NP, K), _f32),
        pltpu.SemaphoreType.DMA,
        pltpu.SemaphoreType.DMA,
        pltpu.SemaphoreType.DMA,
        pltpu.SemaphoreType.DMA,
        pltpu.SemaphoreType.DMA,
    ],
)(_r1_body)


K2 = 4


def _r2_body(uraw_hbm, dinv_hbm, oin_hbm, consts_hbm, icol_hbm,
             gidx_hbm, sidx_hbm, zrows_hbm,
             xcat_hbm, praw_hbm, oout_hbm,
             u1b, u2b, dv1, dv2, ob, cb, icb, xb,
             gidx_v, sidx_v, gb0, gb1, gb2, gb3, zb, acc,
             gs0, gs1, gs2, gs3, ssem):
    c = lax.axis_index("c")
    s = lax.axis_index("s")
    sl = pl.ds(s * ROWS, ROWS)
    pltpu.sync_copy(uraw_hbm.at[0, sl], u1b)
    pltpu.sync_copy(uraw_hbm.at[1, sl], u2b)
    pltpu.sync_copy(dinv_hbm.at[0, sl], dv1)
    pltpu.sync_copy(dinv_hbm.at[1, sl], dv2)
    pltpu.sync_copy(consts_hbm, cb)
    pltpu.sync_copy(icol_hbm.at[c], icb)
    pltpu.sync_copy(gidx_hbm.at[c, s], gidx_v)
    pltpu.sync_copy(sidx_hbm.at[c, s], sidx_v)
    pltpu.sync_copy(zrows_hbm, zb)
    pltpu.sync_copy(zb, acc.at[sl])
    pltpu.sync_copy(oin_hbm.at[sl], ob)

    iot = _iota16()
    npat = lax.shift_right_logical(iot, 2)
    cpat = lax.bitwise_and(iot, 3)
    czero = c == 0
    icbv = icb[...]
    kv = jnp.where(czero, cb[0], cb[1])

    def comb(i, carry):
        nv = npat + 4 * i
        u1v = plsc.load_gather(u1b, [nv, icbv])
        u2v = plsc.load_gather(u2b, [nv, icbv])
        d1v = plsc.load_gather(dv1, [nv])
        d2v = plsc.load_gather(dv2, [nv])
        dov = jnp.where(czero, d1v, d2v)
        xv = dov * (d1v * u1v + d2v * u2v + kv)
        plsc.store_scatter(xb, [nv, cpat], xv)
        return carry

    lax.fori_loop(0, ROWS // 4, comb, 0)
    pltpu.sync_copy(xb, xcat_hbm.at[pl.ds(c * NP + s * ROWS, ROWS)])

    @pl.when(c == 1)
    def _():
        z16 = iot * 0

        def oloop(i, carry):
            nv = iot + 16 * i
            u10 = plsc.load_gather(u1b, [nv, z16])
            u20 = plsc.load_gather(u2b, [nv, z16])
            d1v = dv1[pl.ds(16 * i, 16)]
            d2v = dv2[pl.ds(16 * i, 16)]
            ov = ob[pl.ds(16 * i, 16)]
            res = d1v * u10 + d2v * u20 + cb[2]
            ob[pl.ds(16 * i, 16)] = ov + cb[3] * res
            return carry

        lax.fori_loop(0, ROWS // 16, oloop, 0)
        pltpu.sync_copy(ob, oout_hbm.at[sl])
    plsc.subcore_barrier()
    _prop_loop(xcat_hbm, gidx_v, sidx_v, (gb0, gb1, gb2, gb3), acc,
               (gs0, gs1, gs2, gs3), ssem)
    plsc.subcore_barrier()
    pltpu.sync_copy(acc.at[sl], zb)
    pltpu.sync_copy(zb, praw_hbm.at[c, sl])


_sc_r2 = functools.partial(
    pl.kernel,
    out_type=(
        jax.ShapeDtypeStruct((NC * NP, K2), _f32),
        jax.ShapeDtypeStruct((NC, NP, K2), _f32),
        jax.ShapeDtypeStruct((NP,), _f32),
    ),
    mesh=_mesh,
    compiler_params=_scp,
    scratch_types=[
        pltpu.VMEM((ROWS, K), _f32),
        pltpu.VMEM((ROWS, K), _f32),
        pltpu.VMEM((ROWS,), _f32),
        pltpu.VMEM((ROWS,), _f32),
        pltpu.VMEM((ROWS,), _f32),
        pltpu.VMEM((8, 16), _f32),
        pltpu.VMEM((16,), _i32),
        pltpu.VMEM((ROWS, K2), _f32),
        pltpu.VMEM((CH, CHB), _i32),
        pltpu.VMEM((CH, CHB), _i32),
        pltpu.VMEM((CHB, K2), _f32),
        pltpu.VMEM((CHB, K2), _f32),
        pltpu.VMEM((CHB, K2), _f32),
        pltpu.VMEM((CHB, K2), _f32),
        pltpu.VMEM((ROWS, K2), _f32),
        pltpu.VMEM_SHARED((NP, K2), _f32),
        pltpu.SemaphoreType.DMA,
        pltpu.SemaphoreType.DMA,
        pltpu.SemaphoreType.DMA,
        pltpu.SemaphoreType.DMA,
        pltpu.SemaphoreType.DMA,
    ],
)(_r2_body)


def _r3_body(uraw_hbm, dinv_hbm, oin_hbm, consts_hbm, icol_hbm,
             gidx_hbm, sidx_hbm,
             xcat_hbm, praw_hbm, oout_hbm,
             u1b, u2b, dv1, dv2, ob, cb, icb, xb,
             gidx_v, sidx_v, gb0, gb1, gb2, gb3, acc,
             gs0, gs1, gs2, gs3, ssem):
    c = lax.axis_index("c")
    s = lax.axis_index("s")
    sl = pl.ds(s * ROWS, ROWS)
    pltpu.sync_copy(uraw_hbm.at[0, sl], u1b)
    pltpu.sync_copy(uraw_hbm.at[1, sl], u2b)
    pltpu.sync_copy(dinv_hbm.at[0, sl], dv1)
    pltpu.sync_copy(dinv_hbm.at[1, sl], dv2)
    pltpu.sync_copy(consts_hbm, cb)
    pltpu.sync_copy(icol_hbm.at[c], icb)
    pltpu.sync_copy(gidx_hbm.at[c, s], gidx_v)
    pltpu.sync_copy(sidx_hbm.at[c, s], sidx_v)
    pltpu.sync_copy(oin_hbm.at[sl], ob)

    iot = _iota16()
    czero = c == 0
    icbv = icb[...]
    kv = jnp.where(czero, cb[0], cb[1])
    z16 = iot * 0

    def comb(i, carry):
        nv = iot + 16 * i
        u1v = plsc.load_gather(u1b, [nv, icbv])
        u2v = plsc.load_gather(u2b, [nv, icbv])
        d1v = dv1[pl.ds(16 * i, 16)]
        d2v = dv2[pl.ds(16 * i, 16)]
        dov = jnp.where(czero, d1v, d2v)
        xb[pl.ds(16 * i, 16)] = dov * (d1v * u1v + d2v * u2v + kv)
        return carry

    lax.fori_loop(0, ROWS // 16, comb, 0)
    pltpu.sync_copy(xb, xcat_hbm.at[pl.ds(c * NP + s * ROWS, ROWS)])

    @pl.when(c == 1)
    def _():
        def oloop(i, carry):
            nv = iot + 16 * i
            u10 = plsc.load_gather(u1b, [nv, z16])
            u20 = plsc.load_gather(u2b, [nv, z16])
            d1v = dv1[pl.ds(16 * i, 16)]
            d2v = dv2[pl.ds(16 * i, 16)]
            ov = ob[pl.ds(16 * i, 16)]
            res = d1v * u10 + d2v * u20 + cb[2]
            ob[pl.ds(16 * i, 16)] = ov + cb[3] * res
            return carry

        lax.fori_loop(0, ROWS // 16, oloop, 0)
        pltpu.sync_copy(ob, oout_hbm.at[sl])

    def zloop(i, carry):
        xb[pl.ds(16 * i, 16)] = jnp.zeros((16,), _f32)
        return carry

    lax.fori_loop(0, ROWS // 16, zloop, 0)
    pltpu.sync_copy(xb, acc.at[sl])
    plsc.subcore_barrier()
    _prop_loop(xcat_hbm, gidx_v, sidx_v, (gb0, gb1, gb2, gb3), acc,
               (gs0, gs1, gs2, gs3), ssem)
    plsc.subcore_barrier()
    pltpu.sync_copy(acc.at[sl], xb)
    pltpu.sync_copy(xb, praw_hbm.at[c, sl])


_sc_r3 = functools.partial(
    pl.kernel,
    out_type=(
        jax.ShapeDtypeStruct((NC * NP,), _f32),
        jax.ShapeDtypeStruct((NC, NP), _f32),
        jax.ShapeDtypeStruct((NP,), _f32),
    ),
    mesh=_mesh,
    compiler_params=_scp,
    scratch_types=[
        pltpu.VMEM((ROWS, K2), _f32),
        pltpu.VMEM((ROWS, K2), _f32),
        pltpu.VMEM((ROWS,), _f32),
        pltpu.VMEM((ROWS,), _f32),
        pltpu.VMEM((ROWS,), _f32),
        pltpu.VMEM((8, 16), _f32),
        pltpu.VMEM((16,), _i32),
        pltpu.VMEM((ROWS,), _f32),
        pltpu.VMEM((CH, CHB), _i32),
        pltpu.VMEM((CH, CHB), _i32),
        pltpu.VMEM((CHB,), _f32),
        pltpu.VMEM((CHB,), _f32),
        pltpu.VMEM((CHB,), _f32),
        pltpu.VMEM((CHB,), _f32),
        pltpu.VMEM_SHARED((NP,), _f32),
        pltpu.SemaphoreType.DMA,
        pltpu.SemaphoreType.DMA,
        pltpu.SemaphoreType.DMA,
        pltpu.SemaphoreType.DMA,
        pltpu.SemaphoreType.DMA,
    ],
)(_r3_body)


def _fin_body(qraw_hbm, dinv_hbm, oin_hbm, consts_hbm, out_hbm,
              q1b, q2b, dv1, dv2, ob, cb):
    s = lax.axis_index("s")
    c = lax.axis_index("c")
    half = ROWS // 2
    sl = pl.ds(s * ROWS + c * half, half)
    pltpu.sync_copy(qraw_hbm.at[0, sl], q1b)
    pltpu.sync_copy(qraw_hbm.at[1, sl], q2b)
    pltpu.sync_copy(dinv_hbm.at[0, sl], dv1)
    pltpu.sync_copy(dinv_hbm.at[1, sl], dv2)
    pltpu.sync_copy(oin_hbm.at[sl], ob)
    pltpu.sync_copy(consts_hbm, cb)

    def oloop(i, carry):
        q1v = q1b[pl.ds(16 * i, 16)]
        q2v = q2b[pl.ds(16 * i, 16)]
        d1v = dv1[pl.ds(16 * i, 16)]
        d2v = dv2[pl.ds(16 * i, 16)]
        ov = ob[pl.ds(16 * i, 16)]
        ob[pl.ds(16 * i, 16)] = ov + cb[3] * (d1v * q1v + d2v * q2v) + cb[2]
        return carry

    lax.fori_loop(0, half // 16, oloop, 0)
    pltpu.sync_copy(ob, out_hbm.at[sl])


_sc_fin = functools.partial(
    pl.kernel,
    out_type=jax.ShapeDtypeStruct((NP,), _f32),
    mesh=_mesh,
    compiler_params=_scp,
    scratch_types=[
        pltpu.VMEM((ROWS // 2,), _f32),
        pltpu.VMEM((ROWS // 2,), _f32),
        pltpu.VMEM((ROWS // 2,), _f32),
        pltpu.VMEM((ROWS // 2,), _f32),
        pltpu.VMEM((ROWS // 2,), _f32),
        pltpu.VMEM((8, 16), _f32),
    ],
)(_fin_body)


def _prep_idx(ei, g):
    r = ei[0].astype(_i32).reshape(NS, EPT)
    cc = ei[1].astype(_i32).reshape(NS, EPT)
    rp = jnp.pad(r, ((0, 0), (0, EPAD - EPT)), constant_values=0)
    cp = jnp.pad(cc, ((0, 0), (0, EPAD - EPT)), constant_values=DUMP)
    return ((rp + g * NP).reshape(NS, CH, CHB),
            cp.reshape(NS, CH, CHB))


def kernel(x, edge_index, edge_index_2, W1, b1, Wk1_1, bk1_1, Wk1_2, bk1_2,
           Wk2_1, bk2_1, Wk2_2, bk2_2, Wk3_1, bk3_1, Wk3_2, bk3_2,
           Wr0, br0, Wr1, br1, Wr2, br2, Wr3, br3, w0, w1, w2, w3):
    f = _f32
    a1, a2 = Wr1[0, :D], Wr1[0, D:]
    u1, u2 = Wr2[0, :D], Wr2[0, D:]
    v1, v2 = Wr3[0, :D], Wr3[0, D:]
    s1 = Wk3_1.T @ v1
    s2 = Wk3_2.T @ v2
    t1 = Wk2_1.T @ u1
    t2 = Wk2_2.T @ u2
    t3 = Wk2_1.T @ s1[:D]
    t4 = Wk2_2.T @ s1[D:]
    t5 = Wk2_1.T @ s2[:D]
    t6 = Wk2_2.T @ s2[D:]
    M1 = jnp.stack([a1, t1[:D], t2[:D], t3[:D], t4[:D], t5[:D], t6[:D]], 1)
    M2 = jnp.stack([a2, t1[D:], t2[D:], t3[D:], t4[D:], t5[D:], t6[D:]], 1)
    G1 = jnp.pad(Wk1_1.T @ M1, ((0, 0), (0, 1)))
    G2 = jnp.pad(Wk1_2.T @ M2, ((0, 0), (0, 1)))
    gstack = jnp.stack([G1, G2]).astype(f)

    kap = [bk1_1 @ t[:D] + bk1_2 @ t[D:] for t in (t1, t2, t3, t4, t5, t6)]
    kap2_s1 = bk2_1 @ s1[:D] + bk2_2 @ s1[D:]
    kap2_s2 = bk2_1 @ s2[:D] + bk2_2 @ s2[D:]
    c1 = bk1_1 @ a1 + bk1_2 @ a2 + br1[0]
    c2 = bk2_1 @ u1 + bk2_2 @ u2 + br2[0]
    c3 = bk3_1 @ v1 + bk3_2 @ v2 + br3[0]
    zs = jnp.float32(0.0)

    consts2 = jnp.stack([
        jnp.tile(jnp.stack([kap[0], kap[2], kap[4], zs]), 4),
        jnp.tile(jnp.stack([kap[1], kap[3], kap[5], zs]), 4),
        jnp.full((16,), c1, f), jnp.full((16,), w1[0], f),
        jnp.zeros((16,), f), jnp.zeros((16,), f),
        jnp.zeros((16,), f), jnp.zeros((16,), f)]).astype(f)
    consts3 = jnp.stack([
        jnp.full((16,), kap2_s1, f),
        jnp.full((16,), kap2_s2, f),
        jnp.full((16,), c2, f), jnp.full((16,), w2[0], f),
        jnp.zeros((16,), f), jnp.zeros((16,), f),
        jnp.zeros((16,), f), jnp.zeros((16,), f)]).astype(f)
    constsf = jnp.stack([
        jnp.zeros((16,), f), jnp.zeros((16,), f),
        jnp.full((16,), w3[0] * c3 + w0[0] * br0[0], f),
        jnp.full((16,), w3[0], f),
        jnp.zeros((16,), f), jnp.zeros((16,), f),
        jnp.zeros((16,), f), jnp.zeros((16,), f)]).astype(f)
    icol2 = jnp.asarray([[1, 3, 5, 7] * 4,
                         [2, 4, 6, 7] * 4], dtype=_i32)
    icol3 = jnp.asarray([[1] * 16, [2] * 16], dtype=_i32)

    g1g, g1s = _prep_idx(edge_index, 0)
    g2g, g2s = _prep_idx(edge_index_2, 1)
    gidx = jnp.stack([g1g, g2g])
    sidx = jnp.stack([g1s, g2s])
    zrows = jnp.zeros((ROWS, K), f)
    zrows4 = jnp.zeros((ROWS, K2), f)

    deg = _sc_hist(sidx)
    xp = jnp.pad(x.astype(f), ((0, NP - N), (0, 0)))
    w1t = W1.T.astype(f)
    b1r = b1.reshape(1, D).astype(f)
    wr0w = (Wr0.T * w0[0]).astype(f)
    x12, z0, dinv3 = _tc_call(xp, w1t, b1r, gstack, wr0w, deg[:, :, None])
    dinv = dinv3[:, :, 0]
    uraw = _sc_r1(gidx, sidx, x12, zrows)
    _, praw, oacc = _sc_r2(uraw, dinv, z0[:, 0], consts2, icol2,
                           gidx, sidx, zrows4)
    _, qraw, oacc2 = _sc_r3(praw, dinv, oacc, consts3, icol3,
                            gidx, sidx)
    outf = _sc_fin(qraw, dinv, oacc2, constsf)
    return outf[:N, None]

# --- scband reference (transcript-rebuilt; emitter-appended) ---
"""Pipeline reference for scband-hgdcnet-48464410968368 (READ-ONLY COPY).

The authoritative reference and input builder live on the scoring server;
editing this copy changes nothing except your own understanding.
"""

import jax, jax.numpy as jnp
import numpy as np

N = 10000
E = 320000
D_IN = 128
H = 128


def gcn_conv(x, edge_index, W, b, num_nodes):
    # PyG GCNConv with add_self_loops=False, eval mode
    xw = x @ W.T
    row, col = edge_index[0], edge_index[1]
    deg = jax.ops.segment_sum(jnp.ones(edge_index.shape[1], dtype=xw.dtype), col, num_segments=num_nodes)
    deg_inv_sqrt = jnp.where(deg > 0, jax.lax.rsqrt(jnp.maximum(deg, 1e-12)), 0.0)
    norm = deg_inv_sqrt[row] * deg_inv_sqrt[col]
    msgs = xw[row] * norm[:, None]
    out = jax.ops.segment_sum(msgs, col, num_segments=num_nodes)
    return out + b


def _lin(k, out_d, in_d):
    return (jax.random.normal(k, (out_d, in_d), dtype=jnp.float32) / np.sqrt(in_d)).astype(jnp.float32)


def setup_inputs(seed: int = 0):
    key = jax.random.key(seed)
    ks = jax.random.split(key, 32)
    inp = {}
    inp['x'] = jax.random.normal(ks[0], (N, D_IN), dtype=jnp.float32)
    inp['edge_index'] = jax.random.randint(ks[1], (2, E), 0, N)
    inp['edge_index_2'] = jax.random.randint(ks[2], (2, E), 0, N)
    inp['W1'] = _lin(ks[3], H, D_IN); inp['b1'] = jnp.zeros((H,), jnp.float32)
    inp['Wk1_1'] = _lin(ks[4], H, H); inp['bk1_1'] = jnp.zeros((H,), jnp.float32)
    inp['Wk1_2'] = _lin(ks[5], H, H); inp['bk1_2'] = jnp.zeros((H,), jnp.float32)
    inp['Wk2_1'] = _lin(ks[6], H, 2 * H); inp['bk2_1'] = jnp.zeros((H,), jnp.float32)
    inp['Wk2_2'] = _lin(ks[7], H, 2 * H); inp['bk2_2'] = jnp.zeros((H,), jnp.float32)
    inp['Wk3_1'] = _lin(ks[8], H, 2 * H); inp['bk3_1'] = jnp.zeros((H,), jnp.float32)
    inp['Wk3_2'] = _lin(ks[9], H, 2 * H); inp['bk3_2'] = jnp.zeros((H,), jnp.float32)
    inp['Wr0'] = _lin(ks[10], 1, H); inp['br0'] = jnp.zeros((1,), jnp.float32)
    inp['Wr1'] = _lin(ks[11], 1, 2 * H); inp['br1'] = jnp.zeros((1,), jnp.float32)
    inp['Wr2'] = _lin(ks[12], 1, 2 * H); inp['br2'] = jnp.zeros((1,), jnp.float32)
    inp['Wr3'] = _lin(ks[13], 1, 2 * H); inp['br3'] = jnp.zeros((1,), jnp.float32)
    inp['w0'] = jnp.array([0.95], jnp.float32)
    inp['w1'] = jnp.array([0.9], jnp.float32)
    inp['w2'] = jnp.array([0.15], jnp.float32)
    inp['w3'] = jnp.array([0.1], jnp.float32)
    return inp


def reference(x, edge_index, edge_index_2, W1, b1, Wk1_1, bk1_1, Wk1_2, bk1_2, Wk2_1, bk2_1, Wk2_2, bk2_2, Wk3_1, bk3_1, Wk3_2, bk3_2, Wr0, br0, Wr1, br1, Wr2, br2, Wr3, br3, w0, w1, w2, w3):
    n = x.shape[0]
    # eval mode: dropout and dropout_adj are identity
    R0 = jax.nn.relu(x @ W1.T + b1)
    R_k1_1 = gcn_conv(R0, edge_index, Wk1_1, bk1_1, n)
    R_k1_2 = gcn_conv(R0, edge_index_2, Wk1_2, bk1_2, n)
    R1 = jnp.concatenate([R_k1_1, R_k1_2], axis=1)
    R_k2_1 = gcn_conv(R1, edge_index, Wk2_1, bk2_1, n)
    R_k2_2 = gcn_conv(R1, edge_index_2, Wk2_2, bk2_2, n)
    R2 = jnp.concatenate([R_k2_1, R_k2_2], axis=1)
    R_k3_1 = gcn_conv(R2, edge_index, Wk3_1, bk3_1, n)
    R_k3_2 = gcn_conv(R2, edge_index_2, Wk3_2, bk3_2, n)
    R3 = jnp.concatenate([R_k3_1, R_k3_2], axis=1)
    res0 = R0 @ Wr0.T + br0
    res1 = R1 @ Wr1.T + br1
    res2 = R2 @ Wr2.T + br2
    res3 = R3 @ Wr3.T + br3
    out = res0 * w0 + res1 * w1 + res2 * w2 + res3 * w3
    return out

if __name__ == "__main__":
    import jax
    _d = setup_inputs()
    print(jax.jit(kernel)(*tuple(_d.values())))

</pallas_src>

<mosaic_0001>
#map = affine_map<(d0, d1) -> (0, 0, 0, 0)>
#map1 = affine_map<(d0, d1) -> (0, 0)>
module attributes {stable_mosaic.version = 14 : i64} {
  func.func @_hist_body(%arg0: i32, %arg1: i32, %arg2: memref<2x16x160x128xi32, #tpu.memory_space<hbm>>, %arg3: memref<2x10240xf32, #tpu.memory_space<hbm>>, %arg4: memref<160x128xi32, #tpu.memory_space<vmem>>, %arg5: memref<128xf32, #tpu.memory_space<vmem>>, %arg6: memref<640xf32, #tpu.memory_space<vmem>>, %arg7: memref<10240xf32, #tpu.memory_space<vmem_shared>>, %arg8: memref<!tpu.dma_semaphore, #tpu.memory_space<semaphore_mem>>) attributes {dimension_semantics = [#tpu.dimension_semantics<core_parallel>, #tpu.dimension_semantics<subcore_parallel>], iteration_bounds = array<i64: 2, 16>, scalar_prefetch = 0 : i64, scratch_operands = 5 : i64, tpu.core_type = #tpu.core_type<sc_vector_subcore>, window_params = [{transform_indices = #map}, {transform_indices = #map1}]} {
    %mul3A = arith.constant 640 : i32
    %mul3A_0 = arith.muli %arg1, %mul3A : i32
    "tpu.region"() ({
      %run_scoped3A = tpu.sem_alloc : memref<!tpu.dma_semaphore, #tpu.memory_space<semaphore_mem>>
      %dma_start3A = arith.constant 0 : i32
      %dma_start3A_197 = arith.constant 0 : i32
      %dma_start3A_198 = tpu.memref_slice %arg2[%arg0, %arg1, %dma_start3A, %dma_start3A_197] : memref<2x16x160x128xi32, #tpu.memory_space<hbm>> -> memref<1x1x160x128xi32, #tpu.memory_space<hbm>>
      %dma_start3A_199 = tpu.memref_squeeze %dma_start3A_198 : memref<1x1x160x128xi32, #tpu.memory_space<hbm>> -> memref<160x128xi32, #tpu.memory_space<hbm>>
      %dma_start3A_200 = arith.constant 0 : i32
      %dma_start3A_201 = arith.constant 0 : i32
      %dma_start3A_202 = tpu.memref_slice %arg2[%arg0, %arg1, %dma_start3A_200, %dma_start3A_201] : memref<2x16x160x128xi32, #tpu.memory_space<hbm>> -> memref<1x1x160x128xi32, #tpu.memory_space<hbm>>
      %dma_start3A_203 = tpu.memref_squeeze %dma_start3A_202 : memref<1x1x160x128xi32, #tpu.memory_space<hbm>> -> memref<160x128xi32, #tpu.memory_space<hbm>>
      tpu.enqueue_dma source(%dma_start3A_203 : memref<160x128xi32, #tpu.memory_space<hbm>>) target(%arg4 : memref<160x128xi32, #tpu.memory_space<vmem>>) target_semaphore(%run_scoped3A : memref<!tpu.dma_semaphore, #tpu.memory_space<semaphore_mem>>)
      %dma_wait3A = arith.constant 0 : i32
      %dma_wait3A_204 = arith.constant 0 : i32
      %dma_wait3A_205 = tpu.memref_slice %arg2[%arg0, %arg1, %dma_wait3A, %dma_wait3A_204] : memref<2x16x160x128xi32, #tpu.memory_space<hbm>> -> memref<1x1x160x128xi32, #tpu.memory_space<hbm>>
      %dma_wait3A_206 = tpu.memref_squeeze %dma_wait3A_205 : memref<1x1x160x128xi32, #tpu.memory_space<hbm>> -> memref<160x128xi32, #tpu.memory_space<hbm>>
      %dma_wait3A_207 = arith.constant 0 : i32
      %dma_wait3A_208 = arith.constant 0 : i32
      %dma_wait3A_209 = tpu.memref_slice %arg2[%arg0, %arg1, %dma_wait3A_207, %dma_wait3A_208] : memref<2x16x160x128xi32, #tpu.memory_space<hbm>> -> memref<1x1x160x128xi32, #tpu.memory_space<hbm>>
      %dma_wait3A_210 = tpu.memref_squeeze %dma_wait3A_209 : memref<1x1x160x128xi32, #tpu.memory_space<hbm>> -> memref<160x128xi32, #tpu.memory_space<hbm>>
      tpu.wait_dma2 semaphore(%run_scoped3A : memref<!tpu.dma_semaphore, #tpu.memory_space<semaphore_mem>>) src(%dma_wait3A_210 : memref<160x128xi32, #tpu.memory_space<hbm>>) dst(%arg4 : memref<160x128xi32, #tpu.memory_space<vmem>>)
      tpu.yield
    }) : () -> ()
    %broadcast_in_dim3A = arith.constant 1.000000e+00 : f32
    %broadcast_in_dim3A_1 = vector.broadcast %broadcast_in_dim3A : f32 to vector<16xf32>
    %swap3A = arith.constant 0 : index
    %swap3A_2 = tpu.vector_load %arg5[%swap3A] {strides = array<i32>} : memref<128xf32, #tpu.memory_space<vmem>>, vector<16xf32>,
    tpu.vector_store %arg5[%swap3A], %broadcast_in_dim3A_1 {strides = array<i32>} : memref<128xf32, #tpu.memory_space<vmem>>, vector<16xf32>,
    %broadcast_in_dim3A_3 = arith.constant 1.000000e+00 : f32
    %broadcast_in_dim3A_4 = vector.broadcast %broadcast_in_dim3A_3 : f32 to vector<16xf32>
    %swap3A_5 = arith.constant 16 : index
    %swap3A_6 = tpu.vector_load %arg5[%swap3A_5] {strides = array<i32>} : memref<128xf32, #tpu.memory_space<vmem>>, vector<16xf32>,
    tpu.vector_store %arg5[%swap3A_5], %broadcast_in_dim3A_4 {strides = array<i32>} : memref<128xf32, #tpu.memory_space<vmem>>, vector<16xf32>,
    %broadcast_in_dim3A_7 = arith.constant 1.000000e+00 : f32
    %broadcast_in_dim3A_8 = vector.broadcast %broadcast_in_dim3A_7 : f32 to vector<16xf32>
    %swap3A_9 = arith.constant 32 : index
    %swap3A_10 = tpu.vector_load %arg5[%swap3A_9] {strides = array<i32>} : memref<128xf32, #tpu.memory_space<vmem>>, vector<16xf32>,
    tpu.vector_store %arg5[%swap3A_9], %broadcast_in_dim3A_8 {strides = array<i32>} : memref<128xf32, #tpu.memory_space<vmem>>, vector<16xf32>,
    %broadcast_in_dim3A_11 = arith.constant 1.000000e+00 : f32
    %broadcast_in_dim3A_12 = vector.broadcast %broadcast_in_dim3A_11 : f32 to vector<16xf32>
    %swap3A_13 = arith.constant 48 : index
    %swap3A_14 = tpu.vector_load %arg5[%swap3A_13] {strides = array<i32>} : memref<128xf32, #tpu.memory_space<vmem>>, vector<16xf32>,
    tpu.vector_store %arg5[%swap3A_13], %broadcast_in_dim3A_12 {strides = array<i32>} : memref<128xf32, #tpu.memory_space<vmem>>, vector<16xf32>,
    %broadcast_in_dim3A_15 = arith.constant 1.000000e+00 : f32
    %broadcast_in_dim3A_16 = vector.broadcast %broadcast_in_dim3A_15 : f32 to vector<16xf32>
    %swap3A_17 = arith.constant 64 : index
    %swap3A_18 = tpu.vector_load %arg5[%swap3A_17] {strides = array<i32>} : memref<128xf32, #tpu.memory_space<vmem>>, vector<16xf32>,
    tpu.vector_store %arg5[%swap3A_17], %broadcast_in_dim3A_16 {strides = array<i32>} : memref<128xf32, #tpu.memory_space<vmem>>, vector<16xf32>,
    %broadcast_in_dim3A_19 = arith.constant 1.000000e+00 : f32
    %broadcast_in_dim3A_20 = vector.broadcast %broadcast_in_dim3A_19 : f32 to vector<16xf32>
    %swap3A_21 = arith.constant 80 : index
    %swap3A_22 = tpu.vector_load %arg5[%swap3A_21] {strides = array<i32>} : memref<128xf32, #tpu.memory_space<vmem>>, vector<16xf32>,
    tpu.vector_store %arg5[%swap3A_21], %broadcast_in_dim3A_20 {strides = array<i32>} : memref<128xf32, #tpu.memory_space<vmem>>, vector<16xf32>,
    %broadcast_in_dim3A_23 = arith.constant 1.000000e+00 : f32
    %broadcast_in_dim3A_24 = vector.broadcast %broadcast_in_dim3A_23 : f32 to vector<16xf32>
    %swap3A_25 = arith.constant 96 : index
    %swap3A_26 = tpu.vector_load %arg5[%swap3A_25] {strides = array<i32>} : memref<128xf32, #tpu.memory_space<vmem>>, vector<16xf32>,
    tpu.vector_store %arg5[%swap3A_25], %broadcast_in_dim3A_24 {strides = array<i32>} : memref<128xf32, #tpu.memory_space<vmem>>, vector<16xf32>,
    %broadcast_in_dim3A_27 = arith.constant 1.000000e+00 : f32
    %broadcast_in_dim3A_28 = vector.broadcast %broadcast_in_dim3A_27 : f32 to vector<16xf32>
    %swap3A_29 = arith.constant 112 : index
    %swap3A_30 = tpu.vector_load %arg5[%swap3A_29] {strides = array<i32>} : memref<128xf32, #tpu.memory_space<vmem>>, vector<16xf32>,
    tpu.vector_store %arg5[%swap3A_29], %broadcast_in_dim3A_28 {strides = array<i32>} : memref<128xf32, #tpu.memory_space<vmem>>, vector<16xf32>,
    %broadcast_in_dim3A_31 = arith.constant 0.000000e+00 : f32
    %broadcast_in_dim3A_32 = vector.broadcast %broadcast_in_dim3A_31 : f32 to vector<16xf32>
    %swap3A_33 = arith.constant 0 : index
    %swap3A_34 = tpu.vector_load %arg6[%swap3A_33] {strides = array<i32>} : memref<640xf32, #tpu.memory_space<vmem>>, vector<16xf32>,
    tpu.vector_store %arg6[%swap3A_33], %broadcast_in_dim3A_32 {strides = array<i32>} : memref<640xf32, #tpu.memory_space<vmem>>, vector<16xf32>,
    %broadcast_in_dim3A_35 = arith.constant 0.000000e+00 : f32
    %broadcast_in_dim3A_36 = vector.broadcast %broadcast_in_dim3A_35 : f32 to vector<16xf32>
    %swap3A_37 = arith.constant 16 : index
    %swap3A_38 = tpu.vector_load %arg6[%swap3A_37] {strides = array<i32>} : memref<640xf32, #tpu.memory_space<vmem>>, vector<16xf32>,
    tpu.vector_store %arg6[%swap3A_37], %broadcast_in_dim3A_36 {strides = array<i32>} : memref<640xf32, #tpu.memory_space<vmem>>, vector<16xf32>,
    %broadcast_in_dim3A_39 = arith.constant 0.000000e+00 : f32
    %broadcast_in_dim3A_40 = vector.broadcast %broadcast_in_dim3A_39 : f32 to vector<16xf32>
    %swap3A_41 = arith.constant 32 : index
    %swap3A_42 = tpu.vector_load %arg6[%swap3A_41] {strides = array<i32>} : memref<640xf32, #tpu.memory_space<vmem>>, vector<16xf32>,
    tpu.vector_store %arg6[%swap3A_41], %broadcast_in_dim3A_40 {strides = array<i32>} : memref<640xf32, #tpu.memory_space<vmem>>, vector<16xf32>,
    %broadcast_in_dim3A_43 = arith.constant 0.000000e+00 : f32
    %broadcast_in_dim3A_44 = vector.broadcast %broadcast_in_dim3A_43 : f32 to vector<16xf32>
    %swap3A_45 = arith.constant 48 : index
    %swap3A_46 = tpu.vector_load %arg6[%swap3A_45] {strides = array<i32>} : memref<640xf32, #tpu.memory_space<vmem>>, vector<16xf32>,
    tpu.vector_store %arg6[%swap3A_45], %broadcast_in_dim3A_44 {strides = array<i32>} : memref<640xf32, #tpu.memory_space<vmem>>, vector<16xf32>,
    %broadcast_in_dim3A_47 = arith.constant 0.000000e+00 : f32
    %broadcast_in_dim3A_48 = vector.broadcast %broadcast_in_dim3A_47 : f32 to vector<16xf32>
    %swap3A_49 = arith.constant 64 : index
    %swap3A_50 = tpu.vector_load %arg6[%swap3A_49] {strides = array<i32>} : memref<640xf32, #tpu.memory_space<vmem>>, vector<16xf32>,
    tpu.vector_store %arg6[%swap3A_49], %broadcast_in_dim3A_48 {strides = array<i32>} : memref<640xf32, #tpu.memory_space<vmem>>, vector<16xf32>,
    %broadcast_in_dim3A_51 = arith.constant 0.000000e+00 : f32
    %broadcast_in_dim3A_52 = vector.broadcast %broadcast_in_dim3A_51 : f32 to vector<16xf32>
    %swap3A_53 = arith.constant 80 : index
    %swap3A_54 = tpu.vector_load %arg6[%swap3A_53] {strides = array<i32>} : memref<640xf32, #tpu.memory_space<vmem>>, vector<16xf32>,
    tpu.vector_store %arg6[%swap3A_53], %broadcast_in_dim3A_52 {strides = array<i32>} : memref<640xf32, #tpu.memory_space<vmem>>, vector<16xf32>,
    %broadcast_in_dim3A_55 = arith.constant 0.000000e+00 : f32
    %broadcast_in_dim3A_56 = vector.broadcast %broadcast_in_dim3A_55 : f32 to vector<16xf32>
    %swap3A_57 = arith.constant 96 : index
    %swap3A_58 = tpu.vector_load %arg6[%swap3A_57] {strides = array<i32>} : memref<640xf32, #tpu.memory_space<vmem>>, vector<16xf32>,
    tpu.vector_store %arg6[%swap3A_57], %broadcast_in_dim3A_56 {strides = array<i32>} : memref<640xf32, #tpu.memory_space<vmem>>, vector<16xf32>,
    %broadcast_in_dim3A_59 = arith.constant 0.000000e+00 : f32
    %broadcast_in_dim3A_60 = vector.broadcast %broadcast_in_dim3A_59 : f32 to vector<16xf32>
    %swap3A_61 = arith.constant 112 : index
    %swap3A_62 = tpu.vector_load %arg6[%swap3A_61] {strides = array<i32>} : memref<640xf32, #tpu.memory_space<vmem>>, vector<16xf32>,
    tpu.vector_store %arg6[%swap3A_61], %broadcast_in_dim3A_60 {strides = array<i32>} : memref<640xf32, #tpu.memory_space<vmem>>, vector<16xf32>,
    %broadcast_in_dim3A_63 = arith.constant 0.000000e+00 : f32
    %broadcast_in_dim3A_64 = vector.broadcast %broadcast_in_dim3A_63 : f32 to vector<16xf32>
    %swap3A_65 = arith.constant 128 : index
    %swap3A_66 = tpu.vector_load %arg6[%swap3A_65] {strides = array<i32>} : memref<640xf32, #tpu.memory_space<vmem>>, vector<16xf32>,
    tpu.vector_store %arg6[%swap3A_65], %broadcast_in_dim3A_64 {strides = array<i32>} : memref<640xf32, #tpu.memory_space<vmem>>, vector<16xf32>,
    %broadcast_in_dim3A_67 = arith.constant 0.000000e+00 : f32
    %broadcast_in_dim3A_68 = vector.broadcast %broadcast_in_dim3A_67 : f32 to vector<16xf32>
    %swap3A_69 = arith.constant 144 : index
    %swap3A_70 = tpu.vector_load %arg6[%swap3A_69] {strides = array<i32>} : memref<640xf32, #tpu.memory_space<vmem>>, vector<16xf32>,
    tpu.vector_store %arg6[%swap3A_69], %broadcast_in_dim3A_68 {strides = array<i32>} : memref<640xf32, #tpu.memory_space<vmem>>, vector<16xf32>,
    %broadcast_in_dim3A_71 = arith.constant 0.000000e+00 : f32
    %broadcast_in_dim3A_72 = vector.broadcast %broadcast_in_dim3A_71 : f32 to vector<16xf32>
    %swap3A_73 = arith.constant 160 : index
    %swap3A_74 = tpu.vector_load %arg6[%swap3A_73] {strides = array<i32>} : memref<640xf32, #tpu.memory_space<vmem>>, vector<16xf32>,
    tpu.vector_store %arg6[%swap3A_73], %broadcast_in_dim3A_72 {strides = array<i32>} : memref<640xf32, #tpu.memory_space<vmem>>, vector<16xf32>,
    %broadcast_in_dim3A_75 = arith.constant 0.000000e+00 : f32
    %broadcast_in_dim3A_76 = vector.broadcast %broadcast_in_dim3A_75 : f32 to vector<16xf32>
    %swap3A_77 = arith.constant 176 : index
    %swap3A_78 = tpu.vector_load %arg6[%swap3A_77] {strides = array<i32>} : memref<640xf32, #tpu.memory_space<vmem>>, vector<16xf32>,
    tpu.vector_store %arg6[%swap3A_77], %broadcast_in_dim3A_76 {strides = array<i32>} : memref<640xf32, #tpu.memory_space<vmem>>, vector<16xf32>,
    %broadcast_in_dim3A_79 = arith.constant 0.000000e+00 : f32
    %broadcast_in_dim3A_80 = vector.broadcast %broadcast_in_dim3A_79 : f32 to vector<16xf32>
    %swap3A_81 = arith.constant 192 : index
    %swap3A_82 = tpu.vector_load %arg6[%swap3A_81] {strides = array<i32>} : memref<640xf32, #tpu.memory_space<vmem>>, vector<16xf32>,
    tpu.vector_store %arg6[%swap3A_81], %broadcast_in_dim3A_80 {strides = array<i32>} : memref<640xf32, #tpu.memory_space<vmem>>, vector<16xf32>,
    %broadcast_in_dim3A_83 = arith.constant 0.000000e+00 : f32
    %broadcast_in_dim3A_84 = vector.broadcast %broadcast_in_dim3A_83 : f32 to vector<16xf32>
    %swap3A_85 = arith.constant 208 : index
    %swap3A_86 = tpu.vector_load %arg6[%swap3A_85] {strides = array<i32>} : memref<640xf32, #tpu.memory_space<vmem>>, vector<16xf32>,
    tpu.vector_store %arg6[%swap3A_85], %broadcast_in_dim3A_84 {strides = array<i32>} : memref<640xf32, #tpu.memory_space<vmem>>, vector<16xf32>,
    %broadcast_in_dim3A_87 = arith.constant 0.000000e+00 : f32
    %broadcast_in_dim3A_88 = vector.broadcast %broadcast_in_dim3A_87 : f32 to vector<16xf32>
    %swap3A_89 = arith.constant 224 : index
    %swap3A_90 = tpu.vector_load %arg6[%swap3A_89] {strides = array<i32>} : memref<640xf32, #tpu.memory_space<vmem>>, vector<16xf32>,
    tpu.vector_store %arg6[%swap3A_89], %broadcast_in_dim3A_88 {strides = array<i32>} : memref<640xf32, #tpu.memory_space<vmem>>, vector<16xf32>,
    %broadcast_in_dim3A_91 = arith.constant 0.000000e+00 : f32
    %broadcast_in_dim3A_92 = vector.broadcast %broadcast_in_dim3A_91 : f32 to vector<16xf32>
    %swap3A_93 = arith.constant 240 : index
    %swap3A_94 = tpu.vector_load %arg6[%swap3A_93] {strides = array<i32>} : memref<640xf32, #tpu.memory_space<vmem>>, vector<16xf32>,
    tpu.vector_store %arg6[%swap3A_93], %broadcast_in_dim3A_92 {strides = array<i32>} : memref<640xf32, #tpu.memory_space<vmem>>, vector<16xf32>,
    %broadcast_in_dim3A_95 = arith.constant 0.000000e+00 : f32
    %broadcast_in_dim3A_96 = vector.broadcast %broadcast_in_dim3A_95 : f32 to vector<16xf32>
    %swap3A_97 = arith.constant 256 : index
    %swap3A_98 = tpu.vector_load %arg6[%swap3A_97] {strides = array<i32>} : memref<640xf32, #tpu.memory_space<vmem>>, vector<16xf32>,
    tpu.vector_store %arg6[%swap3A_97], %broadcast_in_dim3A_96 {strides = array<i32>} : memref<640xf32, #tpu.memory_space<vmem>>, vector<16xf32>,
    %broadcast_in_dim3A_99 = arith.constant 0.000000e+00 : f32
    %broadcast_in_dim3A_100 = vector.broadcast %broadcast_in_dim3A_99 : f32 to vector<16xf32>
    %swap3A_101 = arith.constant 272 : index
    %swap3A_102 = tpu.vector_load %arg6[%swap3A_101] {strides = array<i32>} : memref<640xf32, #tpu.memory_space<vmem>>, vector<16xf32>,
    tpu.vector_store %arg6[%swap3A_101], %broadcast_in_dim3A_100 {strides = array<i32>} : memref<640xf32, #tpu.memory_space<vmem>>, vector<16xf32>,
    %broadcast_in_dim3A_103 = arith.constant 0.000000e+00 : f32
    %broadcast_in_dim3A_104 = vector.broadcast %broadcast_in_dim3A_103 : f32 to vector<16xf32>
    %swap3A_105 = arith.constant 288 : index
    %swap3A_106 = tpu.vector_load %arg6[%swap3A_105] {strides = array<i32>} : memref<640xf32, #tpu.memory_space<vmem>>, vector<16xf32>,
    tpu.vector_store %arg6[%swap3A_105], %broadcast_in_dim3A_104 {strides = array<i32>} : memref<640xf32, #tpu.memory_space<vmem>>, vector<16xf32>,
    %broadcast_in_dim3A_107 = arith.constant 0.000000e+00 : f32
    %broadcast_in_dim3A_108 = vector.broadcast %broadcast_in_dim3A_107 : f32 to vector<16xf32>
    %swap3A_109 = arith.constant 304 : index
    %swap3A_110 = tpu.vector_load %arg6[%swap3A_109] {strides = array<i32>} : memref<640xf32, #tpu.memory_space<vmem>>, vector<16xf32>,
    tpu.vector_store %arg6[%swap3A_109], %broadcast_in_dim3A_108 {strides = array<i32>} : memref<640xf32, #tpu.memory_space<vmem>>, vector<16xf32>,
    %broadcast_in_dim3A_111 = arith.constant 0.000000e+00 : f32
    %broadcast_in_dim3A_112 = vector.broadcast %broadcast_in_dim3A_111 : f32 to vector<16xf32>
    %swap3A_113 = arith.constant 320 : index
    %swap3A_114 = tpu.vector_load %arg6[%swap3A_113] {strides = array<i32>} : memref<640xf32, #tpu.memory_space<vmem>>, vector<16xf32>,
    tpu.vector_store %arg6[%swap3A_113], %broadcast_in_dim3A_112 {strides = array<i32>} : memref<640xf32, #tpu.memory_space<vmem>>, vector<16xf32>,
    %broadcast_in_dim3A_115 = arith.constant 0.000000e+00 : f32
    %broadcast_in_dim3A_116 = vector.broadcast %broadcast_in_dim3A_115 : f32 to vector<16xf32>
    %swap3A_117 = arith.constant 336 : index
    %swap3A_118 = tpu.vector_load %arg6[%swap3A_117] {strides = array<i32>} : memref<640xf32, #tpu.memory_space<vmem>>, vector<16xf32>,
    tpu.vector_store %arg6[%swap3A_117], %broadcast_in_dim3A_116 {strides = array<i32>} : memref<640xf32, #tpu.memory_space<vmem>>, vector<16xf32>,
    %broadcast_in_dim3A_119 = arith.constant 0.000000e+00 : f32
    %broadcast_in_dim3A_120 = vector.broadcast %broadcast_in_dim3A_119 : f32 to vector<16xf32>
    %swap3A_121 = arith.constant 352 : index
    %swap3A_122 = tpu.vector_load %arg6[%swap3A_121] {strides = array<i32>} : memref<640xf32, #tpu.memory_space<vmem>>, vector<16xf32>,
    tpu.vector_store %arg6[%swap3A_121], %broadcast_in_dim3A_120 {strides = array<i32>} : memref<640xf32, #tpu.memory_space<vmem>>, vector<16xf32>,
    %broadcast_in_dim3A_123 = arith.constant 0.000000e+00 : f32
    %broadcast_in_dim3A_124 = vector.broadcast %broadcast_in_dim3A_123 : f32 to vector<16xf32>
    %swap3A_125 = arith.constant 368 : index
    %swap3A_126 = tpu.vector_load %arg6[%swap3A_125] {strides = array<i32>} : memref<640xf32, #tpu.memory_space<vmem>>, vector<16xf32>,
    tpu.vector_store %arg6[%swap3A_125], %broadcast_in_dim3A_124 {strides = array<i32>} : memref<640xf32, #tpu.memory_space<vmem>>, vector<16xf32>,
    %broadcast_in_dim3A_127 = arith.constant 0.000000e+00 : f32
    %broadcast_in_dim3A_128 = vector.broadcast %broadcast_in_dim3A_127 : f32 to vector<16xf32>
    %swap3A_129 = arith.constant 384 : index
    %swap3A_130 = tpu.vector_load %arg6[%swap3A_129] {strides = array<i32>} : memref<640xf32, #tpu.memory_space<vmem>>, vector<16xf32>,
    tpu.vector_store %arg6[%swap3A_129], %broadcast_in_dim3A_128 {strides = array<i32>} : memref<640xf32, #tpu.memory_space<vmem>>, vector<16xf32>,
    %broadcast_in_dim3A_131 = arith.constant 0.000000e+00 : f32
    %broadcast_in_dim3A_132 = vector.broadcast %broadcast_in_dim3A_131 : f32 to vector<16xf32>
    %swap3A_133 = arith.constant 400 : index
    %swap3A_134 = tpu.vector_load %arg6[%swap3A_133] {strides = array<i32>} : memref<640xf32, #tpu.memory_space<vmem>>, vector<16xf32>,
    tpu.vector_store %arg6[%swap3A_133], %broadcast_in_dim3A_132 {strides = array<i32>} : memref<640xf32, #tpu.memory_space<vmem>>, vector<16xf32>,
    %broadcast_in_dim3A_135 = arith.constant 0.000000e+00 : f32
    %broadcast_in_dim3A_136 = vector.broadcast %broadcast_in_dim3A_135 : f32 to vector<16xf32>
    %swap3A_137 = arith.constant 416 : index
    %swap3A_138 = tpu.vector_load %arg6[%swap3A_137] {strides = array<i32>} : memref<640xf32, #tpu.memory_space<vmem>>, vector<16xf32>,
    tpu.vector_store %arg6[%swap3A_137], %broadcast_in_dim3A_136 {strides = array<i32>} : memref<640xf32, #tpu.memory_space<vmem>>, vector<16xf32>,
    %broadcast_in_dim3A_139 = arith.constant 0.000000e+00 : f32
    %broadcast_in_dim3A_140 = vector.broadcast %broadcast_in_dim3A_139 : f32 to vector<16xf32>
    %swap3A_141 = arith.constant 432 : index
    %swap3A_142 = tpu.vector_load %arg6[%swap3A_141] {strides = array<i32>} : memref<640xf32, #tpu.memory_space<vmem>>, vector<16xf32>,
    tpu.vector_store %arg6[%swap3A_141], %broadcast_in_dim3A_140 {strides = array<i32>} : memref<640xf32, #tpu.memory_space<vmem>>, vector<16xf32>,
    %broadcast_in_dim3A_143 = arith.constant 0.000000e+00 : f32
    %broadcast_in_dim3A_144 = vector.broadcast %broadcast_in_dim3A_143 : f32 to vector<16xf32>
    %swap3A_145 = arith.constant 448 : index
    %swap3A_146 = tpu.vector_load %arg6[%swap3A_145] {strides = array<i32>} : memref<640xf32, #tpu.memory_space<vmem>>, vector<16xf32>,
    tpu.vector_store %arg6[%swap3A_145], %broadcast_in_dim3A_144 {strides = array<i32>} : memref<640xf32, #tpu.memory_space<vmem>>, vector<16xf32>,
    %broadcast_in_dim3A_147 = arith.constant 0.000000e+00 : f32
    %broadcast_in_dim3A_148 = vector.broadcast %broadcast_in_dim3A_147 : f32 to vector<16xf32>
    %swap3A_149 = arith.constant 464 : index
    %swap3A_150 = tpu.vector_load %arg6[%swap3A_149] {strides = array<i32>} : memref<640xf32, #tpu.memory_space<vmem>>, vector<16xf32>,
    tpu.vector_store %arg6[%swap3A_149], %broadcast_in_dim3A_148 {strides = array<i32>} : memref<640xf32, #tpu.memory_space<vmem>>, vector<16xf32>,
    %broadcast_in_dim3A_151 = arith.constant 0.000000e+00 : f32
    %broadcast_in_dim3A_152 = vector.broadcast %broadcast_in_dim3A_151 : f32 to vector<16xf32>
    %swap3A_153 = arith.constant 480 : index
    %swap3A_154 = tpu.vector_load %arg6[%swap3A_153] {strides = array<i32>} : memref<640xf32, #tpu.memory_space<vmem>>, vector<16xf32>,
    tpu.vector_store %arg6[%swap3A_153], %broadcast_in_dim3A_152 {strides = array<i32>} : memref<640xf32, #tpu.memory_space<vmem>>, vector<16xf32>,
    %broadcast_in_dim3A_155 = arith.constant 0.000000e+00 : f32
    %broadcast_in_dim3A_156 = vector.broadcast %broadcast_in_dim3A_155 : f32 to vector<16xf32>
    %swap3A_157 = arith.constant 496 : index
    %swap3A_158 = tpu.vector_load %arg6[%swap3A_157] {strides = array<i32>} : memref<640xf32, #tpu.memory_space<vmem>>, vector<16xf32>,
    tpu.vector_store %arg6[%swap3A_157], %broadcast_in_dim3A_156 {strides = array<i32>} : memref<640xf32, #tpu.memory_space<vmem>>, vector<16xf32>,
    %broadcast_in_dim3A_159 = arith.constant 0.000000e+00 : f32
    %broadcast_in_dim3A_160 = vector.broadcast %broadcast_in_dim3A_159 : f32 to vector<16xf32>
    %swap3A_161 = arith.constant 512 : index
    %swap3A_162 = tpu.vector_load %arg6[%swap3A_161] {strides = array<i32>} : memref<640xf32, #tpu.memory_space<vmem>>, vector<16xf32>,
    tpu.vector_store %arg6[%swap3A_161], %broadcast_in_dim3A_160 {strides = array<i32>} : memref<640xf32, #tpu.memory_space<vmem>>, vector<16xf32>,
    %broadcast_in_dim3A_163 = arith.constant 0.000000e+00 : f32
    %broadcast_in_dim3A_164 = vector.broadcast %broadcast_in_dim3A_163 : f32 to vector<16xf32>
    %swap3A_165 = arith.constant 528 : index
    %swap3A_166 = tpu.vector_load %arg6[%swap3A_165] {strides = array<i32>} : memref<640xf32, #tpu.memory_space<vmem>>, vector<16xf32>,
    tpu.vector_store %arg6[%swap3A_165], %broadcast_in_dim3A_164 {strides = array<i32>} : memref<640xf32, #tpu.memory_space<vmem>>, vector<16xf32>,
    %broadcast_in_dim3A_167 = arith.constant 0.000000e+00 : f32
    %broadcast_in_dim3A_168 = vector.broadcast %broadcast_in_dim3A_167 : f32 to vector<16xf32>
    %swap3A_169 = arith.constant 544 : index
    %swap3A_170 = tpu.vector_load %arg6[%swap3A_169] {strides = array<i32>} : memref<640xf32, #tpu.memory_space<vmem>>, vector<16xf32>,
    tpu.vector_store %arg6[%swap3A_169], %broadcast_in_dim3A_168 {strides = array<i32>} : memref<640xf32, #tpu.memory_space<vmem>>, vector<16xf32>,
    %broadcast_in_dim3A_171 = arith.constant 0.000000e+00 : f32
    %broadcast_in_dim3A_172 = vector.broadcast %broadcast_in_dim3A_171 : f32 to vector<16xf32>
    %swap3A_173 = arith.constant 560 : index
    %swap3A_174 = tpu.vector_load %arg6[%swap3A_173] {strides = array<i32>} : memref<640xf32, #tpu.memory_space<vmem>>, vector<16xf32>,
    tpu.vector_store %arg6[%swap3A_173], %broadcast_in_dim3A_172 {strides = array<i32>} : memref<640xf32, #tpu.memory_space<vmem>>, vector<16xf32>,
    %broadcast_in_dim3A_175 = arith.constant 0.000000e+00 : f32
    %broadcast_in_dim3A_176 = vector.broadcast %broadcast_in_dim3A_175 : f32 to vector<16xf32>
    %swap3A_177 = arith.constant 576 : index
    %swap3A_178 = tpu.vector_load %arg6[%swap3A_177] {strides = array<i32>} : memref<640xf32, #tpu.memory_space<vmem>>, vector<16xf32>,
    tpu.vector_store %arg6[%swap3A_177], %broadcast_in_dim3A_176 {strides = array<i32>} : memref<640xf32, #tpu.memory_space<vmem>>, vector<16xf32>,
    %broadcast_in_dim3A_179 = arith.constant 0.000000e+00 : f32
    %broadcast_in_dim3A_180 = vector.broadcast %broadcast_in_dim3A_179 : f32 to vector<16xf32>
    %swap3A_181 = arith.constant 592 : index
    %swap3A_182 = tpu.vector_load %arg6[%swap3A_181] {strides = array<i32>} : memref<640xf32, #tpu.memory_space<vmem>>, vector<16xf32>,
    tpu.vector_store %arg6[%swap3A_181], %broadcast_in_dim3A_180 {strides = array<i32>} : memref<640xf32, #tpu.memory_space<vmem>>, vector<16xf32>,
    %broadcast_in_dim3A_183 = arith.constant 0.000000e+00 : f32
    %broadcast_in_dim3A_184 = vector.broadcast %broadcast_in_dim3A_183 : f32 to vector<16xf32>
    %swap3A_185 = arith.constant 608 : index
    %swap3A_186 = tpu.vector_load %arg6[%swap3A_185] {strides = array<i32>} : memref<640xf32, #tpu.memory_space<vmem>>, vector<16xf32>,
    tpu.vector_store %arg6[%swap3A_185], %broadcast_in_dim3A_184 {strides = array<i32>} : memref<640xf32, #tpu.memory_space<vmem>>, vector<16xf32>,
    %broadcast_in_dim3A_187 = arith.constant 0.000000e+00 : f32
    %broadcast_in_dim3A_188 = vector.broadcast %broadcast_in_dim3A_187 : f32 to vector<16xf32>
    %swap3A_189 = arith.constant 624 : index
    %swap3A_190 = tpu.vector_load %arg6[%swap3A_189] {strides = array<i32>} : memref<640xf32, #tpu.memory_space<vmem>>, vector<16xf32>,
    tpu.vector_store %arg6[%swap3A_189], %broadcast_in_dim3A_188 {strides = array<i32>} : memref<640xf32, #tpu.memory_space<vmem>>, vector<16xf32>,
    "tpu.region"() ({
      %run_scoped3A = tpu.sem_alloc : memref<!tpu.dma_semaphore, #tpu.memory_space<semaphore_mem>>
      %dma_start3A = tpu.memref_slice %arg7[%mul3A_0] : memref<10240xf32, #tpu.memory_space<vmem_shared>> -> memref<640xf32, #tpu.memory_space<vmem_shared>>
      %dma_start3A_197 = tpu.memref_slice %arg7[%mul3A_0] : memref<10240xf32, #tpu.memory_space<vmem_shared>> -> memref<640xf32, #tpu.memory_space<vmem_shared>>
      tpu.enqueue_dma source(%arg6 : memref<640xf32, #tpu.memory_space<vmem>>) target(%dma_start3A_197 : memref<640xf32, #tpu.memory_space<vmem_shared>>) target_semaphore(%run_scoped3A : memref<!tpu.dma_semaphore, #tpu.memory_space<semaphore_mem>>)
      %dma_wait3A = tpu.memref_slice %arg7[%mul3A_0] : memref<10240xf32, #tpu.memory_space<vmem_shared>> -> memref<640xf32, #tpu.memory_space<vmem_shared>>
      %dma_wait3A_198 = tpu.memref_slice %arg7[%mul3A_0] : memref<10240xf32, #tpu.memory_space<vmem_shared>> -> memref<640xf32, #tpu.memory_space<vmem_shared>>
      tpu.wait_dma2 semaphore(%run_scoped3A : memref<!tpu.dma_semaphore, #tpu.memory_space<semaphore_mem>>) src(%arg6 : memref<640xf32, #tpu.memory_space<vmem>>) dst(%dma_wait3A_198 : memref<640xf32, #tpu.memory_space<vmem_shared>>)
      tpu.yield
    }) : () -> ()
    %barrier3A = arith.constant 0 : index
    tpu.barrier barrier_id(%barrier3A)
    %scan3A = arith.constant 0 : i32
    %scan3A_191 = arith.constant 0 : i32
    %scan3A_192 = arith.constant 40 : i32
    %scan3A_193 = arith.addi %scan3A_191, %scan3A_192 : i32
    %scan3A_194 = arith.constant 1 : i32
    scf.for %scan3A_197 = %scan3A_191 to %scan3A_193 step %scan3A_194  : i32 {
      %mul3A_198 = arith.constant 4 : i32
      %mul3A_199 = arith.muli %mul3A_198, %scan3A_197 : i32
      %add3A = arith.constant 0 : i32
      %add3A_200 = arith.addi %mul3A_199, %add3A : i32
      %dma_start3A = arith.constant 0 : i32
      %dma_start3A_201 = tpu.memref_slice %arg4[%add3A_200, %dma_start3A] : memref<160x128xi32, #tpu.memory_space<vmem>> -> memref<1x128xi32, #tpu.memory_space<vmem>>
      %dma_start3A_202 = tpu.memref_squeeze %dma_start3A_201 : memref<1x128xi32, #tpu.memory_space<vmem>> -> memref<128xi32, #tpu.memory_space<vmem>>
      %dma_start3A_203 = arith.constant 0 : i32
      %dma_start3A_204 = tpu.memref_slice %arg7[%dma_start3A_203] : memref<10240xf32, #tpu.memory_space<vmem_shared>> -> memref<10240xf32, #tpu.memory_space<vmem_shared>>
      tpu.enqueue_indirect_dma source(%arg5 : memref<128xf32, #tpu.memory_space<vmem>>) target(%dma_start3A_204 : memref<10240xf32, #tpu.memory_space<vmem_shared>>) offsets(%dma_start3A_202 : memref<128xi32, #tpu.memory_space<vmem>>) semaphore(%arg8 : memref<!tpu.dma_semaphore, #tpu.memory_space<semaphore_mem>>) {add = true}
      %add3A_205 = arith.constant 1 : i32
      %add3A_206 = arith.addi %mul3A_199, %add3A_205 : i32
      %dma_start3A_207 = arith.constant 0 : i32
      %dma_start3A_208 = tpu.memref_slice %arg4[%add3A_206, %dma_start3A_207] : memref<160x128xi32, #tpu.memory_space<vmem>> -> memref<1x128xi32, #tpu.memory_space<vmem>>
      %dma_start3A_209 = tpu.memref_squeeze %dma_start3A_208 : memref<1x128xi32, #tpu.memory_space<vmem>> -> memref<128xi32, #tpu.memory_space<vmem>>
      %dma_start3A_210 = arith.constant 0 : i32
      %dma_start3A_211 = tpu.memref_slice %arg7[%dma_start3A_210] : memref<10240xf32, #tpu.memory_space<vmem_shared>> -> memref<10240xf32, #tpu.memory_space<vmem_shared>>
      tpu.enqueue_indirect_dma source(%arg5 : memref<128xf32, #tpu.memory_space<vmem>>) target(%dma_start3A_211 : memref<10240xf32, #tpu.memory_space<vmem_shared>>) offsets(%dma_start3A_209 : memref<128xi32, #tpu.memory_space<vmem>>) semaphore(%arg8 : memref<!tpu.dma_semaphore, #tpu.memory_space<semaphore_mem>>) {add = true}
      %add3A_212 = arith.constant 2 : i32
      %add3A_213 = arith.addi %mul3A_199, %add3A_212 : i32
      %dma_start3A_214 = arith.constant 0 : i32
      %dma_start3A_215 = tpu.memref_slice %arg4[%add3A_213, %dma_start3A_214] : memref<160x128xi32, #tpu.memory_space<vmem>> -> memref<1x128xi32, #tpu.memory_space<vmem>>
      %dma_start3A_216 = tpu.memref_squeeze %dma_start3A_215 : memref<1x128xi32, #tpu.memory_space<vmem>> -> memref<128xi32, #tpu.memory_space<vmem>>
      %dma_start3A_217 = arith.constant 0 : i32
      %dma_start3A_218 = tpu.memref_slice %arg7[%dma_start3A_217] : memref<10240xf32, #tpu.memory_space<vmem_shared>> -> memref<10240xf32, #tpu.memory_space<vmem_shared>>
      tpu.enqueue_indirect_dma source(%arg5 : memref<128xf32, #tpu.memory_space<vmem>>) target(%dma_start3A_218 : memref<10240xf32, #tpu.memory_space<vmem_shared>>) offsets(%dma_start3A_216 : memref<128xi32, #tpu.memory_space<vmem>>) semaphore(%arg8 : memref<!tpu.dma_semaphore, #tpu.memory_space<semaphore_mem>>) {add = true}
      %add3A_219 = arith.constant 3 : i32
      %add3A_220 = arith.addi %mul3A_199, %add3A_219 : i32
      %dma_start3A_221 = arith.constant 0 : i32
      %dma_start3A_222 = tpu.memref_slice %arg4[%add3A_220, %dma_start3A_221] : memref<160x128xi32, #tpu.memory_space<vmem>> -> memref<1x128xi32, #tpu.memory_space<vmem>>
      %dma_start3A_223 = tpu.memref_squeeze %dma_start3A_222 : memref<1x128xi32, #tpu.memory_space<vmem>> -> memref<128xi32, #tpu.memory_space<vmem>>
      %dma_start3A_224 = arith.constant 0 : i32
      %dma_start3A_225 = tpu.memref_slice %arg7[%dma_start3A_224] : memref<10240xf32, #tpu.memory_space<vmem_shared>> -> memref<10240xf32, #tpu.memory_space<vmem_shared>>
      tpu.enqueue_indirect_dma source(%arg5 : memref<128xf32, #tpu.memory_space<vmem>>) target(%dma_start3A_225 : memref<10240xf32, #tpu.memory_space<vmem_shared>>) offsets(%dma_start3A_223 : memref<128xi32, #tpu.memory_space<vmem>>) semaphore(%arg8 : memref<!tpu.dma_semaphore, #tpu.memory_space<semaphore_mem>>) {add = true}
      %dma_wait3A = arith.constant 0 : i32
      %dma_wait3A_226 = tpu.memref_slice %arg4[%add3A_200, %dma_wait3A] : memref<160x128xi32, #tpu.memory_space<vmem>> -> memref<1x128xi32, #tpu.memory_space<vmem>>
      %dma_wait3A_227 = tpu.memref_squeeze %dma_wait3A_226 : memref<1x128xi32, #tpu.memory_space<vmem>> -> memref<128xi32, #tpu.memory_space<vmem>>
      %dma_wait3A_228 = arith.constant 0 : i32
      %dma_wait3A_229 = tpu.memref_slice %arg7[%dma_wait3A_228] : memref<10240xf32, #tpu.memory_space<vmem_shared>> -> memref<10240xf32, #tpu.memory_space<vmem_shared>>
      tpu.wait_indirect_dma semaphore(%arg8 : memref<!tpu.dma_semaphore, #tpu.memory_space<semaphore_mem>>) src(%arg5 : memref<128xf32, #tpu.memory_space<vmem>>) dst(%dma_wait3A_229 : memref<10240xf32, #tpu.memory_space<vmem_shared>>)
      %dma_wait3A_230 = arith.constant 0 : i32
      %dma_wait3A_231 = tpu.memref_slice %arg4[%add3A_206, %dma_wait3A_230] : memref<160x128xi32, #tpu.memory_space<vmem>> -> memref<1x128xi32, #tpu.memory_space<vmem>>
      %dma_wait3A_232 = tpu.memref_squeeze %dma_wait3A_231 : memref<1x128xi32, #tpu.memory_space<vmem>> -> memref<128xi32, #tpu.memory_space<vmem>>
      %dma_wait3A_233 = arith.constant 0 : i32
      %dma_wait3A_234 = tpu.memref_slice %arg7[%dma_wait3A_233] : memref<10240xf32, #tpu.memory_space<vmem_shared>> -> memref<10240xf32, #tpu.memory_space<vmem_shared>>
      tpu.wait_indirect_dma semaphore(%arg8 : memref<!tpu.dma_semaphore, #tpu.memory_space<semaphore_mem>>) src(%arg5 : memref<128xf32, #tpu.memory_space<vmem>>) dst(%dma_wait3A_234 : memref<10240xf32, #tpu.memory_space<vmem_shared>>)
      %dma_wait3A_235 = arith.constant 0 : i32
      %dma_wait3A_236 = tpu.memref_slice %arg4[%add3A_213, %dma_wait3A_235] : memref<160x128xi32, #tpu.memory_space<vmem>> -> memref<1x128xi32, #tpu.memory_space<vmem>>
      %dma_wait3A_237 = tpu.memref_squeeze %dma_wait3A_236 : memref<1x128xi32, #tpu.memory_space<vmem>> -> memref<128xi32, #tpu.memory_space<vmem>>
      %dma_wait3A_238 = arith.constant 0 : i32
      %dma_wait3A_239 = tpu.memref_slice %arg7[%dma_wait3A_238] : memref<10240xf32, #tpu.memory_space<vmem_shared>> -> memref<10240xf32, #tpu.memory_space<vmem_shared>>
      tpu.wait_indirect_dma semaphore(%arg8 : memref<!tpu.dma_semaphore, #tpu.memory_space<semaphore_mem>>) src(%arg5 : memref<128xf32, #tpu.memory_space<vmem>>) dst(%dma_wait3A_239 : memref<10240xf32, #tpu.memory_space<vmem_shared>>)
      %dma_wait3A_240 = arith.constant 0 : i32
      %dma_wait3A_241 = tpu.memref_slice %arg4[%add3A_220, %dma_wait3A_240] : memref<160x128xi32, #tpu.memory_space<vmem>> -> memref<1x128xi32, #tpu.memory_space<vmem>>
      %dma_wait3A_242 = tpu.memref_squeeze %dma_wait3A_241 : memref<1x128xi32, #tpu.memory_space<vmem>> -> memref<128xi32, #tpu.memory_space<vmem>>
      %dma_wait3A_243 = arith.constant 0 : i32
      %dma_wait3A_244 = tpu.memref_slice %arg7[%dma_wait3A_243] : memref<10240xf32, #tpu.memory_space<vmem_shared>> -> memref<10240xf32, #tpu.memory_space<vmem_shared>>
      tpu.wait_indirect_dma semaphore(%arg8 : memref<!tpu.dma_semaphore, #tpu.memory_space<semaphore_mem>>) src(%arg5 : memref<128xf32, #tpu.memory_space<vmem>>) dst(%dma_wait3A_244 : memref<10240xf32, #tpu.memory_space<vmem_shared>>)
    }
    %scan3A_195 = arith.constant 40 : i32
    %barrier3A_196 = arith.constant 0 : index
    tpu.barrier barrier_id(%barrier3A_196)
    "tpu.region"() ({
      %run_scoped3A = tpu.sem_alloc : memref<!tpu.dma_semaphore, #tpu.memory_space<semaphore_mem>>
      %dma_start3A = tpu.memref_slice %arg7[%mul3A_0] : memref<10240xf32, #tpu.memory_space<vmem_shared>> -> memref<640xf32, #tpu.memory_space<vmem_shared>>
      %dma_start3A_197 = tpu.memref_slice %arg7[%mul3A_0] : memref<10240xf32, #tpu.memory_space<vmem_shared>> -> memref<640xf32, #tpu.memory_space<vmem_shared>>
      tpu.enqueue_dma source(%dma_start3A_197 : memref<640xf32, #tpu.memory_space<vmem_shared>>) target(%arg6 : memref<640xf32, #tpu.memory_space<vmem>>) target_semaphore(%run_scoped3A : memref<!tpu.dma_semaphore, #tpu.memory_space<semaphore_mem>>)
      %dma_wait3A = tpu.memref_slice %arg7[%mul3A_0] : memref<10240xf32, #tpu.memory_space<vmem_shared>> -> memref<640xf32, #tpu.memory_space<vmem_shared>>
      %dma_wait3A_198 = tpu.memref_slice %arg7[%mul3A_0] : memref<10240xf32, #tpu.memory_space<vmem_shared>> -> memref<640xf32, #tpu.memory_space<vmem_shared>>
      tpu.wait_dma2 semaphore(%run_scoped3A : memref<!tpu.dma_semaphore, #tpu.memory_space<semaphore_mem>>) src(%dma_wait3A_198 : memref<640xf32, #tpu.memory_space<vmem_shared>>) dst(%arg6 : memref<640xf32, #tpu.memory_space<vmem>>)
      tpu.yield
    }) : () -> ()
    "tpu.region"() ({
      %run_scoped3A = tpu.sem_alloc : memref<!tpu.dma_semaphore, #tpu.memory_space<semaphore_mem>>
      %dma_start3A = tpu.memref_slice %arg3[%arg0, %mul3A_0] : memref<2x10240xf32, #tpu.memory_space<hbm>> -> memref<1x640xf32, #tpu.memory_space<hbm>>
      %dma_start3A_197 = tpu.memref_squeeze %dma_start3A : memref<1x640xf32, #tpu.memory_space<hbm>> -> memref<640xf32, #tpu.memory_space<hbm>>
      %dma_start3A_198 = tpu.memref_slice %arg3[%arg0, %mul3A_0] : memref<2x10240xf32, #tpu.memory_space<hbm>> -> memref<1x640xf32, #tpu.memory_space<hbm>>
      %dma_start3A_199 = tpu.memref_squeeze %dma_start3A_198 : memref<1x640xf32, #tpu.memory_space<hbm>> -> memref<640xf32, #tpu.memory_space<hbm>>
      tpu.enqueue_dma source(%arg6 : memref<640xf32, #tpu.memory_space<vmem>>) target(%dma_start3A_199 : memref<640xf32, #tpu.memory_space<hbm>>) target_semaphore(%run_scoped3A : memref<!tpu.dma_semaphore, #tpu.memory_space<semaphore_mem>>)
      %dma_wait3A = tpu.memref_slice %arg3[%arg0, %mul3A_0] : memref<2x10240xf32, #tpu.memory_space<hbm>> -> memref<1x640xf32, #tpu.memory_space<hbm>>
      %dma_wait3A_200 = tpu.memref_squeeze %dma_wait3A : memref<1x640xf32, #tpu.memory_space<hbm>> -> memref<640xf32, #tpu.memory_space<hbm>>
      %dma_wait3A_201 = tpu.memref_slice %arg3[%arg0, %mul3A_0] : memref<2x10240xf32, #tpu.memory_space<hbm>> -> memref<1x640xf32, #tpu.memory_space<hbm>>
      %dma_wait3A_202 = tpu.memref_squeeze %dma_wait3A_201 : memref<1x640xf32, #tpu.memory_space<hbm>> -> memref<640xf32, #tpu.memory_space<hbm>>
      tpu.wait_dma2 semaphore(%run_scoped3A : memref<!tpu.dma_semaphore, #tpu.memory_space<semaphore_mem>>) src(%arg6 : memref<640xf32, #tpu.memory_space<vmem>>) dst(%dma_wait3A_202 : memref<640xf32, #tpu.memory_space<hbm>>)
      tpu.yield
    }) : () -> ()
    return
  }
}

#map = affine_map<(d0, d1) -> (0, 0, 0)>
#map1 = affine_map<(d0, d1) -> (0, 0)>
#map2 = affine_map<(d0, d1) -> (0)>
#map3 = affine_map<(d0, d1) -> (0, 0, 0, 0)>
module attributes {stable_mosaic.version = 14 : i64} {
  func.func @_r3_body(%arg0: i32, %arg1: i32, %arg2: memref<2x10240x4xf32, #tpu.memory_space<hbm>>, %arg3: memref<2x10240xf32, #tpu.memory_space<hbm>>, %arg4: memref<10240xf32, #tpu.memory_space<hbm>>, %arg5: memref<8x16xf32, #tpu.memory_space<hbm>>, %arg6: memref<2x16xi32, #tpu.memory_space<hbm>>, %arg7: memref<2x16x160x128xi32, #tpu.memory_space<hbm>>, %arg8: memref<2x16x160x128xi32, #tpu.memory_space<hbm>>, %arg9: memref<20480xf32, #tpu.memory_space<hbm>>, %arg10: memref<2x10240xf32, #tpu.memory_space<hbm>>, %arg11: memref<10240xf32, #tpu.memory_space<hbm>>, %arg12: memref<640x4xf32, #tpu.memory_space<vmem>>, %arg13: memref<640x4xf32, #tpu.memory_space<vmem>>, %arg14: memref<640xf32, #tpu.memory_space<vmem>>, %arg15: memref<640xf32, #tpu.memory_space<vmem>>, %arg16: memref<640xf32, #tpu.memory_space<vmem>>, %arg17: memref<8x16xf32, #tpu.memory_space<vmem>>, %arg18: memref<16xi32, #tpu.memory_space<vmem>>, %arg19: memref<640xf32, #tpu.memory_space<vmem>>, %arg20: memref<160x128xi32, #tpu.memory_space<vmem>>, %arg21: memref<160x128xi32, #tpu.memory_space<vmem>>, %arg22: memref<128xf32, #tpu.memory_space<vmem>>, %arg23: memref<128xf32, #tpu.memory_space<vmem>>, %arg24: memref<128xf32, #tpu.memory_space<vmem>>, %arg25: memref<128xf32, #tpu.memory_space<vmem>>, %arg26: memref<10240xf32, #tpu.memory_space<vmem_shared>>, %arg27: memref<!tpu.dma_semaphore, #tpu.memory_space<semaphore_mem>>, %arg28: memref<!tpu.dma_semaphore, #tpu.memory_space<semaphore_mem>>, %arg29: memref<!tpu.dma_semaphore, #tpu.memory_space<semaphore_mem>>, %arg30: memref<!tpu.dma_semaphore, #tpu.memory_space<semaphore_mem>>, %arg31: memref<!tpu.dma_semaphore, #tpu.memory_space<semaphore_mem>>) attributes {dimension_semantics = [#tpu.dimension_semantics<core_parallel>, #tpu.dimension_semantics<subcore_parallel>], iteration_bounds = array<i64: 2, 16>, scalar_prefetch = 0 : i64, scratch_operands = 20 : i64, tpu.core_type = #tpu.core_type<sc_vector_subcore>, window_params = [{transform_indices = #map}, {transform_indices = #map1}, {transform_indices = #map2}, {transform_indices = #map1}, {transform_indices = #map1}, {transform_indices = #map3}, {transform_indices = #map3}, {transform_indices = #map2}, {transform_indices = #map1}, {transform_indices = #map2}]} {
    %mul3A = arith.constant 640 : i32
    %mul3A_0 = arith.muli %arg1, %mul3A : i32
    %run_scoped3A = arith.constant 0 : i32
    "tpu.region"() ({
      %run_scoped3A_42 = tpu.sem_alloc : memref<!tpu.dma_semaphore, #tpu.memory_space<semaphore_mem>>
      %dma_start3A = arith.constant 0 : i32
      %dma_start3A_43 = tpu.memref_slice %arg2[%run_scoped3A, %mul3A_0, %dma_start3A] : memref<2x10240x4xf32, #tpu.memory_space<hbm>> -> memref<1x640x4xf32, #tpu.memory_space<hbm>>
      %dma_start3A_44 = tpu.memref_squeeze %dma_start3A_43 : memref<1x640x4xf32, #tpu.memory_space<hbm>> -> memref<640x4xf32, #tpu.memory_space<hbm>>
      %dma_start3A_45 = arith.constant 0 : i32
      %dma_start3A_46 = tpu.memref_slice %arg2[%run_scoped3A, %mul3A_0, %dma_start3A_45] : memref<2x10240x4xf32, #tpu.memory_space<hbm>> -> memref<1x640x4xf32, #tpu.memory_space<hbm>>
      %dma_start3A_47 = tpu.memref_squeeze %dma_start3A_46 : memref<1x640x4xf32, #tpu.memory_space<hbm>> -> memref<640x4xf32, #tpu.memory_space<hbm>>
      tpu.enqueue_dma source(%dma_start3A_47 : memref<640x4xf32, #tpu.memory_space<hbm>>) target(%arg12 : memref<640x4xf32, #tpu.memory_space<vmem>>) target_semaphore(%run_scoped3A_42 : memref<!tpu.dma_semaphore, #tpu.memory_space<semaphore_mem>>)
      %dma_wait3A = arith.constant 0 : i32
      %dma_wait3A_48 = tpu.memref_slice %arg2[%run_scoped3A, %mul3A_0, %dma_wait3A] : memref<2x10240x4xf32, #tpu.memory_space<hbm>> -> memref<1x640x4xf32, #tpu.memory_space<hbm>>
      %dma_wait3A_49 = tpu.memref_squeeze %dma_wait3A_48 : memref<1x640x4xf32, #tpu.memory_space<hbm>> -> memref<640x4xf32, #tpu.memory_space<hbm>>
      %dma_wait3A_50 = arith.constant 0 : i32
      %dma_wait3A_51 = tpu.memref_slice %arg2[%run_scoped3A, %mul3A_0, %dma_wait3A_50] : memref<2x10240x4xf32, #tpu.memory_space<hbm>> -> memref<1x640x4xf32, #tpu.memory_space<hbm>>
      %dma_wait3A_52 = tpu.memref_squeeze %dma_wait3A_51 : memref<1x640x4xf32, #tpu.memory_space<hbm>> -> memref<640x4xf32, #tpu.memory_space<hbm>>
      tpu.wait_dma2 semaphore(%run_scoped3A_42 : memref<!tpu.dma_semaphore, #tpu.memory_space<semaphore_mem>>) src(%dma_wait3A_52 : memref<640x4xf32, #tpu.memory_space<hbm>>) dst(%arg12 : memref<640x4xf32, #tpu.memory_space<vmem>>)
      tpu.yield
    }) : () -> ()
    %run_scoped3A_1 = arith.constant 1 : i32
    "tpu.region"() ({
      %run_scoped3A_42 = tpu.sem_alloc : memref<!tpu.dma_semaphore, #tpu.memory_space<semaphore_mem>>
      %dma_start3A = arith.constant 0 : i32
      %dma_start3A_43 = tpu.memref_slice %arg2[%run_scoped3A_1, %mul3A_0, %dma_start3A] : memref<2x10240x4xf32, #tpu.memory_space<hbm>> -> memref<1x640x4xf32, #tpu.memory_space<hbm>>
      %dma_start3A_44 = tpu.memref_squeeze %dma_start3A_43 : memref<1x640x4xf32, #tpu.memory_space<hbm>> -> memref<640x4xf32, #tpu.memory_space<hbm>>
      %dma_start3A_45 = arith.constant 0 : i32
      %dma_start3A_46 = tpu.memref_slice %arg2[%run_scoped3A_1, %mul3A_0, %dma_start3A_45] : memref<2x10240x4xf32, #tpu.memory_space<hbm>> -> memref<1x640x4xf32, #tpu.memory_space<hbm>>
      %dma_start3A_47 = tpu.memref_squeeze %dma_start3A_46 : memref<1x640x4xf32, #tpu.memory_space<hbm>> -> memref<640x4xf32, #tpu.memory_space<hbm>>
      tpu.enqueue_dma source(%dma_start3A_47 : memref<640x4xf32, #tpu.memory_space<hbm>>) target(%arg13 : memref<640x4xf32, #tpu.memory_space<vmem>>) target_semaphore(%run_scoped3A_42 : memref<!tpu.dma_semaphore, #tpu.memory_space<semaphore_mem>>)
      %dma_wait3A = arith.constant 0 : i32
      %dma_wait3A_48 = tpu.memref_slice %arg2[%run_scoped3A_1, %mul3A_0, %dma_wait3A] : memref<2x10240x4xf32, #tpu.memory_space<hbm>> -> memref<1x640x4xf32, #tpu.memory_space<hbm>>
      %dma_wait3A_49 = tpu.memref_squeeze %dma_wait3A_48 : memref<1x640x4xf32, #tpu.memory_space<hbm>> -> memref<640x4xf32, #tpu.memory_space<hbm>>
      %dma_wait3A_50 = arith.constant 0 : i32
      %dma_wait3A_51 = tpu.memref_slice %arg2[%run_scoped3A_1, %mul3A_0, %dma_wait3A_50] : memref<2x10240x4xf32, #tpu.memory_space<hbm>> -> memref<1x640x4xf32, #tpu.memory_space<hbm>>
      %dma_wait3A_52 = tpu.memref_squeeze %dma_wait3A_51 : memref<1x640x4xf32, #tpu.memory_space<hbm>> -> memref<640x4xf32, #tpu.memory_space<hbm>>
      tpu.wait_dma2 semaphore(%run_scoped3A_42 : memref<!tpu.dma_semaphore, #tpu.memory_space<semaphore_mem>>) src(%dma_wait3A_52 : memref<640x4xf32, #tpu.memory_space<hbm>>) dst(%arg13 : memref<640x4xf32, #tpu.memory_space<vmem>>)
      tpu.yield
    }) : () -> ()
    %run_scoped3A_2 = arith.constant 0 : i32
    "tpu.region"() ({
      %run_scoped3A_42 = tpu.sem_alloc : memref<!tpu.dma_semaphore, #tpu.memory_space<semaphore_mem>>
      %dma_start3A = tpu.memref_slice %arg3[%run_scoped3A_2, %mul3A_0] : memref<2x10240xf32, #tpu.memory_space<hbm>> -> memref<1x640xf32, #tpu.memory_space<hbm>>
      %dma_start3A_43 = tpu.memref_squeeze %dma_start3A : memref<1x640xf32, #tpu.memory_space<hbm>> -> memref<640xf32, #tpu.memory_space<hbm>>
      %dma_start3A_44 = tpu.memref_slice %arg3[%run_scoped3A_2, %mul3A_0] : memref<2x10240xf32, #tpu.memory_space<hbm>> -> memref<1x640xf32, #tpu.memory_space<hbm>>
      %dma_start3A_45 = tpu.memref_squeeze %dma_start3A_44 : memref<1x640xf32, #tpu.memory_space<hbm>> -> memref<640xf32, #tpu.memory_space<hbm>>
      tpu.enqueue_dma source(%dma_start3A_45 : memref<640xf32, #tpu.memory_space<hbm>>) target(%arg14 : memref<640xf32, #tpu.memory_space<vmem>>) target_semaphore(%run_scoped3A_42 : memref<!tpu.dma_semaphore, #tpu.memory_space<semaphore_mem>>)
      %dma_wait3A = tpu.memref_slice %arg3[%run_scoped3A_2, %mul3A_0] : memref<2x10240xf32, #tpu.memory_space<hbm>> -> memref<1x640xf32, #tpu.memory_space<hbm>>
      %dma_wait3A_46 = tpu.memref_squeeze %dma_wait3A : memref<1x640xf32, #tpu.memory_space<hbm>> -> memref<640xf32, #tpu.memory_space<hbm>>
      %dma_wait3A_47 = tpu.memref_slice %arg3[%run_scoped3A_2, %mul3A_0] : memref<2x10240xf32, #tpu.memory_space<hbm>> -> memref<1x640xf32, #tpu.memory_space<hbm>>
      %dma_wait3A_48 = tpu.memref_squeeze %dma_wait3A_47 : memref<1x640xf32, #tpu.memory_space<hbm>> -> memref<640xf32, #tpu.memory_space<hbm>>
      tpu.wait_dma2 semaphore(%run_scoped3A_42 : memref<!tpu.dma_semaphore, #tpu.memory_space<semaphore_mem>>) src(%dma_wait3A_48 : memref<640xf32, #tpu.memory_space<hbm>>) dst(%arg14 : memref<640xf32, #tpu.memory_space<vmem>>)
      tpu.yield
    }) : () -> ()
    %run_scoped3A_3 = arith.constant 1 : i32
    "tpu.region"() ({
      %run_scoped3A_42 = tpu.sem_alloc : memref<!tpu.dma_semaphore, #tpu.memory_space<semaphore_mem>>
      %dma_start3A = tpu.memref_slice %arg3[%run_scoped3A_3, %mul3A_0] : memref<2x10240xf32, #tpu.memory_space<hbm>> -> memref<1x640xf32, #tpu.memory_space<hbm>>
      %dma_start3A_43 = tpu.memref_squeeze %dma_start3A : memref<1x640xf32, #tpu.memory_space<hbm>> -> memref<640xf32, #tpu.memory_space<hbm>>
      %dma_start3A_44 = tpu.memref_slice %arg3[%run_scoped3A_3, %mul3A_0] : memref<2x10240xf32, #tpu.memory_space<hbm>> -> memref<1x640xf32, #tpu.memory_space<hbm>>
      %dma_start3A_45 = tpu.memref_squeeze %dma_start3A_44 : memref<1x640xf32, #tpu.memory_space<hbm>> -> memref<640xf32, #tpu.memory_space<hbm>>
      tpu.enqueue_dma source(%dma_start3A_45 : memref<640xf32, #tpu.memory_space<hbm>>) target(%arg15 : memref<640xf32, #tpu.memory_space<vmem>>) target_semaphore(%run_scoped3A_42 : memref<!tpu.dma_semaphore, #tpu.memory_space<semaphore_mem>>)
      %dma_wait3A = tpu.memref_slice %arg3[%run_scoped3A_3, %mul3A_0] : memref<2x10240xf32, #tpu.memory_space<hbm>> -> memref<1x640xf32, #tpu.memory_space<hbm>>
      %dma_wait3A_46 = tpu.memref_squeeze %dma_wait3A : memref<1x640xf32, #tpu.memory_space<hbm>> -> memref<640xf32, #tpu.memory_space<hbm>>
      %dma_wait3A_47 = tpu.memref_slice %arg3[%run_scoped3A_3, %mul3A_0] : memref<2x10240xf32, #tpu.memory_space<hbm>> -> memref<1x640xf32, #tpu.memory_space<hbm>>
      %dma_wait3A_48 = tpu.memref_squeeze %dma_wait3A_47 : memref<1x640xf32, #tpu.memory_space<hbm>> -> memref<640xf32, #tpu.memory_space<hbm>>
      tpu.wait_dma2 semaphore(%run_scoped3A_42 : memref<!tpu.dma_semaphore, #tpu.memory_space<semaphore_mem>>) src(%dma_wait3A_48 : memref<640xf32, #tpu.memory_space<hbm>>) dst(%arg15 : memref<640xf32, #tpu.memory_space<vmem>>)
      tpu.yield
    }) : () -> ()
    "tpu.region"() ({
      %run_scoped3A_42 = tpu.sem_alloc : memref<!tpu.dma_semaphore, #tpu.memory_space<semaphore_mem>>
      tpu.enqueue_dma source(%arg5 : memref<8x16xf32, #tpu.memory_space<hbm>>) target(%arg17 : memref<8x16xf32, #tpu.memory_space<vmem>>) target_semaphore(%run_scoped3A_42 : memref<!tpu.dma_semaphore, #tpu.memory_space<semaphore_mem>>)
      tpu.wait_dma2 semaphore(%run_scoped3A_42 : memref<!tpu.dma_semaphore, #tpu.memory_space<semaphore_mem>>) src(%arg5 : memref<8x16xf32, #tpu.memory_space<hbm>>) dst(%arg17 : memref<8x16xf32, #tpu.memory_space<vmem>>)
      tpu.yield
    }) : () -> ()
    "tpu.region"() ({
      %run_scoped3A_42 = tpu.sem_alloc : memref<!tpu.dma_semaphore, #tpu.memory_space<semaphore_mem>>
      %dma_start3A = arith.constant 0 : i32
      %dma_start3A_43 = tpu.memref_slice %arg6[%arg0, %dma_start3A] : memref<2x16xi32, #tpu.memory_space<hbm>> -> memref<1x16xi32, #tpu.memory_space<hbm>>
      %dma_start3A_44 = tpu.memref_squeeze %dma_start3A_43 : memref<1x16xi32, #tpu.memory_space<hbm>> -> memref<16xi32, #tpu.memory_space<hbm>>
      %dma_start3A_45 = arith.constant 0 : i32
      %dma_start3A_46 = tpu.memref_slice %arg6[%arg0, %dma_start3A_45] : memref<2x16xi32, #tpu.memory_space<hbm>> -> memref<1x16xi32, #tpu.memory_space<hbm>>
      %dma_start3A_47 = tpu.memref_squeeze %dma_start3A_46 : memref<1x16xi32, #tpu.memory_space<hbm>> -> memref<16xi32, #tpu.memory_space<hbm>>
      tpu.enqueue_dma source(%dma_start3A_47 : memref<16xi32, #tpu.memory_space<hbm>>) target(%arg18 : memref<16xi32, #tpu.memory_space<vmem>>) target_semaphore(%run_scoped3A_42 : memref<!tpu.dma_semaphore, #tpu.memory_space<semaphore_mem>>)
      %dma_wait3A = arith.constant 0 : i32
      %dma_wait3A_48 = tpu.memref_slice %arg6[%arg0, %dma_wait3A] : memref<2x16xi32, #tpu.memory_space<hbm>> -> memref<1x16xi32, #tpu.memory_space<hbm>>
      %dma_wait3A_49 = tpu.memref_squeeze %dma_wait3A_48 : memref<1x16xi32, #tpu.memory_space<hbm>> -> memref<16xi32, #tpu.memory_space<hbm>>
      %dma_wait3A_50 = arith.constant 0 : i32
      %dma_wait3A_51 = tpu.memref_slice %arg6[%arg0, %dma_wait3A_50] : memref<2x16xi32, #tpu.memory_space<hbm>> -> memref<1x16xi32, #tpu.memory_space<hbm>>
      %dma_wait3A_52 = tpu.memref_squeeze %dma_wait3A_51 : memref<1x16xi32, #tpu.memory_space<hbm>> -> memref<16xi32, #tpu.memory_space<hbm>>
      tpu.wait_dma2 semaphore(%run_scoped3A_42 : memref<!tpu.dma_semaphore, #tpu.memory_space<semaphore_mem>>) src(%dma_wait3A_52 : memref<16xi32, #tpu.memory_space<hbm>>) dst(%arg18 : memref<16xi32, #tpu.memory_space<vmem>>)
      tpu.yield
    }) : () -> ()
    "tpu.region"() ({
      %run_scoped3A_42 = tpu.sem_alloc : memref<!tpu.dma_semaphore, #tpu.memory_space<semaphore_mem>>
      %dma_start3A = arith.constant 0 : i32
      %dma_start3A_43 = arith.constant 0 : i32
      %dma_start3A_44 = tpu.memref_slice %arg7[%arg0, %arg1, %dma_start3A, %dma_start3A_43] : memref<2x16x160x128xi32, #tpu.memory_space<hbm>> -> memref<1x1x160x128xi32, #tpu.memory_space<hbm>>
      %dma_start3A_45 = tpu.memref_squeeze %dma_start3A_44 : memref<1x1x160x128xi32, #tpu.memory_space<hbm>> -> memref<160x128xi32, #tpu.memory_space<hbm>>
      %dma_start3A_46 = arith.constant 0 : i32
      %dma_start3A_47 = arith.constant 0 : i32
      %dma_start3A_48 = tpu.memref_slice %arg7[%arg0, %arg1, %dma_start3A_46, %dma_start3A_47] : memref<2x16x160x128xi32, #tpu.memory_space<hbm>> -> memref<1x1x160x128xi32, #tpu.memory_space<hbm>>
      %dma_start3A_49 = tpu.memref_squeeze %dma_start3A_48 : memref<1x1x160x128xi32, #tpu.memory_space<hbm>> -> memref<160x128xi32, #tpu.memory_space<hbm>>
      tpu.enqueue_dma source(%dma_start3A_49 : memref<160x128xi32, #tpu.memory_space<hbm>>) target(%arg20 : memref<160x128xi32, #tpu.memory_space<vmem>>) target_semaphore(%run_scoped3A_42 : memref<!tpu.dma_semaphore, #tpu.memory_space<semaphore_mem>>)
      %dma_wait3A = arith.constant 0 : i32
      %dma_wait3A_50 = arith.constant 0 : i32
      %dma_wait3A_51 = tpu.memref_slice %arg7[%arg0, %arg1, %dma_wait3A, %dma_wait3A_50] : memref<2x16x160x128xi32, #tpu.memory_space<hbm>> -> memref<1x1x160x128xi32, #tpu.memory_space<hbm>>
      %dma_wait3A_52 = tpu.memref_squeeze %dma_wait3A_51 : memref<1x1x160x128xi32, #tpu.memory_space<hbm>> -> memref<160x128xi32, #tpu.memory_space<hbm>>
      %dma_wait3A_53 = arith.constant 0 : i32
      %dma_wait3A_54 = arith.constant 0 : i32
      %dma_wait3A_55 = tpu.memref_slice %arg7[%arg0, %arg1, %dma_wait3A_53, %dma_wait3A_54] : memref<2x16x160x128xi32, #tpu.memory_space<hbm>> -> memref<1x1x160x128xi32, #tpu.memory_space<hbm>>
      %dma_wait3A_56 = tpu.memref_squeeze %dma_wait3A_55 : memref<1x1x160x128xi32, #tpu.memory_space<hbm>> -> memref<160x128xi32, #tpu.memory_space<hbm>>
      tpu.wait_dma2 semaphore(%run_scoped3A_42 : memref<!tpu.dma_semaphore, #tpu.memory_space<semaphore_mem>>) src(%dma_wait3A_56 : memref<160x128xi32, #tpu.memory_space<hbm>>) dst(%arg20 : memref<160x128xi32, #tpu.memory_space<vmem>>)
      tpu.yield
    }) : () -> ()
    "tpu.region"() ({
      %run_scoped3A_42 = tpu.sem_alloc : memref<!tpu.dma_semaphore, #tpu.memory_space<semaphore_mem>>
      %dma_start3A = arith.constant 0 : i32
      %dma_start3A_43 = arith.constant 0 : i32
      %dma_start3A_44 = tpu.memref_slice %arg8[%arg0, %arg1, %dma_start3A, %dma_start3A_43] : memref<2x16x160x128xi32, #tpu.memory_space<hbm>> -> memref<1x1x160x128xi32, #tpu.memory_space<hbm>>
      %dma_start3A_45 = tpu.memref_squeeze %dma_start3A_44 : memref<1x1x160x128xi32, #tpu.memory_space<hbm>> -> memref<160x128xi32, #tpu.memory_space<hbm>>
      %dma_start3A_46 = arith.constant 0 : i32
      %dma_start3A_47 = arith.constant 0 : i32
      %dma_start3A_48 = tpu.memref_slice %arg8[%arg0, %arg1, %dma_start3A_46, %dma_start3A_47] : memref<2x16x160x128xi32, #tpu.memory_space<hbm>> -> memref<1x1x160x128xi32, #tpu.memory_space<hbm>>
      %dma_start3A_49 = tpu.memref_squeeze %dma_start3A_48 : memref<1x1x160x128xi32, #tpu.memory_space<hbm>> -> memref<160x128xi32, #tpu.memory_space<hbm>>
      tpu.enqueue_dma source(%dma_start3A_49 : memref<160x128xi32, #tpu.memory_space<hbm>>) target(%arg21 : memref<160x128xi32, #tpu.memory_space<vmem>>) target_semaphore(%run_scoped3A_42 : memref<!tpu.dma_semaphore, #tpu.memory_space<semaphore_mem>>)
      %dma_wait3A = arith.constant 0 : i32
      %dma_wait3A_50 = arith.constant 0 : i32
      %dma_wait3A_51 = tpu.memref_slice %arg8[%arg0, %arg1, %dma_wait3A, %dma_wait3A_50] : memref<2x16x160x128xi32, #tpu.memory_space<hbm>> -> memref<1x1x160x128xi32, #tpu.memory_space<hbm>>
      %dma_wait3A_52 = tpu.memref_squeeze %dma_wait3A_51 : memref<1x1x160x128xi32, #tpu.memory_space<hbm>> -> memref<160x128xi32, #tpu.memory_space<hbm>>
      %dma_wait3A_53 = arith.constant 0 : i32
      %dma_wait3A_54 = arith.constant 0 : i32
      %dma_wait3A_55 = tpu.memref_slice %arg8[%arg0, %arg1, %dma_wait3A_53, %dma_wait3A_54] : memref<2x16x160x128xi32, #tpu.memory_space<hbm>> -> memref<1x1x160x128xi32, #tpu.memory_space<hbm>>
      %dma_wait3A_56 = tpu.memref_squeeze %dma_wait3A_55 : memref<1x1x160x128xi32, #tpu.memory_space<hbm>> -> memref<160x128xi32, #tpu.memory_space<hbm>>
      tpu.wait_dma2 semaphore(%run_scoped3A_42 : memref<!tpu.dma_semaphore, #tpu.memory_space<semaphore_mem>>) src(%dma_wait3A_56 : memref<160x128xi32, #tpu.memory_space<hbm>>) dst(%arg21 : memref<160x128xi32, #tpu.memory_space<vmem>>)
      tpu.yield
    }) : () -> ()
    "tpu.region"() ({
      %run_scoped3A_42 = tpu.sem_alloc : memref<!tpu.dma_semaphore, #tpu.memory_space<semaphore_mem>>
      %dma_start3A = tpu.memref_slice %arg4[%mul3A_0] : memref<10240xf32, #tpu.memory_space<hbm>> -> memref<640xf32, #tpu.memory_space<hbm>>
      %dma_start3A_43 = tpu.memref_slice %arg4[%mul3A_0] : memref<10240xf32, #tpu.memory_space<hbm>> -> memref<640xf32, #tpu.memory_space<hbm>>
      tpu.enqueue_dma source(%dma_start3A_43 : memref<640xf32, #tpu.memory_space<hbm>>) target(%arg16 : memref<640xf32, #tpu.memory_space<vmem>>) target_semaphore(%run_scoped3A_42 : memref<!tpu.dma_semaphore, #tpu.memory_space<semaphore_mem>>)
      %dma_wait3A = tpu.memref_slice %arg4[%mul3A_0] : memref<10240xf32, #tpu.memory_space<hbm>> -> memref<640xf32, #tpu.memory_space<hbm>>
      %dma_wait3A_44 = tpu.memref_slice %arg4[%mul3A_0] : memref<10240xf32, #tpu.memory_space<hbm>> -> memref<640xf32, #tpu.memory_space<hbm>>
      tpu.wait_dma2 semaphore(%run_scoped3A_42 : memref<!tpu.dma_semaphore, #tpu.memory_space<semaphore_mem>>) src(%dma_wait3A_44 : memref<640xf32, #tpu.memory_space<hbm>>) dst(%arg16 : memref<640xf32, #tpu.memory_space<vmem>>)
      tpu.yield
    }) : () -> ()
    %iota3A = tpu.iota {dimensions = array<i32: 0>} : vector<16xi32>
    %eq3A = arith.constant 0 : i32
    %eq3A_4 = arith.cmpi eq, %arg0, %eq3A : i32
    %get3A = arith.constant 0 : index
    %get3A_5 = tpu.vector_load %arg18[%get3A] {strides = array<i32>} : memref<16xi32, #tpu.memory_space<vmem>>, vector<16xi32>,
    %get3A_6 = arith.constant 0 : i32
    %get3A_7 = arith.index_cast %get3A_6 : i32 to index
    %get3A_8 = arith.constant 0 : index
    %get3A_9 = tpu.vector_load %arg17[%get3A_7, %get3A_8] {strides = array<i32>} : memref<8x16xf32, #tpu.memory_space<vmem>>, vector<16xf32>,
    %get3A_10 = arith.constant 1 : i32
    %get3A_11 = arith.index_cast %get3A_10 : i32 to index
    %get3A_12 = arith.constant 0 : index
    %get3A_13 = tpu.vector_load %arg17[%get3A_11, %get3A_12] {strides = array<i32>} : memref<8x16xf32, #tpu.memory_space<vmem>>, vector<16xf32>,
    %select_n3A = arith.select %eq3A_4, %get3A_9, %get3A_13 : vector<16xf32>
    %mul3A_14 = arith.constant 0 : i32
    %mul3A_15 = vector.broadcast %mul3A_14 : i32 to vector<16xi32>
    %mul3A_16 = arith.muli %iota3A, %mul3A_15 : vector<16xi32>
    %scan3A = arith.constant 0 : i32
    %scan3A_17 = arith.constant 0 : i32
    %scan3A_18 = arith.constant 40 : i32
    %scan3A_19 = arith.addi %scan3A_17, %scan3A_18 : i32
    %scan3A_20 = arith.constant 1 : i32
    scf.for %scan3A_42 = %scan3A_17 to %scan3A_19 step %scan3A_20  : i32 {
      %mul3A_43 = arith.constant 16 : i32
      %mul3A_44 = arith.muli %mul3A_43, %scan3A_42 : i32
      %add3A_45 = vector.broadcast %mul3A_44 : i32 to vector<16xi32>
      %add3A_46 = arith.addi %iota3A, %add3A_45 : vector<16xi32>
      %gather3A = tpu.vector_load_idx %arg12[%add3A_46, %get3A_5] : memref<640x4xf32, #tpu.memory_space<vmem>>[vector<16xi32>, vector<16xi32>], vector<16xf32>,
      %gather3A_47 = tpu.vector_load_idx %arg13[%add3A_46, %get3A_5] : memref<640x4xf32, #tpu.memory_space<vmem>>[vector<16xi32>, vector<16xi32>], vector<16xf32>,
      %mul3A_48 = arith.constant 16 : i32
      %mul3A_49 = arith.muli %mul3A_48, %scan3A_42 : i32
      %get3A_50 = arith.index_cast %mul3A_49 : i32 to index
      %get3A_51 = tpu.vector_load %arg14[%get3A_50] {strides = array<i32>} : memref<640xf32, #tpu.memory_space<vmem>>, vector<16xf32>,
      %mul3A_52 = arith.constant 16 : i32
      %mul3A_53 = arith.muli %mul3A_52, %scan3A_42 : i32
      %get3A_54 = arith.index_cast %mul3A_53 : i32 to index
      %get3A_55 = tpu.vector_load %arg15[%get3A_54] {strides = array<i32>} : memref<640xf32, #tpu.memory_space<vmem>>, vector<16xf32>,
      %select_n3A_56 = arith.select %eq3A_4, %get3A_51, %get3A_55 : vector<16xf32>
      %mul3A_57 = arith.mulf %get3A_51, %gather3A : vector<16xf32>
      %mul3A_58 = arith.mulf %get3A_55, %gather3A_47 : vector<16xf32>
      %add3A_59 = arith.addf %mul3A_57, %mul3A_58 : vector<16xf32>
      %add3A_60 = arith.addf %add3A_59, %select_n3A : vector<16xf32>
      %mul3A_61 = arith.mulf %select_n3A_56, %add3A_60 : vector<16xf32>
      %mul3A_62 = arith.constant 16 : i32
      %mul3A_63 = arith.muli %mul3A_62, %scan3A_42 : i32
      %swap3A = arith.index_cast %mul3A_63 : i32 to index
      %swap3A_64 = tpu.vector_load %arg19[%swap3A] {strides = array<i32>} : memref<640xf32, #tpu.memory_space<vmem>>, vector<16xf32>,
      tpu.vector_store %arg19[%swap3A], %mul3A_61 {strides = array<i32>} : memref<640xf32, #tpu.memory_space<vmem>>, vector<16xf32>,
    }
    %scan3A_21 = arith.constant 40 : i32
    %mul3A_22 = arith.constant 10240 : i32
    %mul3A_23 = arith.muli %arg0, %mul3A_22 : i32
    %mul3A_24 = arith.constant 640 : i32
    %mul3A_25 = arith.muli %arg1, %mul3A_24 : i32
    %add3A = arith.addi %mul3A_23, %mul3A_25 : i32
    "tpu.region"() ({
      %run_scoped3A_42 = tpu.sem_alloc : memref<!tpu.dma_semaphore, #tpu.memory_space<semaphore_mem>>
      %dma_start3A = tpu.memref_slice %arg9[%add3A] : memref<20480xf32, #tpu.memory_space<hbm>> -> memref<640xf32, #tpu.memory_space<hbm>>
      %dma_start3A_43 = tpu.memref_slice %arg9[%add3A] : memref<20480xf32, #tpu.memory_space<hbm>> -> memref<640xf32, #tpu.memory_space<hbm>>
      tpu.enqueue_dma source(%arg19 : memref<640xf32, #tpu.memory_space<vmem>>) target(%dma_start3A_43 : memref<640xf32, #tpu.memory_space<hbm>>) target_semaphore(%run_scoped3A_42 : memref<!tpu.dma_semaphore, #tpu.memory_space<semaphore_mem>>)
      %dma_wait3A = tpu.memref_slice %arg9[%add3A] : memref<20480xf32, #tpu.memory_space<hbm>> -> memref<640xf32, #tpu.memory_space<hbm>>
      %dma_wait3A_44 = tpu.memref_slice %arg9[%add3A] : memref<20480xf32, #tpu.memory_space<hbm>> -> memref<640xf32, #tpu.memory_space<hbm>>
      tpu.wait_dma2 semaphore(%run_scoped3A_42 : memref<!tpu.dma_semaphore, #tpu.memory_space<semaphore_mem>>) src(%arg19 : memref<640xf32, #tpu.memory_space<vmem>>) dst(%dma_wait3A_44 : memref<640xf32, #tpu.memory_space<hbm>>)
      tpu.yield
    }) : () -> ()
    %eq3A_26 = arith.constant 1 : i32
    %eq3A_27 = arith.cmpi eq, %arg0, %eq3A_26 : i32
    %convert_element_type3A = arith.extui %eq3A_27 : i1 to i32
    %cond3A = arith.constant 0 : i32
    %cond3A_28 = arith.cmpi ne, %convert_element_type3A, %cond3A : i32
    scf.if %cond3A_28 {
      %scan3A_42 = arith.constant 0 : i32
      %scan3A_43 = arith.constant 0 : i32
      %scan3A_44 = arith.constant 40 : i32
      %scan3A_45 = arith.addi %scan3A_43, %scan3A_44 : i32
      %scan3A_46 = arith.constant 1 : i32
      scf.for %scan3A_48 = %scan3A_43 to %scan3A_45 step %scan3A_46  : i32 {
        %mul3A_49 = arith.constant 16 : i32
        %mul3A_50 = arith.muli %mul3A_49, %scan3A_48 : i32
        %add3A_51 = vector.broadcast %mul3A_50 : i32 to vector<16xi32>
        %add3A_52 = arith.addi %iota3A, %add3A_51 : vector<16xi32>
        %gather3A = tpu.vector_load_idx %arg12[%add3A_52, %mul3A_16] : memref<640x4xf32, #tpu.memory_space<vmem>>[vector<16xi32>, vector<16xi32>], vector<16xf32>,
        %gather3A_53 = tpu.vector_load_idx %arg13[%add3A_52, %mul3A_16] : memref<640x4xf32, #tpu.memory_space<vmem>>[vector<16xi32>, vector<16xi32>], vector<16xf32>,
        %mul3A_54 = arith.constant 16 : i32
        %mul3A_55 = arith.muli %mul3A_54, %scan3A_48 : i32
        %get3A_56 = arith.index_cast %mul3A_55 : i32 to index
        %get3A_57 = tpu.vector_load %arg14[%get3A_56] {strides = array<i32>} : memref<640xf32, #tpu.memory_space<vmem>>, vector<16xf32>,
        %mul3A_58 = arith.constant 16 : i32
        %mul3A_59 = arith.muli %mul3A_58, %scan3A_48 : i32
        %get3A_60 = arith.index_cast %mul3A_59 : i32 to index
        %get3A_61 = tpu.vector_load %arg15[%get3A_60] {strides = array<i32>} : memref<640xf32, #tpu.memory_space<vmem>>, vector<16xf32>,
        %mul3A_62 = arith.constant 16 : i32
        %mul3A_63 = arith.muli %mul3A_62, %scan3A_48 : i32
        %get3A_64 = arith.index_cast %mul3A_63 : i32 to index
        %get3A_65 = tpu.vector_load %arg16[%get3A_64] {strides = array<i32>} : memref<640xf32, #tpu.memory_space<vmem>>, vector<16xf32>,
        %mul3A_66 = arith.mulf %get3A_57, %gather3A : vector<16xf32>
        %mul3A_67 = arith.mulf %get3A_61, %gather3A_53 : vector<16xf32>
        %add3A_68 = arith.addf %mul3A_66, %mul3A_67 : vector<16xf32>
        %get3A_69 = arith.constant 2 : i32
        %get3A_70 = arith.index_cast %get3A_69 : i32 to index
        %get3A_71 = arith.constant 0 : index
        %get3A_72 = tpu.vector_load %arg17[%get3A_70, %get3A_71] {strides = array<i32>} : memref<8x16xf32, #tpu.memory_space<vmem>>, vector<16xf32>,
        %add3A_73 = arith.addf %add3A_68, %get3A_72 : vector<16xf32>
        %get3A_74 = arith.constant 3 : i32
        %get3A_75 = arith.index_cast %get3A_74 : i32 to index
        %get3A_76 = arith.constant 0 : index
        %get3A_77 = tpu.vector_load %arg17[%get3A_75, %get3A_76] {strides = array<i32>} : memref<8x16xf32, #tpu.memory_space<vmem>>, vector<16xf32>,
        %mul3A_78 = arith.mulf %get3A_77, %add3A_73 : vector<16xf32>
        %add3A_79 = arith.addf %get3A_65, %mul3A_78 : vector<16xf32>
        %mul3A_80 = arith.constant 16 : i32
        %mul3A_81 = arith.muli %mul3A_80, %scan3A_48 : i32
        %swap3A = arith.index_cast %mul3A_81 : i32 to index
        %swap3A_82 = tpu.vector_load %arg16[%swap3A] {strides = array<i32>} : memref<640xf32, #tpu.memory_space<vmem>>, vector<16xf32>,
        tpu.vector_store %arg16[%swap3A], %add3A_79 {strides = array<i32>} : memref<640xf32, #tpu.memory_space<vmem>>, vector<16xf32>,
      }
      %scan3A_47 = arith.constant 40 : i32
      "tpu.region"() ({
        %run_scoped3A_48 = tpu.sem_alloc : memref<!tpu.dma_semaphore, #tpu.memory_space<semaphore_mem>>
        %dma_start3A = tpu.memref_slice %arg11[%mul3A_0] : memref<10240xf32, #tpu.memory_space<hbm>> -> memref<640xf32, #tpu.memory_space<hbm>>
        %dma_start3A_49 = tpu.memref_slice %arg11[%mul3A_0] : memref<10240xf32, #tpu.memory_space<hbm>> -> memref<640xf32, #tpu.memory_space<hbm>>
        tpu.enqueue_dma source(%arg16 : memref<640xf32, #tpu.memory_space<vmem>>) target(%dma_start3A_49 : memref<640xf32, #tpu.memory_space<hbm>>) target_semaphore(%run_scoped3A_48 : memref<!tpu.dma_semaphore, #tpu.memory_space<semaphore_mem>>)
        %dma_wait3A = tpu.memref_slice %arg11[%mul3A_0] : memref<10240xf32, #tpu.memory_space<hbm>> -> memref<640xf32, #tpu.memory_space<hbm>>
        %dma_wait3A_50 = tpu.memref_slice %arg11[%mul3A_0] : memref<10240xf32, #tpu.memory_space<hbm>> -> memref<640xf32, #tpu.memory_space<hbm>>
        tpu.wait_dma2 semaphore(%run_scoped3A_48 : memref<!tpu.dma_semaphore, #tpu.memory_space<semaphore_mem>>) src(%arg16 : memref<640xf32, #tpu.memory_space<vmem>>) dst(%dma_wait3A_50 : memref<640xf32, #tpu.memory_space<hbm>>)
        tpu.yield
      }) : () -> ()
    } else {
    }
    %scan3A_29 = arith.constant 0 : i32
    %scan3A_30 = arith.constant 0 : i32
    %scan3A_31 = arith.constant 40 : i32
    %scan3A_32 = arith.addi %scan3A_30, %scan3A_31 : i32
    %scan3A_33 = arith.constant 1 : i32
    scf.for %scan3A_42 = %scan3A_30 to %scan3A_32 step %scan3A_33  : i32 {
      %broadcast_in_dim3A = arith.constant 0.000000e+00 : f32
      %broadcast_in_dim3A_43 = vector.broadcast %broadcast_in_dim3A : f32 to vector<16xf32>
      %mul3A_44 = arith.constant 16 : i32
      %mul3A_45 = arith.muli %mul3A_44, %scan3A_42 : i32
      %swap3A = arith.index_cast %mul3A_45 : i32 to index
      %swap3A_46 = tpu.vector_load %arg19[%swap3A] {strides = array<i32>} : memref<640xf32, #tpu.memory_space<vmem>>, vector<16xf32>,
      tpu.vector_store %arg19[%swap3A], %broadcast_in_dim3A_43 {strides = array<i32>} : memref<640xf32, #tpu.memory_space<vmem>>, vector<16xf32>,
    }
    %scan3A_34 = arith.constant 40 : i32
    "tpu.region"() ({
      %run_scoped3A_42 = tpu.sem_alloc : memref<!tpu.dma_semaphore, #tpu.memory_space<semaphore_mem>>
      %dma_start3A = tpu.memref_slice %arg26[%mul3A_0] : memref<10240xf32, #tpu.memory_space<vmem_shared>> -> memref<640xf32, #tpu.memory_space<vmem_shared>>
      %dma_start3A_43 = tpu.memref_slice %arg26[%mul3A_0] : memref<10240xf32, #tpu.memory_space<vmem_shared>> -> memref<640xf32, #tpu.memory_space<vmem_shared>>
      tpu.enqueue_dma source(%arg19 : memref<640xf32, #tpu.memory_space<vmem>>) target(%dma_start3A_43 : memref<640xf32, #tpu.memory_space<vmem_shared>>) target_semaphore(%run_scoped3A_42 : memref<!tpu.dma_semaphore, #tpu.memory_space<semaphore_mem>>)
      %dma_wait3A = tpu.memref_slice %arg26[%mul3A_0] : memref<10240xf32, #tpu.memory_space<vmem_shared>> -> memref<640xf32, #tpu.memory_space<vmem_shared>>
      %dma_wait3A_44 = tpu.memref_slice %arg26[%mul3A_0] : memref<10240xf32, #tpu.memory_space<vmem_shared>> -> memref<640xf32, #tpu.memory_space<vmem_shared>>
      tpu.wait_dma2 semaphore(%run_scoped3A_42 : memref<!tpu.dma_semaphore, #tpu.memory_space<semaphore_mem>>) src(%arg19 : memref<640xf32, #tpu.memory_space<vmem>>) dst(%dma_wait3A_44 : memref<640xf32, #tpu.memory_space<vmem_shared>>)
      tpu.yield
    }) : () -> ()
    %barrier3A = arith.constant 0 : index
    tpu.barrier barrier_id(%barrier3A)
    %scan3A_35 = arith.constant 0 : i32
    %scan3A_36 = arith.constant 0 : i32
    %scan3A_37 = arith.constant 40 : i32
    %scan3A_38 = arith.addi %scan3A_36, %scan3A_37 : i32
    %scan3A_39 = arith.constant 1 : i32
    scf.for %scan3A_42 = %scan3A_36 to %scan3A_38 step %scan3A_39  : i32 {
      %mul3A_43 = arith.constant 4 : i32
      %mul3A_44 = arith.muli %mul3A_43, %scan3A_42 : i32
      %add3A_45 = arith.constant 0 : i32
      %add3A_46 = arith.addi %mul3A_44, %add3A_45 : i32
      %dma_start3A = arith.constant 0 : i32
      %dma_start3A_47 = tpu.memref_slice %arg20[%add3A_46, %dma_start3A] : memref<160x128xi32, #tpu.memory_space<vmem>> -> memref<1x128xi32, #tpu.memory_space<vmem>>
      %dma_start3A_48 = tpu.memref_squeeze %dma_start3A_47 : memref<1x128xi32, #tpu.memory_space<vmem>> -> memref<128xi32, #tpu.memory_space<vmem>>
      %dma_start3A_49 = arith.constant 0 : i32
      %dma_start3A_50 = tpu.memref_slice %arg9[%dma_start3A_49] : memref<20480xf32, #tpu.memory_space<hbm>> -> memref<20480xf32, #tpu.memory_space<hbm>>
      tpu.enqueue_indirect_dma source(%dma_start3A_50 : memref<20480xf32, #tpu.memory_space<hbm>>) target(%arg22 : memref<128xf32, #tpu.memory_space<vmem>>) offsets(%dma_start3A_48 : memref<128xi32, #tpu.memory_space<vmem>>) semaphore(%arg27 : memref<!tpu.dma_semaphore, #tpu.memory_space<semaphore_mem>>)
      %add3A_51 = arith.constant 1 : i32
      %add3A_52 = arith.addi %mul3A_44, %add3A_51 : i32
      %dma_start3A_53 = arith.constant 0 : i32
      %dma_start3A_54 = tpu.memref_slice %arg20[%add3A_52, %dma_start3A_53] : memref<160x128xi32, #tpu.memory_space<vmem>> -> memref<1x128xi32, #tpu.memory_space<vmem>>
      %dma_start3A_55 = tpu.memref_squeeze %dma_start3A_54 : memref<1x128xi32, #tpu.memory_space<vmem>> -> memref<128xi32, #tpu.memory_space<vmem>>
      %dma_start3A_56 = arith.constant 0 : i32
      %dma_start3A_57 = tpu.memref_slice %arg9[%dma_start3A_56] : memref<20480xf32, #tpu.memory_space<hbm>> -> memref<20480xf32, #tpu.memory_space<hbm>>
      tpu.enqueue_indirect_dma source(%dma_start3A_57 : memref<20480xf32, #tpu.memory_space<hbm>>) target(%arg23 : memref<128xf32, #tpu.memory_space<vmem>>) offsets(%dma_start3A_55 : memref<128xi32, #tpu.memory_space<vmem>>) semaphore(%arg28 : memref<!tpu.dma_semaphore, #tpu.memory_space<semaphore_mem>>)
      %add3A_58 = arith.constant 2 : i32
      %add3A_59 = arith.addi %mul3A_44, %add3A_58 : i32
      %dma_start3A_60 = arith.constant 0 : i32
      %dma_start3A_61 = tpu.memref_slice %arg20[%add3A_59, %dma_start3A_60] : memref<160x128xi32, #tpu.memory_space<vmem>> -> memref<1x128xi32, #tpu.memory_space<vmem>>
      %dma_start3A_62 = tpu.memref_squeeze %dma_start3A_61 : memref<1x128xi32, #tpu.memory_space<vmem>> -> memref<128xi32, #tpu.memory_space<vmem>>
      %dma_start3A_63 = arith.constant 0 : i32
      %dma_start3A_64 = tpu.memref_slice %arg9[%dma_start3A_63] : memref<20480xf32, #tpu.memory_space<hbm>> -> memref<20480xf32, #tpu.memory_space<hbm>>
      tpu.enqueue_indirect_dma source(%dma_start3A_64 : memref<20480xf32, #tpu.memory_space<hbm>>) target(%arg24 : memref<128xf32, #tpu.memory_space<vmem>>) offsets(%dma_start3A_62 : memref<128xi32, #tpu.memory_space<vmem>>) semaphore(%arg29 : memref<!tpu.dma_semaphore, #tpu.memory_space<semaphore_mem>>)
      %add3A_65 = arith.constant 3 : i32
      %add3A_66 = arith.addi %mul3A_44, %add3A_65 : i32
      %dma_start3A_67 = arith.constant 0 : i32
      %dma_start3A_68 = tpu.memref_slice %arg20[%add3A_66, %dma_start3A_67] : memref<160x128xi32, #tpu.memory_space<vmem>> -> memref<1x128xi32, #tpu.memory_space<vmem>>
      %dma_start3A_69 = tpu.memref_squeeze %dma_start3A_68 : memref<1x128xi32, #tpu.memory_space<vmem>> -> memref<128xi32, #tpu.memory_space<vmem>>
      %dma_start3A_70 = arith.constant 0 : i32
      %dma_start3A_71 = tpu.memref_slice %arg9[%dma_start3A_70] : memref<20480xf32, #tpu.memory_space<hbm>> -> memref<20480xf32, #tpu.memory_space<hbm>>
      tpu.enqueue_indirect_dma source(%dma_start3A_71 : memref<20480xf32, #tpu.memory_space<hbm>>) target(%arg25 : memref<128xf32, #tpu.memory_space<vmem>>) offsets(%dma_start3A_69 : memref<128xi32, #tpu.memory_space<vmem>>) semaphore(%arg30 : memref<!tpu.dma_semaphore, #tpu.memory_space<semaphore_mem>>)
      %dma_wait3A = arith.constant 0 : i32
      %dma_wait3A_72 = tpu.memref_slice %arg20[%add3A_46, %dma_wait3A] : memref<160x128xi32, #tpu.memory_space<vmem>> -> memref<1x128xi32, #tpu.memory_space<vmem>>
      %dma_wait3A_73 = tpu.memref_squeeze %dma_wait3A_72 : memref<1x128xi32, #tpu.memory_space<vmem>> -> memref<128xi32, #tpu.memory_space<vmem>>
      %dma_wait3A_74 = arith.constant 0 : i32
      %dma_wait3A_75 = tpu.memref_slice %arg9[%dma_wait3A_74] : memref<20480xf32, #tpu.memory_space<hbm>> -> memref<20480xf32, #tpu.memory_space<hbm>>
      tpu.wait_indirect_dma semaphore(%arg27 : memref<!tpu.dma_semaphore, #tpu.memory_space<semaphore_mem>>) src(%dma_wait3A_75 : memref<20480xf32, #tpu.memory_space<hbm>>) dst(%arg22 : memref<128xf32, #tpu.memory_space<vmem>>)
      %add3A_76 = arith.constant 0 : i32
      %add3A_77 = arith.addi %mul3A_44, %add3A_76 : i32
      %dma_start3A_78 = arith.constant 0 : i32
      %dma_start3A_79 = tpu.memref_slice %arg21[%add3A_77, %dma_start3A_78] : memref<160x128xi32, #tpu.memory_space<vmem>> -> memref<1x128xi32, #tpu.memory_space<vmem>>
      %dma_start3A_80 = tpu.memref_squeeze %dma_start3A_79 : memref<1x128xi32, #tpu.memory_space<vmem>> -> memref<128xi32, #tpu.memory_space<vmem>>
      %dma_start3A_81 = arith.constant 0 : i32
      %dma_start3A_82 = tpu.memref_slice %arg26[%dma_start3A_81] : memref<10240xf32, #tpu.memory_space<vmem_shared>> -> memref<10240xf32, #tpu.memory_space<vmem_shared>>
      tpu.enqueue_indirect_dma source(%arg22 : memref<128xf32, #tpu.memory_space<vmem>>) target(%dma_start3A_82 : memref<10240xf32, #tpu.memory_space<vmem_shared>>) offsets(%dma_start3A_80 : memref<128xi32, #tpu.memory_space<vmem>>) semaphore(%arg31 : memref<!tpu.dma_semaphore, #tpu.memory_space<semaphore_mem>>) {add = true}
      %dma_wait3A_83 = arith.constant 0 : i32
      %dma_wait3A_84 = tpu.memref_slice %arg20[%add3A_52, %dma_wait3A_83] : memref<160x128xi32, #tpu.memory_space<vmem>> -> memref<1x128xi32, #tpu.memory_space<vmem>>
      %dma_wait3A_85 = tpu.memref_squeeze %dma_wait3A_84 : memref<1x128xi32, #tpu.memory_space<vmem>> -> memref<128xi32, #tpu.memory_space<vmem>>
      %dma_wait3A_86 = arith.constant 0 : i32
      %dma_wait3A_87 = tpu.memref_slice %arg9[%dma_wait3A_86] : memref<20480xf32, #tpu.memory_space<hbm>> -> memref<20480xf32, #tpu.memory_space<hbm>>
      tpu.wait_indirect_dma semaphore(%arg28 : memref<!tpu.dma_semaphore, #tpu.memory_space<semaphore_mem>>) src(%dma_wait3A_87 : memref<20480xf32, #tpu.memory_space<hbm>>) dst(%arg23 : memref<128xf32, #tpu.memory_space<vmem>>)
      %add3A_88 = arith.constant 1 : i32
      %add3A_89 = arith.addi %mul3A_44, %add3A_88 : i32
      %dma_start3A_90 = arith.constant 0 : i32
      %dma_start3A_91 = tpu.memref_slice %arg21[%add3A_89, %dma_start3A_90] : memref<160x128xi32, #tpu.memory_space<vmem>> -> memref<1x128xi32, #tpu.memory_space<vmem>>
      %dma_start3A_92 = tpu.memref_squeeze %dma_start3A_91 : memref<1x128xi32, #tpu.memory_space<vmem>> -> memref<128xi32, #tpu.memory_space<vmem>>
      %dma_start3A_93 = arith.constant 0 : i32
      %dma_start3A_94 = tpu.memref_slice %arg26[%dma_start3A_93] : memref<10240xf32, #tpu.memory_space<vmem_shared>> -> memref<10240xf32, #tpu.memory_space<vmem_shared>>
      tpu.enqueue_indirect_dma source(%arg23 : memref<128xf32, #tpu.memory_space<vmem>>) target(%dma_start3A_94 : memref<10240xf32, #tpu.memory_space<vmem_shared>>) offsets(%dma_start3A_92 : memref<128xi32, #tpu.memory_space<vmem>>) semaphore(%arg31 : memref<!tpu.dma_semaphore, #tpu.memory_space<semaphore_mem>>) {add = true}
      %dma_wait3A_95 = arith.constant 0 : i32
      %dma_wait3A_96 = tpu.memref_slice %arg20[%add3A_59, %dma_wait3A_95] : memref<160x128xi32, #tpu.memory_space<vmem>> -> memref<1x128xi32, #tpu.memory_space<vmem>>
      %dma_wait3A_97 = tpu.memref_squeeze %dma_wait3A_96 : memref<1x128xi32, #tpu.memory_space<vmem>> -> memref<128xi32, #tpu.memory_space<vmem>>
      %dma_wait3A_98 = arith.constant 0 : i32
      %dma_wait3A_99 = tpu.memref_slice %arg9[%dma_wait3A_98] : memref<20480xf32, #tpu.memory_space<hbm>> -> memref<20480xf32, #tpu.memory_space<hbm>>
      tpu.wait_indirect_dma semaphore(%arg29 : memref<!tpu.dma_semaphore, #tpu.memory_space<semaphore_mem>>) src(%dma_wait3A_99 : memref<20480xf32, #tpu.memory_space<hbm>>) dst(%arg24 : memref<128xf32, #tpu.memory_space<vmem>>)
      %add3A_100 = arith.constant 2 : i32
      %add3A_101 = arith.addi %mul3A_44, %add3A_100 : i32
      %dma_start3A_102 = arith.constant 0 : i32
      %dma_start3A_103 = tpu.memref_slice %arg21[%add3A_101, %dma_start3A_102] : memref<160x128xi32, #tpu.memory_space<vmem>> -> memref<1x128xi32, #tpu.memory_space<vmem>>
      %dma_start3A_104 = tpu.memref_squeeze %dma_start3A_103 : memref<1x128xi32, #tpu.memory_space<vmem>> -> memref<128xi32, #tpu.memory_space<vmem>>
      %dma_start3A_105 = arith.constant 0 : i32
      %dma_start3A_106 = tpu.memref_slice %arg26[%dma_start3A_105] : memref<10240xf32, #tpu.memory_space<vmem_shared>> -> memref<10240xf32, #tpu.memory_space<vmem_shared>>
      tpu.enqueue_indirect_dma source(%arg24 : memref<128xf32, #tpu.memory_space<vmem>>) target(%dma_start3A_106 : memref<10240xf32, #tpu.memory_space<vmem_shared>>) offsets(%dma_start3A_104 : memref<128xi32, #tpu.memory_space<vmem>>) semaphore(%arg31 : memref<!tpu.dma_semaphore, #tpu.memory_space<semaphore_mem>>) {add = true}
      %dma_wait3A_107 = arith.constant 0 : i32
      %dma_wait3A_108 = tpu.memref_slice %arg20[%add3A_66, %dma_wait3A_107] : memref<160x128xi32, #tpu.memory_space<vmem>> -> memref<1x128xi32, #tpu.memory_space<vmem>>
      %dma_wait3A_109 = tpu.memref_squeeze %dma_wait3A_108 : memref<1x128xi32, #tpu.memory_space<vmem>> -> memref<128xi32, #tpu.memory_space<vmem>>
      %dma_wait3A_110 = arith.constant 0 : i32
      %dma_wait3A_111 = tpu.memref_slice %arg9[%dma_wait3A_110] : memref<20480xf32, #tpu.memory_space<hbm>> -> memref<20480xf32, #tpu.memory_space<hbm>>
      tpu.wait_indirect_dma semaphore(%arg30 : memref<!tpu.dma_semaphore, #tpu.memory_space<semaphore_mem>>) src(%dma_wait3A_111 : memref<20480xf32, #tpu.memory_space<hbm>>) dst(%arg25 : memref<128xf32, #tpu.memory_space<vmem>>)
      %add3A_112 = arith.constant 3 : i32
      %add3A_113 = arith.addi %mul3A_44, %add3A_112 : i32
      %dma_start3A_114 = arith.constant 0 : i32
      %dma_start3A_115 = tpu.memref_slice %arg21[%add3A_113, %dma_start3A_114] : memref<160x128xi32, #tpu.memory_space<vmem>> -> memref<1x128xi32, #tpu.memory_space<vmem>>
      %dma_start3A_116 = tpu.memref_squeeze %dma_start3A_115 : memref<1x128xi32, #tpu.memory_space<vmem>> -> memref<128xi32, #tpu.memory_space<vmem>>
      %dma_start3A_117 = arith.constant 0 : i32
      %dma_start3A_118 = tpu.memref_slice %arg26[%dma_start3A_117] : memref<10240xf32, #tpu.memory_space<vmem_shared>> -> memref<10240xf32, #tpu.memory_space<vmem_shared>>
      tpu.enqueue_indirect_dma source(%arg25 : memref<128xf32, #tpu.memory_space<vmem>>) target(%dma_start3A_118 : memref<10240xf32, #tpu.memory_space<vmem_shared>>) offsets(%dma_start3A_116 : memref<128xi32, #tpu.memory_space<vmem>>) semaphore(%arg31 : memref<!tpu.dma_semaphore, #tpu.memory_space<semaphore_mem>>) {add = true}
      %dma_wait3A_119 = arith.constant 0 : i32
      %dma_wait3A_120 = tpu.memref_slice %arg21[%add3A_77, %dma_wait3A_119] : memref<160x128xi32, #tpu.memory_space<vmem>> -> memref<1x128xi32, #tpu.memory_space<vmem>>
      %dma_wait3A_121 = tpu.memref_squeeze %dma_wait3A_120 : memref<1x128xi32, #tpu.memory_space<vmem>> -> memref<128xi32, #tpu.memory_space<vmem>>
      %dma_wait3A_122 = arith.constant 0 : i32
      %dma_wait3A_123 = tpu.memref_slice %arg26[%dma_wait3A_122] : memref<10240xf32, #tpu.memory_space<vmem_shared>> -> memref<10240xf32, #tpu.memory_space<vmem_shared>>
      tpu.wait_indirect_dma semaphore(%arg31 : memref<!tpu.dma_semaphore, #tpu.memory_space<semaphore_mem>>) src(%arg22 : memref<128xf32, #tpu.memory_space<vmem>>) dst(%dma_wait3A_123 : memref<10240xf32, #tpu.memory_space<vmem_shared>>)
      %dma_wait3A_124 = arith.constant 0 : i32
      %dma_wait3A_125 = tpu.memref_slice %arg21[%add3A_89, %dma_wait3A_124] : memref<160x128xi32, #tpu.memory_space<vmem>> -> memref<1x128xi32, #tpu.memory_space<vmem>>
      %dma_wait3A_126 = tpu.memref_squeeze %dma_wait3A_125 : memref<1x128xi32, #tpu.memory_space<vmem>> -> memref<128xi32, #tpu.memory_space<vmem>>
      %dma_wait3A_127 = arith.constant 0 : i32
      %dma_wait3A_128 = tpu.memref_slice %arg26[%dma_wait3A_127] : memref<10240xf32, #tpu.memory_space<vmem_shared>> -> memref<10240xf32, #tpu.memory_space<vmem_shared>>
      tpu.wait_indirect_dma semaphore(%arg31 : memref<!tpu.dma_semaphore, #tpu.memory_space<semaphore_mem>>) src(%arg23 : memref<128xf32, #tpu.memory_space<vmem>>) dst(%dma_wait3A_128 : memref<10240xf32, #tpu.memory_space<vmem_shared>>)
      %dma_wait3A_129 = arith.constant 0 : i32
      %dma_wait3A_130 = tpu.memref_slice %arg21[%add3A_101, %dma_wait3A_129] : memref<160x128xi32, #tpu.memory_space<vmem>> -> memref<1x128xi32, #tpu.memory_space<vmem>>
      %dma_wait3A_131 = tpu.memref_squeeze %dma_wait3A_130 : memref<1x128xi32, #tpu.memory_space<vmem>> -> memref<128xi32, #tpu.memory_space<vmem>>
      %dma_wait3A_132 = arith.constant 0 : i32
      %dma_wait3A_133 = tpu.memref_slice %arg26[%dma_wait3A_132] : memref<10240xf32, #tpu.memory_space<vmem_shared>> -> memref<10240xf32, #tpu.memory_space<vmem_shared>>
      tpu.wait_indirect_dma semaphore(%arg31 : memref<!tpu.dma_semaphore, #tpu.memory_space<semaphore_mem>>) src(%arg24 : memref<128xf32, #tpu.memory_space<vmem>>) dst(%dma_wait3A_133 : memref<10240xf32, #tpu.memory_space<vmem_shared>>)
      %dma_wait3A_134 = arith.constant 0 : i32
      %dma_wait3A_135 = tpu.memref_slice %arg21[%add3A_113, %dma_wait3A_134] : memref<160x128xi32, #tpu.memory_space<vmem>> -> memref<1x128xi32, #tpu.memory_space<vmem>>
      %dma_wait3A_136 = tpu.memref_squeeze %dma_wait3A_135 : memref<1x128xi32, #tpu.memory_space<vmem>> -> memref<128xi32, #tpu.memory_space<vmem>>
      %dma_wait3A_137 = arith.constant 0 : i32
      %dma_wait3A_138 = tpu.memref_slice %arg26[%dma_wait3A_137] : memref<10240xf32, #tpu.memory_space<vmem_shared>> -> memref<10240xf32, #tpu.memory_space<vmem_shared>>
      tpu.wait_indirect_dma semaphore(%arg31 : memref<!tpu.dma_semaphore, #tpu.memory_space<semaphore_mem>>) src(%arg25 : memref<128xf32, #tpu.memory_space<vmem>>) dst(%dma_wait3A_138 : memref<10240xf32, #tpu.memory_space<vmem_shared>>)
    }
    %scan3A_40 = arith.constant 40 : i32
    %barrier3A_41 = arith.constant 0 : index
    tpu.barrier barrier_id(%barrier3A_41)
    "tpu.region"() ({
      %run_scoped3A_42 = tpu.sem_alloc : memref<!tpu.dma_semaphore, #tpu.memory_space<semaphore_mem>>
      %dma_start3A = tpu.memref_slice %arg26[%mul3A_0] : memref<10240xf32, #tpu.memory_space<vmem_shared>> -> memref<640xf32, #tpu.memory_space<vmem_shared>>
      %dma_start3A_43 = tpu.memref_slice %arg26[%mul3A_0] : memref<10240xf32, #tpu.memory_space<vmem_shared>> -> memref<640xf32, #tpu.memory_space<vmem_shared>>
      tpu.enqueue_dma source(%dma_start3A_43 : memref<640xf32, #tpu.memory_space<vmem_shared>>) target(%arg19 : memref<640xf32, #tpu.memory_space<vmem>>) target_semaphore(%run_scoped3A_42 : memref<!tpu.dma_semaphore, #tpu.memory_space<semaphore_mem>>)
      %dma_wait3A = tpu.memref_slice %arg26[%mul3A_0] : memref<10240xf32, #tpu.memory_space<vmem_shared>> -> memref<640xf32, #tpu.memory_space<vmem_shared>>
      %dma_wait3A_44 = tpu.memref_slice %arg26[%mul3A_0] : memref<10240xf32, #tpu.memory_space<vmem_shared>> -> memref<640xf32, #tpu.memory_space<vmem_shared>>
      tpu.wait_dma2 semaphore(%run_scoped3A_42 : memref<!tpu.dma_semaphore, #tpu.memory_space<semaphore_mem>>) src(%dma_wait3A_44 : memref<640xf32, #tpu.memory_space<vmem_shared>>) dst(%arg19 : memref<640xf32, #tpu.memory_space<vmem>>)
      tpu.yield
    }) : () -> ()
    "tpu.region"() ({
      %run_scoped3A_42 = tpu.sem_alloc : memref<!tpu.dma_semaphore, #tpu.memory_space<semaphore_mem>>
      %dma_start3A = tpu.memref_slice %arg10[%arg0, %mul3A_0] : memref<2x10240xf32, #tpu.memory_space<hbm>> -> memref<1x640xf32, #tpu.memory_space<hbm>>
      %dma_start3A_43 = tpu.memref_squeeze %dma_start3A : memref<1x640xf32, #tpu.memory_space<hbm>> -> memref<640xf32, #tpu.memory_space<hbm>>
      %dma_start3A_44 = tpu.memref_slice %arg10[%arg0, %mul3A_0] : memref<2x10240xf32, #tpu.memory_space<hbm>> -> memref<1x640xf32, #tpu.memory_space<hbm>>
      %dma_start3A_45 = tpu.memref_squeeze %dma_start3A_44 : memref<1x640xf32, #tpu.memory_space<hbm>> -> memref<640xf32, #tpu.memory_space<hbm>>
      tpu.enqueue_dma source(%arg19 : memref<640xf32, #tpu.memory_space<vmem>>) target(%dma_start3A_45 : memref<640xf32, #tpu.memory_space<hbm>>) target_semaphore(%run_scoped3A_42 : memref<!tpu.dma_semaphore, #tpu.memory_space<semaphore_mem>>)
      %dma_wait3A = tpu.memref_slice %arg10[%arg0, %mul3A_0] : memref<2x10240xf32, #tpu.memory_space<hbm>> -> memref<1x640xf32, #tpu.memory_space<hbm>>
      %dma_wait3A_46 = tpu.memref_squeeze %dma_wait3A : memref<1x640xf32, #tpu.memory_space<hbm>> -> memref<640xf32, #tpu.memory_space<hbm>>
      %dma_wait3A_47 = tpu.memref_slice %arg10[%arg0, %mul3A_0] : memref<2x10240xf32, #tpu.memory_space<hbm>> -> memref<1x640xf32, #tpu.memory_space<hbm>>
      %dma_wait3A_48 = tpu.memref_squeeze %dma_wait3A_47 : memref<1x640xf32, #tpu.memory_space<hbm>> -> memref<640xf32, #tpu.memory_space<hbm>>
      tpu.wait_dma2 semaphore(%run_scoped3A_42 : memref<!tpu.dma_semaphore, #tpu.memory_space<semaphore_mem>>) src(%arg19 : memref<640xf32, #tpu.memory_space<vmem>>) dst(%dma_wait3A_48 : memref<640xf32, #tpu.memory_space<hbm>>)
      tpu.yield
    }) : () -> ()
    return
  }
}

#map = affine_map<(d0, d1) -> (0, 0, 0, 0)>
#map1 = affine_map<(d0, d1) -> (0, 0)>
#map2 = affine_map<(d0, d1) -> (0, 0, 0)>
module attributes {stable_mosaic.version = 14 : i64} {
  func.func @_r1_body(%arg0: i32, %arg1: i32, %arg2: memref<2x16x160x128xi32, #tpu.memory_space<hbm>>, %arg3: memref<2x16x160x128xi32, #tpu.memory_space<hbm>>, %arg4: memref<20480x8xf32, #tpu.memory_space<hbm>>, %arg5: memref<640x8xf32, #tpu.memory_space<hbm>>, %arg6: memref<2x10240x8xf32, #tpu.memory_space<hbm>>, %arg7: memref<160x128xi32, #tpu.memory_space<vmem>>, %arg8: memref<160x128xi32, #tpu.memory_space<vmem>>, %arg9: memref<128x8xf32, #tpu.memory_space<vmem>>, %arg10: memref<128x8xf32, #tpu.memory_space<vmem>>, %arg11: memref<128x8xf32, #tpu.memory_space<vmem>>, %arg12: memref<128x8xf32, #tpu.memory_space<vmem>>, %arg13: memref<640x8xf32, #tpu.memory_space<vmem>>, %arg14: memref<10240x8xf32, #tpu.memory_space<vmem_shared>>, %arg15: memref<!tpu.dma_semaphore, #tpu.memory_space<semaphore_mem>>, %arg16: memref<!tpu.dma_semaphore, #tpu.memory_space<semaphore_mem>>, %arg17: memref<!tpu.dma_semaphore, #tpu.memory_space<semaphore_mem>>, %arg18: memref<!tpu.dma_semaphore, #tpu.memory_space<semaphore_mem>>, %arg19: memref<!tpu.dma_semaphore, #tpu.memory_space<semaphore_mem>>) attributes {dimension_semantics = [#tpu.dimension_semantics<core_parallel>, #tpu.dimension_semantics<subcore_parallel>], iteration_bounds = array<i64: 2, 16>, scalar_prefetch = 0 : i64, scratch_operands = 13 : i64, tpu.core_type = #tpu.core_type<sc_vector_subcore>, window_params = [{transform_indices = #map}, {transform_indices = #map}, {transform_indices = #map1}, {transform_indices = #map1}, {transform_indices = #map2}]} {
    %mul3A = arith.constant 640 : i32
    %mul3A_0 = arith.muli %arg1, %mul3A : i32
    "tpu.region"() ({
      %run_scoped3A = tpu.sem_alloc : memref<!tpu.dma_semaphore, #tpu.memory_space<semaphore_mem>>
      %dma_start3A = arith.constant 0 : i32
      %dma_start3A_7 = arith.constant 0 : i32
      %dma_start3A_8 = tpu.memref_slice %arg2[%arg0, %arg1, %dma_start3A, %dma_start3A_7] : memref<2x16x160x128xi32, #tpu.memory_space<hbm>> -> memref<1x1x160x128xi32, #tpu.memory_space<hbm>>
      %dma_start3A_9 = tpu.memref_squeeze %dma_start3A_8 : memref<1x1x160x128xi32, #tpu.memory_space<hbm>> -> memref<160x128xi32, #tpu.memory_space<hbm>>
      %dma_start3A_10 = arith.constant 0 : i32
      %dma_start3A_11 = arith.constant 0 : i32
      %dma_start3A_12 = tpu.memref_slice %arg2[%arg0, %arg1, %dma_start3A_10, %dma_start3A_11] : memref<2x16x160x128xi32, #tpu.memory_space<hbm>> -> memref<1x1x160x128xi32, #tpu.memory_space<hbm>>
      %dma_start3A_13 = tpu.memref_squeeze %dma_start3A_12 : memref<1x1x160x128xi32, #tpu.memory_space<hbm>> -> memref<160x128xi32, #tpu.memory_space<hbm>>
      tpu.enqueue_dma source(%dma_start3A_13 : memref<160x128xi32, #tpu.memory_space<hbm>>) target(%arg7 : memref<160x128xi32, #tpu.memory_space<vmem>>) target_semaphore(%run_scoped3A : memref<!tpu.dma_semaphore, #tpu.memory_space<semaphore_mem>>)
      %dma_wait3A = arith.constant 0 : i32
      %dma_wait3A_14 = arith.constant 0 : i32
      %dma_wait3A_15 = tpu.memref_slice %arg2[%arg0, %arg1, %dma_wait3A, %dma_wait3A_14] : memref<2x16x160x128xi32, #tpu.memory_space<hbm>> -> memref<1x1x160x128xi32, #tpu.memory_space<hbm>>
      %dma_wait3A_16 = tpu.memref_squeeze %dma_wait3A_15 : memref<1x1x160x128xi32, #tpu.memory_space<hbm>> -> memref<160x128xi32, #tpu.memory_space<hbm>>
      %dma_wait3A_17 = arith.constant 0 : i32
      %dma_wait3A_18 = arith.constant 0 : i32
      %dma_wait3A_19 = tpu.memref_slice %arg2[%arg0, %arg1, %dma_wait3A_17, %dma_wait3A_18] : memref<2x16x160x128xi32, #tpu.memory_space<hbm>> -> memref<1x1x160x128xi32, #tpu.memory_space<hbm>>
      %dma_wait3A_20 = tpu.memref_squeeze %dma_wait3A_19 : memref<1x1x160x128xi32, #tpu.memory_space<hbm>> -> memref<160x128xi32, #tpu.memory_space<hbm>>
      tpu.wait_dma2 semaphore(%run_scoped3A : memref<!tpu.dma_semaphore, #tpu.memory_space<semaphore_mem>>) src(%dma_wait3A_20 : memref<160x128xi32, #tpu.memory_space<hbm>>) dst(%arg7 : memref<160x128xi32, #tpu.memory_space<vmem>>)
      tpu.yield
    }) : () -> ()
    "tpu.region"() ({
      %run_scoped3A = tpu.sem_alloc : memref<!tpu.dma_semaphore, #tpu.memory_space<semaphore_mem>>
      %dma_start3A = arith.constant 0 : i32
      %dma_start3A_7 = arith.constant 0 : i32
      %dma_start3A_8 = tpu.memref_slice %arg3[%arg0, %arg1, %dma_start3A, %dma_start3A_7] : memref<2x16x160x128xi32, #tpu.memory_space<hbm>> -> memref<1x1x160x128xi32, #tpu.memory_space<hbm>>
      %dma_start3A_9 = tpu.memref_squeeze %dma_start3A_8 : memref<1x1x160x128xi32, #tpu.memory_space<hbm>> -> memref<160x128xi32, #tpu.memory_space<hbm>>
      %dma_start3A_10 = arith.constant 0 : i32
      %dma_start3A_11 = arith.constant 0 : i32
      %dma_start3A_12 = tpu.memref_slice %arg3[%arg0, %arg1, %dma_start3A_10, %dma_start3A_11] : memref<2x16x160x128xi32, #tpu.memory_space<hbm>> -> memref<1x1x160x128xi32, #tpu.memory_space<hbm>>
      %dma_start3A_13 = tpu.memref_squeeze %dma_start3A_12 : memref<1x1x160x128xi32, #tpu.memory_space<hbm>> -> memref<160x128xi32, #tpu.memory_space<hbm>>
      tpu.enqueue_dma source(%dma_start3A_13 : memref<160x128xi32, #tpu.memory_space<hbm>>) target(%arg8 : memref<160x128xi32, #tpu.memory_space<vmem>>) target_semaphore(%run_scoped3A : memref<!tpu.dma_semaphore, #tpu.memory_space<semaphore_mem>>)
      %dma_wait3A = arith.constant 0 : i32
      %dma_wait3A_14 = arith.constant 0 : i32
      %dma_wait3A_15 = tpu.memref_slice %arg3[%arg0, %arg1, %dma_wait3A, %dma_wait3A_14] : memref<2x16x160x128xi32, #tpu.memory_space<hbm>> -> memref<1x1x160x128xi32, #tpu.memory_space<hbm>>
      %dma_wait3A_16 = tpu.memref_squeeze %dma_wait3A_15 : memref<1x1x160x128xi32, #tpu.memory_space<hbm>> -> memref<160x128xi32, #tpu.memory_space<hbm>>
      %dma_wait3A_17 = arith.constant 0 : i32
      %dma_wait3A_18 = arith.constant 0 : i32
      %dma_wait3A_19 = tpu.memref_slice %arg3[%arg0, %arg1, %dma_wait3A_17, %dma_wait3A_18] : memref<2x16x160x128xi32, #tpu.memory_space<hbm>> -> memref<1x1x160x128xi32, #tpu.memory_space<hbm>>
      %dma_wait3A_20 = tpu.memref_squeeze %dma_wait3A_19 : memref<1x1x160x128xi32, #tpu.memory_space<hbm>> -> memref<160x128xi32, #tpu.memory_space<hbm>>
      tpu.wait_dma2 semaphore(%run_scoped3A : memref<!tpu.dma_semaphore, #tpu.memory_space<semaphore_mem>>) src(%dma_wait3A_20 : memref<160x128xi32, #tpu.memory_space<hbm>>) dst(%arg8 : memref<160x128xi32, #tpu.memory_space<vmem>>)
      tpu.yield
    }) : () -> ()
    "tpu.region"() ({
      %run_scoped3A = tpu.sem_alloc : memref<!tpu.dma_semaphore, #tpu.memory_space<semaphore_mem>>
      tpu.enqueue_dma source(%arg5 : memref<640x8xf32, #tpu.memory_space<hbm>>) target(%arg13 : memref<640x8xf32, #tpu.memory_space<vmem>>) target_semaphore(%run_scoped3A : memref<!tpu.dma_semaphore, #tpu.memory_space<semaphore_mem>>)
      tpu.wait_dma2 semaphore(%run_scoped3A : memref<!tpu.dma_semaphore, #tpu.memory_space<semaphore_mem>>) src(%arg5 : memref<640x8xf32, #tpu.memory_space<hbm>>) dst(%arg13 : memref<640x8xf32, #tpu.memory_space<vmem>>)
      tpu.yield
    }) : () -> ()
    "tpu.region"() ({
      %run_scoped3A = tpu.sem_alloc : memref<!tpu.dma_semaphore, #tpu.memory_space<semaphore_mem>>
      %dma_start3A = arith.constant 0 : i32
      %dma_start3A_7 = tpu.memref_slice %arg14[%mul3A_0, %dma_start3A] : memref<10240x8xf32, #tpu.memory_space<vmem_shared>> -> memref<640x8xf32, #tpu.memory_space<vmem_shared>>
      %dma_start3A_8 = arith.constant 0 : i32
      %dma_start3A_9 = tpu.memref_slice %arg14[%mul3A_0, %dma_start3A_8] : memref<10240x8xf32, #tpu.memory_space<vmem_shared>> -> memref<640x8xf32, #tpu.memory_space<vmem_shared>>
      tpu.enqueue_dma source(%arg13 : memref<640x8xf32, #tpu.memory_space<vmem>>) target(%dma_start3A_9 : memref<640x8xf32, #tpu.memory_space<vmem_shared>>) target_semaphore(%run_scoped3A : memref<!tpu.dma_semaphore, #tpu.memory_space<semaphore_mem>>)
      %dma_wait3A = arith.constant 0 : i32
      %dma_wait3A_10 = tpu.memref_slice %arg14[%mul3A_0, %dma_wait3A] : memref<10240x8xf32, #tpu.memory_space<vmem_shared>> -> memref<640x8xf32, #tpu.memory_space<vmem_shared>>
      %dma_wait3A_11 = arith.constant 0 : i32
      %dma_wait3A_12 = tpu.memref_slice %arg14[%mul3A_0, %dma_wait3A_11] : memref<10240x8xf32, #tpu.memory_space<vmem_shared>> -> memref<640x8xf32, #tpu.memory_space<vmem_shared>>
      tpu.wait_dma2 semaphore(%run_scoped3A : memref<!tpu.dma_semaphore, #tpu.memory_space<semaphore_mem>>) src(%arg13 : memref<640x8xf32, #tpu.memory_space<vmem>>) dst(%dma_wait3A_12 : memref<640x8xf32, #tpu.memory_space<vmem_shared>>)
      tpu.yield
    }) : () -> ()
    %barrier3A = arith.constant 0 : index
    tpu.barrier barrier_id(%barrier3A)
    %scan3A = arith.constant 0 : i32
    %scan3A_1 = arith.constant 0 : i32
    %scan3A_2 = arith.constant 40 : i32
    %scan3A_3 = arith.addi %scan3A_1, %scan3A_2 : i32
    %scan3A_4 = arith.constant 1 : i32
    scf.for %scan3A_7 = %scan3A_1 to %scan3A_3 step %scan3A_4  : i32 {
      %mul3A_8 = arith.constant 4 : i32
      %mul3A_9 = arith.muli %mul3A_8, %scan3A_7 : i32
      %add3A = arith.constant 0 : i32
      %add3A_10 = arith.addi %mul3A_9, %add3A : i32
      %dma_start3A = arith.constant 0 : i32
      %dma_start3A_11 = tpu.memref_slice %arg7[%add3A_10, %dma_start3A] : memref<160x128xi32, #tpu.memory_space<vmem>> -> memref<1x128xi32, #tpu.memory_space<vmem>>
      %dma_start3A_12 = tpu.memref_squeeze %dma_start3A_11 : memref<1x128xi32, #tpu.memory_space<vmem>> -> memref<128xi32, #tpu.memory_space<vmem>>
      %dma_start3A_13 = arith.constant 0 : i32
      %dma_start3A_14 = arith.constant 0 : i32
      %dma_start3A_15 = tpu.memref_slice %arg4[%dma_start3A_13, %dma_start3A_14] : memref<20480x8xf32, #tpu.memory_space<hbm>> -> memref<20480x8xf32, #tpu.memory_space<hbm>>
      tpu.enqueue_indirect_dma source(%dma_start3A_15 : memref<20480x8xf32, #tpu.memory_space<hbm>>) target(%arg9 : memref<128x8xf32, #tpu.memory_space<vmem>>) offsets(%dma_start3A_12 : memref<128xi32, #tpu.memory_space<vmem>>) semaphore(%arg15 : memref<!tpu.dma_semaphore, #tpu.memory_space<semaphore_mem>>)
      %add3A_16 = arith.constant 1 : i32
      %add3A_17 = arith.addi %mul3A_9, %add3A_16 : i32
      %dma_start3A_18 = arith.constant 0 : i32
      %dma_start3A_19 = tpu.memref_slice %arg7[%add3A_17, %dma_start3A_18] : memref<160x128xi32, #tpu.memory_space<vmem>> -> memref<1x128xi32, #tpu.memory_space<vmem>>
      %dma_start3A_20 = tpu.memref_squeeze %dma_start3A_19 : memref<1x128xi32, #tpu.memory_space<vmem>> -> memref<128xi32, #tpu.memory_space<vmem>>
      %dma_start3A_21 = arith.constant 0 : i32
      %dma_start3A_22 = arith.constant 0 : i32
      %dma_start3A_23 = tpu.memref_slice %arg4[%dma_start3A_21, %dma_start3A_22] : memref<20480x8xf32, #tpu.memory_space<hbm>> -> memref<20480x8xf32, #tpu.memory_space<hbm>>
      tpu.enqueue_indirect_dma source(%dma_start3A_23 : memref<20480x8xf32, #tpu.memory_space<hbm>>) target(%arg10 : memref<128x8xf32, #tpu.memory_space<vmem>>) offsets(%dma_start3A_20 : memref<128xi32, #tpu.memory_space<vmem>>) semaphore(%arg16 : memref<!tpu.dma_semaphore, #tpu.memory_space<semaphore_mem>>)
      %add3A_24 = arith.constant 2 : i32
      %add3A_25 = arith.addi %mul3A_9, %add3A_24 : i32
      %dma_start3A_26 = arith.constant 0 : i32
      %dma_start3A_27 = tpu.memref_slice %arg7[%add3A_25, %dma_start3A_26] : memref<160x128xi32, #tpu.memory_space<vmem>> -> memref<1x128xi32, #tpu.memory_space<vmem>>
      %dma_start3A_28 = tpu.memref_squeeze %dma_start3A_27 : memref<1x128xi32, #tpu.memory_space<vmem>> -> memref<128xi32, #tpu.memory_space<vmem>>
      %dma_start3A_29 = arith.constant 0 : i32
      %dma_start3A_30 = arith.constant 0 : i32
      %dma_start3A_31 = tpu.memref_slice %arg4[%dma_start3A_29, %dma_start3A_30] : memref<20480x8xf32, #tpu.memory_space<hbm>> -> memref<20480x8xf32, #tpu.memory_space<hbm>>
      tpu.enqueue_indirect_dma source(%dma_start3A_31 : memref<20480x8xf32, #tpu.memory_space<hbm>>) target(%arg11 : memref<128x8xf32, #tpu.memory_space<vmem>>) offsets(%dma_start3A_28 : memref<128xi32, #tpu.memory_space<vmem>>) semaphore(%arg17 : memref<!tpu.dma_semaphore, #tpu.memory_space<semaphore_mem>>)
      %add3A_32 = arith.constant 3 : i32
      %add3A_33 = arith.addi %mul3A_9, %add3A_32 : i32
      %dma_start3A_34 = arith.constant 0 : i32
      %dma_start3A_35 = tpu.memref_slice %arg7[%add3A_33, %dma_start3A_34] : memref<160x128xi32, #tpu.memory_space<vmem>> -> memref<1x128xi32, #tpu.memory_space<vmem>>
      %dma_start3A_36 = tpu.memref_squeeze %dma_start3A_35 : memref<1x128xi32, #tpu.memory_space<vmem>> -> memref<128xi32, #tpu.memory_space<vmem>>
      %dma_start3A_37 = arith.constant 0 : i32
      %dma_start3A_38 = arith.constant 0 : i32
      %dma_start3A_39 = tpu.memref_slice %arg4[%dma_start3A_37, %dma_start3A_38] : memref<20480x8xf32, #tpu.memory_space<hbm>> -> memref<20480x8xf32, #tpu.memory_space<hbm>>
      tpu.enqueue_indirect_dma source(%dma_start3A_39 : memref<20480x8xf32, #tpu.memory_space<hbm>>) target(%arg12 : memref<128x8xf32, #tpu.memory_space<vmem>>) offsets(%dma_start3A_36 : memref<128xi32, #tpu.memory_space<vmem>>) semaphore(%arg18 : memref<!tpu.dma_semaphore, #tpu.memory_space<semaphore_mem>>)
      %dma_wait3A = arith.constant 0 : i32
      %dma_wait3A_40 = tpu.memref_slice %arg7[%add3A_10, %dma_wait3A] : memref<160x128xi32, #tpu.memory_space<vmem>> -> memref<1x128xi32, #tpu.memory_space<vmem>>
      %dma_wait3A_41 = tpu.memref_squeeze %dma_wait3A_40 : memref<1x128xi32, #tpu.memory_space<vmem>> -> memref<128xi32, #tpu.memory_space<vmem>>
      %dma_wait3A_42 = arith.constant 0 : i32
      %dma_wait3A_43 = arith.constant 0 : i32
      %dma_wait3A_44 = tpu.memref_slice %arg4[%dma_wait3A_42, %dma_wait3A_43] : memref<20480x8xf32, #tpu.memory_space<hbm>> -> memref<20480x8xf32, #tpu.memory_space<hbm>>
      tpu.wait_indirect_dma semaphore(%arg15 : memref<!tpu.dma_semaphore, #tpu.memory_space<semaphore_mem>>) src(%dma_wait3A_44 : memref<20480x8xf32, #tpu.memory_space<hbm>>) dst(%arg9 : memref<128x8xf32, #tpu.memory_space<vmem>>)
      %add3A_45 = arith.constant 0 : i32
      %add3A_46 = arith.addi %mul3A_9, %add3A_45 : i32
      %dma_start3A_47 = arith.constant 0 : i32
      %dma_start3A_48 = tpu.memref_slice %arg8[%add3A_46, %dma_start3A_47] : memref<160x128xi32, #tpu.memory_space<vmem>> -> memref<1x128xi32, #tpu.memory_space<vmem>>
      %dma_start3A_49 = tpu.memref_squeeze %dma_start3A_48 : memref<1x128xi32, #tpu.memory_space<vmem>> -> memref<128xi32, #tpu.memory_space<vmem>>
      %dma_start3A_50 = arith.constant 0 : i32
      %dma_start3A_51 = arith.constant 0 : i32
      %dma_start3A_52 = tpu.memref_slice %arg14[%dma_start3A_50, %dma_start3A_51] : memref<10240x8xf32, #tpu.memory_space<vmem_shared>> -> memref<10240x8xf32, #tpu.memory_space<vmem_shared>>
      tpu.enqueue_indirect_dma source(%arg9 : memref<128x8xf32, #tpu.memory_space<vmem>>) target(%dma_start3A_52 : memref<10240x8xf32, #tpu.memory_space<vmem_shared>>) offsets(%dma_start3A_49 : memref<128xi32, #tpu.memory_space<vmem>>) semaphore(%arg19 : memref<!tpu.dma_semaphore, #tpu.memory_space<semaphore_mem>>) {add = true}
      %dma_wait3A_53 = arith.constant 0 : i32
      %dma_wait3A_54 = tpu.memref_slice %arg7[%add3A_17, %dma_wait3A_53] : memref<160x128xi32, #tpu.memory_space<vmem>> -> memref<1x128xi32, #tpu.memory_space<vmem>>
      %dma_wait3A_55 = tpu.memref_squeeze %dma_wait3A_54 : memref<1x128xi32, #tpu.memory_space<vmem>> -> memref<128xi32, #tpu.memory_space<vmem>>
      %dma_wait3A_56 = arith.constant 0 : i32
      %dma_wait3A_57 = arith.constant 0 : i32
      %dma_wait3A_58 = tpu.memref_slice %arg4[%dma_wait3A_56, %dma_wait3A_57] : memref<20480x8xf32, #tpu.memory_space<hbm>> -> memref<20480x8xf32, #tpu.memory_space<hbm>>
      tpu.wait_indirect_dma semaphore(%arg16 : memref<!tpu.dma_semaphore, #tpu.memory_space<semaphore_mem>>) src(%dma_wait3A_58 : memref<20480x8xf32, #tpu.memory_space<hbm>>) dst(%arg10 : memref<128x8xf32, #tpu.memory_space<vmem>>)
      %add3A_59 = arith.constant 1 : i32
      %add3A_60 = arith.addi %mul3A_9, %add3A_59 : i32
      %dma_start3A_61 = arith.constant 0 : i32
      %dma_start3A_62 = tpu.memref_slice %arg8[%add3A_60, %dma_start3A_61] : memref<160x128xi32, #tpu.memory_space<vmem>> -> memref<1x128xi32, #tpu.memory_space<vmem>>
      %dma_start3A_63 = tpu.memref_squeeze %dma_start3A_62 : memref<1x128xi32, #tpu.memory_space<vmem>> -> memref<128xi32, #tpu.memory_space<vmem>>
      %dma_start3A_64 = arith.constant 0 : i32
      %dma_start3A_65 = arith.constant 0 : i32
      %dma_start3A_66 = tpu.memref_slice %arg14[%dma_start3A_64, %dma_start3A_65] : memref<10240x8xf32, #tpu.memory_space<vmem_shared>> -> memref<10240x8xf32, #tpu.memory_space<vmem_shared>>
      tpu.enqueue_indirect_dma source(%arg10 : memref<128x8xf32, #tpu.memory_space<vmem>>) target(%dma_start3A_66 : memref<10240x8xf32, #tpu.memory_space<vmem_shared>>) offsets(%dma_start3A_63 : memref<128xi32, #tpu.memory_space<vmem>>) semaphore(%arg19 : memref<!tpu.dma_semaphore, #tpu.memory_space<semaphore_mem>>) {add = true}
      %dma_wait3A_67 = arith.constant 0 : i32
      %dma_wait3A_68 = tpu.memref_slice %arg7[%add3A_25, %dma_wait3A_67] : memref<160x128xi32, #tpu.memory_space<vmem>> -> memref<1x128xi32, #tpu.memory_space<vmem>>
      %dma_wait3A_69 = tpu.memref_squeeze %dma_wait3A_68 : memref<1x128xi32, #tpu.memory_space<vmem>> -> memref<128xi32, #tpu.memory_space<vmem>>
      %dma_wait3A_70 = arith.constant 0 : i32
      %dma_wait3A_71 = arith.constant 0 : i32
      %dma_wait3A_72 = tpu.memref_slice %arg4[%dma_wait3A_70, %dma_wait3A_71] : memref<20480x8xf32, #tpu.memory_space<hbm>> -> memref<20480x8xf32, #tpu.memory_space<hbm>>
      tpu.wait_indirect_dma semaphore(%arg17 : memref<!tpu.dma_semaphore, #tpu.memory_space<semaphore_mem>>) src(%dma_wait3A_72 : memref<20480x8xf32, #tpu.memory_space<hbm>>) dst(%arg11 : memref<128x8xf32, #tpu.memory_space<vmem>>)
      %add3A_73 = arith.constant 2 : i32
      %add3A_74 = arith.addi %mul3A_9, %add3A_73 : i32
      %dma_start3A_75 = arith.constant 0 : i32
      %dma_start3A_76 = tpu.memref_slice %arg8[%add3A_74, %dma_start3A_75] : memref<160x128xi32, #tpu.memory_space<vmem>> -> memref<1x128xi32, #tpu.memory_space<vmem>>
      %dma_start3A_77 = tpu.memref_squeeze %dma_start3A_76 : memref<1x128xi32, #tpu.memory_space<vmem>> -> memref<128xi32, #tpu.memory_space<vmem>>
      %dma_start3A_78 = arith.constant 0 : i32
      %dma_start3A_79 = arith.constant 0 : i32
      %dma_start3A_80 = tpu.memref_slice %arg14[%dma_start3A_78, %dma_start3A_79] : memref<10240x8xf32, #tpu.memory_space<vmem_shared>> -> memref<10240x8xf32, #tpu.memory_space<vmem_shared>>
      tpu.enqueue_indirect_dma source(%arg11 : memref<128x8xf32, #tpu.memory_space<vmem>>) target(%dma_start3A_80 : memref<10240x8xf32, #tpu.memory_space<vmem_shared>>) offsets(%dma_start3A_77 : memref<128xi32, #tpu.memory_space<vmem>>) semaphore(%arg19 : memref<!tpu.dma_semaphore, #tpu.memory_space<semaphore_mem>>) {add = true}
      %dma_wait3A_81 = arith.constant 0 : i32
      %dma_wait3A_82 = tpu.memref_slice %arg7[%add3A_33, %dma_wait3A_81] : memref<160x128xi32, #tpu.memory_space<vmem>> -> memref<1x128xi32, #tpu.memory_space<vmem>>
      %dma_wait3A_83 = tpu.memref_squeeze %dma_wait3A_82 : memref<1x128xi32, #tpu.memory_space<vmem>> -> memref<128xi32, #tpu.memory_space<vmem>>
      %dma_wait3A_84 = arith.constant 0 : i32
      %dma_wait3A_85 = arith.constant 0 : i32
      %dma_wait3A_86 = tpu.memref_slice %arg4[%dma_wait3A_84, %dma_wait3A_85] : memref<20480x8xf32, #tpu.memory_space<hbm>> -> memref<20480x8xf32, #tpu.memory_space<hbm>>
      tpu.wait_indirect_dma semaphore(%arg18 : memref<!tpu.dma_semaphore, #tpu.memory_space<semaphore_mem>>) src(%dma_wait3A_86 : memref<20480x8xf32, #tpu.memory_space<hbm>>) dst(%arg12 : memref<128x8xf32, #tpu.memory_space<vmem>>)
      %add3A_87 = arith.constant 3 : i32
      %add3A_88 = arith.addi %mul3A_9, %add3A_87 : i32
      %dma_start3A_89 = arith.constant 0 : i32
      %dma_start3A_90 = tpu.memref_slice %arg8[%add3A_88, %dma_start3A_89] : memref<160x128xi32, #tpu.memory_space<vmem>> -> memref<1x128xi32, #tpu.memory_space<vmem>>
      %dma_start3A_91 = tpu.memref_squeeze %dma_start3A_90 : memref<1x128xi32, #tpu.memory_space<vmem>> -> memref<128xi32, #tpu.memory_space<vmem>>
      %dma_start3A_92 = arith.constant 0 : i32
      %dma_start3A_93 = arith.constant 0 : i32
      %dma_start3A_94 = tpu.memref_slice %arg14[%dma_start3A_92, %dma_start3A_93] : memref<10240x8xf32, #tpu.memory_space<vmem_shared>> -> memref<10240x8xf32, #tpu.memory_space<vmem_shared>>
      tpu.enqueue_indirect_dma source(%arg12 : memref<128x8xf32, #tpu.memory_space<vmem>>) target(%dma_start3A_94 : memref<10240x8xf32, #tpu.memory_space<vmem_shared>>) offsets(%dma_start3A_91 : memref<128xi32, #tpu.memory_space<vmem>>) semaphore(%arg19 : memref<!tpu.dma_semaphore, #tpu.memory_space<semaphore_mem>>) {add = true}
      %dma_wait3A_95 = arith.constant 0 : i32
      %dma_wait3A_96 = tpu.memref_slice %arg8[%add3A_46, %dma_wait3A_95] : memref<160x128xi32, #tpu.memory_space<vmem>> -> memref<1x128xi32, #tpu.memory_space<vmem>>
      %dma_wait3A_97 = tpu.memref_squeeze %dma_wait3A_96 : memref<1x128xi32, #tpu.memory_space<vmem>> -> memref<128xi32, #tpu.memory_space<vmem>>
      %dma_wait3A_98 = arith.constant 0 : i32
      %dma_wait3A_99 = arith.constant 0 : i32
      %dma_wait3A_100 = tpu.memref_slice %arg14[%dma_wait3A_98, %dma_wait3A_99] : memref<10240x8xf32, #tpu.memory_space<vmem_shared>> -> memref<10240x8xf32, #tpu.memory_space<vmem_shared>>
      tpu.wait_indirect_dma semaphore(%arg19 : memref<!tpu.dma_semaphore, #tpu.memory_space<semaphore_mem>>) src(%arg9 : memref<128x8xf32, #tpu.memory_space<vmem>>) dst(%dma_wait3A_100 : memref<10240x8xf32, #tpu.memory_space<vmem_shared>>)
      %dma_wait3A_101 = arith.constant 0 : i32
      %dma_wait3A_102 = tpu.memref_slice %arg8[%add3A_60, %dma_wait3A_101] : memref<160x128xi32, #tpu.memory_space<vmem>> -> memref<1x128xi32, #tpu.memory_space<vmem>>
      %dma_wait3A_103 = tpu.memref_squeeze %dma_wait3A_102 : memref<1x128xi32, #tpu.memory_space<vmem>> -> memref<128xi32, #tpu.memory_space<vmem>>
      %dma_wait3A_104 = arith.constant 0 : i32
      %dma_wait3A_105 = arith.constant 0 : i32
      %dma_wait3A_106 = tpu.memref_slice %arg14[%dma_wait3A_104, %dma_wait3A_105] : memref<10240x8xf32, #tpu.memory_space<vmem_shared>> -> memref<10240x8xf32, #tpu.memory_space<vmem_shared>>
      tpu.wait_indirect_dma semaphore(%arg19 : memref<!tpu.dma_semaphore, #tpu.memory_space<semaphore_mem>>) src(%arg10 : memref<128x8xf32, #tpu.memory_space<vmem>>) dst(%dma_wait3A_106 : memref<10240x8xf32, #tpu.memory_space<vmem_shared>>)
      %dma_wait3A_107 = arith.constant 0 : i32
      %dma_wait3A_108 = tpu.memref_slice %arg8[%add3A_74, %dma_wait3A_107] : memref<160x128xi32, #tpu.memory_space<vmem>> -> memref<1x128xi32, #tpu.memory_space<vmem>>
      %dma_wait3A_109 = tpu.memref_squeeze %dma_wait3A_108 : memref<1x128xi32, #tpu.memory_space<vmem>> -> memref<128xi32, #tpu.memory_space<vmem>>
      %dma_wait3A_110 = arith.constant 0 : i32
      %dma_wait3A_111 = arith.constant 0 : i32
      %dma_wait3A_112 = tpu.memref_slice %arg14[%dma_wait3A_110, %dma_wait3A_111] : memref<10240x8xf32, #tpu.memory_space<vmem_shared>> -> memref<10240x8xf32, #tpu.memory_space<vmem_shared>>
      tpu.wait_indirect_dma semaphore(%arg19 : memref<!tpu.dma_semaphore, #tpu.memory_space<semaphore_mem>>) src(%arg11 : memref<128x8xf32, #tpu.memory_space<vmem>>) dst(%dma_wait3A_112 : memref<10240x8xf32, #tpu.memory_space<vmem_shared>>)
      %dma_wait3A_113 = arith.constant 0 : i32
      %dma_wait3A_114 = tpu.memref_slice %arg8[%add3A_88, %dma_wait3A_113] : memref<160x128xi32, #tpu.memory_space<vmem>> -> memref<1x128xi32, #tpu.memory_space<vmem>>
      %dma_wait3A_115 = tpu.memref_squeeze %dma_wait3A_114 : memref<1x128xi32, #tpu.memory_space<vmem>> -> memref<128xi32, #tpu.memory_space<vmem>>
      %dma_wait3A_116 = arith.constant 0 : i32
      %dma_wait3A_117 = arith.constant 0 : i32
      %dma_wait3A_118 = tpu.memref_slice %arg14[%dma_wait3A_116, %dma_wait3A_117] : memref<10240x8xf32, #tpu.memory_space<vmem_shared>> -> memref<10240x8xf32, #tpu.memory_space<vmem_shared>>
      tpu.wait_indirect_dma semaphore(%arg19 : memref<!tpu.dma_semaphore, #tpu.memory_space<semaphore_mem>>) src(%arg12 : memref<128x8xf32, #tpu.memory_space<vmem>>) dst(%dma_wait3A_118 : memref<10240x8xf32, #tpu.memory_space<vmem_shared>>)
    }
    %scan3A_5 = arith.constant 40 : i32
    %barrier3A_6 = arith.constant 0 : index
    tpu.barrier barrier_id(%barrier3A_6)
    "tpu.region"() ({
      %run_scoped3A = tpu.sem_alloc : memref<!tpu.dma_semaphore, #tpu.memory_space<semaphore_mem>>
      %dma_start3A = arith.constant 0 : i32
      %dma_start3A_7 = tpu.memref_slice %arg14[%mul3A_0, %dma_start3A] : memref<10240x8xf32, #tpu.memory_space<vmem_shared>> -> memref<640x8xf32, #tpu.memory_space<vmem_shared>>
      %dma_start3A_8 = arith.constant 0 : i32
      %dma_start3A_9 = tpu.memref_slice %arg14[%mul3A_0, %dma_start3A_8] : memref<10240x8xf32, #tpu.memory_space<vmem_shared>> -> memref<640x8xf32, #tpu.memory_space<vmem_shared>>
      tpu.enqueue_dma source(%dma_start3A_9 : memref<640x8xf32, #tpu.memory_space<vmem_shared>>) target(%arg13 : memref<640x8xf32, #tpu.memory_space<vmem>>) target_semaphore(%run_scoped3A : memref<!tpu.dma_semaphore, #tpu.memory_space<semaphore_mem>>)
      %dma_wait3A = arith.constant 0 : i32
      %dma_wait3A_10 = tpu.memref_slice %arg14[%mul3A_0, %dma_wait3A] : memref<10240x8xf32, #tpu.memory_space<vmem_shared>> -> memref<640x8xf32, #tpu.memory_space<vmem_shared>>
      %dma_wait3A_11 = arith.constant 0 : i32
      %dma_wait3A_12 = tpu.memref_slice %arg14[%mul3A_0, %dma_wait3A_11] : memref<10240x8xf32, #tpu.memory_space<vmem_shared>> -> memref<640x8xf32, #tpu.memory_space<vmem_shared>>
      tpu.wait_dma2 semaphore(%run_scoped3A : memref<!tpu.dma_semaphore, #tpu.memory_space<semaphore_mem>>) src(%dma_wait3A_12 : memref<640x8xf32, #tpu.memory_space<vmem_shared>>) dst(%arg13 : memref<640x8xf32, #tpu.memory_space<vmem>>)
      tpu.yield
    }) : () -> ()
    "tpu.region"() ({
      %run_scoped3A = tpu.sem_alloc : memref<!tpu.dma_semaphore, #tpu.memory_space<semaphore_mem>>
      %dma_start3A = arith.constant 0 : i32
      %dma_start3A_7 = tpu.memref_slice %arg6[%arg0, %mul3A_0, %dma_start3A] : memref<2x10240x8xf32, #tpu.memory_space<hbm>> -> memref<1x640x8xf32, #tpu.memory_space<hbm>>
      %dma_start3A_8 = tpu.memref_squeeze %dma_start3A_7 : memref<1x640x8xf32, #tpu.memory_space<hbm>> -> memref<640x8xf32, #tpu.memory_space<hbm>>
      %dma_start3A_9 = arith.constant 0 : i32
      %dma_start3A_10 = tpu.memref_slice %arg6[%arg0, %mul3A_0, %dma_start3A_9] : memref<2x10240x8xf32, #tpu.memory_space<hbm>> -> memref<1x640x8xf32, #tpu.memory_space<hbm>>
      %dma_start3A_11 = tpu.memref_squeeze %dma_start3A_10 : memref<1x640x8xf32, #tpu.memory_space<hbm>> -> memref<640x8xf32, #tpu.memory_space<hbm>>
      tpu.enqueue_dma source(%arg13 : memref<640x8xf32, #tpu.memory_space<vmem>>) target(%dma_start3A_11 : memref<640x8xf32, #tpu.memory_space<hbm>>) target_semaphore(%run_scoped3A : memref<!tpu.dma_semaphore, #tpu.memory_space<semaphore_mem>>)
      %dma_wait3A = arith.constant 0 : i32
      %dma_wait3A_12 = tpu.memref_slice %arg6[%arg0, %mul3A_0, %dma_wait3A] : memref<2x10240x8xf32, #tpu.memory_space<hbm>> -> memref<1x640x8xf32, #tpu.memory_space<hbm>>
      %dma_wait3A_13 = tpu.memref_squeeze %dma_wait3A_12 : memref<1x640x8xf32, #tpu.memory_space<hbm>> -> memref<640x8xf32, #tpu.memory_space<hbm>>
      %dma_wait3A_14 = arith.constant 0 : i32
      %dma_wait3A_15 = tpu.memref_slice %arg6[%arg0, %mul3A_0, %dma_wait3A_14] : memref<2x10240x8xf32, #tpu.memory_space<hbm>> -> memref<1x640x8xf32, #tpu.memory_space<hbm>>
      %dma_wait3A_16 = tpu.memref_squeeze %dma_wait3A_15 : memref<1x640x8xf32, #tpu.memory_space<hbm>> -> memref<640x8xf32, #tpu.memory_space<hbm>>
      tpu.wait_dma2 semaphore(%run_scoped3A : memref<!tpu.dma_semaphore, #tpu.memory_space<semaphore_mem>>) src(%arg13 : memref<640x8xf32, #tpu.memory_space<vmem>>) dst(%dma_wait3A_16 : memref<640x8xf32, #tpu.memory_space<hbm>>)
      tpu.yield
    }) : () -> ()
    return
  }
}

#map = affine_map<(d0, d1) -> (0, 0, 0)>
#map1 = affine_map<(d0, d1) -> (0, 0)>
#map2 = affine_map<(d0, d1) -> (0)>
#map3 = affine_map<(d0, d1) -> (0, 0, 0, 0)>
module attributes {stable_mosaic.version = 14 : i64} {
  func.func @_r2_body(%arg0: i32, %arg1: i32, %arg2: memref<2x10240x8xf32, #tpu.memory_space<hbm>>, %arg3: memref<2x10240xf32, #tpu.memory_space<hbm>>, %arg4: memref<10240xf32, #tpu.memory_space<hbm>>, %arg5: memref<8x16xf32, #tpu.memory_space<hbm>>, %arg6: memref<2x16xi32, #tpu.memory_space<hbm>>, %arg7: memref<2x16x160x128xi32, #tpu.memory_space<hbm>>, %arg8: memref<2x16x160x128xi32, #tpu.memory_space<hbm>>, %arg9: memref<640x4xf32, #tpu.memory_space<hbm>>, %arg10: memref<20480x4xf32, #tpu.memory_space<hbm>>, %arg11: memref<2x10240x4xf32, #tpu.memory_space<hbm>>, %arg12: memref<10240xf32, #tpu.memory_space<hbm>>, %arg13: memref<640x8xf32, #tpu.memory_space<vmem>>, %arg14: memref<640x8xf32, #tpu.memory_space<vmem>>, %arg15: memref<640xf32, #tpu.memory_space<vmem>>, %arg16: memref<640xf32, #tpu.memory_space<vmem>>, %arg17: memref<640xf32, #tpu.memory_space<vmem>>, %arg18: memref<8x16xf32, #tpu.memory_space<vmem>>, %arg19: memref<16xi32, #tpu.memory_space<vmem>>, %arg20: memref<640x4xf32, #tpu.memory_space<vmem>>, %arg21: memref<160x128xi32, #tpu.memory_space<vmem>>, %arg22: memref<160x128xi32, #tpu.memory_space<vmem>>, %arg23: memref<128x4xf32, #tpu.memory_space<vmem>>, %arg24: memref<128x4xf32, #tpu.memory_space<vmem>>, %arg25: memref<128x4xf32, #tpu.memory_space<vmem>>, %arg26: memref<128x4xf32, #tpu.memory_space<vmem>>, %arg27: memref<640x4xf32, #tpu.memory_space<vmem>>, %arg28: memref<10240x4xf32, #tpu.memory_space<vmem_shared>>, %arg29: memref<!tpu.dma_semaphore, #tpu.memory_space<semaphore_mem>>, %arg30: memref<!tpu.dma_semaphore, #tpu.memory_space<semaphore_mem>>, %arg31: memref<!tpu.dma_semaphore, #tpu.memory_space<semaphore_mem>>, %arg32: memref<!tpu.dma_semaphore, #tpu.memory_space<semaphore_mem>>, %arg33: memref<!tpu.dma_semaphore, #tpu.memory_space<semaphore_mem>>) attributes {dimension_semantics = [#tpu.dimension_semantics<core_parallel>, #tpu.dimension_semantics<subcore_parallel>], iteration_bounds = array<i64: 2, 16>, scalar_prefetch = 0 : i64, scratch_operands = 21 : i64, tpu.core_type = #tpu.core_type<sc_vector_subcore>, window_params = [{transform_indices = #map}, {transform_indices = #map1}, {transform_indices = #map2}, {transform_indices = #map1}, {transform_indices = #map1}, {transform_indices = #map3}, {transform_indices = #map3}, {transform_indices = #map1}, {transform_indices = #map1}, {transform_indices = #map}, {transform_indices = #map2}]} {
    %mul3A = arith.constant 640 : i32
    %mul3A_0 = arith.muli %arg1, %mul3A : i32
    %run_scoped3A = arith.constant 0 : i32
    "tpu.region"() ({
      %run_scoped3A_37 = tpu.sem_alloc : memref<!tpu.dma_semaphore, #tpu.memory_space<semaphore_mem>>
      %dma_start3A = arith.constant 0 : i32
      %dma_start3A_38 = tpu.memref_slice %arg2[%run_scoped3A, %mul3A_0, %dma_start3A] : memref<2x10240x8xf32, #tpu.memory_space<hbm>> -> memref<1x640x8xf32, #tpu.memory_space<hbm>>
      %dma_start3A_39 = tpu.memref_squeeze %dma_start3A_38 : memref<1x640x8xf32, #tpu.memory_space<hbm>> -> memref<640x8xf32, #tpu.memory_space<hbm>>
      %dma_start3A_40 = arith.constant 0 : i32
      %dma_start3A_41 = tpu.memref_slice %arg2[%run_scoped3A, %mul3A_0, %dma_start3A_40] : memref<2x10240x8xf32, #tpu.memory_space<hbm>> -> memref<1x640x8xf32, #tpu.memory_space<hbm>>
      %dma_start3A_42 = tpu.memref_squeeze %dma_start3A_41 : memref<1x640x8xf32, #tpu.memory_space<hbm>> -> memref<640x8xf32, #tpu.memory_space<hbm>>
      tpu.enqueue_dma source(%dma_start3A_42 : memref<640x8xf32, #tpu.memory_space<hbm>>) target(%arg13 : memref<640x8xf32, #tpu.memory_space<vmem>>) target_semaphore(%run_scoped3A_37 : memref<!tpu.dma_semaphore, #tpu.memory_space<semaphore_mem>>)
      %dma_wait3A = arith.constant 0 : i32
      %dma_wait3A_43 = tpu.memref_slice %arg2[%run_scoped3A, %mul3A_0, %dma_wait3A] : memref<2x10240x8xf32, #tpu.memory_space<hbm>> -> memref<1x640x8xf32, #tpu.memory_space<hbm>>
      %dma_wait3A_44 = tpu.memref_squeeze %dma_wait3A_43 : memref<1x640x8xf32, #tpu.memory_space<hbm>> -> memref<640x8xf32, #tpu.memory_space<hbm>>
      %dma_wait3A_45 = arith.constant 0 : i32
      %dma_wait3A_46 = tpu.memref_slice %arg2[%run_scoped3A, %mul3A_0, %dma_wait3A_45] : memref<2x10240x8xf32, #tpu.memory_space<hbm>> -> memref<1x640x8xf32, #tpu.memory_space<hbm>>
      %dma_wait3A_47 = tpu.memref_squeeze %dma_wait3A_46 : memref<1x640x8xf32, #tpu.memory_space<hbm>> -> memref<640x8xf32, #tpu.memory_space<hbm>>
      tpu.wait_dma2 semaphore(%run_scoped3A_37 : memref<!tpu.dma_semaphore, #tpu.memory_space<semaphore_mem>>) src(%dma_wait3A_47 : memref<640x8xf32, #tpu.memory_space<hbm>>) dst(%arg13 : memref<640x8xf32, #tpu.memory_space<vmem>>)
      tpu.yield
    }) : () -> ()
    %run_scoped3A_1 = arith.constant 1 : i32
    "tpu.region"() ({
      %run_scoped3A_37 = tpu.sem_alloc : memref<!tpu.dma_semaphore, #tpu.memory_space<semaphore_mem>>
      %dma_start3A = arith.constant 0 : i32
      %dma_start3A_38 = tpu.memref_slice %arg2[%run_scoped3A_1, %mul3A_0, %dma_start3A] : memref<2x10240x8xf32, #tpu.memory_space<hbm>> -> memref<1x640x8xf32, #tpu.memory_space<hbm>>
      %dma_start3A_39 = tpu.memref_squeeze %dma_start3A_38 : memref<1x640x8xf32, #tpu.memory_space<hbm>> -> memref<640x8xf32, #tpu.memory_space<hbm>>
      %dma_start3A_40 = arith.constant 0 : i32
      %dma_start3A_41 = tpu.memref_slice %arg2[%run_scoped3A_1, %mul3A_0, %dma_start3A_40] : memref<2x10240x8xf32, #tpu.memory_space<hbm>> -> memref<1x640x8xf32, #tpu.memory_space<hbm>>
      %dma_start3A_42 = tpu.memref_squeeze %dma_start3A_41 : memref<1x640x8xf32, #tpu.memory_space<hbm>> -> memref<640x8xf32, #tpu.memory_space<hbm>>
      tpu.enqueue_dma source(%dma_start3A_42 : memref<640x8xf32, #tpu.memory_space<hbm>>) target(%arg14 : memref<640x8xf32, #tpu.memory_space<vmem>>) target_semaphore(%run_scoped3A_37 : memref<!tpu.dma_semaphore, #tpu.memory_space<semaphore_mem>>)
      %dma_wait3A = arith.constant 0 : i32
      %dma_wait3A_43 = tpu.memref_slice %arg2[%run_scoped3A_1, %mul3A_0, %dma_wait3A] : memref<2x10240x8xf32, #tpu.memory_space<hbm>> -> memref<1x640x8xf32, #tpu.memory_space<hbm>>
      %dma_wait3A_44 = tpu.memref_squeeze %dma_wait3A_43 : memref<1x640x8xf32, #tpu.memory_space<hbm>> -> memref<640x8xf32, #tpu.memory_space<hbm>>
      %dma_wait3A_45 = arith.constant 0 : i32
      %dma_wait3A_46 = tpu.memref_slice %arg2[%run_scoped3A_1, %mul3A_0, %dma_wait3A_45] : memref<2x10240x8xf32, #tpu.memory_space<hbm>> -> memref<1x640x8xf32, #tpu.memory_space<hbm>>
      %dma_wait3A_47 = tpu.memref_squeeze %dma_wait3A_46 : memref<1x640x8xf32, #tpu.memory_space<hbm>> -> memref<640x8xf32, #tpu.memory_space<hbm>>
      tpu.wait_dma2 semaphore(%run_scoped3A_37 : memref<!tpu.dma_semaphore, #tpu.memory_space<semaphore_mem>>) src(%dma_wait3A_47 : memref<640x8xf32, #tpu.memory_space<hbm>>) dst(%arg14 : memref<640x8xf32, #tpu.memory_space<vmem>>)
      tpu.yield
    }) : () -> ()
    %run_scoped3A_2 = arith.constant 0 : i32
    "tpu.region"() ({
      %run_scoped3A_37 = tpu.sem_alloc : memref<!tpu.dma_semaphore, #tpu.memory_space<semaphore_mem>>
      %dma_start3A = tpu.memref_slice %arg3[%run_scoped3A_2, %mul3A_0] : memref<2x10240xf32, #tpu.memory_space<hbm>> -> memref<1x640xf32, #tpu.memory_space<hbm>>
      %dma_start3A_38 = tpu.memref_squeeze %dma_start3A : memref<1x640xf32, #tpu.memory_space<hbm>> -> memref<640xf32, #tpu.memory_space<hbm>>
      %dma_start3A_39 = tpu.memref_slice %arg3[%run_scoped3A_2, %mul3A_0] : memref<2x10240xf32, #tpu.memory_space<hbm>> -> memref<1x640xf32, #tpu.memory_space<hbm>>
      %dma_start3A_40 = tpu.memref_squeeze %dma_start3A_39 : memref<1x640xf32, #tpu.memory_space<hbm>> -> memref<640xf32, #tpu.memory_space<hbm>>
      tpu.enqueue_dma source(%dma_start3A_40 : memref<640xf32, #tpu.memory_space<hbm>>) target(%arg15 : memref<640xf32, #tpu.memory_space<vmem>>) target_semaphore(%run_scoped3A_37 : memref<!tpu.dma_semaphore, #tpu.memory_space<semaphore_mem>>)
      %dma_wait3A = tpu.memref_slice %arg3[%run_scoped3A_2, %mul3A_0] : memref<2x10240xf32, #tpu.memory_space<hbm>> -> memref<1x640xf32, #tpu.memory_space<hbm>>
      %dma_wait3A_41 = tpu.memref_squeeze %dma_wait3A : memref<1x640xf32, #tpu.memory_space<hbm>> -> memref<640xf32, #tpu.memory_space<hbm>>
      %dma_wait3A_42 = tpu.memref_slice %arg3[%run_scoped3A_2, %mul3A_0] : memref<2x10240xf32, #tpu.memory_space<hbm>> -> memref<1x640xf32, #tpu.memory_space<hbm>>
      %dma_wait3A_43 = tpu.memref_squeeze %dma_wait3A_42 : memref<1x640xf32, #tpu.memory_space<hbm>> -> memref<640xf32, #tpu.memory_space<hbm>>
      tpu.wait_dma2 semaphore(%run_scoped3A_37 : memref<!tpu.dma_semaphore, #tpu.memory_space<semaphore_mem>>) src(%dma_wait3A_43 : memref<640xf32, #tpu.memory_space<hbm>>) dst(%arg15 : memref<640xf32, #tpu.memory_space<vmem>>)
      tpu.yield
    }) : () -> ()
    %run_scoped3A_3 = arith.constant 1 : i32
    "tpu.region"() ({
      %run_scoped3A_37 = tpu.sem_alloc : memref<!tpu.dma_semaphore, #tpu.memory_space<semaphore_mem>>
      %dma_start3A = tpu.memref_slice %arg3[%run_scoped3A_3, %mul3A_0] : memref<2x10240xf32, #tpu.memory_space<hbm>> -> memref<1x640xf32, #tpu.memory_space<hbm>>
      %dma_start3A_38 = tpu.memref_squeeze %dma_start3A : memref<1x640xf32, #tpu.memory_space<hbm>> -> memref<640xf32, #tpu.memory_space<hbm>>
      %dma_start3A_39 = tpu.memref_slice %arg3[%run_scoped3A_3, %mul3A_0] : memref<2x10240xf32, #tpu.memory_space<hbm>> -> memref<1x640xf32, #tpu.memory_space<hbm>>
      %dma_start3A_40 = tpu.memref_squeeze %dma_start3A_39 : memref<1x640xf32, #tpu.memory_space<hbm>> -> memref<640xf32, #tpu.memory_space<hbm>>
      tpu.enqueue_dma source(%dma_start3A_40 : memref<640xf32, #tpu.memory_space<hbm>>) target(%arg16 : memref<640xf32, #tpu.memory_space<vmem>>) target_semaphore(%run_scoped3A_37 : memref<!tpu.dma_semaphore, #tpu.memory_space<semaphore_mem>>)
      %dma_wait3A = tpu.memref_slice %arg3[%run_scoped3A_3, %mul3A_0] : memref<2x10240xf32, #tpu.memory_space<hbm>> -> memref<1x640xf32, #tpu.memory_space<hbm>>
      %dma_wait3A_41 = tpu.memref_squeeze %dma_wait3A : memref<1x640xf32, #tpu.memory_space<hbm>> -> memref<640xf32, #tpu.memory_space<hbm>>
      %dma_wait3A_42 = tpu.memref_slice %arg3[%run_scoped3A_3, %mul3A_0] : memref<2x10240xf32, #tpu.memory_space<hbm>> -> memref<1x640xf32, #tpu.memory_space<hbm>>
      %dma_wait3A_43 = tpu.memref_squeeze %dma_wait3A_42 : memref<1x640xf32, #tpu.memory_space<hbm>> -> memref<640xf32, #tpu.memory_space<hbm>>
      tpu.wait_dma2 semaphore(%run_scoped3A_37 : memref<!tpu.dma_semaphore, #tpu.memory_space<semaphore_mem>>) src(%dma_wait3A_43 : memref<640xf32, #tpu.memory_space<hbm>>) dst(%arg16 : memref<640xf32, #tpu.memory_space<vmem>>)
      tpu.yield
    }) : () -> ()
    "tpu.region"() ({
      %run_scoped3A_37 = tpu.sem_alloc : memref<!tpu.dma_semaphore, #tpu.memory_space<semaphore_mem>>
      tpu.enqueue_dma source(%arg5 : memref<8x16xf32, #tpu.memory_space<hbm>>) target(%arg18 : memref<8x16xf32, #tpu.memory_space<vmem>>) target_semaphore(%run_scoped3A_37 : memref<!tpu.dma_semaphore, #tpu.memory_space<semaphore_mem>>)
      tpu.wait_dma2 semaphore(%run_scoped3A_37 : memref<!tpu.dma_semaphore, #tpu.memory_space<semaphore_mem>>) src(%arg5 : memref<8x16xf32, #tpu.memory_space<hbm>>) dst(%arg18 : memref<8x16xf32, #tpu.memory_space<vmem>>)
      tpu.yield
    }) : () -> ()
    "tpu.region"() ({
      %run_scoped3A_37 = tpu.sem_alloc : memref<!tpu.dma_semaphore, #tpu.memory_space<semaphore_mem>>
      %dma_start3A = arith.constant 0 : i32
      %dma_start3A_38 = tpu.memref_slice %arg6[%arg0, %dma_start3A] : memref<2x16xi32, #tpu.memory_space<hbm>> -> memref<1x16xi32, #tpu.memory_space<hbm>>
      %dma_start3A_39 = tpu.memref_squeeze %dma_start3A_38 : memref<1x16xi32, #tpu.memory_space<hbm>> -> memref<16xi32, #tpu.memory_space<hbm>>
      %dma_start3A_40 = arith.constant 0 : i32
      %dma_start3A_41 = tpu.memref_slice %arg6[%arg0, %dma_start3A_40] : memref<2x16xi32, #tpu.memory_space<hbm>> -> memref<1x16xi32, #tpu.memory_space<hbm>>
      %dma_start3A_42 = tpu.memref_squeeze %dma_start3A_41 : memref<1x16xi32, #tpu.memory_space<hbm>> -> memref<16xi32, #tpu.memory_space<hbm>>
      tpu.enqueue_dma source(%dma_start3A_42 : memref<16xi32, #tpu.memory_space<hbm>>) target(%arg19 : memref<16xi32, #tpu.memory_space<vmem>>) target_semaphore(%run_scoped3A_37 : memref<!tpu.dma_semaphore, #tpu.memory_space<semaphore_mem>>)
      %dma_wait3A = arith.constant 0 : i32
      %dma_wait3A_43 = tpu.memref_slice %arg6[%arg0, %dma_wait3A] : memref<2x16xi32, #tpu.memory_space<hbm>> -> memref<1x16xi32, #tpu.memory_space<hbm>>
      %dma_wait3A_44 = tpu.memref_squeeze %dma_wait3A_43 : memref<1x16xi32, #tpu.memory_space<hbm>> -> memref<16xi32, #tpu.memory_space<hbm>>
      %dma_wait3A_45 = arith.constant 0 : i32
      %dma_wait3A_46 = tpu.memref_slice %arg6[%arg0, %dma_wait3A_45] : memref<2x16xi32, #tpu.memory_space<hbm>> -> memref<1x16xi32, #tpu.memory_space<hbm>>
      %dma_wait3A_47 = tpu.memref_squeeze %dma_wait3A_46 : memref<1x16xi32, #tpu.memory_space<hbm>> -> memref<16xi32, #tpu.memory_space<hbm>>
      tpu.wait_dma2 semaphore(%run_scoped3A_37 : memref<!tpu.dma_semaphore, #tpu.memory_space<semaphore_mem>>) src(%dma_wait3A_47 : memref<16xi32, #tpu.memory_space<hbm>>) dst(%arg19 : memref<16xi32, #tpu.memory_space<vmem>>)
      tpu.yield
    }) : () -> ()
    "tpu.region"() ({
      %run_scoped3A_37 = tpu.sem_alloc : memref<!tpu.dma_semaphore, #tpu.memory_space<semaphore_mem>>
      %dma_start3A = arith.constant 0 : i32
      %dma_start3A_38 = arith.constant 0 : i32
      %dma_start3A_39 = tpu.memref_slice %arg7[%arg0, %arg1, %dma_start3A, %dma_start3A_38] : memref<2x16x160x128xi32, #tpu.memory_space<hbm>> -> memref<1x1x160x128xi32, #tpu.memory_space<hbm>>
      %dma_start3A_40 = tpu.memref_squeeze %dma_start3A_39 : memref<1x1x160x128xi32, #tpu.memory_space<hbm>> -> memref<160x128xi32, #tpu.memory_space<hbm>>
      %dma_start3A_41 = arith.constant 0 : i32
      %dma_start3A_42 = arith.constant 0 : i32
      %dma_start3A_43 = tpu.memref_slice %arg7[%arg0, %arg1, %dma_start3A_41, %dma_start3A_42] : memref<2x16x160x128xi32, #tpu.memory_space<hbm>> -> memref<1x1x160x128xi32, #tpu.memory_space<hbm>>
      %dma_start3A_44 = tpu.memref_squeeze %dma_start3A_43 : memref<1x1x160x128xi32, #tpu.memory_space<hbm>> -> memref<160x128xi32, #tpu.memory_space<hbm>>
      tpu.enqueue_dma source(%dma_start3A_44 : memref<160x128xi32, #tpu.memory_space<hbm>>) target(%arg21 : memref<160x128xi32, #tpu.memory_space<vmem>>) target_semaphore(%run_scoped3A_37 : memref<!tpu.dma_semaphore, #tpu.memory_space<semaphore_mem>>)
      %dma_wait3A = arith.constant 0 : i32
      %dma_wait3A_45 = arith.constant 0 : i32
      %dma_wait3A_46 = tpu.memref_slice %arg7[%arg0, %arg1, %dma_wait3A, %dma_wait3A_45] : memref<2x16x160x128xi32, #tpu.memory_space<hbm>> -> memref<1x1x160x128xi32, #tpu.memory_space<hbm>>
      %dma_wait3A_47 = tpu.memref_squeeze %dma_wait3A_46 : memref<1x1x160x128xi32, #tpu.memory_space<hbm>> -> memref<160x128xi32, #tpu.memory_space<hbm>>
      %dma_wait3A_48 = arith.constant 0 : i32
      %dma_wait3A_49 = arith.constant 0 : i32
      %dma_wait3A_50 = tpu.memref_slice %arg7[%arg0, %arg1, %dma_wait3A_48, %dma_wait3A_49] : memref<2x16x160x128xi32, #tpu.memory_space<hbm>> -> memref<1x1x160x128xi32, #tpu.memory_space<hbm>>
      %dma_wait3A_51 = tpu.memref_squeeze %dma_wait3A_50 : memref<1x1x160x128xi32, #tpu.memory_space<hbm>> -> memref<160x128xi32, #tpu.memory_space<hbm>>
      tpu.wait_dma2 semaphore(%run_scoped3A_37 : memref<!tpu.dma_semaphore, #tpu.memory_space<semaphore_mem>>) src(%dma_wait3A_51 : memref<160x128xi32, #tpu.memory_space<hbm>>) dst(%arg21 : memref<160x128xi32, #tpu.memory_space<vmem>>)
      tpu.yield
    }) : () -> ()
    "tpu.region"() ({
      %run_scoped3A_37 = tpu.sem_alloc : memref<!tpu.dma_semaphore, #tpu.memory_space<semaphore_mem>>
      %dma_start3A = arith.constant 0 : i32
      %dma_start3A_38 = arith.constant 0 : i32
      %dma_start3A_39 = tpu.memref_slice %arg8[%arg0, %arg1, %dma_start3A, %dma_start3A_38] : memref<2x16x160x128xi32, #tpu.memory_space<hbm>> -> memref<1x1x160x128xi32, #tpu.memory_space<hbm>>
      %dma_start3A_40 = tpu.memref_squeeze %dma_start3A_39 : memref<1x1x160x128xi32, #tpu.memory_space<hbm>> -> memref<160x128xi32, #tpu.memory_space<hbm>>
      %dma_start3A_41 = arith.constant 0 : i32
      %dma_start3A_42 = arith.constant 0 : i32
      %dma_start3A_43 = tpu.memref_slice %arg8[%arg0, %arg1, %dma_start3A_41, %dma_start3A_42] : memref<2x16x160x128xi32, #tpu.memory_space<hbm>> -> memref<1x1x160x128xi32, #tpu.memory_space<hbm>>
      %dma_start3A_44 = tpu.memref_squeeze %dma_start3A_43 : memref<1x1x160x128xi32, #tpu.memory_space<hbm>> -> memref<160x128xi32, #tpu.memory_space<hbm>>
      tpu.enqueue_dma source(%dma_start3A_44 : memref<160x128xi32, #tpu.memory_space<hbm>>) target(%arg22 : memref<160x128xi32, #tpu.memory_space<vmem>>) target_semaphore(%run_scoped3A_37 : memref<!tpu.dma_semaphore, #tpu.memory_space<semaphore_mem>>)
      %dma_wait3A = arith.constant 0 : i32
      %dma_wait3A_45 = arith.constant 0 : i32
      %dma_wait3A_46 = tpu.memref_slice %arg8[%arg0, %arg1, %dma_wait3A, %dma_wait3A_45] : memref<2x16x160x128xi32, #tpu.memory_space<hbm>> -> memref<1x1x160x128xi32, #tpu.memory_space<hbm>>
      %dma_wait3A_47 = tpu.memref_squeeze %dma_wait3A_46 : memref<1x1x160x128xi32, #tpu.memory_space<hbm>> -> memref<160x128xi32, #tpu.memory_space<hbm>>
      %dma_wait3A_48 = arith.constant 0 : i32
      %dma_wait3A_49 = arith.constant 0 : i32
      %dma_wait3A_50 = tpu.memref_slice %arg8[%arg0, %arg1, %dma_wait3A_48, %dma_wait3A_49] : memref<2x16x160x128xi32, #tpu.memory_space<hbm>> -> memref<1x1x160x128xi32, #tpu.memory_space<hbm>>
      %dma_wait3A_51 = tpu.memref_squeeze %dma_wait3A_50 : memref<1x1x160x128xi32, #tpu.memory_space<hbm>> -> memref<160x128xi32, #tpu.memory_space<hbm>>
      tpu.wait_dma2 semaphore(%run_scoped3A_37 : memref<!tpu.dma_semaphore, #tpu.memory_space<semaphore_mem>>) src(%dma_wait3A_51 : memref<160x128xi32, #tpu.memory_space<hbm>>) dst(%arg22 : memref<160x128xi32, #tpu.memory_space<vmem>>)
      tpu.yield
    }) : () -> ()
    "tpu.region"() ({
      %run_scoped3A_37 = tpu.sem_alloc : memref<!tpu.dma_semaphore, #tpu.memory_space<semaphore_mem>>
      tpu.enqueue_dma source(%arg9 : memref<640x4xf32, #tpu.memory_space<hbm>>) target(%arg27 : memref<640x4xf32, #tpu.memory_space<vmem>>) target_semaphore(%run_scoped3A_37 : memref<!tpu.dma_semaphore, #tpu.memory_space<semaphore_mem>>)
      tpu.wait_dma2 semaphore(%run_scoped3A_37 : memref<!tpu.dma_semaphore, #tpu.memory_space<semaphore_mem>>) src(%arg9 : memref<640x4xf32, #tpu.memory_space<hbm>>) dst(%arg27 : memref<640x4xf32, #tpu.memory_space<vmem>>)
      tpu.yield
    }) : () -> ()
    "tpu.region"() ({
      %run_scoped3A_37 = tpu.sem_alloc : memref<!tpu.dma_semaphore, #tpu.memory_space<semaphore_mem>>
      %dma_start3A = arith.constant 0 : i32
      %dma_start3A_38 = tpu.memref_slice %arg28[%mul3A_0, %dma_start3A] : memref<10240x4xf32, #tpu.memory_space<vmem_shared>> -> memref<640x4xf32, #tpu.memory_space<vmem_shared>>
      %dma_start3A_39 = arith.constant 0 : i32
      %dma_start3A_40 = tpu.memref_slice %arg28[%mul3A_0, %dma_start3A_39] : memref<10240x4xf32, #tpu.memory_space<vmem_shared>> -> memref<640x4xf32, #tpu.memory_space<vmem_shared>>
      tpu.enqueue_dma source(%arg27 : memref<640x4xf32, #tpu.memory_space<vmem>>) target(%dma_start3A_40 : memref<640x4xf32, #tpu.memory_space<vmem_shared>>) target_semaphore(%run_scoped3A_37 : memref<!tpu.dma_semaphore, #tpu.memory_space<semaphore_mem>>)
      %dma_wait3A = arith.constant 0 : i32
      %dma_wait3A_41 = tpu.memref_slice %arg28[%mul3A_0, %dma_wait3A] : memref<10240x4xf32, #tpu.memory_space<vmem_shared>> -> memref<640x4xf32, #tpu.memory_space<vmem_shared>>
      %dma_wait3A_42 = arith.constant 0 : i32
      %dma_wait3A_43 = tpu.memref_slice %arg28[%mul3A_0, %dma_wait3A_42] : memref<10240x4xf32, #tpu.memory_space<vmem_shared>> -> memref<640x4xf32, #tpu.memory_space<vmem_shared>>
      tpu.wait_dma2 semaphore(%run_scoped3A_37 : memref<!tpu.dma_semaphore, #tpu.memory_space<semaphore_mem>>) src(%arg27 : memref<640x4xf32, #tpu.memory_space<vmem>>) dst(%dma_wait3A_43 : memref<640x4xf32, #tpu.memory_space<vmem_shared>>)
      tpu.yield
    }) : () -> ()
    "tpu.region"() ({
      %run_scoped3A_37 = tpu.sem_alloc : memref<!tpu.dma_semaphore, #tpu.memory_space<semaphore_mem>>
      %dma_start3A = tpu.memref_slice %arg4[%mul3A_0] : memref<10240xf32, #tpu.memory_space<hbm>> -> memref<640xf32, #tpu.memory_space<hbm>>
      %dma_start3A_38 = tpu.memref_slice %arg4[%mul3A_0] : memref<10240xf32, #tpu.memory_space<hbm>> -> memref<640xf32, #tpu.memory_space<hbm>>
      tpu.enqueue_dma source(%dma_start3A_38 : memref<640xf32, #tpu.memory_space<hbm>>) target(%arg17 : memref<640xf32, #tpu.memory_space<vmem>>) target_semaphore(%run_scoped3A_37 : memref<!tpu.dma_semaphore, #tpu.memory_space<semaphore_mem>>)
      %dma_wait3A = tpu.memref_slice %arg4[%mul3A_0] : memref<10240xf32, #tpu.memory_space<hbm>> -> memref<640xf32, #tpu.memory_space<hbm>>
      %dma_wait3A_39 = tpu.memref_slice %arg4[%mul3A_0] : memref<10240xf32, #tpu.memory_space<hbm>> -> memref<640xf32, #tpu.memory_space<hbm>>
      tpu.wait_dma2 semaphore(%run_scoped3A_37 : memref<!tpu.dma_semaphore, #tpu.memory_space<semaphore_mem>>) src(%dma_wait3A_39 : memref<640xf32, #tpu.memory_space<hbm>>) dst(%arg17 : memref<640xf32, #tpu.memory_space<vmem>>)
      tpu.yield
    }) : () -> ()
    %iota3A = tpu.iota {dimensions = array<i32: 0>} : vector<16xi32>
    %shift_right_logical3A = arith.constant 2 : i32
    %shift_right_logical3A_4 = vector.broadcast %shift_right_logical3A : i32 to vector<16xi32>
    %shift_right_logical3A_5 = arith.shrui %iota3A, %shift_right_logical3A_4 : vector<16xi32>
    %and3A = arith.constant 3 : i32
    %and3A_6 = vector.broadcast %and3A : i32 to vector<16xi32>
    %and3A_7 = arith.andi %iota3A, %and3A_6 : vector<16xi32>
    %eq3A = arith.constant 0 : i32
    %eq3A_8 = arith.cmpi eq, %arg0, %eq3A : i32
    %get3A = arith.constant 0 : index
    %get3A_9 = tpu.vector_load %arg19[%get3A] {strides = array<i32>} : memref<16xi32, #tpu.memory_space<vmem>>, vector<16xi32>,
    %get3A_10 = arith.constant 0 : i32
    %get3A_11 = arith.index_cast %get3A_10 : i32 to index
    %get3A_12 = arith.constant 0 : index
    %get3A_13 = tpu.vector_load %arg18[%get3A_11, %get3A_12] {strides = array<i32>} : memref<8x16xf32, #tpu.memory_space<vmem>>, vector<16xf32>,
    %get3A_14 = arith.constant 1 : i32
    %get3A_15 = arith.index_cast %get3A_14 : i32 to index
    %get3A_16 = arith.constant 0 : index
    %get3A_17 = tpu.vector_load %arg18[%get3A_15, %get3A_16] {strides = array<i32>} : memref<8x16xf32, #tpu.memory_space<vmem>>, vector<16xf32>,
    %select_n3A = arith.select %eq3A_8, %get3A_13, %get3A_17 : vector<16xf32>
    %scan3A = arith.constant 0 : i32
    %scan3A_18 = arith.constant 0 : i32
    %scan3A_19 = arith.constant 160 : i32
    %scan3A_20 = arith.addi %scan3A_18, %scan3A_19 : i32
    %scan3A_21 = arith.constant 1 : i32
    scf.for %scan3A_37 = %scan3A_18 to %scan3A_20 step %scan3A_21  : i32 {
      %mul3A_38 = arith.constant 4 : i32
      %mul3A_39 = arith.muli %mul3A_38, %scan3A_37 : i32
      %add3A_40 = vector.broadcast %mul3A_39 : i32 to vector<16xi32>
      %add3A_41 = arith.addi %shift_right_logical3A_5, %add3A_40 : vector<16xi32>
      %gather3A = tpu.vector_load_idx %arg13[%add3A_41, %get3A_9] : memref<640x8xf32, #tpu.memory_space<vmem>>[vector<16xi32>, vector<16xi32>], vector<16xf32>,
      %gather3A_42 = tpu.vector_load_idx %arg14[%add3A_41, %get3A_9] : memref<640x8xf32, #tpu.memory_space<vmem>>[vector<16xi32>, vector<16xi32>], vector<16xf32>,
      %gather3A_43 = tpu.vector_load_idx %arg15[%add3A_41] : memref<640xf32, #tpu.memory_space<vmem>>[vector<16xi32>], vector<16xf32>,
      %gather3A_44 = tpu.vector_load_idx %arg16[%add3A_41] : memref<640xf32, #tpu.memory_space<vmem>>[vector<16xi32>], vector<16xf32>,
      %select_n3A_45 = arith.select %eq3A_8, %gather3A_43, %gather3A_44 : vector<16xf32>
      %mul3A_46 = arith.mulf %gather3A_43, %gather3A : vector<16xf32>
      %mul3A_47 = arith.mulf %gather3A_44, %gather3A_42 : vector<16xf32>
      %add3A_48 = arith.addf %mul3A_46, %mul3A_47 : vector<16xf32>
      %add3A_49 = arith.addf %add3A_48, %select_n3A : vector<16xf32>
      %mul3A_50 = arith.mulf %select_n3A_45, %add3A_49 : vector<16xf32>
      tpu.vector_store_idx %arg20[%add3A_41, %and3A_7], %mul3A_50 : memref<640x4xf32, #tpu.memory_space<vmem>>[vector<16xi32>, vector<16xi32>], vector<16xf32>,
    }
    %scan3A_22 = arith.constant 160 : i32
    %mul3A_23 = arith.constant 10240 : i32
    %mul3A_24 = arith.muli %arg0, %mul3A_23 : i32
    %mul3A_25 = arith.constant 640 : i32
    %mul3A_26 = arith.muli %arg1, %mul3A_25 : i32
    %add3A = arith.addi %mul3A_24, %mul3A_26 : i32
    "tpu.region"() ({
      %run_scoped3A_37 = tpu.sem_alloc : memref<!tpu.dma_semaphore, #tpu.memory_space<semaphore_mem>>
      %dma_start3A = arith.constant 0 : i32
      %dma_start3A_38 = tpu.memref_slice %arg10[%add3A, %dma_start3A] : memref<20480x4xf32, #tpu.memory_space<hbm>> -> memref<640x4xf32, #tpu.memory_space<hbm>>
      %dma_start3A_39 = arith.constant 0 : i32
      %dma_start3A_40 = tpu.memref_slice %arg10[%add3A, %dma_start3A_39] : memref<20480x4xf32, #tpu.memory_space<hbm>> -> memref<640x4xf32, #tpu.memory_space<hbm>>
      tpu.enqueue_dma source(%arg20 : memref<640x4xf32, #tpu.memory_space<vmem>>) target(%dma_start3A_40 : memref<640x4xf32, #tpu.memory_space<hbm>>) target_semaphore(%run_scoped3A_37 : memref<!tpu.dma_semaphore, #tpu.memory_space<semaphore_mem>>)
      %dma_wait3A = arith.constant 0 : i32
      %dma_wait3A_41 = tpu.memref_slice %arg10[%add3A, %dma_wait3A] : memref<20480x4xf32, #tpu.memory_space<hbm>> -> memref<640x4xf32, #tpu.memory_space<hbm>>
      %dma_wait3A_42 = arith.constant 0 : i32
      %dma_wait3A_43 = tpu.memref_slice %arg10[%add3A, %dma_wait3A_42] : memref<20480x4xf32, #tpu.memory_space<hbm>> -> memref<640x4xf32, #tpu.memory_space<hbm>>
      tpu.wait_dma2 semaphore(%run_scoped3A_37 : memref<!tpu.dma_semaphore, #tpu.memory_space<semaphore_mem>>) src(%arg20 : memref<640x4xf32, #tpu.memory_space<vmem>>) dst(%dma_wait3A_43 : memref<640x4xf32, #tpu.memory_space<hbm>>)
      tpu.yield
    }) : () -> ()
    %eq3A_27 = arith.constant 1 : i32
    %eq3A_28 = arith.cmpi eq, %arg0, %eq3A_27 : i32
    %convert_element_type3A = arith.extui %eq3A_28 : i1 to i32
    %cond3A = arith.constant 0 : i32
    %cond3A_29 = arith.cmpi ne, %convert_element_type3A, %cond3A : i32
    scf.if %cond3A_29 {
      %mul3A_37 = arith.constant 0 : i32
      %mul3A_38 = vector.broadcast %mul3A_37 : i32 to vector<16xi32>
      %mul3A_39 = arith.muli %iota3A, %mul3A_38 : vector<16xi32>
      %scan3A_40 = arith.constant 0 : i32
      %scan3A_41 = arith.constant 0 : i32
      %scan3A_42 = arith.constant 40 : i32
      %scan3A_43 = arith.addi %scan3A_41, %scan3A_42 : i32
      %scan3A_44 = arith.constant 1 : i32
      scf.for %scan3A_46 = %scan3A_41 to %scan3A_43 step %scan3A_44  : i32 {
        %mul3A_47 = arith.constant 16 : i32
        %mul3A_48 = arith.muli %mul3A_47, %scan3A_46 : i32
        %add3A_49 = vector.broadcast %mul3A_48 : i32 to vector<16xi32>
        %add3A_50 = arith.addi %iota3A, %add3A_49 : vector<16xi32>
        %gather3A = tpu.vector_load_idx %arg13[%add3A_50, %mul3A_39] : memref<640x8xf32, #tpu.memory_space<vmem>>[vector<16xi32>, vector<16xi32>], vector<16xf32>,
        %gather3A_51 = tpu.vector_load_idx %arg14[%add3A_50, %mul3A_39] : memref<640x8xf32, #tpu.memory_space<vmem>>[vector<16xi32>, vector<16xi32>], vector<16xf32>,
        %mul3A_52 = arith.constant 16 : i32
        %mul3A_53 = arith.muli %mul3A_52, %scan3A_46 : i32
        %get3A_54 = arith.index_cast %mul3A_53 : i32 to index
        %get3A_55 = tpu.vector_load %arg15[%get3A_54] {strides = array<i32>} : memref<640xf32, #tpu.memory_space<vmem>>, vector<16xf32>,
        %mul3A_56 = arith.constant 16 : i32
        %mul3A_57 = arith.muli %mul3A_56, %scan3A_46 : i32
        %get3A_58 = arith.index_cast %mul3A_57 : i32 to index
        %get3A_59 = tpu.vector_load %arg16[%get3A_58] {strides = array<i32>} : memref<640xf32, #tpu.memory_space<vmem>>, vector<16xf32>,
        %mul3A_60 = arith.constant 16 : i32
        %mul3A_61 = arith.muli %mul3A_60, %scan3A_46 : i32
        %get3A_62 = arith.index_cast %mul3A_61 : i32 to index
        %get3A_63 = tpu.vector_load %arg17[%get3A_62] {strides = array<i32>} : memref<640xf32, #tpu.memory_space<vmem>>, vector<16xf32>,
        %mul3A_64 = arith.mulf %get3A_55, %gather3A : vector<16xf32>
        %mul3A_65 = arith.mulf %get3A_59, %gather3A_51 : vector<16xf32>
        %add3A_66 = arith.addf %mul3A_64, %mul3A_65 : vector<16xf32>
        %get3A_67 = arith.constant 2 : i32
        %get3A_68 = arith.index_cast %get3A_67 : i32 to index
        %get3A_69 = arith.constant 0 : index
        %get3A_70 = tpu.vector_load %arg18[%get3A_68, %get3A_69] {strides = array<i32>} : memref<8x16xf32, #tpu.memory_space<vmem>>, vector<16xf32>,
        %add3A_71 = arith.addf %add3A_66, %get3A_70 : vector<16xf32>
        %get3A_72 = arith.constant 3 : i32
        %get3A_73 = arith.index_cast %get3A_72 : i32 to index
        %get3A_74 = arith.constant 0 : index
        %get3A_75 = tpu.vector_load %arg18[%get3A_73, %get3A_74] {strides = array<i32>} : memref<8x16xf32, #tpu.memory_space<vmem>>, vector<16xf32>,
        %mul3A_76 = arith.mulf %get3A_75, %add3A_71 : vector<16xf32>
        %add3A_77 = arith.addf %get3A_63, %mul3A_76 : vector<16xf32>
        %mul3A_78 = arith.constant 16 : i32
        %mul3A_79 = arith.muli %mul3A_78, %scan3A_46 : i32
        %swap3A = arith.index_cast %mul3A_79 : i32 to index
        %swap3A_80 = tpu.vector_load %arg17[%swap3A] {strides = array<i32>} : memref<640xf32, #tpu.memory_space<vmem>>, vector<16xf32>,
        tpu.vector_store %arg17[%swap3A], %add3A_77 {strides = array<i32>} : memref<640xf32, #tpu.memory_space<vmem>>, vector<16xf32>,
      }
      %scan3A_45 = arith.constant 40 : i32
      "tpu.region"() ({
        %run_scoped3A_46 = tpu.sem_alloc : memref<!tpu.dma_semaphore, #tpu.memory_space<semaphore_mem>>
        %dma_start3A = tpu.memref_slice %arg12[%mul3A_0] : memref<10240xf32, #tpu.memory_space<hbm>> -> memref<640xf32, #tpu.memory_space<hbm>>
        %dma_start3A_47 = tpu.memref_slice %arg12[%mul3A_0] : memref<10240xf32, #tpu.memory_space<hbm>> -> memref<640xf32, #tpu.memory_space<hbm>>
        tpu.enqueue_dma source(%arg17 : memref<640xf32, #tpu.memory_space<vmem>>) target(%dma_start3A_47 : memref<640xf32, #tpu.memory_space<hbm>>) target_semaphore(%run_scoped3A_46 : memref<!tpu.dma_semaphore, #tpu.memory_space<semaphore_mem>>)
        %dma_wait3A = tpu.memref_slice %arg12[%mul3A_0] : memref<10240xf32, #tpu.memory_space<hbm>> -> memref<640xf32, #tpu.memory_space<hbm>>
        %dma_wait3A_48 = tpu.memref_slice %arg12[%mul3A_0] : memref<10240xf32, #tpu.memory_space<hbm>> -> memref<640xf32, #tpu.memory_space<hbm>>
        tpu.wait_dma2 semaphore(%run_scoped3A_46 : memref<!tpu.dma_semaphore, #tpu.memory_space<semaphore_mem>>) src(%arg17 : memref<640xf32, #tpu.memory_space<vmem>>) dst(%dma_wait3A_48 : memref<640xf32, #tpu.memory_space<hbm>>)
        tpu.yield
      }) : () -> ()
    } else {
    }
    %barrier3A = arith.constant 0 : index
    tpu.barrier barrier_id(%barrier3A)
    %scan3A_30 = arith.constant 0 : i32
    %scan3A_31 = arith.constant 0 : i32
    %scan3A_32 = arith.constant 40 : i32
    %scan3A_33 = arith.addi %scan3A_31, %scan3A_32 : i32
    %scan3A_34 = arith.constant 1 : i32
    scf.for %scan3A_37 = %scan3A_31 to %scan3A_33 step %scan3A_34  : i32 {
      %mul3A_38 = arith.constant 4 : i32
      %mul3A_39 = arith.muli %mul3A_38, %scan3A_37 : i32
      %add3A_40 = arith.constant 0 : i32
      %add3A_41 = arith.addi %mul3A_39, %add3A_40 : i32
      %dma_start3A = arith.constant 0 : i32
      %dma_start3A_42 = tpu.memref_slice %arg21[%add3A_41, %dma_start3A] : memref<160x128xi32, #tpu.memory_space<vmem>> -> memref<1x128xi32, #tpu.memory_space<vmem>>
      %dma_start3A_43 = tpu.memref_squeeze %dma_start3A_42 : memref<1x128xi32, #tpu.memory_space<vmem>> -> memref<128xi32, #tpu.memory_space<vmem>>
      %dma_start3A_44 = arith.constant 0 : i32
      %dma_start3A_45 = arith.constant 0 : i32
      %dma_start3A_46 = tpu.memref_slice %arg10[%dma_start3A_44, %dma_start3A_45] : memref<20480x4xf32, #tpu.memory_space<hbm>> -> memref<20480x4xf32, #tpu.memory_space<hbm>>
      tpu.enqueue_indirect_dma source(%dma_start3A_46 : memref<20480x4xf32, #tpu.memory_space<hbm>>) target(%arg23 : memref<128x4xf32, #tpu.memory_space<vmem>>) offsets(%dma_start3A_43 : memref<128xi32, #tpu.memory_space<vmem>>) semaphore(%arg29 : memref<!tpu.dma_semaphore, #tpu.memory_space<semaphore_mem>>)
      %add3A_47 = arith.constant 1 : i32
      %add3A_48 = arith.addi %mul3A_39, %add3A_47 : i32
      %dma_start3A_49 = arith.constant 0 : i32
      %dma_start3A_50 = tpu.memref_slice %arg21[%add3A_48, %dma_start3A_49] : memref<160x128xi32, #tpu.memory_space<vmem>> -> memref<1x128xi32, #tpu.memory_space<vmem>>
      %dma_start3A_51 = tpu.memref_squeeze %dma_start3A_50 : memref<1x128xi32, #tpu.memory_space<vmem>> -> memref<128xi32, #tpu.memory_space<vmem>>
      %dma_start3A_52 = arith.constant 0 : i32
      %dma_start3A_53 = arith.constant 0 : i32
      %dma_start3A_54 = tpu.memref_slice %arg10[%dma_start3A_52, %dma_start3A_53] : memref<20480x4xf32, #tpu.memory_space<hbm>> -> memref<20480x4xf32, #tpu.memory_space<hbm>>
      tpu.enqueue_indirect_dma source(%dma_start3A_54 : memref<20480x4xf32, #tpu.memory_space<hbm>>) target(%arg24 : memref<128x4xf32, #tpu.memory_space<vmem>>) offsets(%dma_start3A_51 : memref<128xi32, #tpu.memory_space<vmem>>) semaphore(%arg30 : memref<!tpu.dma_semaphore, #tpu.memory_space<semaphore_mem>>)
      %add3A_55 = arith.constant 2 : i32
      %add3A_56 = arith.addi %mul3A_39, %add3A_55 : i32
      %dma_start3A_57 = arith.constant 0 : i32
      %dma_start3A_58 = tpu.memref_slice %arg21[%add3A_56, %dma_start3A_57] : memref<160x128xi32, #tpu.memory_space<vmem>> -> memref<1x128xi32, #tpu.memory_space<vmem>>
      %dma_start3A_59 = tpu.memref_squeeze %dma_start3A_58 : memref<1x128xi32, #tpu.memory_space<vmem>> -> memref<128xi32, #tpu.memory_space<vmem>>
      %dma_start3A_60 = arith.constant 0 : i32
      %dma_start3A_61 = arith.constant 0 : i32
      %dma_start3A_62 = tpu.memref_slice %arg10[%dma_start3A_60, %dma_start3A_61] : memref<20480x4xf32, #tpu.memory_space<hbm>> -> memref<20480x4xf32, #tpu.memory_space<hbm>>
      tpu.enqueue_indirect_dma source(%dma_start3A_62 : memref<20480x4xf32, #tpu.memory_space<hbm>>) target(%arg25 : memref<128x4xf32, #tpu.memory_space<vmem>>) offsets(%dma_start3A_59 : memref<128xi32, #tpu.memory_space<vmem>>) semaphore(%arg31 : memref<!tpu.dma_semaphore, #tpu.memory_space<semaphore_mem>>)
      %add3A_63 = arith.constant 3 : i32
      %add3A_64 = arith.addi %mul3A_39, %add3A_63 : i32
      %dma_start3A_65 = arith.constant 0 : i32
      %dma_start3A_66 = tpu.memref_slice %arg21[%add3A_64, %dma_start3A_65] : memref<160x128xi32, #tpu.memory_space<vmem>> -> memref<1x128xi32, #tpu.memory_space<vmem>>
      %dma_start3A_67 = tpu.memref_squeeze %dma_start3A_66 : memref<1x128xi32, #tpu.memory_space<vmem>> -> memref<128xi32, #tpu.memory_space<vmem>>
      %dma_start3A_68 = arith.constant 0 : i32
      %dma_start3A_69 = arith.constant 0 : i32
      %dma_start3A_70 = tpu.memref_slice %arg10[%dma_start3A_68, %dma_start3A_69] : memref<20480x4xf32, #tpu.memory_space<hbm>> -> memref<20480x4xf32, #tpu.memory_space<hbm>>
      tpu.enqueue_indirect_dma source(%dma_start3A_70 : memref<20480x4xf32, #tpu.memory_space<hbm>>) target(%arg26 : memref<128x4xf32, #tpu.memory_space<vmem>>) offsets(%dma_start3A_67 : memref<128xi32, #tpu.memory_space<vmem>>) semaphore(%arg32 : memref<!tpu.dma_semaphore, #tpu.memory_space<semaphore_mem>>)
      %dma_wait3A = arith.constant 0 : i32
      %dma_wait3A_71 = tpu.memref_slice %arg21[%add3A_41, %dma_wait3A] : memref<160x128xi32, #tpu.memory_space<vmem>> -> memref<1x128xi32, #tpu.memory_space<vmem>>
      %dma_wait3A_72 = tpu.memref_squeeze %dma_wait3A_71 : memref<1x128xi32, #tpu.memory_space<vmem>> -> memref<128xi32, #tpu.memory_space<vmem>>
      %dma_wait3A_73 = arith.constant 0 : i32
      %dma_wait3A_74 = arith.constant 0 : i32
      %dma_wait3A_75 = tpu.memref_slice %arg10[%dma_wait3A_73, %dma_wait3A_74] : memref<20480x4xf32, #tpu.memory_space<hbm>> -> memref<20480x4xf32, #tpu.memory_space<hbm>>
      tpu.wait_indirect_dma semaphore(%arg29 : memref<!tpu.dma_semaphore, #tpu.memory_space<semaphore_mem>>) src(%dma_wait3A_75 : memref<20480x4xf32, #tpu.memory_space<hbm>>) dst(%arg23 : memref<128x4xf32, #tpu.memory_space<vmem>>)
      %add3A_76 = arith.constant 0 : i32
      %add3A_77 = arith.addi %mul3A_39, %add3A_76 : i32
      %dma_start3A_78 = arith.constant 0 : i32
      %dma_start3A_79 = tpu.memref_slice %arg22[%add3A_77, %dma_start3A_78] : memref<160x128xi32, #tpu.memory_space<vmem>> -> memref<1x128xi32, #tpu.memory_space<vmem>>
      %dma_start3A_80 = tpu.memref_squeeze %dma_start3A_79 : memref<1x128xi32, #tpu.memory_space<vmem>> -> memref<128xi32, #tpu.memory_space<vmem>>
      %dma_start3A_81 = arith.constant 0 : i32
      %dma_start3A_82 = arith.constant 0 : i32
      %dma_start3A_83 = tpu.memref_slice %arg28[%dma_start3A_81, %dma_start3A_82] : memref<10240x4xf32, #tpu.memory_space<vmem_shared>> -> memref<10240x4xf32, #tpu.memory_space<vmem_shared>>
      tpu.enqueue_indirect_dma source(%arg23 : memref<128x4xf32, #tpu.memory_space<vmem>>) target(%dma_start3A_83 : memref<10240x4xf32, #tpu.memory_space<vmem_shared>>) offsets(%dma_start3A_80 : memref<128xi32, #tpu.memory_space<vmem>>) semaphore(%arg33 : memref<!tpu.dma_semaphore, #tpu.memory_space<semaphore_mem>>) {add = true}
      %dma_wait3A_84 = arith.constant 0 : i32
      %dma_wait3A_85 = tpu.memref_slice %arg21[%add3A_48, %dma_wait3A_84] : memref<160x128xi32, #tpu.memory_space<vmem>> -> memref<1x128xi32, #tpu.memory_space<vmem>>
      %dma_wait3A_86 = tpu.memref_squeeze %dma_wait3A_85 : memref<1x128xi32, #tpu.memory_space<vmem>> -> memref<128xi32, #tpu.memory_space<vmem>>
      %dma_wait3A_87 = arith.constant 0 : i32
      %dma_wait3A_88 = arith.constant 0 : i32
      %dma_wait3A_89 = tpu.memref_slice %arg10[%dma_wait3A_87, %dma_wait3A_88] : memref<20480x4xf32, #tpu.memory_space<hbm>> -> memref<20480x4xf32, #tpu.memory_space<hbm>>
      tpu.wait_indirect_dma semaphore(%arg30 : memref<!tpu.dma_semaphore, #tpu.memory_space<semaphore_mem>>) src(%dma_wait3A_89 : memref<20480x4xf32, #tpu.memory_space<hbm>>) dst(%arg24 : memref<128x4xf32, #tpu.memory_space<vmem>>)
      %add3A_90 = arith.constant 1 : i32
      %add3A_91 = arith.addi %mul3A_39, %add3A_90 : i32
      %dma_start3A_92 = arith.constant 0 : i32
      %dma_start3A_93 = tpu.memref_slice %arg22[%add3A_91, %dma_start3A_92] : memref<160x128xi32, #tpu.memory_space<vmem>> -> memref<1x128xi32, #tpu.memory_space<vmem>>
      %dma_start3A_94 = tpu.memref_squeeze %dma_start3A_93 : memref<1x128xi32, #tpu.memory_space<vmem>> -> memref<128xi32, #tpu.memory_space<vmem>>
      %dma_start3A_95 = arith.constant 0 : i32
      %dma_start3A_96 = arith.constant 0 : i32
      %dma_start3A_97 = tpu.memref_slice %arg28[%dma_start3A_95, %dma_start3A_96] : memref<10240x4xf32, #tpu.memory_space<vmem_shared>> -> memref<10240x4xf32, #tpu.memory_space<vmem_shared>>
      tpu.enqueue_indirect_dma source(%arg24 : memref<128x4xf32, #tpu.memory_space<vmem>>) target(%dma_start3A_97 : memref<10240x4xf32, #tpu.memory_space<vmem_shared>>) offsets(%dma_start3A_94 : memref<128xi32, #tpu.memory_space<vmem>>) semaphore(%arg33 : memref<!tpu.dma_semaphore, #tpu.memory_space<semaphore_mem>>) {add = true}
      %dma_wait3A_98 = arith.constant 0 : i32
      %dma_wait3A_99 = tpu.memref_slice %arg21[%add3A_56, %dma_wait3A_98] : memref<160x128xi32, #tpu.memory_space<vmem>> -> memref<1x128xi32, #tpu.memory_space<vmem>>
      %dma_wait3A_100 = tpu.memref_squeeze %dma_wait3A_99 : memref<1x128xi32, #tpu.memory_space<vmem>> -> memref<128xi32, #tpu.memory_space<vmem>>
      %dma_wait3A_101 = arith.constant 0 : i32
      %dma_wait3A_102 = arith.constant 0 : i32
      %dma_wait3A_103 = tpu.memref_slice %arg10[%dma_wait3A_101, %dma_wait3A_102] : memref<20480x4xf32, #tpu.memory_space<hbm>> -> memref<20480x4xf32, #tpu.memory_space<hbm>>
      tpu.wait_indirect_dma semaphore(%arg31 : memref<!tpu.dma_semaphore, #tpu.memory_space<semaphore_mem>>) src(%dma_wait3A_103 : memref<20480x4xf32, #tpu.memory_space<hbm>>) dst(%arg25 : memref<128x4xf32, #tpu.memory_space<vmem>>)
      %add3A_104 = arith.constant 2 : i32
      %add3A_105 = arith.addi %mul3A_39, %add3A_104 : i32
      %dma_start3A_106 = arith.constant 0 : i32
      %dma_start3A_107 = tpu.memref_slice %arg22[%add3A_105, %dma_start3A_106] : memref<160x128xi32, #tpu.memory_space<vmem>> -> memref<1x128xi32, #tpu.memory_space<vmem>>
      %dma_start3A_108 = tpu.memref_squeeze %dma_start3A_107 : memref<1x128xi32, #tpu.memory_space<vmem>> -> memref<128xi32, #tpu.memory_space<vmem>>
      %dma_start3A_109 = arith.constant 0 : i32
      %dma_start3A_110 = arith.constant 0 : i32
      %dma_start3A_111 = tpu.memref_slice %arg28[%dma_start3A_109, %dma_start3A_110] : memref<10240x4xf32, #tpu.memory_space<vmem_shared>> -> memref<10240x4xf32, #tpu.memory_space<vmem_shared>>
      tpu.enqueue_indirect_dma source(%arg25 : memref<128x4xf32, #tpu.memory_space<vmem>>) target(%dma_start3A_111 : memref<10240x4xf32, #tpu.memory_space<vmem_shared>>) offsets(%dma_start3A_108 : memref<128xi32, #tpu.memory_space<vmem>>) semaphore(%arg33 : memref<!tpu.dma_semaphore, #tpu.memory_space<semaphore_mem>>) {add = true}
      %dma_wait3A_112 = arith.constant 0 : i32
      %dma_wait3A_113 = tpu.memref_slice %arg21[%add3A_64, %dma_wait3A_112] : memref<160x128xi32, #tpu.memory_space<vmem>> -> memref<1x128xi32, #tpu.memory_space<vmem>>
      %dma_wait3A_114 = tpu.memref_squeeze %dma_wait3A_113 : memref<1x128xi32, #tpu.memory_space<vmem>> -> memref<128xi32, #tpu.memory_space<vmem>>
      %dma_wait3A_115 = arith.constant 0 : i32
      %dma_wait3A_116 = arith.constant 0 : i32
      %dma_wait3A_117 = tpu.memref_slice %arg10[%dma_wait3A_115, %dma_wait3A_116] : memref<20480x4xf32, #tpu.memory_space<hbm>> -> memref<20480x4xf32, #tpu.memory_space<hbm>>
      tpu.wait_indirect_dma semaphore(%arg32 : memref<!tpu.dma_semaphore, #tpu.memory_space<semaphore_mem>>) src(%dma_wait3A_117 : memref<20480x4xf32, #tpu.memory_space<hbm>>) dst(%arg26 : memref<128x4xf32, #tpu.memory_space<vmem>>)
      %add3A_118 = arith.constant 3 : i32
      %add3A_119 = arith.addi %mul3A_39, %add3A_118 : i32
      %dma_start3A_120 = arith.constant 0 : i32
      %dma_start3A_121 = tpu.memref_slice %arg22[%add3A_119, %dma_start3A_120] : memref<160x128xi32, #tpu.memory_space<vmem>> -> memref<1x128xi32, #tpu.memory_space<vmem>>
      %dma_start3A_122 = tpu.memref_squeeze %dma_start3A_121 : memref<1x128xi32, #tpu.memory_space<vmem>> -> memref<128xi32, #tpu.memory_space<vmem>>
      %dma_start3A_123 = arith.constant 0 : i32
      %dma_start3A_124 = arith.constant 0 : i32
      %dma_start3A_125 = tpu.memref_slice %arg28[%dma_start3A_123, %dma_start3A_124] : memref<10240x4xf32, #tpu.memory_space<vmem_shared>> -> memref<10240x4xf32, #tpu.memory_space<vmem_shared>>
      tpu.enqueue_indirect_dma source(%arg26 : memref<128x4xf32, #tpu.memory_space<vmem>>) target(%dma_start3A_125 : memref<10240x4xf32, #tpu.memory_space<vmem_shared>>) offsets(%dma_start3A_122 : memref<128xi32, #tpu.memory_space<vmem>>) semaphore(%arg33 : memref<!tpu.dma_semaphore, #tpu.memory_space<semaphore_mem>>) {add = true}
      %dma_wait3A_126 = arith.constant 0 : i32
      %dma_wait3A_127 = tpu.memref_slice %arg22[%add3A_77, %dma_wait3A_126] : memref<160x128xi32, #tpu.memory_space<vmem>> -> memref<1x128xi32, #tpu.memory_space<vmem>>
      %dma_wait3A_128 = tpu.memref_squeeze %dma_wait3A_127 : memref<1x128xi32, #tpu.memory_space<vmem>> -> memref<128xi32, #tpu.memory_space<vmem>>
      %dma_wait3A_129 = arith.constant 0 : i32
      %dma_wait3A_130 = arith.constant 0 : i32
      %dma_wait3A_131 = tpu.memref_slice %arg28[%dma_wait3A_129, %dma_wait3A_130] : memref<10240x4xf32, #tpu.memory_space<vmem_shared>> -> memref<10240x4xf32, #tpu.memory_space<vmem_shared>>
      tpu.wait_indirect_dma semaphore(%arg33 : memref<!tpu.dma_semaphore, #tpu.memory_space<semaphore_mem>>) src(%arg23 : memref<128x4xf32, #tpu.memory_space<vmem>>) dst(%dma_wait3A_131 : memref<10240x4xf32, #tpu.memory_space<vmem_shared>>)
      %dma_wait3A_132 = arith.constant 0 : i32
      %dma_wait3A_133 = tpu.memref_slice %arg22[%add3A_91, %dma_wait3A_132] : memref<160x128xi32, #tpu.memory_space<vmem>> -> memref<1x128xi32, #tpu.memory_space<vmem>>
      %dma_wait3A_134 = tpu.memref_squeeze %dma_wait3A_133 : memref<1x128xi32, #tpu.memory_space<vmem>> -> memref<128xi32, #tpu.memory_space<vmem>>
      %dma_wait3A_135 = arith.constant 0 : i32
      %dma_wait3A_136 = arith.constant 0 : i32
      %dma_wait3A_137 = tpu.memref_slice %arg28[%dma_wait3A_135, %dma_wait3A_136] : memref<10240x4xf32, #tpu.memory_space<vmem_shared>> -> memref<10240x4xf32, #tpu.memory_space<vmem_shared>>
      tpu.wait_indirect_dma semaphore(%arg33 : memref<!tpu.dma_semaphore, #tpu.memory_space<semaphore_mem>>) src(%arg24 : memref<128x4xf32, #tpu.memory_space<vmem>>) dst(%dma_wait3A_137 : memref<10240x4xf32, #tpu.memory_space<vmem_shared>>)
      %dma_wait3A_138 = arith.constant 0 : i32
      %dma_wait3A_139 = tpu.memref_slice %arg22[%add3A_105, %dma_wait3A_138] : memref<160x128xi32, #tpu.memory_space<vmem>> -> memref<1x128xi32, #tpu.memory_space<vmem>>
      %dma_wait3A_140 = tpu.memref_squeeze %dma_wait3A_139 : memref<1x128xi32, #tpu.memory_space<vmem>> -> memref<128xi32, #tpu.memory_space<vmem>>
      %dma_wait3A_141 = arith.constant 0 : i32
      %dma_wait3A_142 = arith.constant 0 : i32
      %dma_wait3A_143 = tpu.memref_slice %arg28[%dma_wait3A_141, %dma_wait3A_142] : memref<10240x4xf32, #tpu.memory_space<vmem_shared>> -> memref<10240x4xf32, #tpu.memory_space<vmem_shared>>
      tpu.wait_indirect_dma semaphore(%arg33 : memref<!tpu.dma_semaphore, #tpu.memory_space<semaphore_mem>>) src(%arg25 : memref<128x4xf32, #tpu.memory_space<vmem>>) dst(%dma_wait3A_143 : memref<10240x4xf32, #tpu.memory_space<vmem_shared>>)
      %dma_wait3A_144 = arith.constant 0 : i32
      %dma_wait3A_145 = tpu.memref_slice %arg22[%add3A_119, %dma_wait3A_144] : memref<160x128xi32, #tpu.memory_space<vmem>> -> memref<1x128xi32, #tpu.memory_space<vmem>>
      %dma_wait3A_146 = tpu.memref_squeeze %dma_wait3A_145 : memref<1x128xi32, #tpu.memory_space<vmem>> -> memref<128xi32, #tpu.memory_space<vmem>>
      %dma_wait3A_147 = arith.constant 0 : i32
      %dma_wait3A_148 = arith.constant 0 : i32
      %dma_wait3A_149 = tpu.memref_slice %arg28[%dma_wait3A_147, %dma_wait3A_148] : memref<10240x4xf32, #tpu.memory_space<vmem_shared>> -> memref<10240x4xf32, #tpu.memory_space<vmem_shared>>
      tpu.wait_indirect_dma semaphore(%arg33 : memref<!tpu.dma_semaphore, #tpu.memory_space<semaphore_mem>>) src(%arg26 : memref<128x4xf32, #tpu.memory_space<vmem>>) dst(%dma_wait3A_149 : memref<10240x4xf32, #tpu.memory_space<vmem_shared>>)
    }
    %scan3A_35 = arith.constant 40 : i32
    %barrier3A_36 = arith.constant 0 : index
    tpu.barrier barrier_id(%barrier3A_36)
    "tpu.region"() ({
      %run_scoped3A_37 = tpu.sem_alloc : memref<!tpu.dma_semaphore, #tpu.memory_space<semaphore_mem>>
      %dma_start3A = arith.constant 0 : i32
      %dma_start3A_38 = tpu.memref_slice %arg28[%mul3A_0, %dma_start3A] : memref<10240x4xf32, #tpu.memory_space<vmem_shared>> -> memref<640x4xf32, #tpu.memory_space<vmem_shared>>
      %dma_start3A_39 = arith.constant 0 : i32
      %dma_start3A_40 = tpu.memref_slice %arg28[%mul3A_0, %dma_start3A_39] : memref<10240x4xf32, #tpu.memory_space<vmem_shared>> -> memref<640x4xf32, #tpu.memory_space<vmem_shared>>
      tpu.enqueue_dma source(%dma_start3A_40 : memref<640x4xf32, #tpu.memory_space<vmem_shared>>) target(%arg27 : memref<640x4xf32, #tpu.memory_space<vmem>>) target_semaphore(%run_scoped3A_37 : memref<!tpu.dma_semaphore, #tpu.memory_space<semaphore_mem>>)
      %dma_wait3A = arith.constant 0 : i32
      %dma_wait3A_41 = tpu.memref_slice %arg28[%mul3A_0, %dma_wait3A] : memref<10240x4xf32, #tpu.memory_space<vmem_shared>> -> memref<640x4xf32, #tpu.memory_space<vmem_shared>>
      %dma_wait3A_42 = arith.constant 0 : i32
      %dma_wait3A_43 = tpu.memref_slice %arg28[%mul3A_0, %dma_wait3A_42] : memref<10240x4xf32, #tpu.memory_space<vmem_shared>> -> memref<640x4xf32, #tpu.memory_space<vmem_shared>>
      tpu.wait_dma2 semaphore(%run_scoped3A_37 : memref<!tpu.dma_semaphore, #tpu.memory_space<semaphore_mem>>) src(%dma_wait3A_43 : memref<640x4xf32, #tpu.memory_space<vmem_shared>>) dst(%arg27 : memref<640x4xf32, #tpu.memory_space<vmem>>)
      tpu.yield
    }) : () -> ()
    "tpu.region"() ({
      %run_scoped3A_37 = tpu.sem_alloc : memref<!tpu.dma_semaphore, #tpu.memory_space<semaphore_mem>>
      %dma_start3A = arith.constant 0 : i32
      %dma_start3A_38 = tpu.memref_slice %arg11[%arg0, %mul3A_0, %dma_start3A] : memref<2x10240x4xf32, #tpu.memory_space<hbm>> -> memref<1x640x4xf32, #tpu.memory_space<hbm>>
      %dma_start3A_39 = tpu.memref_squeeze %dma_start3A_38 : memref<1x640x4xf32, #tpu.memory_space<hbm>> -> memref<640x4xf32, #tpu.memory_space<hbm>>
      %dma_start3A_40 = arith.constant 0 : i32
      %dma_start3A_41 = tpu.memref_slice %arg11[%arg0, %mul3A_0, %dma_start3A_40] : memref<2x10240x4xf32, #tpu.memory_space<hbm>> -> memref<1x640x4xf32, #tpu.memory_space<hbm>>
      %dma_start3A_42 = tpu.memref_squeeze %dma_start3A_41 : memref<1x640x4xf32, #tpu.memory_space<hbm>> -> memref<640x4xf32, #tpu.memory_space<hbm>>
      tpu.enqueue_dma source(%arg27 : memref<640x4xf32, #tpu.memory_space<vmem>>) target(%dma_start3A_42 : memref<640x4xf32, #tpu.memory_space<hbm>>) target_semaphore(%run_scoped3A_37 : memref<!tpu.dma_semaphore, #tpu.memory_space<semaphore_mem>>)
      %dma_wait3A = arith.constant 0 : i32
      %dma_wait3A_43 = tpu.memref_slice %arg11[%arg0, %mul3A_0, %dma_wait3A] : memref<2x10240x4xf32, #tpu.memory_space<hbm>> -> memref<1x640x4xf32, #tpu.memory_space<hbm>>
      %dma_wait3A_44 = tpu.memref_squeeze %dma_wait3A_43 : memref<1x640x4xf32, #tpu.memory_space<hbm>> -> memref<640x4xf32, #tpu.memory_space<hbm>>
      %dma_wait3A_45 = arith.constant 0 : i32
      %dma_wait3A_46 = tpu.memref_slice %arg11[%arg0, %mul3A_0, %dma_wait3A_45] : memref<2x10240x4xf32, #tpu.memory_space<hbm>> -> memref<1x640x4xf32, #tpu.memory_space<hbm>>
      %dma_wait3A_47 = tpu.memref_squeeze %dma_wait3A_46 : memref<1x640x4xf32, #tpu.memory_space<hbm>> -> memref<640x4xf32, #tpu.memory_space<hbm>>
      tpu.wait_dma2 semaphore(%run_scoped3A_37 : memref<!tpu.dma_semaphore, #tpu.memory_space<semaphore_mem>>) src(%arg27 : memref<640x4xf32, #tpu.memory_space<vmem>>) dst(%dma_wait3A_47 : memref<640x4xf32, #tpu.memory_space<hbm>>)
      tpu.yield
    }) : () -> ()
    return
  }
}

#map = affine_map<(d0, d1) -> (0, 0)>
#map1 = affine_map<(d0, d1) -> (0)>
module attributes {stable_mosaic.version = 14 : i64} {
  func.func @_fin_body(%arg0: i32, %arg1: i32, %arg2: memref<2x10240xf32, #tpu.memory_space<hbm>>, %arg3: memref<2x10240xf32, #tpu.memory_space<hbm>>, %arg4: memref<10240xf32, #tpu.memory_space<hbm>>, %arg5: memref<8x16xf32, #tpu.memory_space<hbm>>, %arg6: memref<10240xf32, #tpu.memory_space<hbm>>, %arg7: memref<320xf32, #tpu.memory_space<vmem>>, %arg8: memref<320xf32, #tpu.memory_space<vmem>>, %arg9: memref<320xf32, #tpu.memory_space<vmem>>, %arg10: memref<320xf32, #tpu.memory_space<vmem>>, %arg11: memref<320xf32, #tpu.memory_space<vmem>>, %arg12: memref<8x16xf32, #tpu.memory_space<vmem>>) attributes {dimension_semantics = [#tpu.dimension_semantics<core_parallel>, #tpu.dimension_semantics<subcore_parallel>], iteration_bounds = array<i64: 2, 16>, scalar_prefetch = 0 : i64, scratch_operands = 6 : i64, tpu.core_type = #tpu.core_type<sc_vector_subcore>, window_params = [{transform_indices = #map}, {transform_indices = #map}, {transform_indices = #map1}, {transform_indices = #map}, {transform_indices = #map1}]} {
    %mul3A = arith.constant 640 : i32
    %mul3A_0 = arith.muli %arg1, %mul3A : i32
    %mul3A_1 = arith.constant 320 : i32
    %mul3A_2 = arith.muli %arg0, %mul3A_1 : i32
    %add3A = arith.addi %mul3A_0, %mul3A_2 : i32
    %run_scoped3A = arith.constant 0 : i32
    "tpu.region"() ({
      %run_scoped3A_11 = tpu.sem_alloc : memref<!tpu.dma_semaphore, #tpu.memory_space<semaphore_mem>>
      %dma_start3A = tpu.memref_slice %arg2[%run_scoped3A, %add3A] : memref<2x10240xf32, #tpu.memory_space<hbm>> -> memref<1x320xf32, #tpu.memory_space<hbm>>
      %dma_start3A_12 = tpu.memref_squeeze %dma_start3A : memref<1x320xf32, #tpu.memory_space<hbm>> -> memref<320xf32, #tpu.memory_space<hbm>>
      %dma_start3A_13 = tpu.memref_slice %arg2[%run_scoped3A, %add3A] : memref<2x10240xf32, #tpu.memory_space<hbm>> -> memref<1x320xf32, #tpu.memory_space<hbm>>
      %dma_start3A_14 = tpu.memref_squeeze %dma_start3A_13 : memref<1x320xf32, #tpu.memory_space<hbm>> -> memref<320xf32, #tpu.memory_space<hbm>>
      tpu.enqueue_dma source(%dma_start3A_14 : memref<320xf32, #tpu.memory_space<hbm>>) target(%arg7 : memref<320xf32, #tpu.memory_space<vmem>>) target_semaphore(%run_scoped3A_11 : memref<!tpu.dma_semaphore, #tpu.memory_space<semaphore_mem>>)
      %dma_wait3A = tpu.memref_slice %arg2[%run_scoped3A, %add3A] : memref<2x10240xf32, #tpu.memory_space<hbm>> -> memref<1x320xf32, #tpu.memory_space<hbm>>
      %dma_wait3A_15 = tpu.memref_squeeze %dma_wait3A : memref<1x320xf32, #tpu.memory_space<hbm>> -> memref<320xf32, #tpu.memory_space<hbm>>
      %dma_wait3A_16 = tpu.memref_slice %arg2[%run_scoped3A, %add3A] : memref<2x10240xf32, #tpu.memory_space<hbm>> -> memref<1x320xf32, #tpu.memory_space<hbm>>
      %dma_wait3A_17 = tpu.memref_squeeze %dma_wait3A_16 : memref<1x320xf32, #tpu.memory_space<hbm>> -> memref<320xf32, #tpu.memory_space<hbm>>
      tpu.wait_dma2 semaphore(%run_scoped3A_11 : memref<!tpu.dma_semaphore, #tpu.memory_space<semaphore_mem>>) src(%dma_wait3A_17 : memref<320xf32, #tpu.memory_space<hbm>>) dst(%arg7 : memref<320xf32, #tpu.memory_space<vmem>>)
      tpu.yield
    }) : () -> ()
    %run_scoped3A_3 = arith.constant 1 : i32
    "tpu.region"() ({
      %run_scoped3A_11 = tpu.sem_alloc : memref<!tpu.dma_semaphore, #tpu.memory_space<semaphore_mem>>
      %dma_start3A = tpu.memref_slice %arg2[%run_scoped3A_3, %add3A] : memref<2x10240xf32, #tpu.memory_space<hbm>> -> memref<1x320xf32, #tpu.memory_space<hbm>>
      %dma_start3A_12 = tpu.memref_squeeze %dma_start3A : memref<1x320xf32, #tpu.memory_space<hbm>> -> memref<320xf32, #tpu.memory_space<hbm>>
      %dma_start3A_13 = tpu.memref_slice %arg2[%run_scoped3A_3, %add3A] : memref<2x10240xf32, #tpu.memory_space<hbm>> -> memref<1x320xf32, #tpu.memory_space<hbm>>
      %dma_start3A_14 = tpu.memref_squeeze %dma_start3A_13 : memref<1x320xf32, #tpu.memory_space<hbm>> -> memref<320xf32, #tpu.memory_space<hbm>>
      tpu.enqueue_dma source(%dma_start3A_14 : memref<320xf32, #tpu.memory_space<hbm>>) target(%arg8 : memref<320xf32, #tpu.memory_space<vmem>>) target_semaphore(%run_scoped3A_11 : memref<!tpu.dma_semaphore, #tpu.memory_space<semaphore_mem>>)
      %dma_wait3A = tpu.memref_slice %arg2[%run_scoped3A_3, %add3A] : memref<2x10240xf32, #tpu.memory_space<hbm>> -> memref<1x320xf32, #tpu.memory_space<hbm>>
      %dma_wait3A_15 = tpu.memref_squeeze %dma_wait3A : memref<1x320xf32, #tpu.memory_space<hbm>> -> memref<320xf32, #tpu.memory_space<hbm>>
      %dma_wait3A_16 = tpu.memref_slice %arg2[%run_scoped3A_3, %add3A] : memref<2x10240xf32, #tpu.memory_space<hbm>> -> memref<1x320xf32, #tpu.memory_space<hbm>>
      %dma_wait3A_17 = tpu.memref_squeeze %dma_wait3A_16 : memref<1x320xf32, #tpu.memory_space<hbm>> -> memref<320xf32, #tpu.memory_space<hbm>>
      tpu.wait_dma2 semaphore(%run_scoped3A_11 : memref<!tpu.dma_semaphore, #tpu.memory_space<semaphore_mem>>) src(%dma_wait3A_17 : memref<320xf32, #tpu.memory_space<hbm>>) dst(%arg8 : memref<320xf32, #tpu.memory_space<vmem>>)
      tpu.yield
    }) : () -> ()
    %run_scoped3A_4 = arith.constant 0 : i32
    "tpu.region"() ({
      %run_scoped3A_11 = tpu.sem_alloc : memref<!tpu.dma_semaphore, #tpu.memory_space<semaphore_mem>>
      %dma_start3A = tpu.memref_slice %arg3[%run_scoped3A_4, %add3A] : memref<2x10240xf32, #tpu.memory_space<hbm>> -> memref<1x320xf32, #tpu.memory_space<hbm>>
      %dma_start3A_12 = tpu.memref_squeeze %dma_start3A : memref<1x320xf32, #tpu.memory_space<hbm>> -> memref<320xf32, #tpu.memory_space<hbm>>
      %dma_start3A_13 = tpu.memref_slice %arg3[%run_scoped3A_4, %add3A] : memref<2x10240xf32, #tpu.memory_space<hbm>> -> memref<1x320xf32, #tpu.memory_space<hbm>>
      %dma_start3A_14 = tpu.memref_squeeze %dma_start3A_13 : memref<1x320xf32, #tpu.memory_space<hbm>> -> memref<320xf32, #tpu.memory_space<hbm>>
      tpu.enqueue_dma source(%dma_start3A_14 : memref<320xf32, #tpu.memory_space<hbm>>) target(%arg9 : memref<320xf32, #tpu.memory_space<vmem>>) target_semaphore(%run_scoped3A_11 : memref<!tpu.dma_semaphore, #tpu.memory_space<semaphore_mem>>)
      %dma_wait3A = tpu.memref_slice %arg3[%run_scoped3A_4, %add3A] : memref<2x10240xf32, #tpu.memory_space<hbm>> -> memref<1x320xf32, #tpu.memory_space<hbm>>
      %dma_wait3A_15 = tpu.memref_squeeze %dma_wait3A : memref<1x320xf32, #tpu.memory_space<hbm>> -> memref<320xf32, #tpu.memory_space<hbm>>
      %dma_wait3A_16 = tpu.memref_slice %arg3[%run_scoped3A_4, %add3A] : memref<2x10240xf32, #tpu.memory_space<hbm>> -> memref<1x320xf32, #tpu.memory_space<hbm>>
      %dma_wait3A_17 = tpu.memref_squeeze %dma_wait3A_16 : memref<1x320xf32, #tpu.memory_space<hbm>> -> memref<320xf32, #tpu.memory_space<hbm>>
      tpu.wait_dma2 semaphore(%run_scoped3A_11 : memref<!tpu.dma_semaphore, #tpu.memory_space<semaphore_mem>>) src(%dma_wait3A_17 : memref<320xf32, #tpu.memory_space<hbm>>) dst(%arg9 : memref<320xf32, #tpu.memory_space<vmem>>)
      tpu.yield
    }) : () -> ()
    %run_scoped3A_5 = arith.constant 1 : i32
    "tpu.region"() ({
      %run_scoped3A_11 = tpu.sem_alloc : memref<!tpu.dma_semaphore, #tpu.memory_space<semaphore_mem>>
      %dma_start3A = tpu.memref_slice %arg3[%run_scoped3A_5, %add3A] : memref<2x10240xf32, #tpu.memory_space<hbm>> -> memref<1x320xf32, #tpu.memory_space<hbm>>
      %dma_start3A_12 = tpu.memref_squeeze %dma_start3A : memref<1x320xf32, #tpu.memory_space<hbm>> -> memref<320xf32, #tpu.memory_space<hbm>>
      %dma_start3A_13 = tpu.memref_slice %arg3[%run_scoped3A_5, %add3A] : memref<2x10240xf32, #tpu.memory_space<hbm>> -> memref<1x320xf32, #tpu.memory_space<hbm>>
      %dma_start3A_14 = tpu.memref_squeeze %dma_start3A_13 : memref<1x320xf32, #tpu.memory_space<hbm>> -> memref<320xf32, #tpu.memory_space<hbm>>
      tpu.enqueue_dma source(%dma_start3A_14 : memref<320xf32, #tpu.memory_space<hbm>>) target(%arg10 : memref<320xf32, #tpu.memory_space<vmem>>) target_semaphore(%run_scoped3A_11 : memref<!tpu.dma_semaphore, #tpu.memory_space<semaphore_mem>>)
      %dma_wait3A = tpu.memref_slice %arg3[%run_scoped3A_5, %add3A] : memref<2x10240xf32, #tpu.memory_space<hbm>> -> memref<1x320xf32, #tpu.memory_space<hbm>>
      %dma_wait3A_15 = tpu.memref_squeeze %dma_wait3A : memref<1x320xf32, #tpu.memory_space<hbm>> -> memref<320xf32, #tpu.memory_space<hbm>>
      %dma_wait3A_16 = tpu.memref_slice %arg3[%run_scoped3A_5, %add3A] : memref<2x10240xf32, #tpu.memory_space<hbm>> -> memref<1x320xf32, #tpu.memory_space<hbm>>
      %dma_wait3A_17 = tpu.memref_squeeze %dma_wait3A_16 : memref<1x320xf32, #tpu.memory_space<hbm>> -> memref<320xf32, #tpu.memory_space<hbm>>
      tpu.wait_dma2 semaphore(%run_scoped3A_11 : memref<!tpu.dma_semaphore, #tpu.memory_space<semaphore_mem>>) src(%dma_wait3A_17 : memref<320xf32, #tpu.memory_space<hbm>>) dst(%arg10 : memref<320xf32, #tpu.memory_space<vmem>>)
      tpu.yield
    }) : () -> ()
    "tpu.region"() ({
      %run_scoped3A_11 = tpu.sem_alloc : memref<!tpu.dma_semaphore, #tpu.memory_space<semaphore_mem>>
      %dma_start3A = tpu.memref_slice %arg4[%add3A] : memref<10240xf32, #tpu.memory_space<hbm>> -> memref<320xf32, #tpu.memory_space<hbm>>
      %dma_start3A_12 = tpu.memref_slice %arg4[%add3A] : memref<10240xf32, #tpu.memory_space<hbm>> -> memref<320xf32, #tpu.memory_space<hbm>>
      tpu.enqueue_dma source(%dma_start3A_12 : memref<320xf32, #tpu.memory_space<hbm>>) target(%arg11 : memref<320xf32, #tpu.memory_space<vmem>>) target_semaphore(%run_scoped3A_11 : memref<!tpu.dma_semaphore, #tpu.memory_space<semaphore_mem>>)
      %dma_wait3A = tpu.memref_slice %arg4[%add3A] : memref<10240xf32, #tpu.memory_space<hbm>> -> memref<320xf32, #tpu.memory_space<hbm>>
      %dma_wait3A_13 = tpu.memref_slice %arg4[%add3A] : memref<10240xf32, #tpu.memory_space<hbm>> -> memref<320xf32, #tpu.memory_space<hbm>>
      tpu.wait_dma2 semaphore(%run_scoped3A_11 : memref<!tpu.dma_semaphore, #tpu.memory_space<semaphore_mem>>) src(%dma_wait3A_13 : memref<320xf32, #tpu.memory_space<hbm>>) dst(%arg11 : memref<320xf32, #tpu.memory_space<vmem>>)
      tpu.yield
    }) : () -> ()
    "tpu.region"() ({
      %run_scoped3A_11 = tpu.sem_alloc : memref<!tpu.dma_semaphore, #tpu.memory_space<semaphore_mem>>
      tpu.enqueue_dma source(%arg5 : memref<8x16xf32, #tpu.memory_space<hbm>>) target(%arg12 : memref<8x16xf32, #tpu.memory_space<vmem>>) target_semaphore(%run_scoped3A_11 : memref<!tpu.dma_semaphore, #tpu.memory_space<semaphore_mem>>)
      tpu.wait_dma2 semaphore(%run_scoped3A_11 : memref<!tpu.dma_semaphore, #tpu.memory_space<semaphore_mem>>) src(%arg5 : memref<8x16xf32, #tpu.memory_space<hbm>>) dst(%arg12 : memref<8x16xf32, #tpu.memory_space<vmem>>)
      tpu.yield
    }) : () -> ()
    %scan3A = arith.constant 0 : i32
    %scan3A_6 = arith.constant 0 : i32
    %scan3A_7 = arith.constant 20 : i32
    %scan3A_8 = arith.addi %scan3A_6, %scan3A_7 : i32
    %scan3A_9 = arith.constant 1 : i32
    scf.for %scan3A_11 = %scan3A_6 to %scan3A_8 step %scan3A_9  : i32 {
      %mul3A_12 = arith.constant 16 : i32
      %mul3A_13 = arith.muli %mul3A_12, %scan3A_11 : i32
      %get3A = arith.index_cast %mul3A_13 : i32 to index
      %get3A_14 = tpu.vector_load %arg7[%get3A] {strides = array<i32>} : memref<320xf32, #tpu.memory_space<vmem>>, vector<16xf32>,
      %mul3A_15 = arith.constant 16 : i32
      %mul3A_16 = arith.muli %mul3A_15, %scan3A_11 : i32
      %get3A_17 = arith.index_cast %mul3A_16 : i32 to index
      %get3A_18 = tpu.vector_load %arg8[%get3A_17] {strides = array<i32>} : memref<320xf32, #tpu.memory_space<vmem>>, vector<16xf32>,
      %mul3A_19 = arith.constant 16 : i32
      %mul3A_20 = arith.muli %mul3A_19, %scan3A_11 : i32
      %get3A_21 = arith.index_cast %mul3A_20 : i32 to index
      %get3A_22 = tpu.vector_load %arg9[%get3A_21] {strides = array<i32>} : memref<320xf32, #tpu.memory_space<vmem>>, vector<16xf32>,
      %mul3A_23 = arith.constant 16 : i32
      %mul3A_24 = arith.muli %mul3A_23, %scan3A_11 : i32
      %get3A_25 = arith.index_cast %mul3A_24 : i32 to index
      %get3A_26 = tpu.vector_load %arg10[%get3A_25] {strides = array<i32>} : memref<320xf32, #tpu.memory_space<vmem>>, vector<16xf32>,
      %mul3A_27 = arith.constant 16 : i32
      %mul3A_28 = arith.muli %mul3A_27, %scan3A_11 : i32
      %get3A_29 = arith.index_cast %mul3A_28 : i32 to index
      %get3A_30 = tpu.vector_load %arg11[%get3A_29] {strides = array<i32>} : memref<320xf32, #tpu.memory_space<vmem>>, vector<16xf32>,
      %get3A_31 = arith.constant 3 : i32
      %get3A_32 = arith.index_cast %get3A_31 : i32 to index
      %get3A_33 = arith.constant 0 : index
      %get3A_34 = tpu.vector_load %arg12[%get3A_32, %get3A_33] {strides = array<i32>} : memref<8x16xf32, #tpu.memory_space<vmem>>, vector<16xf32>,
      %mul3A_35 = arith.mulf %get3A_22, %get3A_14 : vector<16xf32>
      %mul3A_36 = arith.mulf %get3A_26, %get3A_18 : vector<16xf32>
      %add3A_37 = arith.addf %mul3A_35, %mul3A_36 : vector<16xf32>
      %mul3A_38 = arith.mulf %get3A_34, %add3A_37 : vector<16xf32>
      %add3A_39 = arith.addf %get3A_30, %mul3A_38 : vector<16xf32>
      %get3A_40 = arith.constant 2 : i32
      %get3A_41 = arith.index_cast %get3A_40 : i32 to index
      %get3A_42 = arith.constant 0 : index
      %get3A_43 = tpu.vector_load %arg12[%get3A_41, %get3A_42] {strides = array<i32>} : memref<8x16xf32, #tpu.memory_space<vmem>>, vector<16xf32>,
      %add3A_44 = arith.addf %add3A_39, %get3A_43 : vector<16xf32>
      %mul3A_45 = arith.constant 16 : i32
      %mul3A_46 = arith.muli %mul3A_45, %scan3A_11 : i32
      %swap3A = arith.index_cast %mul3A_46 : i32 to index
      %swap3A_47 = tpu.vector_load %arg11[%swap3A] {strides = array<i32>} : memref<320xf32, #tpu.memory_space<vmem>>, vector<16xf32>,
      tpu.vector_store %arg11[%swap3A], %add3A_44 {strides = array<i32>} : memref<320xf32, #tpu.memory_space<vmem>>, vector<16xf32>,
    }
    %scan3A_10 = arith.constant 20 : i32
    "tpu.region"() ({
      %run_scoped3A_11 = tpu.sem_alloc : memref<!tpu.dma_semaphore, #tpu.memory_space<semaphore_mem>>
      %dma_start3A = tpu.memref_slice %arg6[%add3A] : memref<10240xf32, #tpu.memory_space<hbm>> -> memref<320xf32, #tpu.memory_space<hbm>>
      %dma_start3A_12 = tpu.memref_slice %arg6[%add3A] : memref<10240xf32, #tpu.memory_space<hbm>> -> memref<320xf32, #tpu.memory_space<hbm>>
      tpu.enqueue_dma source(%arg11 : memref<320xf32, #tpu.memory_space<vmem>>) target(%dma_start3A_12 : memref<320xf32, #tpu.memory_space<hbm>>) target_semaphore(%run_scoped3A_11 : memref<!tpu.dma_semaphore, #tpu.memory_space<semaphore_mem>>)
      %dma_wait3A = tpu.memref_slice %arg6[%add3A] : memref<10240xf32, #tpu.memory_space<hbm>> -> memref<320xf32, #tpu.memory_space<hbm>>
      %dma_wait3A_13 = tpu.memref_slice %arg6[%add3A] : memref<10240xf32, #tpu.memory_space<hbm>> -> memref<320xf32, #tpu.memory_space<hbm>>
      tpu.wait_dma2 semaphore(%run_scoped3A_11 : memref<!tpu.dma_semaphore, #tpu.memory_space<semaphore_mem>>) src(%arg11 : memref<320xf32, #tpu.memory_space<vmem>>) dst(%dma_wait3A_13 : memref<320xf32, #tpu.memory_space<hbm>>)
      tpu.yield
    }) : () -> ()
    return
  }
}

module attributes {stable_mosaic.version = 14 : i64} {
  func.func @_tc_body(%arg0: i32, %arg1: i32, %arg2: memref<1024x128xf32, #tpu.memory_space<vmem>>, %arg3: memref<128x128xf32, #tpu.memory_space<vmem>>, %arg4: memref<1x128xf32, #tpu.memory_space<vmem>>, %arg5: memref<1x128x8xf32, #tpu.memory_space<vmem>>, %arg6: memref<128x1xf32, #tpu.memory_space<vmem>>, %arg7: memref<1x1024x1xf32, #tpu.memory_space<vmem>>, %arg8: memref<1024x8xf32, #tpu.memory_space<vmem>>, %arg9: memref<1024x1xf32, #tpu.memory_space<vmem>>, %arg10: memref<1x1024x1xf32, #tpu.memory_space<vmem>>) attributes {dimension_semantics = [#tpu.dimension_semantics<arbitrary>, #tpu.dimension_semantics<arbitrary>], iteration_bounds = array<i64: 2, 10>, scalar_prefetch = 0 : i64, scratch_operands = 0 : i64, tpu.core_type = #tpu.core_type<tc>, window_params = [{transform_indices = @transform_0, window_bounds = array<i64: 1024, 128>}, {pipeline_mode = #tpu.pipeline_mode<synchronous>, transform_indices = @transform_1, window_bounds = array<i64: 128, 128>}, {pipeline_mode = #tpu.pipeline_mode<synchronous>, transform_indices = @transform_2, window_bounds = array<i64: 1, 128>}, {transform_indices = @transform_3, window_bounds = array<i64: 1, 128, 8>}, {pipeline_mode = #tpu.pipeline_mode<synchronous>, transform_indices = @transform_4, window_bounds = array<i64: 128, 1>}, {transform_indices = @transform_5, window_bounds = array<i64: 1, 1024, 1>}, {transform_indices = @transform_6, window_bounds = array<i64: 1024, 8>}, {transform_indices = @transform_7, window_bounds = array<i64: 1024, 1>}, {transform_indices = @transform_8, window_bounds = array<i64: 1, 1024, 1>}]} {
    %get3A = arith.constant 0 : index
    %get3A_0 = arith.constant 0 : index
    %get3A_1 = vector.load %arg2[%get3A, %get3A_0] : memref<1024x128xf32, #tpu.memory_space<vmem>>, vector<1024x128xf32>
    %get3A_2 = arith.constant 0 : index
    %get3A_3 = arith.constant 0 : index
    %get3A_4 = vector.load %arg3[%get3A_2, %get3A_3] : memref<128x128xf32, #tpu.memory_space<vmem>>, vector<128x128xf32>
    %dot_general3A = arith.constant dense<0.000000e+00> : vector<1024x128xf32>
    %dot_general3A_5 = tpu.matmul %get3A_1, %get3A_4, %dot_general3A {dimension_numbers = #tpu.dot_dimension_numbers<[1], [0], [0], [1], [0, 0, 1, 1], [], []>, transpose_lhs_hint = false} : vector<1024x128xf32>, vector<128x128xf32>, vector<1024x128xf32> -> vector<1024x128xf32>
    %get3A_6 = arith.constant 0 : index
    %get3A_7 = arith.constant 0 : index
    %get3A_8 = vector.load %arg4[%get3A_6, %get3A_7] : memref<1x128xf32, #tpu.memory_space<vmem>>, vector<1x128xf32>
    %add3A = vector.broadcast %get3A_8 : vector<1x128xf32> to vector<1024x128xf32>
    %add3A_9 = arith.addf %dot_general3A_5, %add3A : vector<1024x128xf32>
    %max3A = arith.constant 0.000000e+00 : f32
    %max3A_10 = vector.broadcast %max3A : f32 to vector<1024x128xf32>
    %max3A_11 = arith.maximumf %add3A_9, %max3A_10 : vector<1024x128xf32>
    %get3A_12 = arith.constant 0 : index
    %get3A_13 = arith.constant 0 : index
    %get3A_14 = arith.constant 0 : index
    %get3A_15 = vector.load %arg5[%get3A_12, %get3A_13, %get3A_14] : memref<1x128x8xf32, #tpu.memory_space<vmem>>, vector<1x128x8xf32>
    %get3A_16 = vector.shape_cast %get3A_15 : vector<1x128x8xf32> to vector<128x8xf32>
    %dot_general3A_17 = arith.constant dense<0.000000e+00> : vector<1024x8xf32>
    %dot_general3A_18 = tpu.matmul %max3A_11, %get3A_16, %dot_general3A_17 {dimension_numbers = #tpu.dot_dimension_numbers<[1], [0], [0], [1], [0, 0, 1, 1], [], []>, transpose_lhs_hint = false} : vector<1024x128xf32>, vector<128x8xf32>, vector<1024x8xf32> -> vector<1024x8xf32>
    %get3A_19 = arith.constant 0 : index
    %get3A_20 = arith.constant 0 : index
    %get3A_21 = arith.constant 0 : index
    %get3A_22 = vector.load %arg7[%get3A_19, %get3A_20, %get3A_21] : memref<1x1024x1xf32, #tpu.memory_space<vmem>>, vector<1x1024x1xf32>
    %get3A_23 = vector.shape_cast %get3A_22 : vector<1x1024x1xf32> to vector<1024x1xf32>
    %gt3A = arith.constant 5.000000e-01 : f32
    %gt3A_24 = vector.broadcast %gt3A : f32 to vector<1024x1xf32>
    %gt3A_25 = arith.cmpf ogt, %get3A_23, %gt3A_24 : vector<1024x1xf32>
    %max3A_26 = arith.constant 9.99999996E-13 : f32
    %max3A_27 = vector.broadcast %max3A_26 : f32 to vector<1024x1xf32>
    %max3A_28 = arith.maximumf %get3A_23, %max3A_27 : vector<1024x1xf32>
    %rsqrt3A = math.rsqrt %max3A_28 : vector<1024x1xf32>
    %jit3A = arith.constant 0.000000e+00 : f32
    %broadcast_in_dim3A = vector.broadcast %jit3A : f32 to vector<1024x1xf32>
    %select_n3A = arith.select %gt3A_25, %rsqrt3A, %broadcast_in_dim3A : vector<1024x1xi1>, vector<1024x1xf32>
    %mul3A = vector.broadcast %select_n3A : vector<1024x1xf32> to vector<1024x8xf32>
    %mul3A_29 = arith.mulf %dot_general3A_18, %mul3A : vector<1024x8xf32>
    %swap3A = arith.constant 0 : index
    %swap3A_30 = arith.constant 0 : index
    %swap3A_31 = vector.load %arg8[%swap3A, %swap3A_30] : memref<1024x8xf32, #tpu.memory_space<vmem>>, vector<1024x8xf32>
    tpu.vector_store %arg8[%swap3A, %swap3A_30], %mul3A_29 {strides = array<i32>} : memref<1024x8xf32, #tpu.memory_space<vmem>>, vector<1024x8xf32>,
    %get3A_32 = arith.constant 0 : index
    %get3A_33 = arith.constant 0 : index
    %get3A_34 = vector.load %arg6[%get3A_32, %get3A_33] : memref<128x1xf32, #tpu.memory_space<vmem>>, vector<128x1xf32>
    %dot_general3A_35 = arith.constant dense<0.000000e+00> : vector<1024x1xf32>
    %dot_general3A_36 = tpu.matmul %max3A_11, %get3A_34, %dot_general3A_35 {dimension_numbers = #tpu.dot_dimension_numbers<[1], [0], [0], [1], [0, 0, 1, 1], [], []>, transpose_lhs_hint = false} : vector<1024x128xf32>, vector<128x1xf32>, vector<1024x1xf32> -> vector<1024x1xf32>
    %swap3A_37 = arith.constant 0 : index
    %swap3A_38 = arith.constant 0 : index
    %swap3A_39 = vector.load %arg9[%swap3A_37, %swap3A_38] : memref<1024x1xf32, #tpu.memory_space<vmem>>, vector<1024x1xf32>
    tpu.vector_store %arg9[%swap3A_37, %swap3A_38], %dot_general3A_36 {strides = array<i32>} : memref<1024x1xf32, #tpu.memory_space<vmem>>, vector<1024x1xf32>,
    %broadcast_in_dim3A_40 = vector.shape_cast %select_n3A : vector<1024x1xf32> to vector<1x1024x1xf32>
    %swap3A_41 = arith.constant 0 : index
    %swap3A_42 = arith.constant 0 : index
    %swap3A_43 = arith.constant 0 : index
    %swap3A_44 = vector.load %arg10[%swap3A_41, %swap3A_42, %swap3A_43] : memref<1x1024x1xf32, #tpu.memory_space<vmem>>, vector<1x1024x1xf32>
    tpu.vector_store %arg10[%swap3A_41, %swap3A_42, %swap3A_43], %broadcast_in_dim3A_40 {strides = array<i32>} : memref<1x1024x1xf32, #tpu.memory_space<vmem>>, vector<1x1024x1xf32>,
    return
  }
  func.func @transform_0(%arg0: i32, %arg1: i32) -> (i32, i32) {
    %c0_i32 = arith.constant 0 : i32
    %c0_i32_0 = arith.constant 0 : i32
    return %arg1, %c0_i32 : i32, i32
  }
  func.func @transform_1(%arg0: i32, %arg1: i32) -> (i32, i32) {
    %c0_i32 = arith.constant 0 : i32
    %c0_i32_0 = arith.constant 0 : i32
    %c0_i32_1 = arith.constant 0 : i32
    return %c0_i32, %c0_i32_0 : i32, i32
  }
  func.func @transform_2(%arg0: i32, %arg1: i32) -> (i32, i32) {
    %c0_i32 = arith.constant 0 : i32
    %c0_i32_0 = arith.constant 0 : i32
    %c0_i32_1 = arith.constant 0 : i32
    return %c0_i32, %c0_i32_0 : i32, i32
  }
  func.func @transform_3(%arg0: i32, %arg1: i32) -> (i32, i32, i32) {
    %c0_i32 = arith.constant 0 : i32
    %c0_i32_0 = arith.constant 0 : i32
    %c0_i32_1 = arith.constant 0 : i32
    return %arg0, %c0_i32, %c0_i32_0 : i32, i32, i32
  }
  func.func @transform_4(%arg0: i32, %arg1: i32) -> (i32, i32) {
    %c0_i32 = arith.constant 0 : i32
    %c0_i32_0 = arith.constant 0 : i32
    %c0_i32_1 = arith.constant 0 : i32
    return %c0_i32, %c0_i32_0 : i32, i32
  }
  func.func @transform_5(%arg0: i32, %arg1: i32) -> (i32, i32, i32) {
    %c0_i32 = arith.constant 0 : i32
    %c0_i32_0 = arith.constant 0 : i32
    return %arg0, %arg1, %c0_i32 : i32, i32, i32
  }
  func.func @transform_6(%arg0: i32, %arg1: i32) -> (i32, i32) {
    %mul3A = arith.constant 10 : i32
    %mul3A_0 = arith.muli %arg0, %mul3A : i32
    %add3A = arith.addi %mul3A_0, %arg1 : i32
    %c0_i32 = arith.constant 0 : i32
    %c0_i32_1 = arith.constant 0 : i32
    return %add3A, %c0_i32 : i32, i32
  }
  func.func @transform_7(%arg0: i32, %arg1: i32) -> (i32, i32) {
    %c0_i32 = arith.constant 0 : i32
    %c0_i32_0 = arith.constant 0 : i32
    return %arg1, %c0_i32 : i32, i32
  }
  func.func @transform_8(%arg0: i32, %arg1: i32) -> (i32, i32, i32) {
    %c0_i32 = arith.constant 0 : i32
    %c0_i32_0 = arith.constant 0 : i32
    return %arg0, %arg1, %c0_i32 : i32, i32, i32
  }
}

</mosaic_0001>

<sc_bundles>
// kernel: kernel.11.cloned.1.call-start
scs
__scs_entry_jumppad:
0x0: {  	(pc) =	sbr.rel $0x88, $3  }
0x1: {  	(tag) =	ssettag $0x0;
	lr =	simm.s32 $0x1  }
0x2: {  	[smem:$0x3F84] =	sst lr;
	_ =	strace $0xD0000000  }
0x3: {  	_ = 	snop  }
0x4: {  	_ = 	snop  }
0x5: {  	_ = 	snop  }
0x6: {  	_ = 	snop  }
0x7: {  	_ = 	snop  }
__scs_overlays_trampoline_lowered:
0x8: {  	[smem:$0x3F93] =	sst s0  }
0x9: {  	[smem:$0x3F94] =	sst s1  }
0xa: {  	[smem:$0x3F95] =	sst s2  }
0xb: {  	[smem:$0x3F96] =	sst s3  }
0xc: {  	[smem:$0x3F97] =	sst s4  }
0xd: {  	[smem:$0x3F98] =	sst s5  }
0xe: {  	[smem:$0x3F99] =	sst s6  }
0xf: {  	[smem:$0x3F9A] =	sst s7  }
0x10: {  	[smem:$0x3F9B] =	sst s8  }
0x11: {  	[smem:$0x3F9C] =	sst s9;
	s0 =	simm.s32 @!p0 $0x0  }
0x12: {  	s1 =	sld [smem:$0x3F82];
	s0 =	simm.s32 @p0 $0x1  }
0x13: {  	[smem:$0x3F9D] =	sst s0;
	s0 =	simm.s32 @!p1 $0x0  }
0x14: {  	s2 =	sld [smem:$0x3F81];
	s0 =	simm.s32 @p1 $0x1  }
0x15: {  	[smem:$0x3F9E] =	sst s0;
	s0 =	simm.s32 @!p2 $0x0  }
0x16: {  	s3 =	sld [smem:$0x3FDB];
	s0 =	simm.s32 @p2 $0x1  }
0x17: {  	s4 =	simm.s32 $0x1BF5;
	[smem:$0x3FA0] =	sst s0  }
0x18: {  	s0 =	sld [smem:$0x3F83];
	_ =	swait.ge [sflag:s4], $0x0  }
0x19: {  	s7 =	sld [smem:$0x3F84]  }
0x1a: {  	s8 =	sadd.s32 $0xFFFFE003, lr  }
0x1b: {  	s9 =	sadd.s32 $0xFFFFFEF7, lr;
	s5 =	simm.s32 $0xFFFFFFFF;
	p2 =	slt.u32 s8, $0xFFFFF086  }
0x1c: {  	p1 =	slt.u32 s9, $0xF7A;
	s5 =	simm.s32 @!p2 $0x0  }
0x1d: {  	s5 =	simm.s32 @p1 $0x1;
	p0 =	seq.s32 s7, s2  }
0x1e: {  	s7 =	smul.u32 @!p0 $0xF7A, s2;
	p2 =	seq.s32 @!p0 s5, $0x0  }
0x1f: {  	s9 =	smul.u32 $0xF7A, s1;
	s8 =	simm.s32 @!p0 $0x1BF5;
	p2 =	por !p2, p0  }
0x20: {  	[sflag:s8] =	ssyncset.s32 @!p0 $0xFFFFF086;
	s6 =	sadd.s32 @!p0 s3, s7;
	s7 =	simm.s32 @!p0 $0x108  }
0x21: {  	s3 =	sadd.s32 s3, s9;
	s6 =	sadd.s32 @!p0 $0x88, s6;
	s7 =	simm.s32 @p2 $0x1082  }
0x22: {  	[simem:s7], [sflag:s8] =	dma.local @!p0 [hbm:s6], $0xF7A  }
0x23: {  	s9 =	sor.u32 $0xD0000000, s2;
	s6 =	simm.s32 $0x108;
	_ =	swait.ge @!p0 [sflag:s8], $0x0  }
0x24: {  	s3 =	sadd.s32 $0x88, s3;
	s6 =	simm.s32 @!p1 $0x1082;
	[sflag:s4] =	ssyncset.s32 $0xFFFFF086  }
0x25: {  	[simem:s6], [sflag:s4] =	dma.local [hbm:s3], $0xF7A  }
0x26: {  	[smem:$0x3F84] =	sst s1;
	(tag) =	ssettag s2;
	_ =	strace s9  }
0x27: {  	s1 =	sld [smem:$0x3F94]  }
0x28: {  	s2 =	sld [smem:$0x3F95]  }
0x29: {  	s4 =	sld [smem:$0x3F97]  }
0x2a: {  	p0 =	seq.s32 s5, $0x0;
	s5 =	sld [smem:$0x3F98]  }
0x2b: {  	s6 =	sld [smem:$0x3F99]  }
0x2c: {  	s7 =	sld [smem:$0x3F9A]  }
0x2d: {  	s3 =	simm.s32 $0x108;
	s8 =	sld [smem:$0x3F9B]  }
0x2e: {  	s3 =	simm.s32 @!p0 $0x1082;
	s9 =	sld [smem:$0x3F9C]  }
0x2f: {  	lr =	sadd.s32 s0, s3;
	s0 =	sld [smem:$0x3F93]  }
0x30: {  	s3 =	sld [smem:$0x3F96]  }
0x31: {  	[smem:$0x3F9F] =	sst s10  }
0x32: {  	s10 =	sld [smem:$0x3F9D];
	_ =	sdelay $0x3  }
0x33: {  	p0 =	seq.s32 s10, $0x1;
	s10 =	sld [smem:$0x3F9F];
	_ =	sdelay $0x3  }
0x34: {  	[smem:$0x3F9F] =	sst s10  }
0x35: {  	s10 =	sld [smem:$0x3F9E];
	_ =	sdelay $0x3  }
0x36: {  	p1 =	seq.s32 s10, $0x1;
	s10 =	sld [smem:$0x3F9F];
	_ =	sdelay $0x3  }
0x37: {  	[smem:$0x3F9F] =	sst s10  }
0x38: {  	s10 =	sld [smem:$0x3FA0]  }
0x39: {  	_ = 	snop;
	(pc) =	sbr.ind lr, $3  }
0x3a: {  	_ = 	snop  }
0x3b: {  	_ = 	snop  }
0x3c: {  	p2 =	seq.s32 s10, $0x1;
	s10 =	sld [smem:$0x3F9F]  }
0x3d: {  	_ =	shalt  }
0x3e: {  	_ =	shalt  }
0x3f: {  	_ =	shalt  }
0x40: {  	_ =	shalt  }
0x41: {  	_ =	shalt  }
0x42: {  	_ =	shalt  }
0x43: {  	_ =	shalt  }
0x44: {  	_ =	shalt  }
0x45: {  	_ =	shalt  }
0x46: {  	_ =	shalt  }
0x47: {  	_ =	shalt  }
0x48: {  	_ =	shalt  }
0x49: {  	_ =	shalt  }
0x4a: {  	_ =	shalt  }
0x4b: {  	_ =	shalt  }
0x4c: {  	_ =	shalt  }
0x4d: {  	_ =	shalt  }
0x4e: {  	_ =	shalt  }
0x4f: {  	_ =	shalt  }
0x50: {  	_ =	shalt  }
0x51: {  	_ =	shalt  }
0x52: {  	_ =	shalt  }
0x53: {  	_ =	shalt  }
0x54: {  	_ =	shalt  }
0x55: {  	_ =	shalt  }
0x56: {  	_ =	shalt  }
0x57: {  	_ =	shalt  }
0x58: {  	_ =	shalt  }
0x59: {  	_ =	shalt  }
0x5a: {  	_ =	shalt  }
0x5b: {  	_ =	shalt  }
0x5c: {  	_ =	shalt  }
0x5d: {  	_ =	shalt  }
0x5e: {  	_ =	shalt  }
0x5f: {  	_ =	shalt  }
0x60: {  	_ =	shalt  }
0x61: {  	_ =	shalt  }
0x62: {  	_ =	shalt  }
0x63: {  	_ =	shalt  }
0x64: {  	_ =	shalt  }
0x65: {  	_ =	shalt  }
0x66: {  	_ =	shalt  }
0x67: {  	_ =	shalt  }
0x68: {  	_ =	shalt  }
0x69: {  	_ =	shalt  }
0x6a: {  	_ =	shalt  }
0x6b: {  	_ =	shalt  }
0x6c: {  	_ =	shalt  }
0x6d: {  	_ =	shalt  }
0x6e: {  	_ =	shalt  }
0x6f: {  	_ =	shalt  }
0x70: {  	_ =	shalt  }
0x71: {  	_ =	shalt  }
0x72: {  	_ =	shalt  }
0x73: {  	_ =	shalt  }
0x74: {  	_ =	shalt  }
0x75: {  	_ =	shalt  }
0x76: {  	_ =	shalt  }
0x77: {  	_ =	shalt  }
0x78: {  	_ =	shalt  }
0x79: {  	_ =	shalt  }
0x7a: {  	_ =	shalt  }
0x7b: {  	_ =	shalt  }
0x7c: {  	_ =	shalt  }
0x7d: {  	_ =	shalt  }
0x7e: {  	_ =	shalt  }
0x7f: {  	_ =	shalt  }
0x80: {  	_ =	shalt  }
0x81: {  	_ =	shalt  }
0x82: {  	_ =	shalt  }
0x83: {  	_ =	shalt  }
0x84: {  	_ =	shalt  }
0x85: {  	_ =	shalt  }
0x86: {  	_ =	shalt  }
0x87: {  	_ =	shalt  }
.Lfunc_end0:
.L_simem_size_0:
called_computation.1_lowered:
.L_overlay_start_0:
0x88: {  	s2 =	sld [smem:$0x3FD9]  }
0x89: {  	s3 =	sld [smem:$0x3FFE];
	_ =	sdelay $0x1  }
0x8a: {  	s1 =	srdreg.scid  }
0x8b: {  	s0 =	sand.u32 $0x1, s1  }
0x8c: {  	s17 =	sshll.u32 s0, $0xA;
	s2 =	sadd.s32 s3, s2  }
0x8d: {  	s2 =	sadd.s32 s2, s17  }
0x8e: {  	[smem:$0x3FAB] =	sst s2  }
0x8f: {  	_ = 	snop  }
0x90: {  	s2 =	sld [smem:$0x3FD0];
	(tm) =	ssettm $0x1  }
0x91: {  	s18 =	sld [smem:$0x3FFB];
	_ =	sdelay $0x3  }
0x92: {  	_ =	strace s18  }
0x93: {  	s3 =	sld [smem:$0x3FFC];
	_ =	sdelay $0x3  }
0x94: {  	_ =	strace s3  }
0x95: {  	s3 =	sld [smem:$0x3FFD];
	_ =	sdelay $0x3  }
0x96: {  	_ =	strace s3  }
0x97: {  	_ =	strace $0x8FFFFFFF  }
0x98: {  	s19 =	sld [smem:$0x3FDB];
	_ =	sdelay $0x1  }
0x99: {  	s4 =	simm.s32 $_scs_section_size  }
0x9a: {  	s5 =	simm.s32 $_size__tile_overlayer_lowered;
	s6 =	simm.s32 $_tile_overlayer_lowered  }
0x9b: {  	s22 =	simm.s32 $0x1BFF;
	s21 =	sshll.u32 s6, $0x1;
	s3 =	sadd.s32 s4, s19  }
0x9c: {  	s7 =	simm.s32 $0x0;
	s20 =	sshll.u32 s5, $0x1;
	s5 =	sadd.s32 s21, s3  }
0x9d: {  	[timem:s7], [sflag:s22] =	dma.local [hbm:s5], s20  }
0x9e: {  	_ =	swait.ge [sflag:s22], s20  }
0x9f: {  	s4 =	ssub.s32 $0x0, s20;
	[sflag:s22] =	ssyncset.done $0x0  }
0xa0: {  	[sflag:s22] =	ssyncadd.s32 s4;
	_ =	sdelay $0x1  }
0xa1: {  	s23 =	simm.s32 $0x1B8B  }
0xa2: {  	_ =	swait.ge [sflag:s23], $0x1  }
0xa3: {  	[sflag:s23] =	ssyncset.done $0x0  }
0xa4: {  	s25 =	simm.s32 $0x1B8E;
	s24 =	sld [smem:$0x3FFE];
	[sflag:s23] =	ssyncadd.s32 $0xFFFFFFFF  }
0xa5: {  	s26 =	simm.s32 $execute0_lowered;
	[smem:$0x3FD2] =	sst s25  }
0xa6: {  	s5 =	sshll.u32 s26, $0x1;
	_ =	strace $0x80000049;
	[dreg:$0x1] =	wrdreg $0xFFFFFFFF  }
0xa7: {  	s28 =	simm.s32 $_size_execute0_lowered;
	s3 =	sadd.s32 s3, s5;
	[dreg:$0x0] =	wrdreg $0x0  }
0xa8: {  	s5 =	sshll.u32 s28, $0x1;
	[dreg:$0x2] =	wrdreg s3  }
0xa9: {  	[dreg:$0x3] =	wrdreg s5  }
0xaa: {  	[dreg:$0x4] =	wrdreg $0xC0  }
0xab: {  	_ =	task [dreg:s7], $0x5FFFF  }
0xac: {  	[dreg:$0x1] =	wrdreg $0xFFFFFFFF  }
0xad: {  	[dreg:$0x0] =	wrdreg $0x60  }
0xae: {  	[dreg:$0x2] =	wrdreg s24  }
0xaf: {  	[dreg:$0x3] =	wrdreg s2  }
0xb0: {  	[dreg:$0x4] =	wrdreg $0xC4000  }
0xb1: {  	[dreg:$0x5] =	wrdreg $0x9  }
0xb2: {  	_ =	task.clear_ibuf [dreg:s7], $0x6FFFF;
	_ =	strace $0x90000049  }
0xb3: {  	s29 =	simm.s32 $0x9;
	_ =	strace $0x8000004B  }
0xb4: {  	_ =	swait.ge [sflag:s29], $0x1  }
0xb5: {  	[sflag:s29] =	ssyncadd.s32 $0xFFFFFFFF  }
0xb6: {  	_ =	strace $0x9000004B  }
0xb7: {  	_ =	sfence  }
0xb8: {  	s30 =	sld [smem:$0x0];
	_ =	sdelay $0x2  }
0xb9: {  	s31 =	sshll.u32 s1, $0xD;
	s1 =	sshrl.u32 s1, $0x2  }
0xba: {  	s3 =	sand.u32 $0x4000, s31;
	s1 =	sadd.s32 s1, s30  }
0xbb: {  	s0 =	sor.u32 s3, s0;
	s1 =	sshll.u32 s1, $0x11  }
0xbc: {  	s0 =	sor.u32 s1, s0  }
0xbd: {  	s0 =	sadd.s32 $0x8F2B, s0  }
0xbe: {  	[sflag:s0] =	ssyncadd.remote.s32 $0x1  }
0xbf: {  	_ =	sfence.sel $0xFFFF  }
0xc0: {  	[dreg:$0x0] =	wrdreg $0xFFFFFFFF;
	(pc) =	sbr.abs _section_cstart, $3  }
0xc1: {  	[dreg:$0x1] =	wrdreg $0xFFFFFFFF  }
0xc2: {  	_ =	task.clear_ibuf [dreg:s7], $0x2FFFF;
	_ =	strace $0x9FFFFFFF  }
0xc3: {  	(tm) =	ssettm $0x7FFFFFFF  }
tec
execute0_lowered:
.L_overlay_start_1:
0x0: {  	(tag) =	ssettag $0x1  }
0x1: {  	s6 =	rddreg [dreg:$0x0]  }
0x2: {  	s1 =	srdreg.scid;
	s2 =	rddreg [dreg:$0x1]  }
0x3: {  	s0 =	stileid.u32;
	s3 =	rddreg [dreg:$0x2];
	s4 =	simm.s32 $0x0  }
0x4: {  	s12 =	simm.s32 $0x5000;
	s13 =	simm.s32 $0xB000;
	s14 =	simm.s32 $0x80  }
0x5: {  	s15 =	simm.s32 $0xA000;
	s16 =	simm.s32 $0xA400;
	s17 =	simm.s32 $0xA800  }
0x6: {  	s18 =	simm.s32 $0xAC00;
	s19 =	simm.s32 $0x1;
	s20 =	simm.s32 $0x2  }
0x7: {  	s21 =	simm.s32 $0x3;
	s22 =	simm.s32 $0x4;
	s8 =	smul.u32 $0x1400, s0  }
0x8: {  	s23 =	simm.s32 $0x5;
	s7 =	sand.u32 $0x1, s1;
	s11 =	smul.u32 $0x5000, s0  }
0x9: {  	s24 =	simm.s32 $0x0;
	s1 =	rddreg [dreg:$0x3];
	s9 =	smul.u32 $0x14000, s7  }
0xa: {  	[smem:$0x7FF] =	sst s4;
	s10 =	smul.u32 $0x50000, s7;
	s7 =	ssub.s32 $0x2, s7  }
0xb: {  	s5 =	sadd.s32 $0x28C00, s6;
	_ =	strace $0x8000004A;
	s31 =	sshrl.u32 s7, $0x1  }
0xc: {  	s9 =	sadd.s32 s8, s9;
	s10 =	sadd.s32 s11, s10;
	s11 =	ssub.s32 s7, s31  }
0xd: {  	s8 =	sadd.s32 s8, s3;
	s9 =	sshrl.u32 s9, $0x3;
	s10 =	sshrl.u32 s10, $0x3  }
0xe: {  	s9 =	sadd.s32 s9, s6;
	s6 =	sadd.s32 s6, s10;
	s10 =	smax.u32 s11, $0x1  }
0xf: {  	s11 =	simm.s32 $0x6;
	s7 =	sadd.s32 $0x14C00, s6;
	s9 =	sadd.s32 $0x2DC00, s9  }
.LBB2_1:
0x10: {  	[tilespmem:s4], [sflag:$0x6] =	stream.linear.gather [hbm4b:s7+s4], $0x5000, $0x38;
	[tilespmem:$0xD800] =	vst v63  }
0x11: {  	_ =	swait.ge [sflag:s11], $0x5000  }
0x12: {  	[sflag:s11] =	ssyncset.done $0x0  }
0x13: {  	[sflag:s11] =	ssyncadd.s32 $0xFFFFB000  }
0x14: {  	[tilespmem:s12], [sflag:$0x6] =	stream.linear.gather [hbm4b:s6+s4], $0x5000, $0x38;
	[tilespmem:$0xD800] =	vst v63  }
0x15: {  	_ =	swait.ge [sflag:s11], $0x5000  }
0x16: {  	[sflag:s11] =	ssyncset.done $0x0  }
0x17: {  	[sflag:s11] =	ssyncadd.s32 $0xFFFFB000  }
0x18: {  	[tilespmem:s13], [sflag:$0x6] =	stream.linear.gather [hbm4b:s2+s4], $0x1400, $0x38;
	[tilespmem:$0xD800] =	vst v63  }
0x19: {  	_ =	swait.ge [sflag:s11], $0x1400  }
0x1a: {  	[sflag:s11] =	ssyncset.done $0x0  }
0x1b: {  	[sflag:s11] =	ssyncadd.s32 $0xFFFFEC00  }
0x1c: {  	[spmem:s8] =	stream.linear.scatter [tilespmem:s13], [sflag:$0x6], $0x1400, $0x38;
	[tilespmem:$0xD800] =	vst v63  }
0x1d: {  	_ =	swait.ge [sflag:s11], $0x1400  }
0x1e: {  	[sflag:s11] =	ssyncset.done $0x0  }
0x1f: {  	[sflag:s11] =	ssyncadd.s32 $0xFFFFEC00  }
0x20: {  	s25 =	simm.s32 $0x0;
	[bflag:$0x0] =	sbarrier.arrive $0xFFFF  }
0x21: {  	[tilespmem:s15], [sflag:$0x1] =	stream.indirect.gather [hbm4b:s5+s14], $0x8, s25, s14, $0xb8;
	[tilespmem:$0xD800] =	vst v63  }
0x22: {  	s29 =	simm.s32 $0x80  }
0x23: {  	[tilespmem:s16], [sflag:$0x2] =	stream.indirect.gather [hbm4b:s5+s14], $0x8, s29, s14, $0xb8;
	[tilespmem:$0xD800] =	vst v63  }
0x24: {  	s30 =	simm.s32 $0x100  }
0x25: {  	[tilespmem:s17], [sflag:$0x3] =	stream.indirect.gather [hbm4b:s5+s14], $0x8, s30, s14, $0xb8;
	[tilespmem:$0xD800] =	vst v63  }
0x26: {  	s31 =	simm.s32 $0x180  }
0x27: {  	[tilespmem:s18], [sflag:$0x4] =	stream.indirect.gather [hbm4b:s5+s14], $0x8, s31, s14, $0xb8;
	[tilespmem:$0xD800] =	vst v63  }
0x28: {  	_ =	swait.ge [sflag:s19], $0x400  }
0x29: {  	[sflag:s19] =	ssyncset.done $0x0  }
0x2a: {  	s26 =	simm.s32 $0x5000;
	[sflag:s19] =	ssyncadd.s32 $0xFFFFFC00  }
0x2b: {  	[spmem:s3] =	stream.indirect.scatter.add.f32 [tilespmem:s15], [sflag:$0x5], $0x8, s26, s14, $0xb8;
	[tilespmem:$0xD800] =	vst v63  }
0x2c: {  	_ =	swait.ge [sflag:s20], $0x400  }
0x2d: {  	[sflag:s20] =	ssyncset.done $0x0  }
0x2e: {  	s29 =	simm.s32 $0x5080;
	[sflag:s20] =	ssyncadd.s32 $0xFFFFFC00  }
0x2f: {  	[spmem:s3] =	stream.indirect.scatter.add.f32 [tilespmem:s16], [sflag:$0x5], $0x8, s29, s14, $0xb8;
	[tilespmem:$0xD800] =	vst v63  }
0x30: {  	_ =	swait.ge [sflag:s21], $0x400  }
0x31: {  	[sflag:s21] =	ssyncset.done $0x0  }
0x32: {  	s30 =	simm.s32 $0x5100;
	[sflag:s21] =	ssyncadd.s32 $0xFFFFFC00  }
0x33: {  	[spmem:s3] =	stream.indirect.scatter.add.f32 [tilespmem:s17], [sflag:$0x5], $0x8, s30, s14, $0xb8;
	[tilespmem:$0xD800] =	vst v63  }
0x34: {  	_ =	swait.ge [sflag:s22], $0x400  }
0x35: {  	[sflag:s22] =	ssyncset.done $0x0  }
0x36: {  	s31 =	simm.s32 $0x5180;
	[sflag:s22] =	ssyncadd.s32 $0xFFFFFC00  }
0x37: {  	[spmem:s3] =	stream.indirect.scatter.add.f32 [tilespmem:s18], [sflag:$0x5], $0x8, s31, s14, $0xb8;
	[tilespmem:$0xD800] =	vst v63  }
0x38: {  	_ =	swait.ge [sflag:s23], $0x400  }
0x39: {  	[sflag:s23] =	ssyncset.done $0x0  }
0x3a: {  	[sflag:s23] =	ssyncadd.s32 $0xFFFFFC00  }
0x3b: {  	_ =	swait.ge [sflag:s23], $0x400  }
0x3c: {  	[sflag:s23] =	ssyncset.done $0x0  }
0x3d: {  	[sflag:s23] =	ssyncadd.s32 $0xFFFFFC00  }
0x3e: {  	_ =	swait.ge [sflag:s23], $0x400  }
0x3f: {  	[sflag:s23] =	ssyncset.done $0x0  }
0x40: {  	[sflag:s23] =	ssyncadd.s32 $0xFFFFFC00  }
0x41: {  	_ =	swait.ge [sflag:s23], $0x400  }
0x42: {  	s28 =	simm.s32 $0x1000;
	s25 =	simm.s32 $0x800;
	[sflag:s23] =	ssyncset.done $0x0  }
.LBB2_2:
0x43: {  	s29 =	sshra.s32 s25, $0x2  }
0x44: {  	[sflag:s23] =	ssyncadd.s32 $0xFFFFFC00;
	s25 =	smov.u32 s28;
	s26 =	sadd.s32 $0x800, s28  }
0x45: {  	[tilespmem:s15], [sflag:$0x1] =	stream.indirect.gather [hbm4b:s5+s14], $0x8, s29, s14, $0xb8;
	[tilespmem:$0xD800] =	vst v63  }
0x46: {  	p0 =	sne.s32 s28, $0x13800;
	s28 =	sadd.s32 $0x80, s29  }
0x47: {  	[tilespmem:s16], [sflag:$0x2] =	stream.indirect.gather [hbm4b:s5+s14], $0x8, s28, s14, $0xb8;
	[tilespmem:$0xD800] =	vst v63  }
0x48: {  	s28 =	sadd.s32 $0x100, s29  }
0x49: {  	[tilespmem:s17], [sflag:$0x3] =	stream.indirect.gather [hbm4b:s5+s14], $0x8, s28, s14, $0xb8;
	[tilespmem:$0xD800] =	vst v63  }
0x4a: {  	s28 =	sadd.s32 $0x180, s29  }
0x4b: {  	[tilespmem:s18], [sflag:$0x4] =	stream.indirect.gather [hbm4b:s5+s14], $0x8, s28, s14, $0xb8;
	[tilespmem:$0xD800] =	vst v63  }
0x4c: {  	_ =	swait.ge [sflag:s19], $0x400  }
0x4d: {  	[sflag:s19] =	ssyncset.done $0x0  }
0x4e: {  	s28 =	sadd.s32 $0x5000, s29;
	[sflag:s19] =	ssyncadd.s32 $0xFFFFFC00  }
0x4f: {  	[spmem:s3] =	stream.indirect.scatter.add.f32 [tilespmem:s15], [sflag:$0x5], $0x8, s28, s14, $0xb8;
	[tilespmem:$0xD800] =	vst v63  }
0x50: {  	_ =	swait.ge [sflag:s20], $0x400  }
0x51: {  	[sflag:s20] =	ssyncset.done $0x0  }
0x52: {  	s28 =	sadd.s32 $0x5080, s29;
	[sflag:s20] =	ssyncadd.s32 $0xFFFFFC00  }
0x53: {  	[spmem:s3] =	stream.indirect.scatter.add.f32 [tilespmem:s16], [sflag:$0x5], $0x8, s28, s14, $0xb8;
	[tilespmem:$0xD800] =	vst v63  }
0x54: {  	_ =	swait.ge [sflag:s21], $0x400  }
0x55: {  	[sflag:s21] =	ssyncset.done $0x0  }
0x56: {  	s28 =	sadd.s32 $0x5100, s29;
	[sflag:s21] =	ssyncadd.s32 $0xFFFFFC00  }
0x57: {  	[spmem:s3] =	stream.indirect.scatter.add.f32 [tilespmem:s17], [sflag:$0x5], $0x8, s28, s14, $0xb8;
	[tilespmem:$0xD800] =	vst v63  }
0x58: {  	_ =	swait.ge [sflag:s22], $0x400  }
0x59: {  	[sflag:s22] =	ssyncset.done $0x0  }
0x5a: {  	s28 =	sadd.s32 $0x5180, s29;
	[sflag:s22] =	ssyncadd.s32 $0xFFFFFC00  }
0x5b: {  	[spmem:s3] =	stream.indirect.scatter.add.f32 [tilespmem:s18], [sflag:$0x5], $0x8, s28, s14, $0xb8;
	[tilespmem:$0xD800] =	vst v63  }
0x5c: {  	_ =	swait.ge [sflag:s23], $0x400  }
0x5d: {  	[sflag:s23] =	ssyncset.done $0x0  }
0x5e: {  	[sflag:s23] =	ssyncadd.s32 $0xFFFFFC00  }
0x5f: {  	_ =	swait.ge [sflag:s23], $0x400  }
0x60: {  	[sflag:s23] =	ssyncset.done $0x0  }
0x61: {  	[sflag:s23] =	ssyncadd.s32 $0xFFFFFC00  }
.Ltmp0:
0x62: {  	_ =	swait.ge [sflag:s23], $0x400;
	(pc) =	sbr.rel @p0 .LBB2_2-.Ltmp0, $4  }
0x63: {  	[sflag:s23] =	ssyncset.done $0x0  }
0x64: {  	[sflag:s23] =	ssyncadd.s32 $0xFFFFFC00  }
0x65: {  	_ =	swait.ge [sflag:s23], $0x400  }
0x66: {  	s28 =	smov.u32 s26;
	[sflag:s23] =	ssyncset.done $0x0  }
0x67: {  	s25 =	sshra.s32 s25, $0x2;
	[sflag:s23] =	ssyncadd.s32 $0xFFFFFC00  }
0x68: {  	[tilespmem:s15], [sflag:$0x1] =	stream.indirect.gather [hbm4b:s5+s14], $0x8, s25, s14, $0xb8;
	[tilespmem:$0xD800] =	vst v63  }
0x69: {  	s26 =	sadd.s32 $0x80, s25  }
0x6a: {  	[tilespmem:s16], [sflag:$0x2] =	stream.indirect.gather [hbm4b:s5+s14], $0x8, s26, s14, $0xb8;
	[tilespmem:$0xD800] =	vst v63  }
0x6b: {  	s31 =	sadd.s32 $0x100, s25  }
0x6c: {  	[tilespmem:s17], [sflag:$0x3] =	stream.indirect.gather [hbm4b:s5+s14], $0x8, s31, s14, $0xb8;
	[tilespmem:$0xD800] =	vst v63  }
0x6d: {  	s28 =	sadd.s32 $0x180, s25  }
0x6e: {  	[tilespmem:s18], [sflag:$0x4] =	stream.indirect.gather [hbm4b:s5+s14], $0x8, s28, s14, $0xb8;
	[tilespmem:$0xD800] =	vst v63  }
0x6f: {  	_ =	swait.ge [sflag:s19], $0x400  }
0x70: {  	[sflag:s19] =	ssyncset.done $0x0  }
0x71: {  	s29 =	sadd.s32 $0x5000, s25;
	[sflag:s19] =	ssyncadd.s32 $0xFFFFFC00  }
0x72: {  	[spmem:s3] =	stream.indirect.scatter.add.f32 [tilespmem:s15], [sflag:$0x5], $0x8, s29, s14, $0xb8;
	[tilespmem:$0xD800] =	vst v63  }
0x73: {  	_ =	swait.ge [sflag:s20], $0x400  }
0x74: {  	[sflag:s20] =	ssyncset.done $0x0  }
0x75: {  	s30 =	sadd.s32 $0x5080, s25;
	[sflag:s20] =	ssyncadd.s32 $0xFFFFFC00  }
0x76: {  	[spmem:s3] =	stream.indirect.scatter.add.f32 [tilespmem:s16], [sflag:$0x5], $0x8, s30, s14, $0xb8;
	[tilespmem:$0xD800] =	vst v63  }
0x77: {  	_ =	swait.ge [sflag:s21], $0x400  }
0x78: {  	[sflag:s21] =	ssyncset.done $0x0  }
0x79: {  	s31 =	sadd.s32 $0x5100, s25;
	[sflag:s21] =	ssyncadd.s32 $0xFFFFFC00  }
0x7a: {  	[spmem:s3] =	stream.indirect.scatter.add.f32 [tilespmem:s17], [sflag:$0x5], $0x8, s31, s14, $0xb8;
	[tilespmem:$0xD800] =	vst v63  }
0x7b: {  	_ =	swait.ge [sflag:s22], $0x400  }
0x7c: {  	[sflag:s22] =	ssyncset.done $0x0  }
0x7d: {  	s25 =	sadd.s32 $0x5180, s25;
	[sflag:s22] =	ssyncadd.s32 $0xFFFFFC00  }
0x7e: {  	[spmem:s3] =	stream.indirect.scatter.add.f32 [tilespmem:s18], [sflag:$0x5], $0x8, s25, s14, $0xb8;
	[tilespmem:$0xD800] =	vst v63  }
0x7f: {  	_ =	swait.ge [sflag:s23], $0x400  }
0x80: {  	[sflag:s23] =	ssyncset.done $0x0  }
0x81: {  	[sflag:s23] =	ssyncadd.s32 $0xFFFFFC00  }
0x82: {  	_ =	swait.ge [sflag:s23], $0x400  }
0x83: {  	[sflag:s23] =	ssyncset.done $0x0  }
0x84: {  	[sflag:s23] =	ssyncadd.s32 $0xFFFFFC00  }
0x85: {  	_ =	swait.ge [sflag:s23], $0x400  }
0x86: {  	[sflag:s23] =	ssyncset.done $0x0  }
0x87: {  	[sflag:s23] =	ssyncadd.s32 $0xFFFFFC00  }
0x88: {  	_ =	swait.ge [sflag:s23], $0x400  }
0x89: {  	[sflag:s23] =	ssyncset.done $0x0  }
0x8a: {  	[sflag:s23] =	ssyncadd.s32 $0xFFFFFC00  }
0x8b: {  	[bflag:$0x0] =	sbarrier.arrive $0xFFFF  }
0x8c: {  	[tilespmem:s13], [sflag:$0x6] =	stream.linear.gather [spmem:s8], $0x1400, $0x38;
	[tilespmem:$0xD800] =	vst v63  }
0x8d: {  	s24 =	sadd.s32 $0x1, s24;
	_ =	swait.ge [sflag:s11], $0x1400  }
0x8e: {  	p0 =	sne.s32 s24, s10;
	[sflag:s11] =	ssyncset.done $0x0  }
.Ltmp1:
0x8f: {  	[sflag:s11] =	ssyncadd.s32 $0xFFFFEC00;
	(pc) =	sbr.rel @p0 .LBB2_1-.Ltmp1, $4  }
0x90: {  	[hbm4b:s9+s4] =	stream.linear.scatter [tilespmem:s13], [sflag:$0x6], $0x1400, $0x38;
	[tilespmem:$0xD800] =	vst v63  }
0x91: {  	_ =	swait.ge [sflag:s11], $0x1400  }
0x92: {  	[sflag:s11] =	ssyncset.done $0x0  }
0x93: {  	[sflag:s11] =	ssyncadd.s32 $0xFFFFEC00  }
0x94: {  	_ =	sfence.sel $0x180000  }
0x95: {  	[bflag:$0x0] =	sbarrier.arrive $0xFFFF  }
0x96: {  	p0 =	sne.s32 s0, $0x0;
	_ =	strace $0x9000004A  }
0x97: {  	s0 =	sadd.s32 @!p0 $0x100000, s1;
	[bflag:$0x2] =	sbarrier.arrive $0xFFFF  }
0x98: {  	[sflag:s0] =	ssyncadd.tile.s32 @!p0 $0x1;
	_ =	shalt  }
.Lfunc_end2:
_tile_overlayer_lowered:
.L_overlay_start_2:
0x99: {  	(tag) =	ssettag $0x2  }
0x9a: {  	s0 =	rddreg [dreg:$0x0];
	s2 =	stileid.u32  }
0x9b: {  	s1 =	rddreg [dreg:$0x1];
	p0 =	sne.s32 s2, $0x0  }
0x9c: {  	s3 =	rddreg [dreg:$0x2];
	[bflag:$0x3] =	sbarrier.arrive $0xFFFF;
	s2 =	simm.s32 @!p0 $0x1C06  }
0x9d: {  	[timem:s3], [sflag:s2] =	dma.local @!p0 [hbm:s0], s1  }
0x9e: {  	s0 =	simm.s32 @!p0 $0x6  }
0x9f: {  	_ =	swait.ge @!p0 [sflag:s0], s1  }
0xa0: {  	s1 =	ssub.s32 @!p0 $0x0, s1;
	[sflag:s0] =	ssyncset.done @!p0 $0x0  }
0xa1: {  	[sflag:s0] =	ssyncadd.s32 @!p0 s1  }
0xa2: {  	[bflag:$0x3] =	sbarrier.arrive $0xFFFF  }
0xa3: {  	_ =	shalt  }

// kernel: kernel.14.cloned.1.call-start
scs
__scs_entry_jumppad:
0x0: {  	(pc) =	sbr.rel $0x88, $3  }
0x1: {  	(tag) =	ssettag $0x0;
	lr =	simm.s32 $0x1  }
0x2: {  	[smem:$0x3F84] =	sst lr;
	_ =	strace $0xD0000000  }
0x3: {  	_ = 	snop  }
0x4: {  	_ = 	snop  }
0x5: {  	_ = 	snop  }
0x6: {  	_ = 	snop  }
0x7: {  	_ = 	snop  }
__scs_overlays_trampoline_lowered:
0x8: {  	[smem:$0x3F93] =	sst s0  }
0x9: {  	[smem:$0x3F94] =	sst s1  }
0xa: {  	[smem:$0x3F95] =	sst s2  }
0xb: {  	[smem:$0x3F96] =	sst s3  }
0xc: {  	[smem:$0x3F97] =	sst s4  }
0xd: {  	[smem:$0x3F98] =	sst s5  }
0xe: {  	[smem:$0x3F99] =	sst s6  }
0xf: {  	[smem:$0x3F9A] =	sst s7  }
0x10: {  	[smem:$0x3F9B] =	sst s8  }
0x11: {  	[smem:$0x3F9C] =	sst s9;
	s0 =	simm.s32 @!p0 $0x0  }
0x12: {  	s1 =	sld [smem:$0x3F82];
	s0 =	simm.s32 @p0 $0x1  }
0x13: {  	[smem:$0x3F9D] =	sst s0;
	s0 =	simm.s32 @!p1 $0x0  }
0x14: {  	s2 =	sld [smem:$0x3F81];
	s0 =	simm.s32 @p1 $0x1  }
0x15: {  	[smem:$0x3F9E] =	sst s0;
	s0 =	simm.s32 @!p2 $0x0  }
0x16: {  	s3 =	sld [smem:$0x3FDB];
	s0 =	simm.s32 @p2 $0x1  }
0x17: {  	s4 =	simm.s32 $0x1BF5;
	[smem:$0x3FA0] =	sst s0  }
0x18: {  	s0 =	sld [smem:$0x3F83];
	_ =	swait.ge [sflag:s4], $0x0  }
0x19: {  	s7 =	sld [smem:$0x3F84]  }
0x1a: {  	s8 =	sadd.s32 $0xFFFFE003, lr  }
0x1b: {  	s9 =	sadd.s32 $0xFFFFFEF7, lr;
	s5 =	simm.s32 $0xFFFFFFFF;
	p2 =	slt.u32 s8, $0xFFFFF086  }
0x1c: {  	p1 =	slt.u32 s9, $0xF7A;
	s5 =	simm.s32 @!p2 $0x0  }
0x1d: {  	s5 =	simm.s32 @p1 $0x1;
	p0 =	seq.s32 s7, s2  }
0x1e: {  	s7 =	smul.u32 @!p0 $0xF7A, s2;
	p2 =	seq.s32 @!p0 s5, $0x0  }
0x1f: {  	s9 =	smul.u32 $0xF7A, s1;
	s8 =	simm.s32 @!p0 $0x1BF5;
	p2 =	por !p2, p0  }
0x20: {  	[sflag:s8] =	ssyncset.s32 @!p0 $0xFFFFF086;
	s6 =	sadd.s32 @!p0 s3, s7;
	s7 =	simm.s32 @!p0 $0x108  }
0x21: {  	s3 =	sadd.s32 s3, s9;
	s6 =	sadd.s32 @!p0 $0x88, s6;
	s7 =	simm.s32 @p2 $0x1082  }
0x22: {  	[simem:s7], [sflag:s8] =	dma.local @!p0 [hbm:s6], $0xF7A  }
0x23: {  	s9 =	sor.u32 $0xD0000000, s2;
	s6 =	simm.s32 $0x108;
	_ =	swait.ge @!p0 [sflag:s8], $0x0  }
0x24: {  	s3 =	sadd.s32 $0x88, s3;
	s6 =	simm.s32 @!p1 $0x1082;
	[sflag:s4] =	ssyncset.s32 $0xFFFFF086  }
0x25: {  	[simem:s6], [sflag:s4] =	dma.local [hbm:s3], $0xF7A  }
0x26: {  	[smem:$0x3F84] =	sst s1;
	(tag) =	ssettag s2;
	_ =	strace s9  }
0x27: {  	s1 =	sld [smem:$0x3F94]  }
0x28: {  	s2 =	sld [smem:$0x3F95]  }
0x29: {  	s4 =	sld [smem:$0x3F97]  }
0x2a: {  	p0 =	seq.s32 s5, $0x0;
	s5 =	sld [smem:$0x3F98]  }
0x2b: {  	s6 =	sld [smem:$0x3F99]  }
0x2c: {  	s7 =	sld [smem:$0x3F9A]  }
0x2d: {  	s3 =	simm.s32 $0x108;
	s8 =	sld [smem:$0x3F9B]  }
0x2e: {  	s3 =	simm.s32 @!p0 $0x1082;
	s9 =	sld [smem:$0x3F9C]  }
0x2f: {  	lr =	sadd.s32 s0, s3;
	s0 =	sld [smem:$0x3F93]  }
0x30: {  	s3 =	sld [smem:$0x3F96]  }
0x31: {  	[smem:$0x3F9F] =	sst s10  }
0x32: {  	s10 =	sld [smem:$0x3F9D];
	_ =	sdelay $0x3  }
0x33: {  	p0 =	seq.s32 s10, $0x1;
	s10 =	sld [smem:$0x3F9F];
	_ =	sdelay $0x3  }
0x34: {  	[smem:$0x3F9F] =	sst s10  }
0x35: {  	s10 =	sld [smem:$0x3F9E];
	_ =	sdelay $0x3  }
0x36: {  	p1 =	seq.s32 s10, $0x1;
	s10 =	sld [smem:$0x3F9F];
	_ =	sdelay $0x3  }
0x37: {  	[smem:$0x3F9F] =	sst s10  }
0x38: {  	s10 =	sld [smem:$0x3FA0]  }
0x39: {  	_ = 	snop;
	(pc) =	sbr.ind lr, $3  }
0x3a: {  	_ = 	snop  }
0x3b: {  	_ = 	snop  }
0x3c: {  	p2 =	seq.s32 s10, $0x1;
	s10 =	sld [smem:$0x3F9F]  }
0x3d: {  	_ =	shalt  }
0x3e: {  	_ =	shalt  }
0x3f: {  	_ =	shalt  }
0x40: {  	_ =	shalt  }
0x41: {  	_ =	shalt  }
0x42: {  	_ =	shalt  }
0x43: {  	_ =	shalt  }
0x44: {  	_ =	shalt  }
0x45: {  	_ =	shalt  }
0x46: {  	_ =	shalt  }
0x47: {  	_ =	shalt  }
0x48: {  	_ =	shalt  }
0x49: {  	_ =	shalt  }
0x4a: {  	_ =	shalt  }
0x4b: {  	_ =	shalt  }
0x4c: {  	_ =	shalt  }
0x4d: {  	_ =	shalt  }
0x4e: {  	_ =	shalt  }
0x4f: {  	_ =	shalt  }
0x50: {  	_ =	shalt  }
0x51: {  	_ =	shalt  }
0x52: {  	_ =	shalt  }
0x53: {  	_ =	shalt  }
0x54: {  	_ =	shalt  }
0x55: {  	_ =	shalt  }
0x56: {  	_ =	shalt  }
0x57: {  	_ =	shalt  }
0x58: {  	_ =	shalt  }
0x59: {  	_ =	shalt  }
0x5a: {  	_ =	shalt  }
0x5b: {  	_ =	shalt  }
0x5c: {  	_ =	shalt  }
0x5d: {  	_ =	shalt  }
0x5e: {  	_ =	shalt  }
0x5f: {  	_ =	shalt  }
0x60: {  	_ =	shalt  }
0x61: {  	_ =	shalt  }
0x62: {  	_ =	shalt  }
0x63: {  	_ =	shalt  }
0x64: {  	_ =	shalt  }
0x65: {  	_ =	shalt  }
0x66: {  	_ =	shalt  }
0x67: {  	_ =	shalt  }
0x68: {  	_ =	shalt  }
0x69: {  	_ =	shalt  }
0x6a: {  	_ =	shalt  }
0x6b: {  	_ =	shalt  }
0x6c: {  	_ =	shalt  }
0x6d: {  	_ =	shalt  }
0x6e: {  	_ =	shalt  }
0x6f: {  	_ =	shalt  }
0x70: {  	_ =	shalt  }
0x71: {  	_ =	shalt  }
0x72: {  	_ =	shalt  }
0x73: {  	_ =	shalt  }
0x74: {  	_ =	shalt  }
0x75: {  	_ =	shalt  }
0x76: {  	_ =	shalt  }
0x77: {  	_ =	shalt  }
0x78: {  	_ =	shalt  }
0x79: {  	_ =	shalt  }
0x7a: {  	_ =	shalt  }
0x7b: {  	_ =	shalt  }
0x7c: {  	_ =	shalt  }
0x7d: {  	_ =	shalt  }
0x7e: {  	_ =	shalt  }
0x7f: {  	_ =	shalt  }
0x80: {  	_ =	shalt  }
0x81: {  	_ =	shalt  }
0x82: {  	_ =	shalt  }
0x83: {  	_ =	shalt  }
0x84: {  	_ =	shalt  }
0x85: {  	_ =	shalt  }
0x86: {  	_ =	shalt  }
0x87: {  	_ =	shalt  }
.Lfunc_end0:
.L_simem_size_0:
called_computation.2_lowered:
.L_overlay_start_0:
0x88: {  	s2 =	sld [smem:$0x3FD9]  }
0x89: {  	s3 =	sld [smem:$0x3FFE];
	_ =	sdelay $0x1  }
0x8a: {  	s1 =	srdreg.scid  }
0x8b: {  	s0 =	sand.u32 $0x1, s1  }
0x8c: {  	s16 =	sshll.u32 s0, $0xA;
	s2 =	sadd.s32 s3, s2  }
0x8d: {  	s2 =	sadd.s32 s2, s16  }
0x8e: {  	[smem:$0x3FAB] =	sst s2  }
0x8f: {  	_ = 	snop  }
0x90: {  	(tm) =	ssettm $0x1  }
0x91: {  	s17 =	sld [smem:$0x3FFB];
	_ =	sdelay $0x3  }
0x92: {  	_ =	strace s17  }
0x93: {  	s2 =	sld [smem:$0x3FFC];
	_ =	sdelay $0x3  }
0x94: {  	_ =	strace s2  }
0x95: {  	s2 =	sld [smem:$0x3FFD];
	_ =	sdelay $0x3  }
0x96: {  	_ =	strace s2  }
0x97: {  	_ =	strace $0x8FFFFFFF  }
0x98: {  	s18 =	sld [smem:$0x3FDB];
	_ =	sdelay $0x1  }
0x99: {  	s19 =	simm.s32 $_scs_section_size  }
0x9a: {  	s4 =	simm.s32 $_size__tile_overlayer_lowered;
	s5 =	simm.s32 $_tile_overlayer_lowered  }
0x9b: {  	s22 =	simm.s32 $0x1BFF;
	s21 =	sshll.u32 s5, $0x1;
	s2 =	sadd.s32 s19, s18  }
0x9c: {  	s6 =	simm.s32 $0x0;
	s20 =	sshll.u32 s4, $0x1;
	s4 =	sadd.s32 s21, s2  }
0x9d: {  	[timem:s6], [sflag:s22] =	dma.local [hbm:s4], s20  }
0x9e: {  	_ =	swait.ge [sflag:s22], s20  }
0x9f: {  	s3 =	ssub.s32 $0x0, s20;
	[sflag:s22] =	ssyncset.done $0x0  }
0xa0: {  	[sflag:s22] =	ssyncadd.s32 s3;
	_ =	sdelay $0x1  }
0xa1: {  	s23 =	simm.s32 $0x1B8B  }
0xa2: {  	_ =	swait.ge [sflag:s23], $0x1  }
0xa3: {  	[sflag:s23] =	ssyncset.done $0x0  }
0xa4: {  	s25 =	simm.s32 $0x1B8E;
	s24 =	sld [smem:$0x3FFE];
	[sflag:s23] =	ssyncadd.s32 $0xFFFFFFFF  }
0xa5: {  	s26 =	simm.s32 $execute0_lowered;
	[smem:$0x3FD2] =	sst s25  }
0xa6: {  	s4 =	sshll.u32 s26, $0x1;
	_ =	strace $0x8000004C;
	[dreg:$0x1] =	wrdreg $0xFFFFFFFF  }
0xa7: {  	s28 =	simm.s32 $_size_execute0_lowered;
	s2 =	sadd.s32 s2, s4;
	[dreg:$0x0] =	wrdreg $0x0  }
0xa8: {  	s4 =	sshll.u32 s28, $0x1;
	[dreg:$0x2] =	wrdreg s2  }
0xa9: {  	[dreg:$0x3] =	wrdreg s4  }
0xaa: {  	[dreg:$0x4] =	wrdreg $0xC0  }
0xab: {  	_ =	task [dreg:s6], $0x5FFFF  }
0xac: {  	[dreg:$0x1] =	wrdreg $0xFFFFFFFF  }
0xad: {  	[dreg:$0x0] =	wrdreg $0x60  }
0xae: {  	[dreg:$0x2] =	wrdreg s24  }
0xaf: {  	[dreg:$0x3] =	wrdreg $0x108100  }
0xb0: {  	[dreg:$0x4] =	wrdreg $0x9  }
0xb1: {  	_ =	task.clear_ibuf [dreg:s6], $0x5FFFF;
	_ =	strace $0x9000004C  }
0xb2: {  	s29 =	simm.s32 $0x9;
	_ =	strace $0x8000004E  }
0xb3: {  	_ =	swait.ge [sflag:s29], $0x1  }
0xb4: {  	[sflag:s29] =	ssyncadd.s32 $0xFFFFFFFF  }
0xb5: {  	_ =	strace $0x9000004E  }
0xb6: {  	_ =	sfence  }
0xb7: {  	s30 =	sld [smem:$0x0];
	_ =	sdelay $0x2  }
0xb8: {  	s31 =	sshll.u32 s1, $0xD;
	s1 =	sshrl.u32 s1, $0x2  }
0xb9: {  	s3 =	sand.u32 $0x4000, s31;
	s1 =	sadd.s32 s1, s30  }
0xba: {  	s0 =	sor.u32 s3, s0;
	s1 =	sshll.u32 s1, $0x11  }
0xbb: {  	s0 =	sor.u32 s1, s0  }
0xbc: {  	s0 =	sadd.s32 $0x8F2B, s0  }
0xbd: {  	[sflag:s0] =	ssyncadd.remote.s32 $0x1  }
0xbe: {  	_ =	sfence.sel $0xFFFF  }
0xbf: {  	[dreg:$0x0] =	wrdreg $0xFFFFFFFF;
	(pc) =	sbr.abs _section_cstart, $3  }
0xc0: {  	[dreg:$0x1] =	wrdreg $0xFFFFFFFF  }
0xc1: {  	_ =	task.clear_ibuf [dreg:s6], $0x2FFFF;
	_ =	strace $0x9FFFFFFF  }
0xc2: {  	(tm) =	ssettm $0x7FFFFFFF  }
0xc3: {  	_ =	shalt  }
tec
execute0_lowered:
.L_overlay_start_1:
0x0: {  	(tag) =	ssettag $0x1  }
0x1: {  	s0 =	rddreg [dreg:$0x0]  }
0x2: {  	s12 =	stileid.u32;
	s2 =	rddreg [dreg:$0x1]  }
0x3: {  	s3 =	simm.s32 $0x0;
	s5 =	srdreg.scid;
	s29 =	simm.s32 $0xF410  }
0x4: {  	s31 =	simm.s32 $0x3010;
	s28 =	simm.s32 $0x1;
	s30 =	simm.s32 $0x3  }
0x5: {  	s1 =	smul.u32 $0x1400, s12;
	[smem:$0x7FF] =	sst s3;
	s5 =	sand.u32 $0x1, s5  }
0x6: {  	s6 =	sadd.s32 $0x14000, s0;
	s15 =	sadd.s32 $0x14200, s0;
	s9 =	smul.u32 $0x280, s12  }
0x7: {  	s12 =	smul.u32 $0x5000, s12;
	_ =	strace $0x8000004D;
	[dreg:$0x3] =	wrdreg s6  }
0x8: {  	s14 =	sshll.u32 s5, $0x1;
	s7 =	smul.u32 $0x14000, s5;
	[dreg:$0x4] =	wrdreg s15  }
0x9: {  	s6 =	sadd.s32 $0x28C00, s0;
	s10 =	smul.u32 $0x50000, s5;
	s11 =	ssub.s32 $0x2, s5  }
0xa: {  	s24 =	smul.u32 $0x2800, s5;
	p0 =	seq.s32 s5, $0x0;
	s5 =	simm.s32 $0x5  }
0xb: {  	s4 =	sshrl.u32 s1, $0x3;
	s8 =	sadd.s32 s14, s0;
	s13 =	sshrl.u32 s9, $0x3  }
0xc: {  	s14 =	sshrl.u32 s11, $0x1;
	s25 =	sadd.s32 s6, s9;
	s4 =	sadd.s32 s4, s0  }
0xd: {  	s7 =	sadd.s32 s1, s7;
	s17 =	sadd.s32 s13, s0;
	s19 =	ssub.s32 s11, s14  }
0xe: {  	s10 =	sadd.s32 s12, s10;
	s22 =	sadd.s32 $0x14600, s8;
	s14 =	sadd.s32 s1, s2  }
0xf: {  	s1 =	simm.s32 $0x80;
	s7 =	sshrl.u32 s7, $0x3;
	s16 =	sadd.s32 $0x2DC00, s4  }
0x10: {  	s4 =	sadd.s32 $0x30400, s4;
	s18 =	sshrl.u32 s10, $0x3;
	[dreg:$0x9] =	wrdreg s22  }
0x11: {  	s20 =	sadd.s32 $0x32C00, s17;
	s21 =	sadd.s32 $0x33100, s17;
	[dreg:$0x5] =	wrdreg s16  }
0x12: {  	s15 =	sadd.s32 $0x33600, s17;
	s26 =	sadd.s32 $0x38C00, s17;
	[dreg:$0x6] =	wrdreg s4  }
0x13: {  	s19 =	smax.u32 s19, $0x1;
	s22 =	simm.s32 $0x2800;
	[dreg:$0x7] =	wrdreg s20  }
0x14: {  	s17 =	simm.s32 $0x2;
	s7 =	sadd.s32 s7, s0;
	[dreg:$0x8] =	wrdreg s21  }
0x15: {  	s11 =	sadd.s32 s0, s18;
	s16 =	sadd.s32 s24, s25;
	[dreg:$0xb] =	wrdreg s26  }
0x16: {  	s20 =	simm.s32 $0x6;
	s21 =	simm.s32 $0x1400;
	s0 =	simm.s32 $0xE410  }
0x17: {  	v2 =	vlaneseq.u32;
	s24 =	simm.s32 $0xE810;
	s25 =	simm.s32 $0xEC10;
	s26 =	simm.s32 $0xF010  }
0x18: {  	v0 =	vshrl.u32 v2, $0x2;
	v1 =	vand.u32 $0x3, v2;
	v2 =	vmul.u32 $0x8, v2;
	s4 =	simm.s32 $0x4;
	s23 =	sadd.s32 $0x14C00, s11;
	s18 =	sadd.s32 $0x33C00, s7  }
0x19: {  	s7 =	simm.s32 $0x0;
	[dreg:$0xa] =	wrdreg s23;
	s23 =	simm.s32 $0x2A80  }
.LBB2_1:
0x1a: {  	s8 =	rddreg [dreg:$0x5]  }
0x1b: {  	[tilespmem:s3], [sflag:$0x6] =	stream.linear.gather [hbm4b:s8+s3], $0x1400, $0x38;
	[tilespmem:$0x11210] =	vst v63  }
0x1c: {  	_ =	swait.ge [sflag:s20], $0x1400  }
0x1d: {  	[sflag:s20] =	ssyncset.done $0x0  }
0x1e: {  	s9 =	rddreg [dreg:$0x6];
	[sflag:s20] =	ssyncadd.s32 $0xFFFFEC00  }
0x1f: {  	[tilespmem:s21], [sflag:$0x6] =	stream.linear.gather [hbm4b:s9+s3], $0x1400, $0x38;
	[tilespmem:$0x11210] =	vst v63  }
0x20: {  	_ =	swait.ge [sflag:s20], $0x1400  }
0x21: {  	[sflag:s20] =	ssyncset.done $0x0  }
0x22: {  	s10 =	rddreg [dreg:$0x7];
	[sflag:s20] =	ssyncadd.s32 $0xFFFFEC00  }
0x23: {  	[tilespmem:s22], [sflag:$0x6] =	stream.linear.gather [hbm4b:s10+s3], $0x280, $0x38;
	[tilespmem:$0x11210] =	vst v63  }
0x24: {  	_ =	swait.ge [sflag:s20], $0x280  }
0x25: {  	[sflag:s20] =	ssyncset.done $0x0  }
0x26: {  	s12 =	rddreg [dreg:$0x8];
	[sflag:s20] =	ssyncadd.s32 $0xFFFFFD80  }
0x27: {  	[tilespmem:s23], [sflag:$0x6] =	stream.linear.gather [hbm4b:s12+s3], $0x280, $0x38;
	[tilespmem:$0x11210] =	vst v63  }
0x28: {  	_ =	swait.ge [sflag:s20], $0x280  }
0x29: {  	[sflag:s20] =	ssyncset.done $0x0  }
0x2a: {  	s9 =	simm.s32 $0x2F80;
	s13 =	rddreg [dreg:$0x3];
	[sflag:s20] =	ssyncadd.s32 $0xFFFFFD80  }
0x2b: {  	[tilespmem:s9], [sflag:$0x6] =	stream.linear.gather [hbm4b:s13+s3], $0x80, $0x38;
	[tilespmem:$0x11210] =	vst v63  }
0x2c: {  	_ =	swait.ge [sflag:s20], $0x80  }
0x2d: {  	[sflag:s20] =	ssyncset.done $0x0  }
0x2e: {  	s10 =	simm.s32 $0x3000;
	s9 =	rddreg [dreg:$0x9];
	[sflag:s20] =	ssyncadd.s32 $0xFFFFFF80  }
0x2f: {  	[tilespmem:s10], [sflag:$0x6] =	stream.linear.gather [hbm4b:s9+s3], $0x10, $0x38;
	[tilespmem:$0x11210] =	vst v63  }
0x30: {  	_ =	swait.ge [sflag:s20], $0x10  }
0x31: {  	[sflag:s20] =	ssyncset.done $0x0  }
0x32: {  	s13 =	simm.s32 $0x4410;
	s12 =	rddreg [dreg:$0xa];
	[sflag:s20] =	ssyncadd.s32 $0xFFFFFFF0  }
0x33: {  	[tilespmem:s13], [sflag:$0x6] =	stream.linear.gather [hbm4b:s12+s3], $0x5000, $0x38;
	[tilespmem:$0x11210] =	vst v63  }
0x34: {  	_ =	swait.ge [sflag:s20], $0x5000  }
0x35: {  	[sflag:s20] =	ssyncset.done $0x0  }
0x36: {  	s9 =	simm.s32 $0x9410;
	[sflag:s20] =	ssyncadd.s32 $0xFFFFB000  }
0x37: {  	[tilespmem:s9], [sflag:$0x6] =	stream.linear.gather [hbm4b:s11+s3], $0x5000, $0x38;
	[tilespmem:$0x11210] =	vst v63  }
0x38: {  	_ =	swait.ge [sflag:s20], $0x5000  }
0x39: {  	[sflag:s20] =	ssyncset.done $0x0  }
0x3a: {  	s10 =	rddreg [dreg:$0x4];
	[sflag:s20] =	ssyncadd.s32 $0xFFFFB000  }
0x3b: {  	[tilespmem:s29], [sflag:$0x6] =	stream.linear.gather [hbm4b:s10+s3], $0x1400, $0x38;
	[tilespmem:$0x11210] =	vst v63  }
0x3c: {  	_ =	swait.ge [sflag:s20], $0x1400  }
0x3d: {  	[sflag:s20] =	ssyncset.done $0x0  }
0x3e: {  	[sflag:s20] =	ssyncadd.s32 $0xFFFFEC00  }
0x3f: {  	[spmem:s14] =	stream.linear.scatter [tilespmem:s29], [sflag:$0x6], $0x1400, $0x38;
	[tilespmem:$0x11210] =	vst v63  }
0x40: {  	_ =	swait.ge [sflag:s20], $0x1400  }
0x41: {  	[sflag:s20] =	ssyncset.done $0x0  }
0x42: {  	s12 =	simm.s32 $0x2D00;
	[sflag:s20] =	ssyncadd.s32 $0xFFFFEC00  }
0x43: {  	[tilespmem:s12], [sflag:$0x6] =	stream.linear.gather [hbm4b:s15+s3], $0x280, $0x38;
	[tilespmem:$0x11210] =	vst v63  }
0x44: {  	_ =	swait.ge [sflag:s20], $0x280  }
0x45: {  	[sflag:s20] =	ssyncset.done $0x0  }
0x46: {  	[sflag:s20] =	ssyncadd.s32 $0xFFFFFD80  }
0x47: {  	v4 =	vld [tilespmem:$0x3000];
	_ =	sdelay $0x2  }
0x48: {  	v3 =	vor.u32 s3, v0  }
0x49: {  	v7 =	vshll.u32 v3, $0x3  }
0x4a: {  	v5 =	vadd.s32 v4, v7;
	_ =	sdelay $0x2  }
0x4b: {  	v10 =	vld.idx.msk [tilespmem:v3+s23+$0x0], $0xffff  }
0x4c: {  	v11 =	vld.idx.msk [tilespmem:v3+s22+$0x0], $0xffff  }
0x4d: {  	v6 =	vld.idx.msk [tilespmem:v5+s3+$0x0], $0xffff  }
0x4e: {  	v5 =	vld.idx.msk [tilespmem:v5+s21+$0x0], $0xffff;
	_ =	sdelay $0x1  }
0x4f: {  	s8 =	simm.s32 $0x2F80  }
0x50: {  	s8 =	simm.s32 @!p0 $0x2F90  }
0x51: {  	v3 =	vld [tilespmem:s8+$0x0]  }
0x52: {  	v8 =	vmul.f32 v11, v6;
	v5 =	vmul.f32 v10, v5  }
0x53: {  	s13 =	simm.s32 $0x4  }
0x54: {  	v6 =	vor.u32 s13, v0;
	v9 =	vadd.f32 v5, v8  }
0x55: {  	v5 =	vshll.u32 v6, $0x3;
	v8 =	vor.u32 v1, v7  }
0x56: {  	v7 =	vadd.s32 v4, v5;
	v9 =	vadd.f32 v9, v3  }
0x57: {  	s8 =	simm.s32 $0x8;
	v10 =	vpsel p0, v11, v10  }
.LBB2_2:
0x58: {  	p1 =	sne.s32 s8, $0x27C;
	v9 =	vmul.f32 v9, v10;
	_ =	sdelay $0x1  }
0x59: {  	[tilespmem:v8+s31+$0x0] =	vst.idx.msk $0xffff, v9  }
0x5a: {  	v8 =	vld.idx.msk [tilespmem:v7+s3+$0x0], $0xffff  }
0x5b: {  	v7 =	vld.idx.msk [tilespmem:v7+s21+$0x0], $0xffff  }
0x5c: {  	v10 =	vld.idx.msk [tilespmem:v6+s23+$0x0], $0xffff  }
0x5d: {  	v11 =	vld.idx.msk [tilespmem:v6+s22+$0x0], $0xffff;
	_ =	sdelay $0x5  }
0x5e: {  	v7 =	vmul.f32 v10, v7;
	v8 =	vmul.f32 v11, v8  }
.Ltmp0:
0x5f: {  	(pc) =	sbr.rel @p1 .LBB2_2-.Ltmp0, $4  }
0x60: {  	v6 =	vor.u32 s8, v0;
	v9 =	vadd.f32 v7, v8  }
0x61: {  	v8 =	vor.u32 v1, v5;
	v5 =	vshll.u32 v6, $0x3  }
0x62: {  	v7 =	vadd.s32 v4, v5;
	v9 =	vadd.f32 v9, v3  }
0x63: {  	s8 =	sadd.s32 $0x4, s8;
	v10 =	vpsel p0, v11, v10  }
0x64: {  	_ =	sdelay $0x1  }
0x65: {  	v4 =	vmul.f32 v9, v10;
	_ =	sdelay $0x1  }
0x66: {  	[tilespmem:v8+s31+$0x0] =	vst.idx.msk $0xffff, v4  }
0x67: {  	v4 =	vld.idx.msk [tilespmem:v7+s3+$0x0], $0xffff  }
0x68: {  	v61 =	vld.idx.msk [tilespmem:v7+s21+$0x0], $0xffff  }
0x69: {  	v8 =	vld.idx.msk [tilespmem:v6+s23+$0x0], $0xffff  }
0x6a: {  	v62 =	vld.idx.msk [tilespmem:v6+s22+$0x0], $0xffff;
	_ =	sdelay $0x4  }
0x6b: {  	v4 =	vmul.f32 v62, v4;
	v7 =	vmul.f32 v8, v61;
	_ =	sdelay $0x1  }
0x6c: {  	v4 =	vadd.f32 v7, v4  }
0x6d: {  	v5 =	vor.u32 v1, v5  }
0x6e: {  	v3 =	vadd.f32 v4, v3  }
0x6f: {  	v63 =	vpsel p0, v62, v8  }
0x70: {  	v3 =	vmul.f32 v3, v63;
	_ =	sdelay $0x1  }
.Ltmp1:
0x71: {  	s8 =	simm.s32 $0x0;
	[tilespmem:v5+s31+$0x0] =	vst.idx.msk $0xffff, v3;
	(pc) =	sbr.rel @p0 .LBB2_7-.Ltmp1, $4  }
0x72: {  	[hbm4b:s16+s8] =	stream.linear.scatter [tilespmem:s31], [sflag:$0x6], $0x1400, $0x38;
	[tilespmem:$0x11210] =	vst v63  }
0x73: {  	_ =	swait.ge [sflag:s20], $0x1400  }
0x74: {  	[sflag:s20] =	ssyncset.done $0x0  }
0x75: {  	[sflag:s20] =	ssyncadd.s32 $0xFFFFEC00  }
0x76: {  	v3 =	vmov s8  }
0x77: {  	v3 =	vshll.u32 v3, $0x3  }
0x78: {  	v3 =	vor.u32 v2, v3;
	_ =	sdelay $0x1  }
0x79: {  	s9 =	simm.s32 $0x2800  }
0x7a: {  	s8 =	simm.s32 $0x2A80;
	v4 =	vld [tilespmem:s9+$0x0]  }
0x7b: {  	v6 =	vld [tilespmem:s8+$0x0]  }
0x7c: {  	v5 =	vld.idx.msk [tilespmem:v3+s3+$0x0], $0xffff  }
0x7d: {  	v3 =	vld.idx.msk [tilespmem:v3+s21+$0x0], $0xffff;
	_ =	sdelay $0x3  }
0x7e: {  	v7 =	vld [tilespmem:$0x2FA0]  }
0x7f: {  	v4 =	vmul.f32 v4, v5;
	v3 =	vmul.f32 v6, v3;
	_ =	sdelay $0x1  }
0x80: {  	v5 =	vld [tilespmem:$0x2FB0];
	v3 =	vadd.f32 v3, v4  }
0x81: {  	s10 =	simm.s32 $0x2D00  }
0x82: {  	v6 =	vadd.f32 v7, v3;
	v3 =	vld [tilespmem:s10+$0x0]  }
0x83: {  	s12 =	simm.s32 $0x10  }
0x84: {  	v4 =	vmov s12  }
0x85: {  	s12 =	simm.s32 $0x20;
	v4 =	vshll.u32 v4, $0x3;
	v5 =	vmul.f32 v6, v5  }
.LBB2_5:
0x86: {  	p1 =	sne.s32 s12, $0x270;
	v4 =	vor.u32 v2, v4  }
0x87: {  	v3 =	vadd.f32 v5, v3;
	_ =	sdelay $0x1  }
0x88: {  	s9 =	sadd.s32 $0x10, s9;
	[tilespmem:s10+$0x0] =	vst v3  }
0x89: {  	v3 =	vld [tilespmem:s9+$0x0]  }
0x8a: {  	v5 =	vld.idx.msk [tilespmem:v4+s3+$0x0], $0xffff  }
0x8b: {  	s8 =	sadd.s32 $0x10, s8;
	v4 =	vld.idx.msk [tilespmem:v4+s21+$0x0], $0xffff  }
0x8c: {  	v6 =	vld [tilespmem:s8+$0x0];
	_ =	sdelay $0x3  }
0x8d: {  	v7 =	vld [tilespmem:$0x2FA0]  }
0x8e: {  	v3 =	vmul.f32 v3, v5;
	v4 =	vmul.f32 v6, v4  }
0x8f: {  	v5 =	vld [tilespmem:$0x2FB0]  }
.Ltmp2:
0x90: {  	s10 =	sadd.s32 $0x10, s10;
	v4 =	vadd.f32 v4, v3;
	(pc) =	sbr.rel @p1 .LBB2_5-.Ltmp2, $4  }
0x91: {  	v3 =	vld [tilespmem:s10+$0x0]  }
0x92: {  	v6 =	vadd.f32 v7, v4  }
0x93: {  	v4 =	vmov s12  }
0x94: {  	s12 =	sadd.s32 $0x10, s12;
	v4 =	vshll.u32 v4, $0x3;
	v5 =	vmul.f32 v6, v5  }
0x95: {  	_ = 	snop  }
0x96: {  	v4 =	vor.u32 v2, v4;
	v3 =	vadd.f32 v5, v3;
	_ =	sdelay $0x1  }
0x97: {  	s9 =	sadd.s32 $0x10, s9;
	[tilespmem:s10+$0x0] =	vst v3  }
0x98: {  	s8 =	sadd.s32 $0x10, s8;
	v3 =	vld [tilespmem:s9+$0x0]  }
0x99: {  	v6 =	vld [tilespmem:s8+$0x0]  }
0x9a: {  	v61 =	vld.idx.msk [tilespmem:v4+s3+$0x0], $0xffff  }
0x9b: {  	v4 =	vld.idx.msk [tilespmem:v4+s21+$0x0], $0xffff;
	_ =	sdelay $0x3  }
0x9c: {  	v7 =	vld [tilespmem:$0x2FA0]  }
0x9d: {  	v3 =	vmul.f32 v3, v61;
	v4 =	vmul.f32 v6, v4  }
0x9e: {  	v62 =	vld [tilespmem:$0x2FB0]  }
0x9f: {  	s10 =	sadd.s32 $0x10, s10;
	v3 =	vadd.f32 v4, v3  }
0xa0: {  	v63 =	vld [tilespmem:s10+$0x0]  }
0xa1: {  	v3 =	vadd.f32 v7, v3;
	_ =	sdelay $0x1  }
0xa2: {  	v3 =	vmul.f32 v3, v62;
	_ =	sdelay $0x1  }
0xa3: {  	v3 =	vadd.f32 v3, v63;
	_ =	sdelay $0x1  }
0xa4: {  	s12 =	rddreg [dreg:$0xb];
	s13 =	simm.s32 $0x2D00;
	[tilespmem:s10+$0x0] =	vst v3  }
0xa5: {  	[hbm4b:s12+s3] =	stream.linear.scatter [tilespmem:s13], [sflag:$0x6], $0x280, $0x38;
	[tilespmem:$0x11210] =	vst v63  }
0xa6: {  	_ =	swait.ge [sflag:s20], $0x280  }
0xa7: {  	[sflag:s20] =	ssyncset.done $0x0  }
0xa8: {  	[sflag:s20] =	ssyncadd.s32 $0xFFFFFD80  }
.LBB2_7:
0xa9: {  	[bflag:$0x0] =	sbarrier.arrive $0xFFFF;
	s8 =	simm.s32 $0x4410  }
0xaa: {  	[tilespmem:s0], [sflag:$0x1] =	stream.indirect.gather [hbm4b:s6+s1], $0x4, s8, s1, $0xb8;
	[tilespmem:$0x11210] =	vst v63  }
0xab: {  	s10 =	simm.s32 $0x4490  }
0xac: {  	[tilespmem:s24], [sflag:$0x2] =	stream.indirect.gather [hbm4b:s6+s1], $0x4, s10, s1, $0xb8;
	[tilespmem:$0x11210] =	vst v63  }
0xad: {  	s12 =	simm.s32 $0x4510  }
0xae: {  	[tilespmem:s25], [sflag:$0x3] =	stream.indirect.gather [hbm4b:s6+s1], $0x4, s12, s1, $0xb8;
	[tilespmem:$0x11210] =	vst v63  }
0xaf: {  	s13 =	simm.s32 $0x4590  }
0xb0: {  	[tilespmem:s26], [sflag:$0x4] =	stream.indirect.gather [hbm4b:s6+s1], $0x4, s13, s1, $0xb8;
	[tilespmem:$0x11210] =	vst v63  }
0xb1: {  	_ =	swait.ge [sflag:s28], $0x200  }
0xb2: {  	[sflag:s28] =	ssyncset.done $0x0  }
0xb3: {  	s9 =	simm.s32 $0x9410;
	[sflag:s28] =	ssyncadd.s32 $0xFFFFFE00  }
0xb4: {  	[spmem:s2] =	stream.indirect.scatter.add.f32 [tilespmem:s0], [sflag:$0x5], $0x4, s9, s1, $0xb8;
	[tilespmem:$0x11210] =	vst v63  }
0xb5: {  	_ =	swait.ge [sflag:s17], $0x200  }
0xb6: {  	[sflag:s17] =	ssyncset.done $0x0  }
0xb7: {  	s10 =	simm.s32 $0x9490;
	[sflag:s17] =	ssyncadd.s32 $0xFFFFFE00  }
0xb8: {  	[spmem:s2] =	stream.indirect.scatter.add.f32 [tilespmem:s24], [sflag:$0x5], $0x4, s10, s1, $0xb8;
	[tilespmem:$0x11210] =	vst v63  }
0xb9: {  	_ =	swait.ge [sflag:s30], $0x200  }
0xba: {  	[sflag:s30] =	ssyncset.done $0x0  }
0xbb: {  	s12 =	simm.s32 $0x9510;
	[sflag:s30] =	ssyncadd.s32 $0xFFFFFE00  }
0xbc: {  	[spmem:s2] =	stream.indirect.scatter.add.f32 [tilespmem:s25], [sflag:$0x5], $0x4, s12, s1, $0xb8;
	[tilespmem:$0x11210] =	vst v63  }
0xbd: {  	_ =	swait.ge [sflag:s4], $0x200  }
0xbe: {  	[sflag:s4] =	ssyncset.done $0x0  }
0xbf: {  	s13 =	simm.s32 $0x9590;
	[sflag:s4] =	ssyncadd.s32 $0xFFFFFE00  }
0xc0: {  	[spmem:s2] =	stream.indirect.scatter.add.f32 [tilespmem:s26], [sflag:$0x5], $0x4, s13, s1, $0xb8;
	[tilespmem:$0x11210] =	vst v63  }
0xc1: {  	_ =	swait.ge [sflag:s5], $0x200  }
0xc2: {  	[sflag:s5] =	ssyncset.done $0x0  }
0xc3: {  	[sflag:s5] =	ssyncadd.s32 $0xFFFFFE00  }
0xc4: {  	_ =	swait.ge [sflag:s5], $0x200  }
0xc5: {  	[sflag:s5] =	ssyncset.done $0x0  }
0xc6: {  	[sflag:s5] =	ssyncadd.s32 $0xFFFFFE00  }
0xc7: {  	_ =	swait.ge [sflag:s5], $0x200  }
0xc8: {  	[sflag:s5] =	ssyncset.done $0x0  }
0xc9: {  	[sflag:s5] =	ssyncadd.s32 $0xFFFFFE00  }
0xca: {  	_ =	swait.ge [sflag:s5], $0x200  }
0xcb: {  	s8 =	simm.s32 $0x200;
	s12 =	simm.s32 $0x1000;
	[sflag:s5] =	ssyncset.done $0x0  }
.LBB2_8:
0xcc: {  	s13 =	sadd.s32 $0x4410, s8  }
0xcd: {  	[sflag:s5] =	ssyncadd.s32 $0xFFFFFE00;
	s10 =	smov.u32 s12;
	s9 =	sadd.s32 $0x800, s12  }
0xce: {  	[tilespmem:s0], [sflag:$0x1] =	stream.indirect.gather [hbm4b:s6+s1], $0x4, s13, s1, $0xb8;
	[tilespmem:$0x11210] =	vst v63  }
0xcf: {  	p1 =	sne.s32 s12, $0x13800;
	s12 =	sadd.s32 $0x4490, s8  }
0xd0: {  	[tilespmem:s24], [sflag:$0x2] =	stream.indirect.gather [hbm4b:s6+s1], $0x4, s12, s1, $0xb8;
	[tilespmem:$0x11210] =	vst v63  }
0xd1: {  	s12 =	sadd.s32 $0x4510, s8  }
0xd2: {  	[tilespmem:s25], [sflag:$0x3] =	stream.indirect.gather [hbm4b:s6+s1], $0x4, s12, s1, $0xb8;
	[tilespmem:$0x11210] =	vst v63  }
0xd3: {  	s12 =	sadd.s32 $0x4590, s8  }
0xd4: {  	[tilespmem:s26], [sflag:$0x4] =	stream.indirect.gather [hbm4b:s6+s1], $0x4, s12, s1, $0xb8;
	[tilespmem:$0x11210] =	vst v63  }
0xd5: {  	_ =	swait.ge [sflag:s28], $0x200  }
0xd6: {  	[sflag:s28] =	ssyncset.done $0x0  }
0xd7: {  	s12 =	sadd.s32 $0x9410, s8;
	[sflag:s28] =	ssyncadd.s32 $0xFFFFFE00  }
0xd8: {  	[spmem:s2] =	stream.indirect.scatter.add.f32 [tilespmem:s0], [sflag:$0x5], $0x4, s12, s1, $0xb8;
	[tilespmem:$0x11210] =	vst v63  }
0xd9: {  	_ =	swait.ge [sflag:s17], $0x200  }
0xda: {  	[sflag:s17] =	ssyncset.done $0x0  }
0xdb: {  	s12 =	sadd.s32 $0x9490, s8;
	[sflag:s17] =	ssyncadd.s32 $0xFFFFFE00  }
0xdc: {  	[spmem:s2] =	stream.indirect.scatter.add.f32 [tilespmem:s24], [sflag:$0x5], $0x4, s12, s1, $0xb8;
	[tilespmem:$0x11210] =	vst v63  }
0xdd: {  	_ =	swait.ge [sflag:s30], $0x200  }
0xde: {  	[sflag:s30] =	ssyncset.done $0x0  }
0xdf: {  	s12 =	sadd.s32 $0x9510, s8;
	[sflag:s30] =	ssyncadd.s32 $0xFFFFFE00  }
0xe0: {  	[spmem:s2] =	stream.indirect.scatter.add.f32 [tilespmem:s25], [sflag:$0x5], $0x4, s12, s1, $0xb8;
	[tilespmem:$0x11210] =	vst v63  }
0xe1: {  	_ =	swait.ge [sflag:s4], $0x200  }
0xe2: {  	[sflag:s4] =	ssyncset.done $0x0  }
0xe3: {  	s8 =	sadd.s32 $0x9590, s8;
	[sflag:s4] =	ssyncadd.s32 $0xFFFFFE00  }
0xe4: {  	[spmem:s2] =	stream.indirect.scatter.add.f32 [tilespmem:s26], [sflag:$0x5], $0x4, s8, s1, $0xb8;
	[tilespmem:$0x11210] =	vst v63  }
0xe5: {  	_ =	swait.ge [sflag:s5], $0x200  }
0xe6: {  	[sflag:s5] =	ssyncset.done $0x0  }
0xe7: {  	[sflag:s5] =	ssyncadd.s32 $0xFFFFFE00  }
0xe8: {  	_ =	swait.ge [sflag:s5], $0x200  }
0xe9: {  	[sflag:s5] =	ssyncset.done $0x0  }
0xea: {  	[sflag:s5] =	ssyncadd.s32 $0xFFFFFE00  }
.Ltmp3:
0xeb: {  	_ =	swait.ge [sflag:s5], $0x200;
	(pc) =	sbr.rel @p1 .LBB2_8-.Ltmp3, $4  }
0xec: {  	[sflag:s5] =	ssyncset.done $0x0  }
0xed: {  	[sflag:s5] =	ssyncadd.s32 $0xFFFFFE00  }
0xee: {  	_ =	swait.ge [sflag:s5], $0x200  }
0xef: {  	s12 =	smov.u32 s9;
	s8 =	sshra.s32 s10, $0x2;
	[sflag:s5] =	ssyncset.done $0x0  }
0xf0: {  	s9 =	sadd.s32 $0x4410, s8;
	[sflag:s5] =	ssyncadd.s32 $0xFFFFFE00  }
0xf1: {  	[tilespmem:s0], [sflag:$0x1] =	stream.indirect.gather [hbm4b:s6+s1], $0x4, s9, s1, $0xb8;
	[tilespmem:$0x11210] =	vst v63  }
0xf2: {  	s13 =	sadd.s32 $0x4490, s8  }
0xf3: {  	[tilespmem:s24], [sflag:$0x2] =	stream.indirect.gather [hbm4b:s6+s1], $0x4, s13, s1, $0xb8;
	[tilespmem:$0x11210] =	vst v63  }
0xf4: {  	s10 =	sadd.s32 $0x4510, s8  }
0xf5: {  	[tilespmem:s25], [sflag:$0x3] =	stream.indirect.gather [hbm4b:s6+s1], $0x4, s10, s1, $0xb8;
	[tilespmem:$0x11210] =	vst v63  }
0xf6: {  	s12 =	sadd.s32 $0x4590, s8  }
0xf7: {  	[tilespmem:s26], [sflag:$0x4] =	stream.indirect.gather [hbm4b:s6+s1], $0x4, s12, s1, $0xb8;
	[tilespmem:$0x11210] =	vst v63  }
0xf8: {  	_ =	swait.ge [sflag:s28], $0x200  }
0xf9: {  	[sflag:s28] =	ssyncset.done $0x0  }
0xfa: {  	s13 =	sadd.s32 $0x9410, s8;
	[sflag:s28] =	ssyncadd.s32 $0xFFFFFE00  }
0xfb: {  	[spmem:s2] =	stream.indirect.scatter.add.f32 [tilespmem:s0], [sflag:$0x5], $0x4, s13, s1, $0xb8;
	[tilespmem:$0x11210] =	vst v63  }
0xfc: {  	_ =	swait.ge [sflag:s17], $0x200  }
0xfd: {  	[sflag:s17] =	ssyncset.done $0x0  }
0xfe: {  	s10 =	sadd.s32 $0x9490, s8;
	[sflag:s17] =	ssyncadd.s32 $0xFFFFFE00  }
0xff: {  	[spmem:s2] =	stream.indirect.scatter.add.f32 [tilespmem:s24], [sflag:$0x5], $0x4, s10, s1, $0xb8;
	[tilespmem:$0x11210] =	vst v63  }
0x100: {  	_ =	swait.ge [sflag:s30], $0x200  }
0x101: {  	[sflag:s30] =	ssyncset.done $0x0  }
0x102: {  	s12 =	sadd.s32 $0x9510, s8;
	[sflag:s30] =	ssyncadd.s32 $0xFFFFFE00  }
0x103: {  	[spmem:s2] =	stream.indirect.scatter.add.f32 [tilespmem:s25], [sflag:$0x5], $0x4, s12, s1, $0xb8;
	[tilespmem:$0x11210] =	vst v63  }
0x104: {  	_ =	swait.ge [sflag:s4], $0x200  }
0x105: {  	[sflag:s4] =	ssyncset.done $0x0  }
0x106: {  	s13 =	sadd.s32 $0x9590, s8;
	[sflag:s4] =	ssyncadd.s32 $0xFFFFFE00  }
0x107: {  	[spmem:s2] =	stream.indirect.scatter.add.f32 [tilespmem:s26], [sflag:$0x5], $0x4, s13, s1, $0xb8;
	[tilespmem:$0x11210] =	vst v63  }
0x108: {  	_ =	swait.ge [sflag:s5], $0x200  }
0x109: {  	[sflag:s5] =	ssyncset.done $0x0  }
0x10a: {  	[sflag:s5] =	ssyncadd.s32 $0xFFFFFE00  }
0x10b: {  	_ =	swait.ge [sflag:s5], $0x200  }
0x10c: {  	[sflag:s5] =	ssyncset.done $0x0  }
0x10d: {  	[sflag:s5] =	ssyncadd.s32 $0xFFFFFE00  }
0x10e: {  	_ =	swait.ge [sflag:s5], $0x200  }
0x10f: {  	[sflag:s5] =	ssyncset.done $0x0  }
0x110: {  	[sflag:s5] =	ssyncadd.s32 $0xFFFFFE00  }
0x111: {  	_ =	swait.ge [sflag:s5], $0x200  }
0x112: {  	[sflag:s5] =	ssyncset.done $0x0  }
0x113: {  	[sflag:s5] =	ssyncadd.s32 $0xFFFFFE00  }
0x114: {  	[bflag:$0x0] =	sbarrier.arrive $0xFFFF  }
0x115: {  	[tilespmem:s29], [sflag:$0x6] =	stream.linear.gather [spmem:s14], $0x1400, $0x38;
	[tilespmem:$0x11210] =	vst v63  }
0x116: {  	s7 =	sadd.s32 $0x1, s7;
	_ =	swait.ge [sflag:s20], $0x1400  }
0x117: {  	p1 =	sne.s32 s7, s19;
	[sflag:s20] =	ssyncset.done $0x0  }
.Ltmp4:
0x118: {  	[sflag:s20] =	ssyncadd.s32 $0xFFFFEC00;
	(pc) =	sbr.rel @p1 .LBB2_1-.Ltmp4, $4  }
0x119: {  	[hbm4b:s18+s3] =	stream.linear.scatter [tilespmem:s29], [sflag:$0x6], $0x1400, $0x38;
	[tilespmem:$0x11210] =	vst v63  }
0x11a: {  	_ =	swait.ge [sflag:s20], $0x1400  }
0x11b: {  	[sflag:s20] =	ssyncset.done $0x0  }
0x11c: {  	[sflag:s20] =	ssyncadd.s32 $0xFFFFEC00  }
0x11d: {  	_ =	sfence.sel $0x180000  }
0x11e: {  	[bflag:$0x0] =	sbarrier.arrive $0xFFFF  }
0x11f: {  	_ =	strace $0x9000004D  }
0x120: {  	s0 =	stileid.u32;
	[bflag:$0x2] =	sbarrier.arrive $0xFFFF  }
0x121: {  	p0 =	sne.s32 s0, $0x0;
	s0 =	rddreg [dreg:$0x2]  }
0x122: {  	s0 =	sadd.s32 @!p0 $0x100000, s0  }
0x123: {  	[sflag:s0] =	ssyncadd.tile.s32 @!p0 $0x1;
	_ =	shalt  }
.Lfunc_end2:
_tile_overlayer_lowered:
.L_overlay_start_2:
0x124: {  	(tag) =	ssettag $0x2  }
0x125: {  	s0 =	rddreg [dreg:$0x0];
	s2 =	stileid.u32  }
0x126: {  	s1 =	rddreg [dreg:$0x1];
	p0 =	sne.s32 s2, $0x0  }
0x127: {  	s3 =	rddreg [dreg:$0x2];
	[bflag:$0x3] =	sbarrier.arrive $0xFFFF;
	s2 =	simm.s32 @!p0 $0x1C06  }
0x128: {  	[timem:s3], [sflag:s2] =	dma.local @!p0 [hbm:s0], s1  }
0x129: {  	s0 =	simm.s32 @!p0 $0x6  }
0x12a: {  	_ =	swait.ge @!p0 [sflag:s0], s1  }
0x12b: {  	s1 =	ssub.s32 @!p0 $0x0, s1;
	[sflag:s0] =	ssyncset.done @!p0 $0x0  }
0x12c: {  	[sflag:s0] =	ssyncadd.s32 @!p0 s1  }
0x12d: {  	[bflag:$0x3] =	sbarrier.arrive $0xFFFF  }
0x12e: {  	_ =	shalt  }

// kernel: kernel.17.cloned.1.call-start
scs
__scs_entry_jumppad:
0x0: {  	(pc) =	sbr.rel $0x88, $3  }
0x1: {  	(tag) =	ssettag $0x0;
	lr =	simm.s32 $0x1  }
0x2: {  	[smem:$0x3F84] =	sst lr;
	_ =	strace $0xD0000000  }
0x3: {  	_ = 	snop  }
0x4: {  	_ = 	snop  }
0x5: {  	_ = 	snop  }
0x6: {  	_ = 	snop  }
0x7: {  	_ = 	snop  }
__scs_overlays_trampoline_lowered:
0x8: {  	[smem:$0x3F93] =	sst s0  }
0x9: {  	[smem:$0x3F94] =	sst s1  }
0xa: {  	[smem:$0x3F95] =	sst s2  }
0xb: {  	[smem:$0x3F96] =	sst s3  }
0xc: {  	[smem:$0x3F97] =	sst s4  }
0xd: {  	[smem:$0x3F98] =	sst s5  }
0xe: {  	[smem:$0x3F99] =	sst s6  }
0xf: {  	[smem:$0x3F9A] =	sst s7  }
0x10: {  	[smem:$0x3F9B] =	sst s8  }
0x11: {  	[smem:$0x3F9C] =	sst s9;
	s0 =	simm.s32 @!p0 $0x0  }
0x12: {  	s1 =	sld [smem:$0x3F82];
	s0 =	simm.s32 @p0 $0x1  }
0x13: {  	[smem:$0x3F9D] =	sst s0;
	s0 =	simm.s32 @!p1 $0x0  }
0x14: {  	s2 =	sld [smem:$0x3F81];
	s0 =	simm.s32 @p1 $0x1  }
0x15: {  	[smem:$0x3F9E] =	sst s0;
	s0 =	simm.s32 @!p2 $0x0  }
0x16: {  	s3 =	sld [smem:$0x3FDB];
	s0 =	simm.s32 @p2 $0x1  }
0x17: {  	s4 =	simm.s32 $0x1BF5;
	[smem:$0x3FA0] =	sst s0  }
0x18: {  	s0 =	sld [smem:$0x3F83];
	_ =	swait.ge [sflag:s4], $0x0  }
0x19: {  	s7 =	sld [smem:$0x3F84]  }
0x1a: {  	s8 =	sadd.s32 $0xFFFFE003, lr  }
0x1b: {  	s9 =	sadd.s32 $0xFFFFFEF7, lr;
	s5 =	simm.s32 $0xFFFFFFFF;
	p2 =	slt.u32 s8, $0xFFFFF086  }
0x1c: {  	p1 =	slt.u32 s9, $0xF7A;
	s5 =	simm.s32 @!p2 $0x0  }
0x1d: {  	s5 =	simm.s32 @p1 $0x1;
	p0 =	seq.s32 s7, s2  }
0x1e: {  	s7 =	smul.u32 @!p0 $0xF7A, s2;
	p2 =	seq.s32 @!p0 s5, $0x0  }
0x1f: {  	s9 =	smul.u32 $0xF7A, s1;
	s8 =	simm.s32 @!p0 $0x1BF5;
	p2 =	por !p2, p0  }
0x20: {  	[sflag:s8] =	ssyncset.s32 @!p0 $0xFFFFF086;
	s6 =	sadd.s32 @!p0 s3, s7;
	s7 =	simm.s32 @!p0 $0x108  }
0x21: {  	s3 =	sadd.s32 s3, s9;
	s6 =	sadd.s32 @!p0 $0x88, s6;
	s7 =	simm.s32 @p2 $0x1082  }
0x22: {  	[simem:s7], [sflag:s8] =	dma.local @!p0 [hbm:s6], $0xF7A  }
0x23: {  	s9 =	sor.u32 $0xD0000000, s2;
	s6 =	simm.s32 $0x108;
	_ =	swait.ge @!p0 [sflag:s8], $0x0  }
0x24: {  	s3 =	sadd.s32 $0x88, s3;
	s6 =	simm.s32 @!p1 $0x1082;
	[sflag:s4] =	ssyncset.s32 $0xFFFFF086  }
0x25: {  	[simem:s6], [sflag:s4] =	dma.local [hbm:s3], $0xF7A  }
0x26: {  	[smem:$0x3F84] =	sst s1;
	(tag) =	ssettag s2;
	_ =	strace s9  }
0x27: {  	s1 =	sld [smem:$0x3F94]  }
0x28: {  	s2 =	sld [smem:$0x3F95]  }
0x29: {  	s4 =	sld [smem:$0x3F97]  }
0x2a: {  	p0 =	seq.s32 s5, $0x0;
	s5 =	sld [smem:$0x3F98]  }
0x2b: {  	s6 =	sld [smem:$0x3F99]  }
0x2c: {  	s7 =	sld [smem:$0x3F9A]  }
0x2d: {  	s3 =	simm.s32 $0x108;
	s8 =	sld [smem:$0x3F9B]  }
0x2e: {  	s3 =	simm.s32 @!p0 $0x1082;
	s9 =	sld [smem:$0x3F9C]  }
0x2f: {  	lr =	sadd.s32 s0, s3;
	s0 =	sld [smem:$0x3F93]  }
0x30: {  	s3 =	sld [smem:$0x3F96]  }
0x31: {  	[smem:$0x3F9F] =	sst s10  }
0x32: {  	s10 =	sld [smem:$0x3F9D];
	_ =	sdelay $0x3  }
0x33: {  	p0 =	seq.s32 s10, $0x1;
	s10 =	sld [smem:$0x3F9F];
	_ =	sdelay $0x3  }
0x34: {  	[smem:$0x3F9F] =	sst s10  }
0x35: {  	s10 =	sld [smem:$0x3F9E];
	_ =	sdelay $0x3  }
0x36: {  	p1 =	seq.s32 s10, $0x1;
	s10 =	sld [smem:$0x3F9F];
	_ =	sdelay $0x3  }
0x37: {  	[smem:$0x3F9F] =	sst s10  }
0x38: {  	s10 =	sld [smem:$0x3FA0]  }
0x39: {  	_ = 	snop;
	(pc) =	sbr.ind lr, $3  }
0x3a: {  	_ = 	snop  }
0x3b: {  	_ = 	snop  }
0x3c: {  	p2 =	seq.s32 s10, $0x1;
	s10 =	sld [smem:$0x3F9F]  }
0x3d: {  	_ =	shalt  }
0x3e: {  	_ =	shalt  }
0x3f: {  	_ =	shalt  }
0x40: {  	_ =	shalt  }
0x41: {  	_ =	shalt  }
0x42: {  	_ =	shalt  }
0x43: {  	_ =	shalt  }
0x44: {  	_ =	shalt  }
0x45: {  	_ =	shalt  }
0x46: {  	_ =	shalt  }
0x47: {  	_ =	shalt  }
0x48: {  	_ =	shalt  }
0x49: {  	_ =	shalt  }
0x4a: {  	_ =	shalt  }
0x4b: {  	_ =	shalt  }
0x4c: {  	_ =	shalt  }
0x4d: {  	_ =	shalt  }
0x4e: {  	_ =	shalt  }
0x4f: {  	_ =	shalt  }
0x50: {  	_ =	shalt  }
0x51: {  	_ =	shalt  }
0x52: {  	_ =	shalt  }
0x53: {  	_ =	shalt  }
0x54: {  	_ =	shalt  }
0x55: {  	_ =	shalt  }
0x56: {  	_ =	shalt  }
0x57: {  	_ =	shalt  }
0x58: {  	_ =	shalt  }
0x59: {  	_ =	shalt  }
0x5a: {  	_ =	shalt  }
0x5b: {  	_ =	shalt  }
0x5c: {  	_ =	shalt  }
0x5d: {  	_ =	shalt  }
0x5e: {  	_ =	shalt  }
0x5f: {  	_ =	shalt  }
0x60: {  	_ =	shalt  }
0x61: {  	_ =	shalt  }
0x62: {  	_ =	shalt  }
0x63: {  	_ =	shalt  }
0x64: {  	_ =	shalt  }
0x65: {  	_ =	shalt  }
0x66: {  	_ =	shalt  }
0x67: {  	_ =	shalt  }
0x68: {  	_ =	shalt  }
0x69: {  	_ =	shalt  }
0x6a: {  	_ =	shalt  }
0x6b: {  	_ =	shalt  }
0x6c: {  	_ =	shalt  }
0x6d: {  	_ =	shalt  }
0x6e: {  	_ =	shalt  }
0x6f: {  	_ =	shalt  }
0x70: {  	_ =	shalt  }
0x71: {  	_ =	shalt  }
0x72: {  	_ =	shalt  }
0x73: {  	_ =	shalt  }
0x74: {  	_ =	shalt  }
0x75: {  	_ =	shalt  }
0x76: {  	_ =	shalt  }
0x77: {  	_ =	shalt  }
0x78: {  	_ =	shalt  }
0x79: {  	_ =	shalt  }
0x7a: {  	_ =	shalt  }
0x7b: {  	_ =	shalt  }
0x7c: {  	_ =	shalt  }
0x7d: {  	_ =	shalt  }
0x7e: {  	_ =	shalt  }
0x7f: {  	_ =	shalt  }
0x80: {  	_ =	shalt  }
0x81: {  	_ =	shalt  }
0x82: {  	_ =	shalt  }
0x83: {  	_ =	shalt  }
0x84: {  	_ =	shalt  }
0x85: {  	_ =	shalt  }
0x86: {  	_ =	shalt  }
0x87: {  	_ =	shalt  }
.Lfunc_end0:
.L_simem_size_0:
called_computation.3_lowered:
.L_overlay_start_0:
0x88: {  	s2 =	sld [smem:$0x3FD9]  }
0x89: {  	s3 =	sld [smem:$0x3FFE];
	_ =	sdelay $0x1  }
0x8a: {  	s1 =	srdreg.scid  }
0x8b: {  	s0 =	sand.u32 $0x1, s1  }
0x8c: {  	s17 =	sshll.u32 s0, $0xA;
	s2 =	sadd.s32 s3, s2  }
0x8d: {  	s2 =	sadd.s32 s2, s17  }
0x8e: {  	[smem:$0x3FAB] =	sst s2  }
0x8f: {  	_ = 	snop  }
0x90: {  	s2 =	sld [smem:$0x3FD0];
	(tm) =	ssettm $0x1  }
0x91: {  	s18 =	sld [smem:$0x3FFB];
	_ =	sdelay $0x3  }
0x92: {  	_ =	strace s18  }
0x93: {  	s3 =	sld [smem:$0x3FFC];
	_ =	sdelay $0x3  }
0x94: {  	_ =	strace s3  }
0x95: {  	s3 =	sld [smem:$0x3FFD];
	_ =	sdelay $0x3  }
0x96: {  	_ =	strace s3  }
0x97: {  	_ =	strace $0x8FFFFFFF  }
0x98: {  	s19 =	sld [smem:$0x3FDB];
	_ =	sdelay $0x1  }
0x99: {  	s4 =	simm.s32 $_scs_section_size  }
0x9a: {  	s5 =	simm.s32 $_size__tile_overlayer_lowered;
	s6 =	simm.s32 $_tile_overlayer_lowered  }
0x9b: {  	s22 =	simm.s32 $0x1BFF;
	s21 =	sshll.u32 s6, $0x1;
	s3 =	sadd.s32 s4, s19  }
0x9c: {  	s7 =	simm.s32 $0x0;
	s20 =	sshll.u32 s5, $0x1;
	s5 =	sadd.s32 s21, s3  }
0x9d: {  	[timem:s7], [sflag:s22] =	dma.local [hbm:s5], s20  }
0x9e: {  	_ =	swait.ge [sflag:s22], s20  }
0x9f: {  	s4 =	ssub.s32 $0x0, s20;
	[sflag:s22] =	ssyncset.done $0x0  }
0xa0: {  	[sflag:s22] =	ssyncadd.s32 s4;
	_ =	sdelay $0x1  }
0xa1: {  	s23 =	simm.s32 $0x1B8B  }
0xa2: {  	_ =	swait.ge [sflag:s23], $0x1  }
0xa3: {  	[sflag:s23] =	ssyncset.done $0x0  }
0xa4: {  	s25 =	simm.s32 $0x1B8E;
	s24 =	sld [smem:$0x3FFE];
	[sflag:s23] =	ssyncadd.s32 $0xFFFFFFFF  }
0xa5: {  	s26 =	simm.s32 $execute0_lowered;
	[smem:$0x3FD2] =	sst s25  }
0xa6: {  	s5 =	sshll.u32 s26, $0x1;
	_ =	strace $0x8000004F;
	[dreg:$0x1] =	wrdreg $0xFFFFFFFF  }
0xa7: {  	s28 =	simm.s32 $_size_execute0_lowered;
	s3 =	sadd.s32 s3, s5;
	[dreg:$0x0] =	wrdreg $0x0  }
0xa8: {  	s5 =	sshll.u32 s28, $0x1;
	[dreg:$0x2] =	wrdreg s3  }
0xa9: {  	[dreg:$0x3] =	wrdreg s5  }
0xaa: {  	[dreg:$0x4] =	wrdreg $0xC0  }
0xab: {  	_ =	task [dreg:s7], $0x5FFFF  }
0xac: {  	[dreg:$0x1] =	wrdreg $0xFFFFFFFF  }
0xad: {  	[dreg:$0x0] =	wrdreg $0x60  }
0xae: {  	[dreg:$0x2] =	wrdreg s24  }
0xaf: {  	[dreg:$0x3] =	wrdreg s2  }
0xb0: {  	[dreg:$0x4] =	wrdreg $0xD4900  }
0xb1: {  	[dreg:$0x5] =	wrdreg $0x9  }
0xb2: {  	_ =	task.clear_ibuf [dreg:s7], $0x6FFFF;
	_ =	strace $0x9000004F  }
0xb3: {  	s29 =	simm.s32 $0x9;
	_ =	strace $0x80000051  }
0xb4: {  	_ =	swait.ge [sflag:s29], $0x1  }
0xb5: {  	[sflag:s29] =	ssyncadd.s32 $0xFFFFFFFF  }
0xb6: {  	_ =	strace $0x90000051  }
0xb7: {  	_ =	sfence  }
0xb8: {  	s30 =	sld [smem:$0x0];
	_ =	sdelay $0x2  }
0xb9: {  	s31 =	sshll.u32 s1, $0xD;
	s1 =	sshrl.u32 s1, $0x2  }
0xba: {  	s3 =	sand.u32 $0x4000, s31;
	s1 =	sadd.s32 s1, s30  }
0xbb: {  	s0 =	sor.u32 s3, s0;
	s1 =	sshll.u32 s1, $0x11  }
0xbc: {  	s0 =	sor.u32 s1, s0  }
0xbd: {  	s0 =	sadd.s32 $0x8F2B, s0  }
0xbe: {  	[sflag:s0] =	ssyncadd.remote.s32 $0x1  }
0xbf: {  	_ =	sfence.sel $0xFFFF  }
0xc0: {  	[dreg:$0x0] =	wrdreg $0xFFFFFFFF;
	(pc) =	sbr.abs _section_cstart, $3  }
0xc1: {  	[dreg:$0x1] =	wrdreg $0xFFFFFFFF  }
0xc2: {  	_ =	task.clear_ibuf [dreg:s7], $0x2FFFF;
	_ =	strace $0x9FFFFFFF  }
0xc3: {  	(tm) =	ssettm $0x7FFFFFFF  }
tec
execute0_lowered:
.L_overlay_start_1:
0x0: {  	(tag) =	ssettag $0x1  }
0x1: {  	s0 =	rddreg [dreg:$0x0]  }
0x2: {  	s3 =	rddreg [dreg:$0x2];
	s11 =	stileid.u32  }
0x3: {  	s2 =	srdreg.scid;
	s4 =	simm.s32 $0x0;
	s19 =	simm.s32 $0x6  }
0x4: {  	s28 =	simm.s32 $0x80;
	s29 =	simm.s32 $0xD290;
	s1 =	smul.u32 $0x1400, s11  }
0x5: {  	s30 =	simm.s32 $0xD310;
	s31 =	simm.s32 $0xD390;
	s6 =	smul.u32 $0x280, s11  }
0x6: {  	s2 =	sand.u32 $0x1, s2;
	[smem:$0x7FF] =	sst s4;
	s11 =	smul.u32 $0x5000, s11  }
0x7: {  	s5 =	smul.u32 $0x2800, s2;
	_ =	strace $0x80000050;
	s7 =	sshll.u32 s2, $0x1  }
0x8: {  	s20 =	smul.u32 $0x50000, s2;
	s10 =	ssub.s32 $0x2, s2;
	p0 =	seq.s32 s2, $0x0  }
0x9: {  	s2 =	simm.s32 $0x2;
	s1 =	sshrl.u32 s1, $0x3;
	s7 =	sadd.s32 s7, s0  }
0xa: {  	s9 =	sshrl.u32 s6, $0x3;
	s21 =	sshrl.u32 s10, $0x1;
	s1 =	sadd.s32 s1, s0  }
0xb: {  	s8 =	sadd.s32 s6, s5;
	s5 =	sadd.s32 $0x28C00, s0;
	s16 =	sadd.s32 s9, s0  }
0xc: {  	s18 =	ssub.s32 s10, s21;
	s23 =	sadd.s32 s11, s20;
	s10 =	sadd.s32 $0x14800, s7  }
0xd: {  	s20 =	simm.s32 $0x1400;
	s21 =	simm.s32 $0x3;
	s14 =	sshrl.u32 s8, $0x3  }
0xe: {  	s22 =	sadd.s32 $0x33C00, s1;
	s1 =	sadd.s32 $0x36400, s1;
	s24 =	sadd.s32 $0x32C00, s16  }
0xf: {  	s25 =	sshrl.u32 s23, $0x3;
	s9 =	sadd.s32 $0x33100, s16;
	s13 =	sadd.s32 $0x38C00, s16  }
0x10: {  	s26 =	sadd.s32 $0x33600, s16;
	s16 =	sadd.s32 s6, s3;
	[dreg:$0x4] =	wrdreg s22  }
0x11: {  	s18 =	smax.u32 s18, $0x1;
	s23 =	simm.s32 $0x5;
	[dreg:$0x5] =	wrdreg s1  }
0x12: {  	s15 =	sadd.s32 s14, s0;
	[dreg:$0x6] =	wrdreg s24;
	s11 =	sadd.s32 s0, s25  }
0x13: {  	v0 =	vlaneseq.u32;
	s14 =	sadd.s32 s5, s14;
	[dreg:$0x7] =	wrdreg s26;
	s26 =	simm.s32 $0x3010  }
0x14: {  	v0 =	vmul.u32 $0x8, v0;
	s0 =	simm.s32 $0xD410;
	s1 =	simm.s32 $0x1;
	s22 =	simm.s32 $0x4  }
0x15: {  	v1 =	vimm.f32 $0.0e+00;
	s24 =	simm.s32 $0x0;
	s12 =	sadd.s32 $0x14C00, s11;
	s17 =	sadd.s32 $0x29600, s15  }
.LBB2_1:
0x16: {  	s6 =	rddreg [dreg:$0x4]  }
0x17: {  	[tilespmem:s4], [sflag:$0x6] =	stream.linear.gather [hbm4b:s6+s4], $0x1400, $0x38;
	[tilespmem:$0xD710] =	vst v63  }
0x18: {  	_ =	swait.ge [sflag:s19], $0x1400  }
0x19: {  	[sflag:s19] =	ssyncset.done $0x0  }
0x1a: {  	s8 =	rddreg [dreg:$0x5];
	[sflag:s19] =	ssyncadd.s32 $0xFFFFEC00  }
0x1b: {  	[tilespmem:s20], [sflag:$0x6] =	stream.linear.gather [hbm4b:s8+s4], $0x1400, $0x38;
	[tilespmem:$0xD710] =	vst v63  }
0x1c: {  	_ =	swait.ge [sflag:s19], $0x1400  }
0x1d: {  	[sflag:s19] =	ssyncset.done $0x0  }
0x1e: {  	s6 =	simm.s32 $0x2800;
	s7 =	rddreg [dreg:$0x6];
	[sflag:s19] =	ssyncadd.s32 $0xFFFFEC00  }
0x1f: {  	[tilespmem:s6], [sflag:$0x6] =	stream.linear.gather [hbm4b:s7+s4], $0x280, $0x38;
	[tilespmem:$0xD710] =	vst v63  }
0x20: {  	_ =	swait.ge [sflag:s19], $0x280  }
0x21: {  	[sflag:s19] =	ssyncset.done $0x0  }
0x22: {  	s7 =	simm.s32 $0x2A80;
	[sflag:s19] =	ssyncadd.s32 $0xFFFFFD80  }
0x23: {  	[tilespmem:s7], [sflag:$0x6] =	stream.linear.gather [hbm4b:s9+s4], $0x280, $0x38;
	[tilespmem:$0xD710] =	vst v63  }
0x24: {  	_ =	swait.ge [sflag:s19], $0x280  }
0x25: {  	[sflag:s19] =	ssyncset.done $0x0  }
0x26: {  	[sflag:s19] =	ssyncadd.s32 $0xFFFFFD80  }
0x27: {  	s15 =	simm.s32 $0x2F80;
	s8 =	rddreg [dreg:$0x1]  }
0x28: {  	[tilespmem:s15], [sflag:$0x6] =	stream.linear.gather [hbm4b:s8+s4], $0x80, $0x38;
	[tilespmem:$0xD710] =	vst v63  }
0x29: {  	_ =	swait.ge [sflag:s19], $0x80  }
0x2a: {  	[sflag:s19] =	ssyncset.done $0x0  }
0x2b: {  	s15 =	simm.s32 $0x3000;
	[sflag:s19] =	ssyncadd.s32 $0xFFFFFF80  }
0x2c: {  	[tilespmem:s15], [sflag:$0x6] =	stream.linear.gather [hbm4b:s10+s4], $0x10, $0x38;
	[tilespmem:$0xD710] =	vst v63  }
0x2d: {  	_ =	swait.ge [sflag:s19], $0x10  }
0x2e: {  	[sflag:s19] =	ssyncset.done $0x0  }
0x2f: {  	s25 =	simm.s32 $0x3290;
	[sflag:s19] =	ssyncadd.s32 $0xFFFFFFF0  }
0x30: {  	[tilespmem:s25], [sflag:$0x6] =	stream.linear.gather [hbm4b:s12+s4], $0x5000, $0x38;
	[tilespmem:$0xD710] =	vst v63  }
0x31: {  	_ =	swait.ge [sflag:s19], $0x5000  }
0x32: {  	[sflag:s19] =	ssyncset.done $0x0  }
0x33: {  	s15 =	simm.s32 $0x8290;
	[sflag:s19] =	ssyncadd.s32 $0xFFFFB000  }
0x34: {  	[tilespmem:s15], [sflag:$0x6] =	stream.linear.gather [hbm4b:s11+s4], $0x5000, $0x38;
	[tilespmem:$0xD710] =	vst v63  }
0x35: {  	_ =	swait.ge [sflag:s19], $0x5000  }
0x36: {  	[sflag:s19] =	ssyncset.done $0x0  }
0x37: {  	s25 =	simm.s32 $0x2D00;
	[sflag:s19] =	ssyncadd.s32 $0xFFFFB000  }
0x38: {  	[tilespmem:s25], [sflag:$0x6] =	stream.linear.gather [hbm4b:s13+s4], $0x280, $0x38;
	[tilespmem:$0xD710] =	vst v63  }
0x39: {  	_ =	swait.ge [sflag:s19], $0x280  }
0x3a: {  	[sflag:s19] =	ssyncset.done $0x0  }
0x3b: {  	[sflag:s19] =	ssyncadd.s32 $0xFFFFFD80  }
0x3c: {  	v3 =	vld [tilespmem:$0x3000];
	_ =	sdelay $0x1  }
0x3d: {  	v2 =	vmov s4  }
0x3e: {  	v2 =	vshll.u32 v2, $0x3  }
0x3f: {  	v2 =	vor.u32 v0, v2  }
0x40: {  	v2 =	vadd.s32 v3, v2;
	_ =	sdelay $0x2  }
0x41: {  	v6 =	vld [tilespmem:s7+$0x0]  }
0x42: {  	v7 =	vld [tilespmem:s6+$0x0]  }
0x43: {  	v4 =	vld.idx.msk [tilespmem:v2+s4+$0x0], $0xffff  }
0x44: {  	v5 =	vld.idx.msk [tilespmem:v2+s20+$0x0], $0xffff;
	_ =	sdelay $0x1  }
0x45: {  	s6 =	simm.s32 $0x2F80  }
0x46: {  	s6 =	simm.s32 @!p0 $0x2F90  }
0x47: {  	v2 =	vld [tilespmem:s6+$0x0]  }
0x48: {  	s15 =	simm.s32 $0x10;
	v4 =	vmul.f32 v7, v4;
	v5 =	vmul.f32 v6, v5  }
0x49: {  	v8 =	vmov s15  }
0x4a: {  	v8 =	vshll.u32 v8, $0x3;
	v4 =	vadd.f32 v5, v4  }
0x4b: {  	v5 =	vor.u32 v0, v8  }
0x4c: {  	v5 =	vadd.s32 v3, v5;
	v4 =	vadd.f32 v4, v2  }
0x4d: {  	v6 =	vpsel p0, v7, v6  }
0x4e: {  	v4 =	vmul.f32 v4, v6;
	_ =	sdelay $0x1  }
0x4f: {  	[tilespmem:s26+$0x0] =	vst v4  }
0x50: {  	v6 =	vld.idx.msk [tilespmem:v5+s4+$0x0], $0xffff  }
0x51: {  	s6 =	simm.s32 $0x2A90;
	v7 =	vld.idx.msk [tilespmem:v5+s20+$0x0], $0xffff  }
0x52: {  	s15 =	simm.s32 $0x2810;
	v4 =	vld [tilespmem:s6+$0x0]  }
0x53: {  	v5 =	vld [tilespmem:s15+$0x0];
	_ =	sdelay $0x4  }
0x54: {  	s25 =	simm.s32 $0x20;
	v6 =	vmul.f32 v5, v6;
	v7 =	vmul.f32 v4, v7  }
0x55: {  	v8 =	vmov s25  }
0x56: {  	v8 =	vshll.u32 v8, $0x3;
	v6 =	vadd.f32 v7, v6  }
0x57: {  	s7 =	simm.s32 $0x30;
	s25 =	simm.s32 $0x3010;
	v7 =	vor.u32 v0, v8  }
.LBB2_2:
0x58: {  	p1 =	sne.s32 s7, $0x270;
	v7 =	vadd.s32 v3, v7;
	v6 =	vadd.f32 v6, v2  }
0x59: {  	v4 =	vpsel p0, v5, v4  }
0x5a: {  	v4 =	vmul.f32 v6, v4  }
0x5b: {  	s25 =	sadd.s32 $0x10, s25  }
0x5c: {  	[tilespmem:s25+$0x0] =	vst v4  }
0x5d: {  	v6 =	vld.idx.msk [tilespmem:v7+s4+$0x0], $0xffff  }
0x5e: {  	s6 =	sadd.s32 $0x10, s6;
	v7 =	vld.idx.msk [tilespmem:v7+s20+$0x0], $0xffff  }
0x5f: {  	s15 =	sadd.s32 $0x10, s15;
	v4 =	vld [tilespmem:s6+$0x0]  }
0x60: {  	v5 =	vld [tilespmem:s15+$0x0];
	_ =	sdelay $0x3  }
.Ltmp0:
0x61: {  	(pc) =	sbr.rel @p1 .LBB2_2-.Ltmp0, $4  }
0x62: {  	v7 =	vmul.f32 v4, v7;
	v6 =	vmul.f32 v5, v6  }
0x63: {  	v8 =	vmov s7  }
0x64: {  	v8 =	vshll.u32 v8, $0x3;
	v6 =	vadd.f32 v7, v6  }
0x65: {  	s7 =	sadd.s32 $0x10, s7;
	v7 =	vor.u32 v0, v8  }
0x66: {  	v3 =	vadd.s32 v3, v7;
	v6 =	vadd.f32 v6, v2  }
0x67: {  	v4 =	vpsel p0, v5, v4  }
0x68: {  	v4 =	vmul.f32 v6, v4  }
0x69: {  	s7 =	sadd.s32 $0x10, s25  }
0x6a: {  	[tilespmem:s7+$0x0] =	vst v4  }
0x6b: {  	v4 =	vld.idx.msk [tilespmem:v3+s4+$0x0], $0xffff  }
0x6c: {  	s6 =	sadd.s32 $0x10, s6;
	v3 =	vld.idx.msk [tilespmem:v3+s20+$0x0], $0xffff  }
0x6d: {  	s15 =	sadd.s32 $0x10, s15;
	v62 =	vld [tilespmem:s6+$0x0]  }
0x6e: {  	v63 =	vld [tilespmem:s15+$0x0];
	_ =	sdelay $0x4  }
0x6f: {  	v4 =	vmul.f32 v63, v4;
	v3 =	vmul.f32 v62, v3;
	_ =	sdelay $0x1  }
0x70: {  	v3 =	vadd.f32 v3, v4;
	_ =	sdelay $0x1  }
0x71: {  	v2 =	vadd.f32 v3, v2  }
0x72: {  	v3 =	vpsel p0, v63, v62  }
0x73: {  	v2 =	vmul.f32 v2, v3  }
0x74: {  	s25 =	sadd.s32 $0x10, s7  }
.Ltmp1:
0x75: {  	s6 =	simm.s32 $0x0;
	[tilespmem:s25+$0x0] =	vst v2;
	(pc) =	sbr.rel @p0 .LBB2_7-.Ltmp1, $4  }
0x76: {  	[hbm4b:s14+s6] =	stream.linear.scatter [tilespmem:s26], [sflag:$0x6], $0x280, $0x38;
	[tilespmem:$0xD710] =	vst v63  }
0x77: {  	_ =	swait.ge [sflag:s19], $0x280  }
0x78: {  	[sflag:s19] =	ssyncset.done $0x0  }
0x79: {  	[sflag:s19] =	ssyncadd.s32 $0xFFFFFD80  }
0x7a: {  	v2 =	vmov s6  }
0x7b: {  	v2 =	vshll.u32 v2, $0x3  }
0x7c: {  	v2 =	vor.u32 v0, v2;
	_ =	sdelay $0x1  }
0x7d: {  	s15 =	simm.s32 $0x2800  }
0x7e: {  	s6 =	simm.s32 $0x2A80;
	v3 =	vld [tilespmem:s15+$0x0]  }
0x7f: {  	v5 =	vld [tilespmem:s6+$0x0]  }
0x80: {  	v4 =	vld.idx.msk [tilespmem:v2+s4+$0x0], $0xffff  }
0x81: {  	v2 =	vld.idx.msk [tilespmem:v2+s20+$0x0], $0xffff;
	_ =	sdelay $0x3  }
0x82: {  	v6 =	vld [tilespmem:$0x2FA0]  }
0x83: {  	v3 =	vmul.f32 v3, v4;
	v2 =	vmul.f32 v5, v2;
	_ =	sdelay $0x1  }
0x84: {  	v4 =	vld [tilespmem:$0x2FB0];
	v2 =	vadd.f32 v2, v3  }
0x85: {  	s25 =	simm.s32 $0x2D00  }
0x86: {  	v5 =	vadd.f32 v6, v2;
	v2 =	vld [tilespmem:s25+$0x0]  }
0x87: {  	s7 =	simm.s32 $0x10  }
0x88: {  	v3 =	vmov s7  }
0x89: {  	s7 =	simm.s32 $0x20;
	v3 =	vshll.u32 v3, $0x3;
	v4 =	vmul.f32 v5, v4  }
.LBB2_5:
0x8a: {  	p1 =	sne.s32 s7, $0x270;
	v3 =	vor.u32 v0, v3  }
0x8b: {  	v2 =	vadd.f32 v4, v2;
	_ =	sdelay $0x1  }
0x8c: {  	s15 =	sadd.s32 $0x10, s15;
	[tilespmem:s25+$0x0] =	vst v2  }
0x8d: {  	v2 =	vld [tilespmem:s15+$0x0]  }
0x8e: {  	v4 =	vld.idx.msk [tilespmem:v3+s4+$0x0], $0xffff  }
0x8f: {  	s6 =	sadd.s32 $0x10, s6;
	v3 =	vld.idx.msk [tilespmem:v3+s20+$0x0], $0xffff  }
0x90: {  	v5 =	vld [tilespmem:s6+$0x0];
	_ =	sdelay $0x3  }
0x91: {  	v6 =	vld [tilespmem:$0x2FA0]  }
0x92: {  	v2 =	vmul.f32 v2, v4;
	v3 =	vmul.f32 v5, v3  }
0x93: {  	v4 =	vld [tilespmem:$0x2FB0]  }
.Ltmp2:
0x94: {  	s25 =	sadd.s32 $0x10, s25;
	v3 =	vadd.f32 v3, v2;
	(pc) =	sbr.rel @p1 .LBB2_5-.Ltmp2, $4  }
0x95: {  	v2 =	vld [tilespmem:s25+$0x0]  }
0x96: {  	v5 =	vadd.f32 v6, v3  }
0x97: {  	v3 =	vmov s7  }
0x98: {  	s7 =	sadd.s32 $0x10, s7;
	v3 =	vshll.u32 v3, $0x3;
	v4 =	vmul.f32 v5, v4  }
0x99: {  	_ = 	snop  }
0x9a: {  	v3 =	vor.u32 v0, v3;
	v2 =	vadd.f32 v4, v2;
	_ =	sdelay $0x1  }
0x9b: {  	s7 =	sadd.s32 $0x10, s15;
	[tilespmem:s25+$0x0] =	vst v2  }
0x9c: {  	s6 =	sadd.s32 $0x10, s6;
	v2 =	vld [tilespmem:s7+$0x0]  }
0x9d: {  	v5 =	vld [tilespmem:s6+$0x0]  }
0x9e: {  	v62 =	vld.idx.msk [tilespmem:v3+s4+$0x0], $0xffff  }
0x9f: {  	v3 =	vld.idx.msk [tilespmem:v3+s20+$0x0], $0xffff;
	_ =	sdelay $0x3  }
0xa0: {  	v6 =	vld [tilespmem:$0x2FA0]  }
0xa1: {  	v2 =	vmul.f32 v2, v62;
	v3 =	vmul.f32 v5, v3  }
0xa2: {  	v63 =	vld [tilespmem:$0x2FB0]  }
0xa3: {  	s8 =	sadd.s32 $0x10, s25;
	v2 =	vadd.f32 v3, v2  }
0xa4: {  	v3 =	vld [tilespmem:s8+$0x0]  }
0xa5: {  	v2 =	vadd.f32 v6, v2;
	_ =	sdelay $0x1  }
0xa6: {  	v2 =	vmul.f32 v2, v63;
	_ =	sdelay $0x1  }
0xa7: {  	v2 =	vadd.f32 v2, v3;
	_ =	sdelay $0x1  }
0xa8: {  	s15 =	rddreg [dreg:$0x7];
	s25 =	simm.s32 $0x2D00;
	[tilespmem:s8+$0x0] =	vst v2  }
0xa9: {  	[hbm4b:s15+s4] =	stream.linear.scatter [tilespmem:s25], [sflag:$0x6], $0x280, $0x38;
	[tilespmem:$0xD710] =	vst v63  }
0xaa: {  	_ =	swait.ge [sflag:s19], $0x280  }
0xab: {  	[sflag:s19] =	ssyncset.done $0x0  }
0xac: {  	[sflag:s19] =	ssyncadd.s32 $0xFFFFFD80  }
.LBB2_7:
0xad: {  	[tilespmem:$0x3010] =	vst v1  }
0xae: {  	[tilespmem:$0x3020] =	vst v1  }
0xaf: {  	[tilespmem:$0x3030] =	vst v1  }
0xb0: {  	[tilespmem:$0x3040] =	vst v1  }
0xb1: {  	[tilespmem:$0x3050] =	vst v1  }
0xb2: {  	[tilespmem:$0x3060] =	vst v1  }
0xb3: {  	[tilespmem:$0x3070] =	vst v1  }
0xb4: {  	[tilespmem:$0x3080] =	vst v1  }
0xb5: {  	[tilespmem:$0x3090] =	vst v1  }
0xb6: {  	[tilespmem:$0x30A0] =	vst v1  }
0xb7: {  	[tilespmem:$0x30B0] =	vst v1  }
0xb8: {  	[tilespmem:$0x30C0] =	vst v1  }
0xb9: {  	[tilespmem:$0x30D0] =	vst v1  }
0xba: {  	[tilespmem:$0x30E0] =	vst v1  }
0xbb: {  	[tilespmem:$0x30F0] =	vst v1  }
0xbc: {  	[tilespmem:$0x3100] =	vst v1  }
0xbd: {  	[tilespmem:$0x3110] =	vst v1  }
0xbe: {  	[tilespmem:$0x3120] =	vst v1  }
0xbf: {  	[tilespmem:$0x3130] =	vst v1  }
0xc0: {  	[tilespmem:$0x3140] =	vst v1  }
0xc1: {  	[tilespmem:$0x3150] =	vst v1  }
0xc2: {  	[tilespmem:$0x3160] =	vst v1  }
0xc3: {  	[tilespmem:$0x3170] =	vst v1  }
0xc4: {  	[tilespmem:$0x3180] =	vst v1  }
0xc5: {  	[tilespmem:$0x3190] =	vst v1  }
0xc6: {  	[tilespmem:$0x31A0] =	vst v1  }
0xc7: {  	[tilespmem:$0x31B0] =	vst v1  }
0xc8: {  	[tilespmem:$0x31C0] =	vst v1  }
0xc9: {  	[tilespmem:$0x31D0] =	vst v1  }
0xca: {  	[tilespmem:$0x31E0] =	vst v1  }
0xcb: {  	[tilespmem:$0x31F0] =	vst v1  }
0xcc: {  	[tilespmem:$0x3200] =	vst v1  }
0xcd: {  	[tilespmem:$0x3210] =	vst v1  }
0xce: {  	[tilespmem:$0x3220] =	vst v1  }
0xcf: {  	[tilespmem:$0x3230] =	vst v1  }
0xd0: {  	[tilespmem:$0x3240] =	vst v1  }
0xd1: {  	[tilespmem:$0x3250] =	vst v1  }
0xd2: {  	[tilespmem:$0x3260] =	vst v1  }
0xd3: {  	[tilespmem:$0x3270] =	vst v1  }
0xd4: {  	[tilespmem:$0x3280] =	vst v1  }
0xd5: {  	[spmem:s16] =	stream.linear.scatter [tilespmem:s26], [sflag:$0x6], $0x280, $0x38;
	[tilespmem:$0xD710] =	vst v63  }
0xd6: {  	_ =	swait.ge [sflag:s19], $0x280  }
0xd7: {  	[sflag:s19] =	ssyncset.done $0x0  }
0xd8: {  	[sflag:s19] =	ssyncadd.s32 $0xFFFFFD80  }
0xd9: {  	s6 =	simm.s32 $0x3290;
	[bflag:$0x0] =	sbarrier.arrive $0xFFFF  }
0xda: {  	[tilespmem:s29], [sflag:$0x1] =	stream.indirect.gather [hbm4b:s5+s28], $0x1, s6, s28, $0xb8;
	[tilespmem:$0xD710] =	vst v63  }
0xdb: {  	s8 =	simm.s32 $0x3310  }
0xdc: {  	[tilespmem:s30], [sflag:$0x2] =	stream.indirect.gather [hbm4b:s5+s28], $0x1, s8, s28, $0xb8;
	[tilespmem:$0xD710] =	vst v63  }
0xdd: {  	s15 =	simm.s32 $0x3390  }
0xde: {  	[tilespmem:s31], [sflag:$0x3] =	stream.indirect.gather [hbm4b:s5+s28], $0x1, s15, s28, $0xb8;
	[tilespmem:$0xD710] =	vst v63  }
0xdf: {  	s25 =	simm.s32 $0x3410  }
0xe0: {  	[tilespmem:s0], [sflag:$0x4] =	stream.indirect.gather [hbm4b:s5+s28], $0x1, s25, s28, $0xb8;
	[tilespmem:$0xD710] =	vst v63  }
0xe1: {  	_ =	swait.ge [sflag:s1], $0x80  }
0xe2: {  	[sflag:s1] =	ssyncset.done $0x0  }
0xe3: {  	s7 =	simm.s32 $0x8290;
	[sflag:s1] =	ssyncadd.s32 $0xFFFFFF80  }
0xe4: {  	[spmem:s3] =	stream.indirect.scatter.add.f32 [tilespmem:s29], [sflag:$0x5], $0x1, s7, s28, $0xb8;
	[tilespmem:$0xD710] =	vst v63  }
0xe5: {  	_ =	swait.ge [sflag:s2], $0x80  }
0xe6: {  	[sflag:s2] =	ssyncset.done $0x0  }
0xe7: {  	s8 =	simm.s32 $0x8310;
	[sflag:s2] =	ssyncadd.s32 $0xFFFFFF80  }
0xe8: {  	[spmem:s3] =	stream.indirect.scatter.add.f32 [tilespmem:s30], [sflag:$0x5], $0x1, s8, s28, $0xb8;
	[tilespmem:$0xD710] =	vst v63  }
0xe9: {  	_ =	swait.ge [sflag:s21], $0x80  }
0xea: {  	[sflag:s21] =	ssyncset.done $0x0  }
0xeb: {  	s15 =	simm.s32 $0x8390;
	[sflag:s21] =	ssyncadd.s32 $0xFFFFFF80  }
0xec: {  	[spmem:s3] =	stream.indirect.scatter.add.f32 [tilespmem:s31], [sflag:$0x5], $0x1, s15, s28, $0xb8;
	[tilespmem:$0xD710] =	vst v63  }
0xed: {  	_ =	swait.ge [sflag:s22], $0x80  }
0xee: {  	[sflag:s22] =	ssyncset.done $0x0  }
0xef: {  	s25 =	simm.s32 $0x8410;
	[sflag:s22] =	ssyncadd.s32 $0xFFFFFF80  }
0xf0: {  	[spmem:s3] =	stream.indirect.scatter.add.f32 [tilespmem:s0], [sflag:$0x5], $0x1, s25, s28, $0xb8;
	[tilespmem:$0xD710] =	vst v63  }
0xf1: {  	_ =	swait.ge [sflag:s23], $0x80  }
0xf2: {  	[sflag:s23] =	ssyncset.done $0x0  }
0xf3: {  	[sflag:s23] =	ssyncadd.s32 $0xFFFFFF80  }
0xf4: {  	_ =	swait.ge [sflag:s23], $0x80  }
0xf5: {  	[sflag:s23] =	ssyncset.done $0x0  }
0xf6: {  	[sflag:s23] =	ssyncadd.s32 $0xFFFFFF80  }
0xf7: {  	_ =	swait.ge [sflag:s23], $0x80  }
0xf8: {  	[sflag:s23] =	ssyncset.done $0x0  }
0xf9: {  	[sflag:s23] =	ssyncadd.s32 $0xFFFFFF80  }
0xfa: {  	_ =	swait.ge [sflag:s23], $0x80  }
0xfb: {  	s7 =	simm.s32 $0x1000;
	s15 =	simm.s32 $0x200;
	[sflag:s23] =	ssyncset.done $0x0  }
.LBB2_8:
0xfc: {  	s8 =	sadd.s32 $0x3290, s15  }
0xfd: {  	[sflag:s23] =	ssyncadd.s32 $0xFFFFFF80;
	s6 =	smov.u32 s7;
	s25 =	sadd.s32 $0x800, s7  }
0xfe: {  	[tilespmem:s29], [sflag:$0x1] =	stream.indirect.gather [hbm4b:s5+s28], $0x1, s8, s28, $0xb8;
	[tilespmem:$0xD710] =	vst v63  }
0xff: {  	p1 =	sne.s32 s7, $0x13800;
	s7 =	sadd.s32 $0x3310, s15  }
0x100: {  	[tilespmem:s30], [sflag:$0x2] =	stream.indirect.gather [hbm4b:s5+s28], $0x1, s7, s28, $0xb8;
	[tilespmem:$0xD710] =	vst v63  }
0x101: {  	s7 =	sadd.s32 $0x3390, s15  }
0x102: {  	[tilespmem:s31], [sflag:$0x3] =	stream.indirect.gather [hbm4b:s5+s28], $0x1, s7, s28, $0xb8;
	[tilespmem:$0xD710] =	vst v63  }
0x103: {  	s7 =	sadd.s32 $0x3410, s15  }
0x104: {  	[tilespmem:s0], [sflag:$0x4] =	stream.indirect.gather [hbm4b:s5+s28], $0x1, s7, s28, $0xb8;
	[tilespmem:$0xD710] =	vst v63  }
0x105: {  	_ =	swait.ge [sflag:s1], $0x80  }
0x106: {  	[sflag:s1] =	ssyncset.done $0x0  }
0x107: {  	s7 =	sadd.s32 $0x8290, s15;
	[sflag:s1] =	ssyncadd.s32 $0xFFFFFF80  }
0x108: {  	[spmem:s3] =	stream.indirect.scatter.add.f32 [tilespmem:s29], [sflag:$0x5], $0x1, s7, s28, $0xb8;
	[tilespmem:$0xD710] =	vst v63  }
0x109: {  	_ =	swait.ge [sflag:s2], $0x80  }
0x10a: {  	[sflag:s2] =	ssyncset.done $0x0  }
0x10b: {  	s7 =	sadd.s32 $0x8310, s15;
	[sflag:s2] =	ssyncadd.s32 $0xFFFFFF80  }
0x10c: {  	[spmem:s3] =	stream.indirect.scatter.add.f32 [tilespmem:s30], [sflag:$0x5], $0x1, s7, s28, $0xb8;
	[tilespmem:$0xD710] =	vst v63  }
0x10d: {  	_ =	swait.ge [sflag:s21], $0x80  }
0x10e: {  	[sflag:s21] =	ssyncset.done $0x0  }
0x10f: {  	s7 =	sadd.s32 $0x8390, s15;
	[sflag:s21] =	ssyncadd.s32 $0xFFFFFF80  }
0x110: {  	[spmem:s3] =	stream.indirect.scatter.add.f32 [tilespmem:s31], [sflag:$0x5], $0x1, s7, s28, $0xb8;
	[tilespmem:$0xD710] =	vst v63  }
0x111: {  	_ =	swait.ge [sflag:s22], $0x80  }
0x112: {  	[sflag:s22] =	ssyncset.done $0x0  }
0x113: {  	s7 =	sadd.s32 $0x8410, s15;
	[sflag:s22] =	ssyncadd.s32 $0xFFFFFF80  }
0x114: {  	[spmem:s3] =	stream.indirect.scatter.add.f32 [tilespmem:s0], [sflag:$0x5], $0x1, s7, s28, $0xb8;
	[tilespmem:$0xD710] =	vst v63  }
0x115: {  	_ =	swait.ge [sflag:s23], $0x80  }
0x116: {  	[sflag:s23] =	ssyncset.done $0x0  }
0x117: {  	[sflag:s23] =	ssyncadd.s32 $0xFFFFFF80  }
0x118: {  	_ =	swait.ge [sflag:s23], $0x80  }
0x119: {  	[sflag:s23] =	ssyncset.done $0x0  }
0x11a: {  	[sflag:s23] =	ssyncadd.s32 $0xFFFFFF80  }
.Ltmp3:
0x11b: {  	_ =	swait.ge [sflag:s23], $0x80;
	(pc) =	sbr.rel @p1 .LBB2_8-.Ltmp3, $4  }
0x11c: {  	[sflag:s23] =	ssyncset.done $0x0  }
0x11d: {  	[sflag:s23] =	ssyncadd.s32 $0xFFFFFF80  }
0x11e: {  	_ =	swait.ge [sflag:s23], $0x80  }
0x11f: {  	s15 =	sshra.s32 s6, $0x2;
	s7 =	smov.u32 s25;
	[sflag:s23] =	ssyncset.done $0x0  }
0x120: {  	s6 =	sadd.s32 $0x3290, s15;
	[sflag:s23] =	ssyncadd.s32 $0xFFFFFF80  }
0x121: {  	[tilespmem:s29], [sflag:$0x1] =	stream.indirect.gather [hbm4b:s5+s28], $0x1, s6, s28, $0xb8;
	[tilespmem:$0xD710] =	vst v63  }
0x122: {  	s25 =	sadd.s32 $0x3310, s15  }
0x123: {  	[tilespmem:s30], [sflag:$0x2] =	stream.indirect.gather [hbm4b:s5+s28], $0x1, s25, s28, $0xb8;
	[tilespmem:$0xD710] =	vst v63  }
0x124: {  	s7 =	sadd.s32 $0x3390, s15  }
0x125: {  	[tilespmem:s31], [sflag:$0x3] =	stream.indirect.gather [hbm4b:s5+s28], $0x1, s7, s28, $0xb8;
	[tilespmem:$0xD710] =	vst v63  }
0x126: {  	s8 =	sadd.s32 $0x3410, s15  }
0x127: {  	[tilespmem:s0], [sflag:$0x4] =	stream.indirect.gather [hbm4b:s5+s28], $0x1, s8, s28, $0xb8;
	[tilespmem:$0xD710] =	vst v63  }
0x128: {  	_ =	swait.ge [sflag:s1], $0x80  }
0x129: {  	[sflag:s1] =	ssyncset.done $0x0  }
0x12a: {  	s25 =	sadd.s32 $0x8290, s15;
	[sflag:s1] =	ssyncadd.s32 $0xFFFFFF80  }
0x12b: {  	[spmem:s3] =	stream.indirect.scatter.add.f32 [tilespmem:s29], [sflag:$0x5], $0x1, s25, s28, $0xb8;
	[tilespmem:$0xD710] =	vst v63  }
0x12c: {  	_ =	swait.ge [sflag:s2], $0x80  }
0x12d: {  	[sflag:s2] =	ssyncset.done $0x0  }
0x12e: {  	s7 =	sadd.s32 $0x8310, s15;
	[sflag:s2] =	ssyncadd.s32 $0xFFFFFF80  }
0x12f: {  	[spmem:s3] =	stream.indirect.scatter.add.f32 [tilespmem:s30], [sflag:$0x5], $0x1, s7, s28, $0xb8;
	[tilespmem:$0xD710] =	vst v63  }
0x130: {  	_ =	swait.ge [sflag:s21], $0x80  }
0x131: {  	[sflag:s21] =	ssyncset.done $0x0  }
0x132: {  	s8 =	sadd.s32 $0x8390, s15;
	[sflag:s21] =	ssyncadd.s32 $0xFFFFFF80  }
0x133: {  	[spmem:s3] =	stream.indirect.scatter.add.f32 [tilespmem:s31], [sflag:$0x5], $0x1, s8, s28, $0xb8;
	[tilespmem:$0xD710] =	vst v63  }
0x134: {  	_ =	swait.ge [sflag:s22], $0x80  }
0x135: {  	[sflag:s22] =	ssyncset.done $0x0  }
0x136: {  	s25 =	sadd.s32 $0x8410, s15;
	[sflag:s22] =	ssyncadd.s32 $0xFFFFFF80  }
0x137: {  	[spmem:s3] =	stream.indirect.scatter.add.f32 [tilespmem:s0], [sflag:$0x5], $0x1, s25, s28, $0xb8;
	[tilespmem:$0xD710] =	vst v63  }
0x138: {  	_ =	swait.ge [sflag:s23], $0x80  }
0x139: {  	[sflag:s23] =	ssyncset.done $0x0  }
0x13a: {  	[sflag:s23] =	ssyncadd.s32 $0xFFFFFF80  }
0x13b: {  	_ =	swait.ge [sflag:s23], $0x80  }
0x13c: {  	[sflag:s23] =	ssyncset.done $0x0  }
0x13d: {  	[sflag:s23] =	ssyncadd.s32 $0xFFFFFF80  }
0x13e: {  	_ =	swait.ge [sflag:s23], $0x80  }
0x13f: {  	[sflag:s23] =	ssyncset.done $0x0  }
0x140: {  	[sflag:s23] =	ssyncadd.s32 $0xFFFFFF80  }
0x141: {  	_ =	swait.ge [sflag:s23], $0x80  }
0x142: {  	[sflag:s23] =	ssyncset.done $0x0  }
0x143: {  	[sflag:s23] =	ssyncadd.s32 $0xFFFFFF80  }
0x144: {  	[bflag:$0x0] =	sbarrier.arrive $0xFFFF  }
0x145: {  	[tilespmem:s26], [sflag:$0x6] =	stream.linear.gather [spmem:s16], $0x280, $0x38;
	[tilespmem:$0xD710] =	vst v63  }
0x146: {  	s24 =	sadd.s32 $0x1, s24;
	_ =	swait.ge [sflag:s19], $0x280  }
0x147: {  	p1 =	sne.s32 s24, s18;
	[sflag:s19] =	ssyncset.done $0x0  }
.Ltmp4:
0x148: {  	[sflag:s19] =	ssyncadd.s32 $0xFFFFFD80;
	(pc) =	sbr.rel @p1 .LBB2_1-.Ltmp4, $4  }
0x149: {  	[hbm4b:s17+s4] =	stream.linear.scatter [tilespmem:s26], [sflag:$0x6], $0x280, $0x38;
	[tilespmem:$0xD710] =	vst v63  }
0x14a: {  	_ =	swait.ge [sflag:s19], $0x280  }
0x14b: {  	[sflag:s19] =	ssyncset.done $0x0  }
0x14c: {  	[sflag:s19] =	ssyncadd.s32 $0xFFFFFD80  }
0x14d: {  	_ =	sfence.sel $0x180000  }
0x14e: {  	[bflag:$0x0] =	sbarrier.arrive $0xFFFF  }
0x14f: {  	_ =	strace $0x90000050  }
0x150: {  	s0 =	stileid.u32;
	[bflag:$0x2] =	sbarrier.arrive $0xFFFF  }
0x151: {  	p0 =	sne.s32 s0, $0x0;
	s0 =	rddreg [dreg:$0x3]  }
0x152: {  	s0 =	sadd.s32 @!p0 $0x100000, s0  }
0x153: {  	[sflag:s0] =	ssyncadd.tile.s32 @!p0 $0x1;
	_ =	shalt  }
.Lfunc_end2:
_tile_overlayer_lowered:
.L_overlay_start_2:
0x154: {  	(tag) =	ssettag $0x2  }
0x155: {  	s0 =	rddreg [dreg:$0x0];
	s2 =	stileid.u32  }
0x156: {  	s1 =	rddreg [dreg:$0x1];
	p0 =	sne.s32 s2, $0x0  }
0x157: {  	s3 =	rddreg [dreg:$0x2];
	[bflag:$0x3] =	sbarrier.arrive $0xFFFF;
	s2 =	simm.s32 @!p0 $0x1C06  }
0x158: {  	[timem:s3], [sflag:s2] =	dma.local @!p0 [hbm:s0], s1  }
0x159: {  	s0 =	simm.s32 @!p0 $0x6  }
0x15a: {  	_ =	swait.ge @!p0 [sflag:s0], s1  }
0x15b: {  	s1 =	ssub.s32 @!p0 $0x0, s1;
	[sflag:s0] =	ssyncset.done @!p0 $0x0  }
0x15c: {  	[sflag:s0] =	ssyncadd.s32 @!p0 s1  }
0x15d: {  	[bflag:$0x3] =	sbarrier.arrive $0xFFFF  }
0x15e: {  	_ =	shalt  }

// kernel: kernel.20.cloned.1.call-start
scs
__scs_entry_jumppad:
0x0: {  	(pc) =	sbr.rel $0x88, $3  }
0x1: {  	(tag) =	ssettag $0x0;
	lr =	simm.s32 $0x1  }
0x2: {  	[smem:$0x3F84] =	sst lr;
	_ =	strace $0xD0000000  }
0x3: {  	_ = 	snop  }
0x4: {  	_ = 	snop  }
0x5: {  	_ = 	snop  }
0x6: {  	_ = 	snop  }
0x7: {  	_ = 	snop  }
__scs_overlays_trampoline_lowered:
0x8: {  	[smem:$0x3F93] =	sst s0  }
0x9: {  	[smem:$0x3F94] =	sst s1  }
0xa: {  	[smem:$0x3F95] =	sst s2  }
0xb: {  	[smem:$0x3F96] =	sst s3  }
0xc: {  	[smem:$0x3F97] =	sst s4  }
0xd: {  	[smem:$0x3F98] =	sst s5  }
0xe: {  	[smem:$0x3F99] =	sst s6  }
0xf: {  	[smem:$0x3F9A] =	sst s7  }
0x10: {  	[smem:$0x3F9B] =	sst s8  }
0x11: {  	[smem:$0x3F9C] =	sst s9;
	s0 =	simm.s32 @!p0 $0x0  }
0x12: {  	s1 =	sld [smem:$0x3F82];
	s0 =	simm.s32 @p0 $0x1  }
0x13: {  	[smem:$0x3F9D] =	sst s0;
	s0 =	simm.s32 @!p1 $0x0  }
0x14: {  	s2 =	sld [smem:$0x3F81];
	s0 =	simm.s32 @p1 $0x1  }
0x15: {  	[smem:$0x3F9E] =	sst s0;
	s0 =	simm.s32 @!p2 $0x0  }
0x16: {  	s3 =	sld [smem:$0x3FDB];
	s0 =	simm.s32 @p2 $0x1  }
0x17: {  	s4 =	simm.s32 $0x1BF5;
	[smem:$0x3FA0] =	sst s0  }
0x18: {  	s0 =	sld [smem:$0x3F83];
	_ =	swait.ge [sflag:s4], $0x0  }
0x19: {  	s7 =	sld [smem:$0x3F84]  }
0x1a: {  	s8 =	sadd.s32 $0xFFFFE003, lr  }
0x1b: {  	s9 =	sadd.s32 $0xFFFFFEF7, lr;
	s5 =	simm.s32 $0xFFFFFFFF;
	p2 =	slt.u32 s8, $0xFFFFF086  }
0x1c: {  	p1 =	slt.u32 s9, $0xF7A;
	s5 =	simm.s32 @!p2 $0x0  }
0x1d: {  	s5 =	simm.s32 @p1 $0x1;
	p0 =	seq.s32 s7, s2  }
0x1e: {  	s7 =	smul.u32 @!p0 $0xF7A, s2;
	p2 =	seq.s32 @!p0 s5, $0x0  }
0x1f: {  	s9 =	smul.u32 $0xF7A, s1;
	s8 =	simm.s32 @!p0 $0x1BF5;
	p2 =	por !p2, p0  }
0x20: {  	[sflag:s8] =	ssyncset.s32 @!p0 $0xFFFFF086;
	s6 =	sadd.s32 @!p0 s3, s7;
	s7 =	simm.s32 @!p0 $0x108  }
0x21: {  	s3 =	sadd.s32 s3, s9;
	s6 =	sadd.s32 @!p0 $0x88, s6;
	s7 =	simm.s32 @p2 $0x1082  }
0x22: {  	[simem:s7], [sflag:s8] =	dma.local @!p0 [hbm:s6], $0xF7A  }
0x23: {  	s9 =	sor.u32 $0xD0000000, s2;
	s6 =	simm.s32 $0x108;
	_ =	swait.ge @!p0 [sflag:s8], $0x0  }
0x24: {  	s3 =	sadd.s32 $0x88, s3;
	s6 =	simm.s32 @!p1 $0x1082;
	[sflag:s4] =	ssyncset.s32 $0xFFFFF086  }
0x25: {  	[simem:s6], [sflag:s4] =	dma.local [hbm:s3], $0xF7A  }
0x26: {  	[smem:$0x3F84] =	sst s1;
	(tag) =	ssettag s2;
	_ =	strace s9  }
0x27: {  	s1 =	sld [smem:$0x3F94]  }
0x28: {  	s2 =	sld [smem:$0x3F95]  }
0x29: {  	s4 =	sld [smem:$0x3F97]  }
0x2a: {  	p0 =	seq.s32 s5, $0x0;
	s5 =	sld [smem:$0x3F98]  }
0x2b: {  	s6 =	sld [smem:$0x3F99]  }
0x2c: {  	s7 =	sld [smem:$0x3F9A]  }
0x2d: {  	s3 =	simm.s32 $0x108;
	s8 =	sld [smem:$0x3F9B]  }
0x2e: {  	s3 =	simm.s32 @!p0 $0x1082;
	s9 =	sld [smem:$0x3F9C]  }
0x2f: {  	lr =	sadd.s32 s0, s3;
	s0 =	sld [smem:$0x3F93]  }
0x30: {  	s3 =	sld [smem:$0x3F96]  }
0x31: {  	[smem:$0x3F9F] =	sst s10  }
0x32: {  	s10 =	sld [smem:$0x3F9D];
	_ =	sdelay $0x3  }
0x33: {  	p0 =	seq.s32 s10, $0x1;
	s10 =	sld [smem:$0x3F9F];
	_ =	sdelay $0x3  }
0x34: {  	[smem:$0x3F9F] =	sst s10  }
0x35: {  	s10 =	sld [smem:$0x3F9E];
	_ =	sdelay $0x3  }
0x36: {  	p1 =	seq.s32 s10, $0x1;
	s10 =	sld [smem:$0x3F9F];
	_ =	sdelay $0x3  }
0x37: {  	[smem:$0x3F9F] =	sst s10  }
0x38: {  	s10 =	sld [smem:$0x3FA0]  }
0x39: {  	_ = 	snop;
	(pc) =	sbr.ind lr, $3  }
0x3a: {  	_ = 	snop  }
0x3b: {  	_ = 	snop  }
0x3c: {  	p2 =	seq.s32 s10, $0x1;
	s10 =	sld [smem:$0x3F9F]  }
0x3d: {  	_ =	shalt  }
0x3e: {  	_ =	shalt  }
0x3f: {  	_ =	shalt  }
0x40: {  	_ =	shalt  }
0x41: {  	_ =	shalt  }
0x42: {  	_ =	shalt  }
0x43: {  	_ =	shalt  }
0x44: {  	_ =	shalt  }
0x45: {  	_ =	shalt  }
0x46: {  	_ =	shalt  }
0x47: {  	_ =	shalt  }
0x48: {  	_ =	shalt  }
0x49: {  	_ =	shalt  }
0x4a: {  	_ =	shalt  }
0x4b: {  	_ =	shalt  }
0x4c: {  	_ =	shalt  }
0x4d: {  	_ =	shalt  }
0x4e: {  	_ =	shalt  }
0x4f: {  	_ =	shalt  }
0x50: {  	_ =	shalt  }
0x51: {  	_ =	shalt  }
0x52: {  	_ =	shalt  }
0x53: {  	_ =	shalt  }
0x54: {  	_ =	shalt  }
0x55: {  	_ =	shalt  }
0x56: {  	_ =	shalt  }
0x57: {  	_ =	shalt  }
0x58: {  	_ =	shalt  }
0x59: {  	_ =	shalt  }
0x5a: {  	_ =	shalt  }
0x5b: {  	_ =	shalt  }
0x5c: {  	_ =	shalt  }
0x5d: {  	_ =	shalt  }
0x5e: {  	_ =	shalt  }
0x5f: {  	_ =	shalt  }
0x60: {  	_ =	shalt  }
0x61: {  	_ =	shalt  }
0x62: {  	_ =	shalt  }
0x63: {  	_ =	shalt  }
0x64: {  	_ =	shalt  }
0x65: {  	_ =	shalt  }
0x66: {  	_ =	shalt  }
0x67: {  	_ =	shalt  }
0x68: {  	_ =	shalt  }
0x69: {  	_ =	shalt  }
0x6a: {  	_ =	shalt  }
0x6b: {  	_ =	shalt  }
0x6c: {  	_ =	shalt  }
0x6d: {  	_ =	shalt  }
0x6e: {  	_ =	shalt  }
0x6f: {  	_ =	shalt  }
0x70: {  	_ =	shalt  }
0x71: {  	_ =	shalt  }
0x72: {  	_ =	shalt  }
0x73: {  	_ =	shalt  }
0x74: {  	_ =	shalt  }
0x75: {  	_ =	shalt  }
0x76: {  	_ =	shalt  }
0x77: {  	_ =	shalt  }
0x78: {  	_ =	shalt  }
0x79: {  	_ =	shalt  }
0x7a: {  	_ =	shalt  }
0x7b: {  	_ =	shalt  }
0x7c: {  	_ =	shalt  }
0x7d: {  	_ =	shalt  }
0x7e: {  	_ =	shalt  }
0x7f: {  	_ =	shalt  }
0x80: {  	_ =	shalt  }
0x81: {  	_ =	shalt  }
0x82: {  	_ =	shalt  }
0x83: {  	_ =	shalt  }
0x84: {  	_ =	shalt  }
0x85: {  	_ =	shalt  }
0x86: {  	_ =	shalt  }
0x87: {  	_ =	shalt  }
.Lfunc_end0:
.L_simem_size_0:
called_computation.4_lowered:
.L_overlay_start_0:
0x88: {  	s2 =	sld [smem:$0x3FD9]  }
0x89: {  	s3 =	sld [smem:$0x3FFE];
	_ =	sdelay $0x1  }
0x8a: {  	s1 =	srdreg.scid  }
0x8b: {  	s0 =	sand.u32 $0x1, s1  }
0x8c: {  	s16 =	sshll.u32 s0, $0xA;
	s2 =	sadd.s32 s3, s2  }
0x8d: {  	s2 =	sadd.s32 s2, s16  }
0x8e: {  	[smem:$0x3FAB] =	sst s2  }
0x8f: {  	_ = 	snop  }
0x90: {  	(tm) =	ssettm $0x1  }
0x91: {  	s17 =	sld [smem:$0x3FFB];
	_ =	sdelay $0x3  }
0x92: {  	_ =	strace s17  }
0x93: {  	s2 =	sld [smem:$0x3FFC];
	_ =	sdelay $0x3  }
0x94: {  	_ =	strace s2  }
0x95: {  	s2 =	sld [smem:$0x3FFD];
	_ =	sdelay $0x3  }
0x96: {  	_ =	strace s2  }
0x97: {  	_ =	strace $0x8FFFFFFF  }
0x98: {  	s18 =	sld [smem:$0x3FDB];
	_ =	sdelay $0x1  }
0x99: {  	s19 =	simm.s32 $_scs_section_size  }
0x9a: {  	s4 =	simm.s32 $_size__tile_overlayer_lowered;
	s5 =	simm.s32 $_tile_overlayer_lowered  }
0x9b: {  	s22 =	simm.s32 $0x1BFF;
	s21 =	sshll.u32 s5, $0x1;
	s2 =	sadd.s32 s19, s18  }
0x9c: {  	s6 =	simm.s32 $0x0;
	s20 =	sshll.u32 s4, $0x1;
	s4 =	sadd.s32 s21, s2  }
0x9d: {  	[timem:s6], [sflag:s22] =	dma.local [hbm:s4], s20  }
0x9e: {  	_ =	swait.ge [sflag:s22], s20  }
0x9f: {  	s3 =	ssub.s32 $0x0, s20;
	[sflag:s22] =	ssyncset.done $0x0  }
0xa0: {  	[sflag:s22] =	ssyncadd.s32 s3;
	_ =	sdelay $0x1  }
0xa1: {  	s23 =	simm.s32 $0x1B8B  }
0xa2: {  	_ =	swait.ge [sflag:s23], $0x1  }
0xa3: {  	[sflag:s23] =	ssyncset.done $0x0  }
0xa4: {  	s25 =	simm.s32 $0x1B8E;
	s24 =	sld [smem:$0x3FFE];
	[sflag:s23] =	ssyncadd.s32 $0xFFFFFFFF  }
0xa5: {  	s26 =	simm.s32 $execute0_lowered;
	[smem:$0x3FD2] =	sst s25  }
0xa6: {  	s4 =	sshll.u32 s26, $0x1;
	_ =	strace $0x80000052;
	[dreg:$0x1] =	wrdreg $0xFFFFFFFF  }
0xa7: {  	s28 =	simm.s32 $_size_execute0_lowered;
	s2 =	sadd.s32 s2, s4;
	[dreg:$0x0] =	wrdreg $0x0  }
0xa8: {  	s4 =	sshll.u32 s28, $0x1;
	[dreg:$0x2] =	wrdreg s2  }
0xa9: {  	[dreg:$0x3] =	wrdreg s4  }
0xaa: {  	[dreg:$0x4] =	wrdreg $0xC0  }
0xab: {  	_ =	task [dreg:s6], $0x5FFFF  }
0xac: {  	[dreg:$0x1] =	wrdreg $0xFFFFFFFF  }
0xad: {  	[dreg:$0x0] =	wrdreg $0x60  }
0xae: {  	[dreg:$0x2] =	wrdreg s24  }
0xaf: {  	[dreg:$0x3] =	wrdreg $0x9  }
0xb0: {  	_ =	task.clear_ibuf [dreg:s6], $0x4FFFF;
	_ =	strace $0x90000052  }
0xb1: {  	s29 =	simm.s32 $0x9;
	_ =	strace $0x80000054  }
0xb2: {  	_ =	swait.ge [sflag:s29], $0x1  }
0xb3: {  	[sflag:s29] =	ssyncadd.s32 $0xFFFFFFFF  }
0xb4: {  	_ =	strace $0x90000054  }
0xb5: {  	_ =	sfence  }
0xb6: {  	s30 =	sld [smem:$0x0];
	_ =	sdelay $0x2  }
0xb7: {  	s31 =	sshll.u32 s1, $0xD;
	s1 =	sshrl.u32 s1, $0x2  }
0xb8: {  	s3 =	sand.u32 $0x4000, s31;
	s1 =	sadd.s32 s1, s30  }
0xb9: {  	s0 =	sor.u32 s3, s0;
	s1 =	sshll.u32 s1, $0x11  }
0xba: {  	s0 =	sor.u32 s1, s0  }
0xbb: {  	s0 =	sadd.s32 $0x8F2B, s0  }
0xbc: {  	[sflag:s0] =	ssyncadd.remote.s32 $0x1  }
0xbd: {  	_ =	sfence.sel $0xFFFF  }
0xbe: {  	[dreg:$0x0] =	wrdreg $0xFFFFFFFF;
	(pc) =	sbr.abs _section_cstart, $3  }
0xbf: {  	[dreg:$0x1] =	wrdreg $0xFFFFFFFF  }
0xc0: {  	_ =	task.clear_ibuf [dreg:s6], $0x2FFFF;
	_ =	strace $0x9FFFFFFF  }
0xc1: {  	(tm) =	ssettm $0x7FFFFFFF  }
tec
execute0_lowered:
.L_overlay_start_1:
0x0: {  	(tag) =	ssettag $0x1  }
0x1: {  	s4 =	rddreg [dreg:$0x0]  }
0x2: {  	s0 =	rddreg [dreg:$0x1]  }
0x3: {  	s3 =	srdreg.scid;
	s1 =	stileid.u32  }
0x4: {  	s2 =	simm.s32 $0x0;
	s12 =	simm.s32 $0x140;
	s13 =	simm.s32 $0x280  }
0x5: {  	s14 =	simm.s32 $0x3C0;
	s5 =	sand.u32 $0x1, s3;
	s30 =	smul.u32 $0x280, s1  }
0x6: {  	s15 =	simm.s32 $0x500;
	s16 =	simm.s32 $0x640;
	s6 =	smul.u32 $0x140, s5  }
0x7: {  	s17 =	simm.s32 $0x0;
	[smem:$0x7FF] =	sst s2;
	s7 =	sadd.s32 $0x29600, s4  }
0x8: {  	s8 =	sadd.s32 $0x32C00, s4;
	s5 =	ssub.s32 $0x2, s5;
	s6 =	sadd.s32 s6, s30  }
0x9: {  	s3 =	sadd.s32 $0x14A00, s4;
	s31 =	sshrl.u32 s5, $0x1;
	s6 =	sshrl.u32 s6, $0x3  }
0xa: {  	_ =	strace $0x80000053;
	s11 =	ssub.s32 s5, s31;
	s9 =	sadd.s32 s6, s4  }
0xb: {  	s10 =	sadd.s32 $0x500, s6;
	s4 =	sadd.s32 s7, s6;
	s6 =	sadd.s32 s8, s6  }
0xc: {  	s5 =	sadd.s32 s7, s10;
	s7 =	sadd.s32 s8, s10;
	s8 =	sadd.s32 $0x33600, s9  }
0xd: {  	s9 =	sadd.s32 $0x2A000, s9;
	s10 =	smax.u32 s11, $0x1;
	s11 =	simm.s32 $0x1  }
.LBB2_1:
0xe: {  	[tilespmem:s2], [sflag:$0x1] =	stream.linear.gather [hbm4b:s4+s2], $0x140, $0x38;
	[tilespmem:$0x6C0] =	vst v63  }
0xf: {  	_ =	swait.ge [sflag:s11], $0x140  }
0x10: {  	[sflag:s11] =	ssyncset.done $0x0  }
0x11: {  	[sflag:s11] =	ssyncadd.s32 $0xFFFFFEC0  }
0x12: {  	[tilespmem:s12], [sflag:$0x1] =	stream.linear.gather [hbm4b:s5+s2], $0x140, $0x38;
	[tilespmem:$0x6C0] =	vst v63  }
0x13: {  	_ =	swait.ge [sflag:s11], $0x140  }
0x14: {  	[sflag:s11] =	ssyncset.done $0x0  }
0x15: {  	[sflag:s11] =	ssyncadd.s32 $0xFFFFFEC0  }
0x16: {  	[tilespmem:s13], [sflag:$0x1] =	stream.linear.gather [hbm4b:s6+s2], $0x140, $0x38;
	[tilespmem:$0x6C0] =	vst v63  }
0x17: {  	_ =	swait.ge [sflag:s11], $0x140  }
0x18: {  	[sflag:s11] =	ssyncset.done $0x0  }
0x19: {  	[sflag:s11] =	ssyncadd.s32 $0xFFFFFEC0  }
0x1a: {  	[tilespmem:s14], [sflag:$0x1] =	stream.linear.gather [hbm4b:s7+s2], $0x140, $0x38;
	[tilespmem:$0x6C0] =	vst v63  }
0x1b: {  	_ =	swait.ge [sflag:s11], $0x140  }
0x1c: {  	[sflag:s11] =	ssyncset.done $0x0  }
0x1d: {  	[sflag:s11] =	ssyncadd.s32 $0xFFFFFEC0  }
0x1e: {  	[tilespmem:s15], [sflag:$0x1] =	stream.linear.gather [hbm4b:s8+s2], $0x140, $0x38;
	[tilespmem:$0x6C0] =	vst v63  }
0x1f: {  	_ =	swait.ge [sflag:s11], $0x140  }
0x20: {  	[sflag:s11] =	ssyncset.done $0x0  }
0x21: {  	[sflag:s11] =	ssyncadd.s32 $0xFFFFFEC0  }
0x22: {  	[tilespmem:s16], [sflag:$0x1] =	stream.linear.gather [hbm4b:s3+s2], $0x80, $0x38;
	[tilespmem:$0x6C0] =	vst v63  }
0x23: {  	_ =	swait.ge [sflag:s11], $0x80  }
0x24: {  	[sflag:s11] =	ssyncset.done $0x0  }
0x25: {  	s18 =	simm.s32 $0x0;
	[sflag:s11] =	ssyncadd.s32 $0xFFFFFF80  }
0x26: {  	v0 =	vld [tilespmem:s18+$0x0]  }
0x27: {  	v1 =	vld [tilespmem:s18+$0x140]  }
0x28: {  	v2 =	vld [tilespmem:s18+$0x280]  }
0x29: {  	v3 =	vld [tilespmem:s18+$0x3C0];
	_ =	sdelay $0x3  }
0x2a: {  	v4 =	vld [tilespmem:$0x670]  }
0x2b: {  	v0 =	vmul.f32 v2, v0;
	v1 =	vmul.f32 v3, v1  }
0x2c: {  	v5 =	vld [tilespmem:s18+$0x500]  }
0x2d: {  	v1 =	vadd.f32 v1, v0  }
0x2e: {  	s19 =	simm.s32 $0x10;
	v2 =	vld [tilespmem:$0x660]  }
0x2f: {  	v3 =	vld [tilespmem:s19+$0x280];
	v4 =	vmul.f32 v1, v4  }
0x30: {  	v0 =	vld [tilespmem:s19+$0x0]  }
0x31: {  	s20 =	simm.s32 $0x80;
	v1 =	vld [tilespmem:s19+$0x140];
	v4 =	vadd.f32 v4, v5  }
.LBB2_2:
0x32: {  	p0 =	sne.s32 s20, $0x4C0;
	v5 =	vld [tilespmem:s19+$0x3C0]  }
0x33: {  	v2 =	vadd.f32 v4, v2;
	_ =	sdelay $0x1  }
0x34: {  	[tilespmem:s18+$0x500] =	vst v2;
	s18 =	smov.u32 s19  }
0x35: {  	v4 =	vld [tilespmem:$0x670]  }
0x36: {  	v0 =	vmul.f32 v3, v0;
	v1 =	vmul.f32 v5, v1  }
0x37: {  	v5 =	vld [tilespmem:s18+$0x500]  }
.Ltmp0:
0x38: {  	v1 =	vadd.f32 v1, v0;
	(pc) =	sbr.rel @p0 .LBB2_2-.Ltmp0, $4  }
0x39: {  	s19 =	sshra.s32 s20, $0x2;
	v2 =	vld [tilespmem:$0x660]  }
0x3a: {  	v0 =	vld [tilespmem:s19+$0x0];
	v4 =	vmul.f32 v1, v4  }
0x3b: {  	v1 =	vld [tilespmem:s19+$0x140]  }
0x3c: {  	s20 =	sadd.s32 $0x40, s20;
	v3 =	vld [tilespmem:s19+$0x280];
	v4 =	vadd.f32 v4, v5  }
0x3d: {  	v5 =	vld [tilespmem:s19+$0x3C0]  }
0x3e: {  	v2 =	vadd.f32 v4, v2;
	_ =	sdelay $0x1  }
0x3f: {  	[tilespmem:s18+$0x500] =	vst v2  }
0x40: {  	v2 =	vld [tilespmem:$0x670]  }
0x41: {  	v0 =	vmul.f32 v3, v0;
	v1 =	vmul.f32 v5, v1  }
0x42: {  	v62 =	vld [tilespmem:s19+$0x500]  }
0x43: {  	v0 =	vadd.f32 v1, v0  }
0x44: {  	v63 =	vld [tilespmem:$0x660]  }
0x45: {  	v0 =	vmul.f32 v0, v2;
	_ =	sdelay $0x1  }
0x46: {  	v0 =	vadd.f32 v0, v62;
	_ =	sdelay $0x1  }
0x47: {  	s17 =	sadd.s32 $0x1, s17;
	v0 =	vadd.f32 v0, v63  }
0x48: {  	p0 =	sne.s32 s17, s10  }
.Ltmp1:
0x49: {  	[tilespmem:s19+$0x500] =	vst v0;
	(pc) =	sbr.rel @p0 .LBB2_1-.Ltmp1, $4  }
0x4a: {  	[hbm4b:s9+s2] =	stream.linear.scatter [tilespmem:s15], [sflag:$0x1], $0x140, $0x38;
	[tilespmem:$0x6C0] =	vst v63  }
0x4b: {  	_ =	swait.ge [sflag:s11], $0x140  }
0x4c: {  	[sflag:s11] =	ssyncset.done $0x0  }
0x4d: {  	[sflag:s11] =	ssyncadd.s32 $0xFFFFFEC0  }
0x4e: {  	_ =	sfence.sel $0x180000  }
0x4f: {  	[bflag:$0x0] =	sbarrier.arrive $0xFFFF  }
0x50: {  	p0 =	sne.s32 s1, $0x0;
	_ =	strace $0x90000053  }
0x51: {  	s0 =	sadd.s32 @!p0 $0x100000, s0;
	[bflag:$0x2] =	sbarrier.arrive $0xFFFF  }
0x52: {  	[sflag:s0] =	ssyncadd.tile.s32 @!p0 $0x1;
	_ =	shalt  }
.Lfunc_end2:
_tile_overlayer_lowered:
.L_overlay_start_2:
0x53: {  	(tag) =	ssettag $0x2  }
0x54: {  	s0 =	rddreg [dreg:$0x0];
	s2 =	stileid.u32  }
0x55: {  	s1 =	rddreg [dreg:$0x1];
	p0 =	sne.s32 s2, $0x0  }
0x56: {  	s3 =	rddreg [dreg:$0x2];
	[bflag:$0x3] =	sbarrier.arrive $0xFFFF;
	s2 =	simm.s32 @!p0 $0x1C01  }
0x57: {  	[timem:s3], [sflag:s2] =	dma.local @!p0 [hbm:s0], s1  }
0x58: {  	s0 =	simm.s32 @!p0 $0x1  }
0x59: {  	_ =	swait.ge @!p0 [sflag:s0], s1  }
0x5a: {  	s1 =	ssub.s32 @!p0 $0x0, s1;
	[sflag:s0] =	ssyncset.done @!p0 $0x0  }
0x5b: {  	[sflag:s0] =	ssyncadd.s32 @!p0 s1  }
0x5c: {  	[bflag:$0x3] =	sbarrier.arrive $0xFFFF  }
0x5d: {  	_ =	shalt  }

// kernel: kernel.8.cloned.1.call-start
scs
__scs_entry_jumppad:
0x0: {  	(pc) =	sbr.rel $0x88, $3  }
0x1: {  	(tag) =	ssettag $0x0;
	lr =	simm.s32 $0x1  }
0x2: {  	[smem:$0x3F84] =	sst lr;
	_ =	strace $0xD0000000  }
0x3: {  	_ = 	snop  }
0x4: {  	_ = 	snop  }
0x5: {  	_ = 	snop  }
0x6: {  	_ = 	snop  }
0x7: {  	_ = 	snop  }
__scs_overlays_trampoline_lowered:
0x8: {  	[smem:$0x3F93] =	sst s0  }
0x9: {  	[smem:$0x3F94] =	sst s1  }
0xa: {  	[smem:$0x3F95] =	sst s2  }
0xb: {  	[smem:$0x3F96] =	sst s3  }
0xc: {  	[smem:$0x3F97] =	sst s4  }
0xd: {  	[smem:$0x3F98] =	sst s5  }
0xe: {  	[smem:$0x3F99] =	sst s6  }
0xf: {  	[smem:$0x3F9A] =	sst s7  }
0x10: {  	[smem:$0x3F9B] =	sst s8  }
0x11: {  	[smem:$0x3F9C] =	sst s9;
	s0 =	simm.s32 @!p0 $0x0  }
0x12: {  	s1 =	sld [smem:$0x3F82];
	s0 =	simm.s32 @p0 $0x1  }
0x13: {  	[smem:$0x3F9D] =	sst s0;
	s0 =	simm.s32 @!p1 $0x0  }
0x14: {  	s2 =	sld [smem:$0x3F81];
	s0 =	simm.s32 @p1 $0x1  }
0x15: {  	[smem:$0x3F9E] =	sst s0;
	s0 =	simm.s32 @!p2 $0x0  }
0x16: {  	s3 =	sld [smem:$0x3FDB];
	s0 =	simm.s32 @p2 $0x1  }
0x17: {  	s4 =	simm.s32 $0x1BF5;
	[smem:$0x3FA0] =	sst s0  }
0x18: {  	s0 =	sld [smem:$0x3F83];
	_ =	swait.ge [sflag:s4], $0x0  }
0x19: {  	s7 =	sld [smem:$0x3F84]  }
0x1a: {  	s8 =	sadd.s32 $0xFFFFE003, lr  }
0x1b: {  	s9 =	sadd.s32 $0xFFFFFEF7, lr;
	s5 =	simm.s32 $0xFFFFFFFF;
	p2 =	slt.u32 s8, $0xFFFFF086  }
0x1c: {  	p1 =	slt.u32 s9, $0xF7A;
	s5 =	simm.s32 @!p2 $0x0  }
0x1d: {  	s5 =	simm.s32 @p1 $0x1;
	p0 =	seq.s32 s7, s2  }
0x1e: {  	s7 =	smul.u32 @!p0 $0xF7A, s2;
	p2 =	seq.s32 @!p0 s5, $0x0  }
0x1f: {  	s9 =	smul.u32 $0xF7A, s1;
	s8 =	simm.s32 @!p0 $0x1BF5;
	p2 =	por !p2, p0  }
0x20: {  	[sflag:s8] =	ssyncset.s32 @!p0 $0xFFFFF086;
	s6 =	sadd.s32 @!p0 s3, s7;
	s7 =	simm.s32 @!p0 $0x108  }
0x21: {  	s3 =	sadd.s32 s3, s9;
	s6 =	sadd.s32 @!p0 $0x88, s6;
	s7 =	simm.s32 @p2 $0x1082  }
0x22: {  	[simem:s7], [sflag:s8] =	dma.local @!p0 [hbm:s6], $0xF7A  }
0x23: {  	s9 =	sor.u32 $0xD0000000, s2;
	s6 =	simm.s32 $0x108;
	_ =	swait.ge @!p0 [sflag:s8], $0x0  }
0x24: {  	s3 =	sadd.s32 $0x88, s3;
	s6 =	simm.s32 @!p1 $0x1082;
	[sflag:s4] =	ssyncset.s32 $0xFFFFF086  }
0x25: {  	[simem:s6], [sflag:s4] =	dma.local [hbm:s3], $0xF7A  }
0x26: {  	[smem:$0x3F84] =	sst s1;
	(tag) =	ssettag s2;
	_ =	strace s9  }
0x27: {  	s1 =	sld [smem:$0x3F94]  }
0x28: {  	s2 =	sld [smem:$0x3F95]  }
0x29: {  	s4 =	sld [smem:$0x3F97]  }
0x2a: {  	p0 =	seq.s32 s5, $0x0;
	s5 =	sld [smem:$0x3F98]  }
0x2b: {  	s6 =	sld [smem:$0x3F99]  }
0x2c: {  	s7 =	sld [smem:$0x3F9A]  }
0x2d: {  	s3 =	simm.s32 $0x108;
	s8 =	sld [smem:$0x3F9B]  }
0x2e: {  	s3 =	simm.s32 @!p0 $0x1082;
	s9 =	sld [smem:$0x3F9C]  }
0x2f: {  	lr =	sadd.s32 s0, s3;
	s0 =	sld [smem:$0x3F93]  }
0x30: {  	s3 =	sld [smem:$0x3F96]  }
0x31: {  	[smem:$0x3F9F] =	sst s10  }
0x32: {  	s10 =	sld [smem:$0x3F9D];
	_ =	sdelay $0x3  }
0x33: {  	p0 =	seq.s32 s10, $0x1;
	s10 =	sld [smem:$0x3F9F];
	_ =	sdelay $0x3  }
0x34: {  	[smem:$0x3F9F] =	sst s10  }
0x35: {  	s10 =	sld [smem:$0x3F9E];
	_ =	sdelay $0x3  }
0x36: {  	p1 =	seq.s32 s10, $0x1;
	s10 =	sld [smem:$0x3F9F];
	_ =	sdelay $0x3  }
0x37: {  	[smem:$0x3F9F] =	sst s10  }
0x38: {  	s10 =	sld [smem:$0x3FA0]  }
0x39: {  	_ = 	snop;
	(pc) =	sbr.ind lr, $3  }
0x3a: {  	_ = 	snop  }
0x3b: {  	_ = 	snop  }
0x3c: {  	p2 =	seq.s32 s10, $0x1;
	s10 =	sld [smem:$0x3F9F]  }
0x3d: {  	_ =	shalt  }
0x3e: {  	_ =	shalt  }
0x3f: {  	_ =	shalt  }
0x40: {  	_ =	shalt  }
0x41: {  	_ =	shalt  }
0x42: {  	_ =	shalt  }
0x43: {  	_ =	shalt  }
0x44: {  	_ =	shalt  }
0x45: {  	_ =	shalt  }
0x46: {  	_ =	shalt  }
0x47: {  	_ =	shalt  }
0x48: {  	_ =	shalt  }
0x49: {  	_ =	shalt  }
0x4a: {  	_ =	shalt  }
0x4b: {  	_ =	shalt  }
0x4c: {  	_ =	shalt  }
0x4d: {  	_ =	shalt  }
0x4e: {  	_ =	shalt  }
0x4f: {  	_ =	shalt  }
0x50: {  	_ =	shalt  }
0x51: {  	_ =	shalt  }
0x52: {  	_ =	shalt  }
0x53: {  	_ =	shalt  }
0x54: {  	_ =	shalt  }
0x55: {  	_ =	shalt  }
0x56: {  	_ =	shalt  }
0x57: {  	_ =	shalt  }
0x58: {  	_ =	shalt  }
0x59: {  	_ =	shalt  }
0x5a: {  	_ =	shalt  }
0x5b: {  	_ =	shalt  }
0x5c: {  	_ =	shalt  }
0x5d: {  	_ =	shalt  }
0x5e: {  	_ =	shalt  }
0x5f: {  	_ =	shalt  }
0x60: {  	_ =	shalt  }
0x61: {  	_ =	shalt  }
0x62: {  	_ =	shalt  }
0x63: {  	_ =	shalt  }
0x64: {  	_ =	shalt  }
0x65: {  	_ =	shalt  }
0x66: {  	_ =	shalt  }
0x67: {  	_ =	shalt  }
0x68: {  	_ =	shalt  }
0x69: {  	_ =	shalt  }
0x6a: {  	_ =	shalt  }
0x6b: {  	_ =	shalt  }
0x6c: {  	_ =	shalt  }
0x6d: {  	_ =	shalt  }
0x6e: {  	_ =	shalt  }
0x6f: {  	_ =	shalt  }
0x70: {  	_ =	shalt  }
0x71: {  	_ =	shalt  }
0x72: {  	_ =	shalt  }
0x73: {  	_ =	shalt  }
0x74: {  	_ =	shalt  }
0x75: {  	_ =	shalt  }
0x76: {  	_ =	shalt  }
0x77: {  	_ =	shalt  }
0x78: {  	_ =	shalt  }
0x79: {  	_ =	shalt  }
0x7a: {  	_ =	shalt  }
0x7b: {  	_ =	shalt  }
0x7c: {  	_ =	shalt  }
0x7d: {  	_ =	shalt  }
0x7e: {  	_ =	shalt  }
0x7f: {  	_ =	shalt  }
0x80: {  	_ =	shalt  }
0x81: {  	_ =	shalt  }
0x82: {  	_ =	shalt  }
0x83: {  	_ =	shalt  }
0x84: {  	_ =	shalt  }
0x85: {  	_ =	shalt  }
0x86: {  	_ =	shalt  }
0x87: {  	_ =	shalt  }
.Lfunc_end0:
.L_simem_size_0:
called_computation_lowered:
.L_overlay_start_0:
0x88: {  	s2 =	sld [smem:$0x3FD9]  }
0x89: {  	s3 =	sld [smem:$0x3FFE];
	_ =	sdelay $0x1  }
0x8a: {  	s1 =	srdreg.scid  }
0x8b: {  	s0 =	sand.u32 $0x1, s1  }
0x8c: {  	s16 =	sshll.u32 s0, $0xA;
	s2 =	sadd.s32 s3, s2  }
0x8d: {  	s2 =	sadd.s32 s2, s16  }
0x8e: {  	[smem:$0x3FAB] =	sst s2  }
0x8f: {  	_ = 	snop  }
0x90: {  	(tm) =	ssettm $0x1  }
0x91: {  	s17 =	sld [smem:$0x3FFB];
	_ =	sdelay $0x3  }
0x92: {  	_ =	strace s17  }
0x93: {  	s2 =	sld [smem:$0x3FFC];
	_ =	sdelay $0x3  }
0x94: {  	_ =	strace s2  }
0x95: {  	s2 =	sld [smem:$0x3FFD];
	_ =	sdelay $0x3  }
0x96: {  	_ =	strace s2  }
0x97: {  	_ =	strace $0x8FFFFFFF  }
0x98: {  	s18 =	sld [smem:$0x3FDB];
	_ =	sdelay $0x1  }
0x99: {  	s19 =	simm.s32 $_scs_section_size  }
0x9a: {  	s4 =	simm.s32 $_size__tile_overlayer_lowered;
	s5 =	simm.s32 $_tile_overlayer_lowered  }
0x9b: {  	s22 =	simm.s32 $0x1BFF;
	s21 =	sshll.u32 s5, $0x1;
	s2 =	sadd.s32 s19, s18  }
0x9c: {  	s6 =	simm.s32 $0x0;
	s20 =	sshll.u32 s4, $0x1;
	s4 =	sadd.s32 s21, s2  }
0x9d: {  	[timem:s6], [sflag:s22] =	dma.local [hbm:s4], s20  }
0x9e: {  	_ =	swait.ge [sflag:s22], s20  }
0x9f: {  	s3 =	ssub.s32 $0x0, s20;
	[sflag:s22] =	ssyncset.done $0x0  }
0xa0: {  	[sflag:s22] =	ssyncadd.s32 s3;
	_ =	sdelay $0x1  }
0xa1: {  	s23 =	simm.s32 $0x1B8B  }
0xa2: {  	_ =	swait.ge [sflag:s23], $0x1  }
0xa3: {  	[sflag:s23] =	ssyncset.done $0x0  }
0xa4: {  	s25 =	simm.s32 $0x1B8E;
	s24 =	sld [smem:$0x3FFE];
	[sflag:s23] =	ssyncadd.s32 $0xFFFFFFFF  }
0xa5: {  	s26 =	simm.s32 $execute0_lowered;
	[smem:$0x3FD2] =	sst s25  }
0xa6: {  	s4 =	sshll.u32 s26, $0x1;
	_ =	strace $0x80000046;
	[dreg:$0x1] =	wrdreg $0xFFFFFFFF  }
0xa7: {  	s28 =	simm.s32 $_size_execute0_lowered;
	s2 =	sadd.s32 s2, s4;
	[dreg:$0x0] =	wrdreg $0x0  }
0xa8: {  	s4 =	sshll.u32 s28, $0x1;
	[dreg:$0x2] =	wrdreg s2  }
0xa9: {  	[dreg:$0x3] =	wrdreg s4  }
0xaa: {  	[dreg:$0x4] =	wrdreg $0xC0  }
0xab: {  	_ =	task [dreg:s6], $0x5FFFF  }
0xac: {  	[dreg:$0x1] =	wrdreg $0xFFFFFFFF  }
0xad: {  	[dreg:$0x0] =	wrdreg $0x60  }
0xae: {  	[dreg:$0x2] =	wrdreg s24  }
0xaf: {  	[dreg:$0x3] =	wrdreg $0x53000  }
0xb0: {  	[dreg:$0x4] =	wrdreg $0x9  }
0xb1: {  	_ =	task.clear_ibuf [dreg:s6], $0x5FFFF;
	_ =	strace $0x90000046  }
0xb2: {  	s29 =	simm.s32 $0x9;
	_ =	strace $0x80000048  }
0xb3: {  	_ =	swait.ge [sflag:s29], $0x1  }
0xb4: {  	[sflag:s29] =	ssyncadd.s32 $0xFFFFFFFF  }
0xb5: {  	_ =	strace $0x90000048  }
0xb6: {  	_ =	sfence  }
0xb7: {  	s30 =	sld [smem:$0x0];
	_ =	sdelay $0x2  }
0xb8: {  	s31 =	sshll.u32 s1, $0xD;
	s1 =	sshrl.u32 s1, $0x2  }
0xb9: {  	s3 =	sand.u32 $0x4000, s31;
	s1 =	sadd.s32 s1, s30  }
0xba: {  	s0 =	sor.u32 s3, s0;
	s1 =	sshll.u32 s1, $0x11  }
0xbb: {  	s0 =	sor.u32 s1, s0  }
0xbc: {  	s0 =	sadd.s32 $0x8F2B, s0  }
0xbd: {  	[sflag:s0] =	ssyncadd.remote.s32 $0x1  }
0xbe: {  	_ =	sfence.sel $0xFFFF  }
0xbf: {  	[dreg:$0x0] =	wrdreg $0xFFFFFFFF;
	(pc) =	sbr.abs _section_cstart, $3  }
0xc0: {  	[dreg:$0x1] =	wrdreg $0xFFFFFFFF  }
0xc1: {  	_ =	task.clear_ibuf [dreg:s6], $0x2FFFF;
	_ =	strace $0x9FFFFFFF  }
0xc2: {  	(tm) =	ssettm $0x7FFFFFFF  }
0xc3: {  	_ =	shalt  }
tec
execute0_lowered:
.L_overlay_start_1:
0x0: {  	(tag) =	ssettag $0x1  }
0x1: {  	s1 =	srdreg.scid;
	s4 =	rddreg [dreg:$0x0]  }
0x2: {  	s0 =	stileid.u32;
	s2 =	rddreg [dreg:$0x1]  }
0x3: {  	s3 =	simm.s32 $0x0;
	s10 =	simm.s32 $0x80;
	s6 =	smul.u32 $0x280, s0  }
0x4: {  	s11 =	simm.s32 $0x5000;
	s5 =	sand.u32 $0x1, s1;
	s9 =	smul.u32 $0x5000, s0  }
0x5: {  	s12 =	simm.s32 $0x1;
	s13 =	simm.s32 $0x0;
	s7 =	smul.u32 $0x2800, s5  }
0x6: {  	[smem:$0x7FF] =	sst s3;
	s8 =	smul.u32 $0x50000, s5;
	s5 =	ssub.s32 $0x2, s5  }
0x7: {  	s1 =	rddreg [dreg:$0x2];
	_ =	strace $0x80000047;
	s31 =	sshrl.u32 s5, $0x1  }
0x8: {  	s7 =	sadd.s32 s6, s7;
	s8 =	sadd.s32 s9, s8;
	s9 =	ssub.s32 s5, s31  }
0x9: {  	s5 =	sadd.s32 s6, s2;
	s7 =	sshrl.u32 s7, $0x3;
	s8 =	sshrl.u32 s8, $0x3  }
0xa: {  	s7 =	sadd.s32 s7, s4;
	s4 =	sadd.s32 s4, s8;
	s8 =	simm.s32 $0x2  }
0xb: {  	v0 =	vimm.f32 $1.000000000e+00;
	v1 =	vimm.f32 $0.0e+00;
	s6 =	sadd.s32 $0x14000, s7;
	s7 =	smax.u32 s9, $0x1;
	s9 =	simm.s32 $0x5080  }
.LBB2_1:
0xc: {  	[tilespmem:s3], [sflag:$0x2] =	stream.linear.gather [hbm4b:s4+s3], $0x5000, $0x38;
	[tilespmem:$0x5580] =	vst v63  }
0xd: {  	_ =	swait.ge [sflag:s8], $0x5000  }
0xe: {  	[sflag:s8] =	ssyncset.done $0x0  }
0xf: {  	[sflag:s8] =	ssyncadd.s32 $0xFFFFB000  }
0x10: {  	[tilespmem:$0x5000] =	vst v0  }
0x11: {  	[tilespmem:$0x5010] =	vst v0  }
0x12: {  	[tilespmem:$0x5020] =	vst v0  }
0x13: {  	[tilespmem:$0x5030] =	vst v0  }
0x14: {  	[tilespmem:$0x5040] =	vst v0  }
0x15: {  	[tilespmem:$0x5050] =	vst v0  }
0x16: {  	[tilespmem:$0x5060] =	vst v0  }
0x17: {  	[tilespmem:$0x5070] =	vst v0  }
0x18: {  	[tilespmem:$0x5080] =	vst v1  }
0x19: {  	[tilespmem:$0x5090] =	vst v1  }
0x1a: {  	[tilespmem:$0x50A0] =	vst v1  }
0x1b: {  	[tilespmem:$0x50B0] =	vst v1  }
0x1c: {  	[tilespmem:$0x50C0] =	vst v1  }
0x1d: {  	[tilespmem:$0x50D0] =	vst v1  }
0x1e: {  	[tilespmem:$0x50E0] =	vst v1  }
0x1f: {  	[tilespmem:$0x50F0] =	vst v1  }
0x20: {  	[tilespmem:$0x5100] =	vst v1  }
0x21: {  	[tilespmem:$0x5110] =	vst v1  }
0x22: {  	[tilespmem:$0x5120] =	vst v1  }
0x23: {  	[tilespmem:$0x5130] =	vst v1  }
0x24: {  	[tilespmem:$0x5140] =	vst v1  }
0x25: {  	[tilespmem:$0x5150] =	vst v1  }
0x26: {  	[tilespmem:$0x5160] =	vst v1  }
0x27: {  	[tilespmem:$0x5170] =	vst v1  }
0x28: {  	[tilespmem:$0x5180] =	vst v1  }
0x29: {  	[tilespmem:$0x5190] =	vst v1  }
0x2a: {  	[tilespmem:$0x51A0] =	vst v1  }
0x2b: {  	[tilespmem:$0x51B0] =	vst v1  }
0x2c: {  	[tilespmem:$0x51C0] =	vst v1  }
0x2d: {  	[tilespmem:$0x51D0] =	vst v1  }
0x2e: {  	[tilespmem:$0x51E0] =	vst v1  }
0x2f: {  	[tilespmem:$0x51F0] =	vst v1  }
0x30: {  	[tilespmem:$0x5200] =	vst v1  }
0x31: {  	[tilespmem:$0x5210] =	vst v1  }
0x32: {  	[tilespmem:$0x5220] =	vst v1  }
0x33: {  	[tilespmem:$0x5230] =	vst v1  }
0x34: {  	[tilespmem:$0x5240] =	vst v1  }
0x35: {  	[tilespmem:$0x5250] =	vst v1  }
0x36: {  	[tilespmem:$0x5260] =	vst v1  }
0x37: {  	[tilespmem:$0x5270] =	vst v1  }
0x38: {  	[tilespmem:$0x5280] =	vst v1  }
0x39: {  	[tilespmem:$0x5290] =	vst v1  }
0x3a: {  	[tilespmem:$0x52A0] =	vst v1  }
0x3b: {  	[tilespmem:$0x52B0] =	vst v1  }
0x3c: {  	[tilespmem:$0x52C0] =	vst v1  }
0x3d: {  	[tilespmem:$0x52D0] =	vst v1  }
0x3e: {  	[tilespmem:$0x52E0] =	vst v1  }
0x3f: {  	[tilespmem:$0x52F0] =	vst v1  }
0x40: {  	[spmem:s5] =	stream.linear.scatter [tilespmem:s9], [sflag:$0x2], $0x280, $0x38;
	[tilespmem:$0x5580] =	vst v63  }
0x41: {  	_ =	swait.ge [sflag:s8], $0x280  }
0x42: {  	[sflag:s8] =	ssyncset.done $0x0  }
0x43: {  	[sflag:s8] =	ssyncadd.s32 $0xFFFFFD80  }
0x44: {  	s14 =	simm.s32 $0x0;
	[bflag:$0x0] =	sbarrier.arrive $0xFFFF  }
0x45: {  	[spmem:s2] =	stream.indirect.scatter.add.f32 [tilespmem:s11], [sflag:$0x1], $0x1, s14, s10, $0xb8;
	[tilespmem:$0x5580] =	vst v63  }
0x46: {  	s29 =	simm.s32 $0x80  }
0x47: {  	[spmem:s2] =	stream.indirect.scatter.add.f32 [tilespmem:s11], [sflag:$0x1], $0x1, s29, s10, $0xb8;
	[tilespmem:$0x5580] =	vst v63  }
0x48: {  	s30 =	simm.s32 $0x100  }
0x49: {  	[spmem:s2] =	stream.indirect.scatter.add.f32 [tilespmem:s11], [sflag:$0x1], $0x1, s30, s10, $0xb8;
	[tilespmem:$0x5580] =	vst v63  }
0x4a: {  	s31 =	simm.s32 $0x180  }
0x4b: {  	[spmem:s2] =	stream.indirect.scatter.add.f32 [tilespmem:s11], [sflag:$0x1], $0x1, s31, s10, $0xb8;
	[tilespmem:$0x5580] =	vst v63  }
0x4c: {  	_ =	swait.ge [sflag:s12], $0x80  }
0x4d: {  	[sflag:s12] =	ssyncset.done $0x0  }
0x4e: {  	[sflag:s12] =	ssyncadd.s32 $0xFFFFFF80  }
0x4f: {  	_ =	swait.ge [sflag:s12], $0x80  }
0x50: {  	[sflag:s12] =	ssyncset.done $0x0  }
0x51: {  	[sflag:s12] =	ssyncadd.s32 $0xFFFFFF80  }
0x52: {  	_ =	swait.ge [sflag:s12], $0x80  }
0x53: {  	[sflag:s12] =	ssyncset.done $0x0  }
0x54: {  	[sflag:s12] =	ssyncadd.s32 $0xFFFFFF80  }
0x55: {  	_ =	swait.ge [sflag:s12], $0x80  }
0x56: {  	s15 =	simm.s32 $0x1000;
	s14 =	simm.s32 $0x800;
	[sflag:s12] =	ssyncset.done $0x0  }
.LBB2_2:
0x57: {  	s16 =	sshra.s32 s14, $0x2  }
0x58: {  	[sflag:s12] =	ssyncadd.s32 $0xFFFFFF80;
	s14 =	smov.u32 s15;
	s17 =	sadd.s32 $0x800, s15  }
0x59: {  	[spmem:s2] =	stream.indirect.scatter.add.f32 [tilespmem:s11], [sflag:$0x1], $0x1, s16, s10, $0xb8;
	[tilespmem:$0x5580] =	vst v63  }
0x5a: {  	p0 =	sne.s32 s15, $0x13800;
	s15 =	sadd.s32 $0x80, s16  }
0x5b: {  	[spmem:s2] =	stream.indirect.scatter.add.f32 [tilespmem:s11], [sflag:$0x1], $0x1, s15, s10, $0xb8;
	[tilespmem:$0x5580] =	vst v63  }
0x5c: {  	s15 =	sadd.s32 $0x100, s16  }
0x5d: {  	[spmem:s2] =	stream.indirect.scatter.add.f32 [tilespmem:s11], [sflag:$0x1], $0x1, s15, s10, $0xb8;
	[tilespmem:$0x5580] =	vst v63  }
0x5e: {  	s15 =	sadd.s32 $0x180, s16  }
0x5f: {  	[spmem:s2] =	stream.indirect.scatter.add.f32 [tilespmem:s11], [sflag:$0x1], $0x1, s15, s10, $0xb8;
	[tilespmem:$0x5580] =	vst v63  }
0x60: {  	_ =	swait.ge [sflag:s12], $0x80  }
0x61: {  	[sflag:s12] =	ssyncset.done $0x0  }
0x62: {  	[sflag:s12] =	ssyncadd.s32 $0xFFFFFF80  }
0x63: {  	_ =	swait.ge [sflag:s12], $0x80  }
0x64: {  	[sflag:s12] =	ssyncset.done $0x0  }
0x65: {  	[sflag:s12] =	ssyncadd.s32 $0xFFFFFF80  }
.Ltmp0:
0x66: {  	_ =	swait.ge [sflag:s12], $0x80;
	(pc) =	sbr.rel @p0 .LBB2_2-.Ltmp0, $4  }
0x67: {  	[sflag:s12] =	ssyncset.done $0x0  }
0x68: {  	[sflag:s12] =	ssyncadd.s32 $0xFFFFFF80  }
0x69: {  	_ =	swait.ge [sflag:s12], $0x80  }
0x6a: {  	s15 =	smov.u32 s17;
	[sflag:s12] =	ssyncset.done $0x0  }
0x6b: {  	s14 =	sshra.s32 s14, $0x2;
	[sflag:s12] =	ssyncadd.s32 $0xFFFFFF80  }
0x6c: {  	[spmem:s2] =	stream.indirect.scatter.add.f32 [tilespmem:s11], [sflag:$0x1], $0x1, s14, s10, $0xb8;
	[tilespmem:$0x5580] =	vst v63  }
0x6d: {  	s15 =	sadd.s32 $0x80, s14  }
0x6e: {  	[spmem:s2] =	stream.indirect.scatter.add.f32 [tilespmem:s11], [sflag:$0x1], $0x1, s15, s10, $0xb8;
	[tilespmem:$0x5580] =	vst v63  }
0x6f: {  	s31 =	sadd.s32 $0x100, s14  }
0x70: {  	[spmem:s2] =	stream.indirect.scatter.add.f32 [tilespmem:s11], [sflag:$0x1], $0x1, s31, s10, $0xb8;
	[tilespmem:$0x5580] =	vst v63  }
0x71: {  	s14 =	sadd.s32 $0x180, s14  }
0x72: {  	[spmem:s2] =	stream.indirect.scatter.add.f32 [tilespmem:s11], [sflag:$0x1], $0x1, s14, s10, $0xb8;
	[tilespmem:$0x5580] =	vst v63  }
0x73: {  	_ =	swait.ge [sflag:s12], $0x80  }
0x74: {  	[sflag:s12] =	ssyncset.done $0x0  }
0x75: {  	[sflag:s12] =	ssyncadd.s32 $0xFFFFFF80  }
0x76: {  	_ =	swait.ge [sflag:s12], $0x80  }
0x77: {  	[sflag:s12] =	ssyncset.done $0x0  }
0x78: {  	[sflag:s12] =	ssyncadd.s32 $0xFFFFFF80  }
0x79: {  	_ =	swait.ge [sflag:s12], $0x80  }
0x7a: {  	[sflag:s12] =	ssyncset.done $0x0  }
0x7b: {  	[sflag:s12] =	ssyncadd.s32 $0xFFFFFF80  }
0x7c: {  	_ =	swait.ge [sflag:s12], $0x80  }
0x7d: {  	[sflag:s12] =	ssyncset.done $0x0  }
0x7e: {  	[sflag:s12] =	ssyncadd.s32 $0xFFFFFF80  }
0x7f: {  	[bflag:$0x0] =	sbarrier.arrive $0xFFFF  }
0x80: {  	[tilespmem:s9], [sflag:$0x2] =	stream.linear.gather [spmem:s5], $0x280, $0x38;
	[tilespmem:$0x5580] =	vst v63  }
0x81: {  	s13 =	sadd.s32 $0x1, s13;
	_ =	swait.ge [sflag:s8], $0x280  }
0x82: {  	p0 =	sne.s32 s13, s7;
	[sflag:s8] =	ssyncset.done $0x0  }
.Ltmp1:
0x83: {  	[sflag:s8] =	ssyncadd.s32 $0xFFFFFD80;
	(pc) =	sbr.rel @p0 .LBB2_1-.Ltmp1, $4  }
0x84: {  	[hbm4b:s6+s3] =	stream.linear.scatter [tilespmem:s9], [sflag:$0x2], $0x280, $0x38;
	[tilespmem:$0x5580] =	vst v63  }
0x85: {  	_ =	swait.ge [sflag:s8], $0x280  }
0x86: {  	[sflag:s8] =	ssyncset.done $0x0  }
0x87: {  	[sflag:s8] =	ssyncadd.s32 $0xFFFFFD80  }
0x88: {  	_ =	sfence.sel $0x180000  }
0x89: {  	[bflag:$0x0] =	sbarrier.arrive $0xFFFF  }
0x8a: {  	p0 =	sne.s32 s0, $0x0;
	_ =	strace $0x90000047  }
0x8b: {  	s0 =	sadd.s32 @!p0 $0x100000, s1;
	[bflag:$0x2] =	sbarrier.arrive $0xFFFF  }
0x8c: {  	[sflag:s0] =	ssyncadd.tile.s32 @!p0 $0x1;
	_ =	shalt  }
.Lfunc_end2:
_tile_overlayer_lowered:
.L_overlay_start_2:
0x8d: {  	(tag) =	ssettag $0x2  }
0x8e: {  	s0 =	rddreg [dreg:$0x0];
	s2 =	stileid.u32  }
0x8f: {  	s1 =	rddreg [dreg:$0x1];
	p0 =	sne.s32 s2, $0x0  }
0x90: {  	s3 =	rddreg [dreg:$0x2];
	[bflag:$0x3] =	sbarrier.arrive $0xFFFF;
	s2 =	simm.s32 @!p0 $0x1C02  }
0x91: {  	[timem:s3], [sflag:s2] =	dma.local @!p0 [hbm:s0], s1  }
0x92: {  	s0 =	simm.s32 @!p0 $0x2  }
0x93: {  	_ =	swait.ge @!p0 [sflag:s0], s1  }
0x94: {  	s1 =	ssub.s32 @!p0 $0x0, s1;
	[sflag:s0] =	ssyncset.done @!p0 $0x0  }
0x95: {  	[sflag:s0] =	ssyncadd.s32 @!p0 s1  }
0x96: {  	[bflag:$0x3] =	sbarrier.arrive $0xFFFF  }
0x97: {  	_ =	shalt  }

</sc_bundles>
